<compile_context>
chip_gen: v7x
topology: tpu7x:2x2x1
jax: 0.10.2.dev20260603
libtpu: 0.0.44.dev20260713+nightly
codegen_flags: <defaults>
</compile_context>

<pallas_src>
import functools

import jax
import jax.numpy as jnp
from jax import lax
from jax.experimental import pallas as pl
from jax.experimental.pallas import tpu as pltpu
from jax.experimental.pallas import tpu_sc as plsc

_NUM_SC = 2
_NUM_TILES = 16
_CHUNK = 40
_ZROWS = 128


def _pad_rows(n_nodes):
    per_tile = -(-n_nodes // _NUM_TILES)
    per_tile = -(-per_tile // _ZROWS) * _ZROWS
    return per_tile


@functools.lru_cache(maxsize=None)
def _make_seg_sum(n_nodes, dim, n_edges):
    nw = _NUM_SC * _NUM_TILES
    per_tile = n_edges // nw
    assert per_tile * nw == n_edges and per_tile % _CHUNK == 0
    n_chunks = per_tile // _CHUNK
    rows_per_tile = _pad_rows(n_nodes)
    n_pad = rows_per_tile * _NUM_TILES
    zcopies = rows_per_tile // _ZROWS
    lanes = dim // 16

    mesh = plsc.VectorSubcoreMesh(core_axis_name="c", subcore_axis_name="s")

    _NBUF = 7
    assert n_chunks >= 3 * _NBUF
    _GRP = (n_chunks - _NBUF + 1) // _NBUF

    @functools.partial(
        pl.kernel,
        out_type=jax.ShapeDtypeStruct((_NUM_SC * n_pad, dim), jnp.float32),
        mesh=mesh,
        scratch_types=[
            pltpu.VMEM((per_tile,), jnp.int32),
            [pltpu.VMEM((_CHUNK,), jnp.int32)] * _NBUF,
            [pltpu.VMEM((_CHUNK, dim), jnp.float32)] * _NBUF,
            pltpu.VMEM_SHARED((n_pad, dim), jnp.float32),
            [pltpu.SemaphoreType.DMA] * _NBUF,
            [pltpu.SemaphoreType.DMA] * _NBUF,
            [pltpu.SemaphoreType.DMA] * _NBUF,
            pltpu.SemaphoreType.DMA,
        ],
    )
    def seg_sum(x_hbm, ei_hbm, out_hbm, sidx, didxs, rows,
                acc, gsems, dsems, ssems, isem):
        c = lax.axis_index("c")
        s = lax.axis_index("s")
        wid = c * _NUM_TILES + s
        base0 = wid * per_tile

        pltpu.sync_copy(ei_hbm.at[pl.ds(base0, per_tile)], sidx)

        def start_chunk(i, b):
            pltpu.async_copy(
                ei_hbm.at[pl.ds(n_edges + base0 + i * _CHUNK, _CHUNK)],
                didxs[b], dsems[b])
            pltpu.async_copy(
                x_hbm.at[sidx.at[pl.ds(i * _CHUNK, _CHUNK)]], rows[b],
                gsems[b])

        def wait_chunk(i, b):
            pltpu.make_async_copy(
                x_hbm.at[sidx.at[pl.ds(i * _CHUNK, _CHUNK)]], rows[b],
                gsems[b]).wait()
            pltpu.make_async_copy(
                ei_hbm.at[pl.ds(n_edges + base0 + i * _CHUNK, _CHUNK)],
                didxs[b], dsems[b]).wait()

        def wait_scatter(b):
            pltpu.make_async_copy(rows[b], acc.at[didxs[b]], ssems[b]).wait()

        def stage(i, b, prefetch, wait_prev):
            wait_chunk(i, b)
            pltpu.async_copy(rows[b], acc.at[didxs[b]], ssems[b], add=True)
            nb = (b + _NBUF - 1) % _NBUF
            if wait_prev:
                wait_scatter(nb)
            if prefetch:
                start_chunk(i + _NBUF - 1, nb)

        for j in range(_NBUF - 1):
            start_chunk(j, j)

        def zrow(r, carry):
            for u in range(lanes):
                rows[_NBUF - 1][r, pl.ds(16 * u, 16)] = (
                    jnp.zeros((16,), jnp.float32))
            return carry

        lax.fori_loop(0, _CHUNK, zrow, 0)

        last = n_nodes - (_NUM_TILES - 1) * rows_per_tile
        assert 0 < last <= rows_per_tile and last % 8 == 0
        assert (n_pad - n_nodes) % _CHUNK == 0

        @pl.when(jnp.logical_and(c == 0, s < _NUM_TILES - 1))
        def _():
            pltpu.async_copy(x_hbm.at[pl.ds(s * rows_per_tile, rows_per_tile)],
                             acc.at[pl.ds(s * rows_per_tile, rows_per_tile)],
                             isem).wait()

        @pl.when(jnp.logical_and(c == 0, s == _NUM_TILES - 1))
        def _():
            base = (_NUM_TILES - 1) * rows_per_tile
            npadz = (n_pad - n_nodes) // _CHUNK
            pltpu.async_copy(x_hbm.at[pl.ds(base, last)],
                             acc.at[pl.ds(base, last)], isem)
            for z in range(npadz):
                pltpu.async_copy(
                    rows[_NBUF - 1],
                    acc.at[pl.ds(n_nodes + z * _CHUNK, _CHUNK)], isem)
            pltpu.make_async_copy(x_hbm.at[pl.ds(base, last)],
                                  acc.at[pl.ds(base, last)], isem).wait()
            for z in range(npadz):
                pltpu.make_async_copy(
                    rows[_NBUF - 1],
                    acc.at[pl.ds(n_nodes + z * _CHUNK, _CHUNK)], isem).wait()

        @pl.when(c == 1)
        def _():
            nz = rows_per_tile // _CHUNK
            for z in range(nz):
                pltpu.async_copy(
                    rows[_NBUF - 1],
                    acc.at[pl.ds(s * rows_per_tile + z * _CHUNK, _CHUNK)],
                    isem)
            for z in range(nz):
                pltpu.make_async_copy(
                    rows[_NBUF - 1],
                    acc.at[pl.ds(s * rows_per_tile + z * _CHUNK, _CHUNK)],
                    isem).wait()

        plsc.subcore_barrier()
        stage(0, 0, True, False)
        for j in range(1, _NBUF):
            stage(j, j, True, True)

        def group(p, carry):
            i0 = _NBUF * p
            for u in range(_NBUF):
                stage(i0 + u, u, True, True)
            return carry

        lax.fori_loop(1, _GRP, group, 0)
        for i in range(_NBUF * _GRP, n_chunks):
            stage(i, i % _NBUF, i + _NBUF - 1 < n_chunks, True)
        wait_scatter((n_chunks - 1) % _NBUF)

        plsc.subcore_barrier()
        pltpu.sync_copy(
            acc.at[pl.ds(s * rows_per_tile, rows_per_tile)],
            out_hbm.at[pl.ds(c * n_pad + s * rows_per_tile, rows_per_tile)])

    return seg_sum


def _gin_dense(n, p_ref, w1_ref, b1_ref, g_ref, bt_ref, w2_ref, b2_ref):
    n_pad = p_ref.shape[0] // 2
    h = p_ref[:n, :] + p_ref[n_pad:n_pad + n, :]
    t = (jnp.dot(h, w1_ref[...], preferred_element_type=jnp.float32)
         + b1_ref[...][None, :])
    m = jnp.mean(t, axis=0, keepdims=True)
    d = t - m
    v = jnp.mean(d * d, axis=0, keepdims=True)
    t = (g_ref[...][None, :] * d * lax.rsqrt(v + 1e-5)
         + bt_ref[...][None, :])
    t = jnp.maximum(t, 0.0)
    t = (jnp.dot(t, w2_ref[...], preferred_element_type=jnp.float32)
         + b2_ref[...][None, :])
    return jnp.maximum(t, 0.0)


def _dense_body(p_ref, w1_ref, b1_ref, g_ref, bt_ref, w2_ref, b2_ref,
                o_ref):
    o_ref[...] = _gin_dense(o_ref.shape[0], p_ref, w1_ref, b1_ref, g_ref,
                            bt_ref, w2_ref, b2_ref)


def _final_body(p_ref, batch_ref, w1_ref, b1_ref, g_ref, bt_ref,
                w2_ref, b2_ref, mw1_ref, mb1_ref, mw2_ref, mb2_ref, o_ref):
    n = batch_ref.shape[0]
    h = _gin_dense(n, p_ref, w1_ref, b1_ref, g_ref, bt_ref, w2_ref, b2_ref)
    n_graphs = o_ref.shape[0]
    onehot_t = (lax.broadcasted_iota(jnp.int32, (n_graphs, n), 0)
                == batch_ref[...][None, :]).astype(jnp.float32)
    pooled = jnp.dot(onehot_t, h, preferred_element_type=jnp.float32)
    u = jnp.maximum(
        jnp.dot(pooled, mw1_ref[...], preferred_element_type=jnp.float32)
        + mb1_ref[...][None, :], 0.0)
    o_ref[...] = (jnp.dot(u, mw2_ref[...], preferred_element_type=jnp.float32)
                  + mb2_ref[...][None, :])


def kernel(x, edge_index, batch, batch_size, c0_W1, c0_b1, c0_g, c0_bt, c0_W2,
           c0_b2, c1_W1, c1_b1, c1_g, c1_bt, c1_W2, c1_b2, m_W1, m_b1, m_W2,
           m_b2):
    n, d = x.shape
    e = edge_index.shape[1]
    hid = c0_W1.shape[1]
    out_d = m_W2.shape[1]
    n_graphs = batch_size if isinstance(batch_size, int) else 64

    ei_flat = edge_index.reshape(-1)

    seg_sum = _make_seg_sum(n, d, e)

    parts0 = seg_sum(x, ei_flat)
    h0 = pl.pallas_call(
        _dense_body,
        out_shape=jax.ShapeDtypeStruct((n, hid), jnp.float32),
    )(parts0, c0_W1, c0_b1, c0_g, c0_bt, c0_W2, c0_b2)

    parts1 = seg_sum(h0, ei_flat)
    out = pl.pallas_call(
        _final_body,
        out_shape=jax.ShapeDtypeStruct((n_graphs, out_d), jnp.float32),
    )(parts1, batch, c1_W1, c1_b1, c1_g, c1_bt, c1_W2,
      c1_b2, m_W1, m_b1, m_W2, m_b2)
    return out

# --- scband reference (transcript-rebuilt; emitter-appended) ---
"""Pipeline reference for scband-gin-4604204941844 (READ-ONLY COPY).

The authoritative reference and input builder live on the scoring server;
editing this copy changes nothing except your own understanding.
"""

import jax, jax.numpy as jnp
import numpy as np

N = 10000
E = 320000
D = 128
H = 128
OUT = 128
B = 64


def _bn(h, g, b):
    # BatchNorm1d in training-mode forward: batch statistics, biased variance
    m = h.mean(axis=0)
    v = h.var(axis=0)
    return g * (h - m) / jnp.sqrt(v + 1e-5) + b


def _gin_layer(x, src, dst, W1, b1, g, bt, W2, b2):
    # GINConv with eps=0 (train_eps=False): (1+eps)*x + sum_{j in N(i)} x_j
    agg = jax.ops.segment_sum(x[src], dst, num_segments=N)
    h = x + agg
    # PyG MLP([D, H, H]): Linear -> BatchNorm -> ReLU -> Linear (plain last)
    h = _bn(h @ W1 + b1, g, bt)
    h = jnp.maximum(h, 0.0)
    h = h @ W2 + b2
    # outer .relu() in GIN.forward
    return jnp.maximum(h, 0.0)


def setup_inputs(seed: int = 0) -> dict:
    key = jax.random.key(seed)
    ks = jax.random.split(key, 24)
    s = 0.05
    inp = {}
    inp["x"] = jax.random.normal(ks[0], (N, D), dtype=jnp.float32)
    inp["edge_index"] = jax.random.randint(ks[1], (2, E), 0, N, dtype=jnp.int32)
    inp["batch"] = jnp.sort(jax.random.randint(ks[2], (N,), 0, B, dtype=jnp.int32))
    inp["batch_size"] = B
    # conv 0 MLP params
    inp["c0_W1"] = jax.random.normal(ks[3], (D, H), dtype=jnp.float32) * s
    inp["c0_b1"] = jnp.zeros((H,), dtype=jnp.float32)
    inp["c0_g"] = jnp.ones((H,), dtype=jnp.float32)
    inp["c0_bt"] = jnp.zeros((H,), dtype=jnp.float32)
    inp["c0_W2"] = jax.random.normal(ks[4], (H, H), dtype=jnp.float32) * s
    inp["c0_b2"] = jnp.zeros((H,), dtype=jnp.float32)
    # conv 1 MLP params
    inp["c1_W1"] = jax.random.normal(ks[5], (H, H), dtype=jnp.float32) * s
    inp["c1_b1"] = jnp.zeros((H,), dtype=jnp.float32)
    inp["c1_g"] = jnp.ones((H,), dtype=jnp.float32)
    inp["c1_bt"] = jnp.zeros((H,), dtype=jnp.float32)
    inp["c1_W2"] = jax.random.normal(ks[6], (H, H), dtype=jnp.float32) * s
    inp["c1_b2"] = jnp.zeros((H,), dtype=jnp.float32)
    # final MLP([H, H, OUT], norm=None, dropout=0.5) -- dropout identity in eval
    inp["m_W1"] = jax.random.normal(ks[7], (H, H), dtype=jnp.float32) * s
    inp["m_b1"] = jnp.zeros((H,), dtype=jnp.float32)
    inp["m_W2"] = jax.random.normal(ks[8], (H, OUT), dtype=jnp.float32) * s
    inp["m_b2"] = jnp.zeros((OUT,), dtype=jnp.float32)
    return inp


def reference(x, edge_index, batch, batch_size, c0_W1, c0_b1, c0_g, c0_bt, c0_W2, c0_b2, c1_W1, c1_b1, c1_g, c1_bt, c1_W2, c1_b2, m_W1, m_b1, m_W2, m_b2):
    src = edge_index[0]
    dst = edge_index[1]
    h = _gin_layer(x, src, dst, c0_W1, c0_b1, c0_g, c0_bt, c0_W2, c0_b2)
    h = _gin_layer(h, src, dst, c1_W1, c1_b1, c1_g, c1_bt, c1_W2, c1_b2)
    seg_ids = batch + 0 * jnp.asarray(batch_size, dtype=batch.dtype)
    pooled = jax.ops.segment_sum(h, seg_ids, num_segments=B)
    # final MLP: Linear -> ReLU -> (Dropout, identity at eval) -> Linear
    out = jnp.maximum(pooled @ m_W1 + m_b1, 0.0)
    out = out @ m_W2 + m_b2
    return out

if __name__ == "__main__":
    import jax
    _d = setup_inputs()
    print(jax.jit(kernel)(*tuple(_d.values())))

</pallas_src>

<mosaic_0001>
#map = affine_map<(d0, d1) -> (0, 0)>
#map1 = affine_map<(d0, d1) -> (0)>
module attributes {stable_mosaic.version = 14 : i64} {
  func.func @seg_sum(%arg0: i32, %arg1: i32, %arg2: memref<10000x128xf32, #tpu.memory_space<hbm>>, %arg3: memref<640000xi32, #tpu.memory_space<hbm>>, %arg4: memref<20480x128xf32, #tpu.memory_space<hbm>>, %arg5: memref<10000xi32, #tpu.memory_space<vmem>>, %arg6: memref<40xi32, #tpu.memory_space<vmem>>, %arg7: memref<40xi32, #tpu.memory_space<vmem>>, %arg8: memref<40xi32, #tpu.memory_space<vmem>>, %arg9: memref<40xi32, #tpu.memory_space<vmem>>, %arg10: memref<40xi32, #tpu.memory_space<vmem>>, %arg11: memref<40xi32, #tpu.memory_space<vmem>>, %arg12: memref<40xi32, #tpu.memory_space<vmem>>, %arg13: memref<40x128xf32, #tpu.memory_space<vmem>>, %arg14: memref<40x128xf32, #tpu.memory_space<vmem>>, %arg15: memref<40x128xf32, #tpu.memory_space<vmem>>, %arg16: memref<40x128xf32, #tpu.memory_space<vmem>>, %arg17: memref<40x128xf32, #tpu.memory_space<vmem>>, %arg18: memref<40x128xf32, #tpu.memory_space<vmem>>, %arg19: memref<40x128xf32, #tpu.memory_space<vmem>>, %arg20: memref<10240x128xf32, #tpu.memory_space<vmem_shared>>, %arg21: memref<!tpu.dma_semaphore, #tpu.memory_space<semaphore_mem>>, %arg22: memref<!tpu.dma_semaphore, #tpu.memory_space<semaphore_mem>>, %arg23: memref<!tpu.dma_semaphore, #tpu.memory_space<semaphore_mem>>, %arg24: memref<!tpu.dma_semaphore, #tpu.memory_space<semaphore_mem>>, %arg25: memref<!tpu.dma_semaphore, #tpu.memory_space<semaphore_mem>>, %arg26: memref<!tpu.dma_semaphore, #tpu.memory_space<semaphore_mem>>, %arg27: memref<!tpu.dma_semaphore, #tpu.memory_space<semaphore_mem>>, %arg28: memref<!tpu.dma_semaphore, #tpu.memory_space<semaphore_mem>>, %arg29: memref<!tpu.dma_semaphore, #tpu.memory_space<semaphore_mem>>, %arg30: memref<!tpu.dma_semaphore, #tpu.memory_space<semaphore_mem>>, %arg31: memref<!tpu.dma_semaphore, #tpu.memory_space<semaphore_mem>>, %arg32: memref<!tpu.dma_semaphore, #tpu.memory_space<semaphore_mem>>, %arg33: memref<!tpu.dma_semaphore, #tpu.memory_space<semaphore_mem>>, %arg34: memref<!tpu.dma_semaphore, #tpu.memory_space<semaphore_mem>>, %arg35: memref<!tpu.dma_semaphore, #tpu.memory_space<semaphore_mem>>, %arg36: memref<!tpu.dma_semaphore, #tpu.memory_space<semaphore_mem>>, %arg37: memref<!tpu.dma_semaphore, #tpu.memory_space<semaphore_mem>>, %arg38: memref<!tpu.dma_semaphore, #tpu.memory_space<semaphore_mem>>, %arg39: memref<!tpu.dma_semaphore, #tpu.memory_space<semaphore_mem>>, %arg40: memref<!tpu.dma_semaphore, #tpu.memory_space<semaphore_mem>>, %arg41: memref<!tpu.dma_semaphore, #tpu.memory_space<semaphore_mem>>, %arg42: memref<!tpu.dma_semaphore, #tpu.memory_space<semaphore_mem>>) attributes {dimension_semantics = [#tpu.dimension_semantics<core_parallel>, #tpu.dimension_semantics<subcore_parallel>], iteration_bounds = array<i64: 2, 16>, scalar_prefetch = 0 : i64, scratch_operands = 38 : i64, tpu.core_type = #tpu.core_type<sc_vector_subcore>, window_params = [{transform_indices = #map}, {transform_indices = #map1}, {transform_indices = #map}]} {
    %mul3A = arith.constant 16 : i32
    %mul3A_0 = arith.muli %arg0, %mul3A : i32
    %add3A = arith.addi %mul3A_0, %arg1 : i32
    %mul3A_1 = arith.constant 10000 : i32
    %mul3A_2 = arith.muli %add3A, %mul3A_1 : i32
    "tpu.region"() ({
      %run_scoped3A = tpu.sem_alloc : memref<!tpu.dma_semaphore, #tpu.memory_space<semaphore_mem>>
      %dma_start3A_568 = tpu.memref_slice %arg3[%mul3A_2] : memref<640000xi32, #tpu.memory_space<hbm>> -> memref<10000xi32, #tpu.memory_space<hbm>>
      %dma_start3A_569 = tpu.memref_slice %arg3[%mul3A_2] : memref<640000xi32, #tpu.memory_space<hbm>> -> memref<10000xi32, #tpu.memory_space<hbm>>
      tpu.enqueue_dma source(%dma_start3A_569 : memref<10000xi32, #tpu.memory_space<hbm>>) target(%arg5 : memref<10000xi32, #tpu.memory_space<vmem>>) target_semaphore(%run_scoped3A : memref<!tpu.dma_semaphore, #tpu.memory_space<semaphore_mem>>)
      %dma_wait3A_570 = tpu.memref_slice %arg3[%mul3A_2] : memref<640000xi32, #tpu.memory_space<hbm>> -> memref<10000xi32, #tpu.memory_space<hbm>>
      %dma_wait3A_571 = tpu.memref_slice %arg3[%mul3A_2] : memref<640000xi32, #tpu.memory_space<hbm>> -> memref<10000xi32, #tpu.memory_space<hbm>>
      tpu.wait_dma2 semaphore(%run_scoped3A : memref<!tpu.dma_semaphore, #tpu.memory_space<semaphore_mem>>) src(%dma_wait3A_571 : memref<10000xi32, #tpu.memory_space<hbm>>) dst(%arg5 : memref<10000xi32, #tpu.memory_space<vmem>>)
      tpu.yield
    }) : () -> ()
    %add3A_3 = arith.constant 320000 : i32
    %add3A_4 = arith.addi %add3A_3, %mul3A_2 : i32
    %add3A_5 = arith.constant 0 : i32
    %add3A_6 = arith.addi %add3A_4, %add3A_5 : i32
    %dma_start3A = tpu.memref_slice %arg3[%add3A_6] : memref<640000xi32, #tpu.memory_space<hbm>> -> memref<40xi32, #tpu.memory_space<hbm>>
    %dma_start3A_7 = tpu.memref_slice %arg3[%add3A_6] : memref<640000xi32, #tpu.memory_space<hbm>> -> memref<40xi32, #tpu.memory_space<hbm>>
    tpu.enqueue_dma source(%dma_start3A_7 : memref<40xi32, #tpu.memory_space<hbm>>) target(%arg6 : memref<40xi32, #tpu.memory_space<vmem>>) target_semaphore(%arg28 : memref<!tpu.dma_semaphore, #tpu.memory_space<semaphore_mem>>)
    %dma_start3A_8 = arith.constant 0 : i32
    %dma_start3A_9 = tpu.memref_slice %arg5[%dma_start3A_8] : memref<10000xi32, #tpu.memory_space<vmem>> -> memref<40xi32, #tpu.memory_space<vmem>>
    %dma_start3A_10 = arith.constant 0 : i32
    %dma_start3A_11 = arith.constant 0 : i32
    %dma_start3A_12 = tpu.memref_slice %arg2[%dma_start3A_10, %dma_start3A_11] : memref<10000x128xf32, #tpu.memory_space<hbm>> -> memref<10000x128xf32, #tpu.memory_space<hbm>>
    tpu.enqueue_indirect_dma source(%dma_start3A_12 : memref<10000x128xf32, #tpu.memory_space<hbm>>) target(%arg13 : memref<40x128xf32, #tpu.memory_space<vmem>>) offsets(%dma_start3A_9 : memref<40xi32, #tpu.memory_space<vmem>>) semaphore(%arg21 : memref<!tpu.dma_semaphore, #tpu.memory_space<semaphore_mem>>)
    %add3A_13 = arith.constant 320000 : i32
    %add3A_14 = arith.addi %add3A_13, %mul3A_2 : i32
    %add3A_15 = arith.constant 40 : i32
    %add3A_16 = arith.addi %add3A_14, %add3A_15 : i32
    %dma_start3A_17 = tpu.memref_slice %arg3[%add3A_16] : memref<640000xi32, #tpu.memory_space<hbm>> -> memref<40xi32, #tpu.memory_space<hbm>>
    %dma_start3A_18 = tpu.memref_slice %arg3[%add3A_16] : memref<640000xi32, #tpu.memory_space<hbm>> -> memref<40xi32, #tpu.memory_space<hbm>>
    tpu.enqueue_dma source(%dma_start3A_18 : memref<40xi32, #tpu.memory_space<hbm>>) target(%arg7 : memref<40xi32, #tpu.memory_space<vmem>>) target_semaphore(%arg29 : memref<!tpu.dma_semaphore, #tpu.memory_space<semaphore_mem>>)
    %dma_start3A_19 = arith.constant 40 : i32
    %dma_start3A_20 = tpu.memref_slice %arg5[%dma_start3A_19] : memref<10000xi32, #tpu.memory_space<vmem>> -> memref<40xi32, #tpu.memory_space<vmem>>
    %dma_start3A_21 = arith.constant 0 : i32
    %dma_start3A_22 = arith.constant 0 : i32
    %dma_start3A_23 = tpu.memref_slice %arg2[%dma_start3A_21, %dma_start3A_22] : memref<10000x128xf32, #tpu.memory_space<hbm>> -> memref<10000x128xf32, #tpu.memory_space<hbm>>
    tpu.enqueue_indirect_dma source(%dma_start3A_23 : memref<10000x128xf32, #tpu.memory_space<hbm>>) target(%arg14 : memref<40x128xf32, #tpu.memory_space<vmem>>) offsets(%dma_start3A_20 : memref<40xi32, #tpu.memory_space<vmem>>) semaphore(%arg22 : memref<!tpu.dma_semaphore, #tpu.memory_space<semaphore_mem>>)
    %add3A_24 = arith.constant 320000 : i32
    %add3A_25 = arith.addi %add3A_24, %mul3A_2 : i32
    %add3A_26 = arith.constant 80 : i32
    %add3A_27 = arith.addi %add3A_25, %add3A_26 : i32
    %dma_start3A_28 = tpu.memref_slice %arg3[%add3A_27] : memref<640000xi32, #tpu.memory_space<hbm>> -> memref<40xi32, #tpu.memory_space<hbm>>
    %dma_start3A_29 = tpu.memref_slice %arg3[%add3A_27] : memref<640000xi32, #tpu.memory_space<hbm>> -> memref<40xi32, #tpu.memory_space<hbm>>
    tpu.enqueue_dma source(%dma_start3A_29 : memref<40xi32, #tpu.memory_space<hbm>>) target(%arg8 : memref<40xi32, #tpu.memory_space<vmem>>) target_semaphore(%arg30 : memref<!tpu.dma_semaphore, #tpu.memory_space<semaphore_mem>>)
    %dma_start3A_30 = arith.constant 80 : i32
    %dma_start3A_31 = tpu.memref_slice %arg5[%dma_start3A_30] : memref<10000xi32, #tpu.memory_space<vmem>> -> memref<40xi32, #tpu.memory_space<vmem>>
    %dma_start3A_32 = arith.constant 0 : i32
    %dma_start3A_33 = arith.constant 0 : i32
    %dma_start3A_34 = tpu.memref_slice %arg2[%dma_start3A_32, %dma_start3A_33] : memref<10000x128xf32, #tpu.memory_space<hbm>> -> memref<10000x128xf32, #tpu.memory_space<hbm>>
    tpu.enqueue_indirect_dma source(%dma_start3A_34 : memref<10000x128xf32, #tpu.memory_space<hbm>>) target(%arg15 : memref<40x128xf32, #tpu.memory_space<vmem>>) offsets(%dma_start3A_31 : memref<40xi32, #tpu.memory_space<vmem>>) semaphore(%arg23 : memref<!tpu.dma_semaphore, #tpu.memory_space<semaphore_mem>>)
    %add3A_35 = arith.constant 320000 : i32
    %add3A_36 = arith.addi %add3A_35, %mul3A_2 : i32
    %add3A_37 = arith.constant 120 : i32
    %add3A_38 = arith.addi %add3A_36, %add3A_37 : i32
    %dma_start3A_39 = tpu.memref_slice %arg3[%add3A_38] : memref<640000xi32, #tpu.memory_space<hbm>> -> memref<40xi32, #tpu.memory_space<hbm>>
    %dma_start3A_40 = tpu.memref_slice %arg3[%add3A_38] : memref<640000xi32, #tpu.memory_space<hbm>> -> memref<40xi32, #tpu.memory_space<hbm>>
    tpu.enqueue_dma source(%dma_start3A_40 : memref<40xi32, #tpu.memory_space<hbm>>) target(%arg9 : memref<40xi32, #tpu.memory_space<vmem>>) target_semaphore(%arg31 : memref<!tpu.dma_semaphore, #tpu.memory_space<semaphore_mem>>)
    %dma_start3A_41 = arith.constant 120 : i32
    %dma_start3A_42 = tpu.memref_slice %arg5[%dma_start3A_41] : memref<10000xi32, #tpu.memory_space<vmem>> -> memref<40xi32, #tpu.memory_space<vmem>>
    %dma_start3A_43 = arith.constant 0 : i32
    %dma_start3A_44 = arith.constant 0 : i32
    %dma_start3A_45 = tpu.memref_slice %arg2[%dma_start3A_43, %dma_start3A_44] : memref<10000x128xf32, #tpu.memory_space<hbm>> -> memref<10000x128xf32, #tpu.memory_space<hbm>>
    tpu.enqueue_indirect_dma source(%dma_start3A_45 : memref<10000x128xf32, #tpu.memory_space<hbm>>) target(%arg16 : memref<40x128xf32, #tpu.memory_space<vmem>>) offsets(%dma_start3A_42 : memref<40xi32, #tpu.memory_space<vmem>>) semaphore(%arg24 : memref<!tpu.dma_semaphore, #tpu.memory_space<semaphore_mem>>)
    %add3A_46 = arith.constant 320000 : i32
    %add3A_47 = arith.addi %add3A_46, %mul3A_2 : i32
    %add3A_48 = arith.constant 160 : i32
    %add3A_49 = arith.addi %add3A_47, %add3A_48 : i32
    %dma_start3A_50 = tpu.memref_slice %arg3[%add3A_49] : memref<640000xi32, #tpu.memory_space<hbm>> -> memref<40xi32, #tpu.memory_space<hbm>>
    %dma_start3A_51 = tpu.memref_slice %arg3[%add3A_49] : memref<640000xi32, #tpu.memory_space<hbm>> -> memref<40xi32, #tpu.memory_space<hbm>>
    tpu.enqueue_dma source(%dma_start3A_51 : memref<40xi32, #tpu.memory_space<hbm>>) target(%arg10 : memref<40xi32, #tpu.memory_space<vmem>>) target_semaphore(%arg32 : memref<!tpu.dma_semaphore, #tpu.memory_space<semaphore_mem>>)
    %dma_start3A_52 = arith.constant 160 : i32
    %dma_start3A_53 = tpu.memref_slice %arg5[%dma_start3A_52] : memref<10000xi32, #tpu.memory_space<vmem>> -> memref<40xi32, #tpu.memory_space<vmem>>
    %dma_start3A_54 = arith.constant 0 : i32
    %dma_start3A_55 = arith.constant 0 : i32
    %dma_start3A_56 = tpu.memref_slice %arg2[%dma_start3A_54, %dma_start3A_55] : memref<10000x128xf32, #tpu.memory_space<hbm>> -> memref<10000x128xf32, #tpu.memory_space<hbm>>
    tpu.enqueue_indirect_dma source(%dma_start3A_56 : memref<10000x128xf32, #tpu.memory_space<hbm>>) target(%arg17 : memref<40x128xf32, #tpu.memory_space<vmem>>) offsets(%dma_start3A_53 : memref<40xi32, #tpu.memory_space<vmem>>) semaphore(%arg25 : memref<!tpu.dma_semaphore, #tpu.memory_space<semaphore_mem>>)
    %add3A_57 = arith.constant 320000 : i32
    %add3A_58 = arith.addi %add3A_57, %mul3A_2 : i32
    %add3A_59 = arith.constant 200 : i32
    %add3A_60 = arith.addi %add3A_58, %add3A_59 : i32
    %dma_start3A_61 = tpu.memref_slice %arg3[%add3A_60] : memref<640000xi32, #tpu.memory_space<hbm>> -> memref<40xi32, #tpu.memory_space<hbm>>
    %dma_start3A_62 = tpu.memref_slice %arg3[%add3A_60] : memref<640000xi32, #tpu.memory_space<hbm>> -> memref<40xi32, #tpu.memory_space<hbm>>
    tpu.enqueue_dma source(%dma_start3A_62 : memref<40xi32, #tpu.memory_space<hbm>>) target(%arg11 : memref<40xi32, #tpu.memory_space<vmem>>) target_semaphore(%arg33 : memref<!tpu.dma_semaphore, #tpu.memory_space<semaphore_mem>>)
    %dma_start3A_63 = arith.constant 200 : i32
    %dma_start3A_64 = tpu.memref_slice %arg5[%dma_start3A_63] : memref<10000xi32, #tpu.memory_space<vmem>> -> memref<40xi32, #tpu.memory_space<vmem>>
    %dma_start3A_65 = arith.constant 0 : i32
    %dma_start3A_66 = arith.constant 0 : i32
    %dma_start3A_67 = tpu.memref_slice %arg2[%dma_start3A_65, %dma_start3A_66] : memref<10000x128xf32, #tpu.memory_space<hbm>> -> memref<10000x128xf32, #tpu.memory_space<hbm>>
    tpu.enqueue_indirect_dma source(%dma_start3A_67 : memref<10000x128xf32, #tpu.memory_space<hbm>>) target(%arg18 : memref<40x128xf32, #tpu.memory_space<vmem>>) offsets(%dma_start3A_64 : memref<40xi32, #tpu.memory_space<vmem>>) semaphore(%arg26 : memref<!tpu.dma_semaphore, #tpu.memory_space<semaphore_mem>>)
    %scan3A = arith.constant 0 : i32
    %scan3A_68 = arith.constant 0 : i32
    %scan3A_69 = arith.constant 40 : i32
    %scan3A_70 = arith.addi %scan3A_68, %scan3A_69 : i32
    %scan3A_71 = arith.constant 1 : i32
    scf.for %scan3A_568 = %scan3A_68 to %scan3A_70 step %scan3A_71  : i32 {
      %broadcast_in_dim3A = arith.constant 0.000000e+00 : f32
      %broadcast_in_dim3A_569 = vector.broadcast %broadcast_in_dim3A : f32 to vector<16xf32>
      %swap3A = arith.index_cast %scan3A_568 : i32 to index
      %swap3A_570 = arith.constant 0 : index
      %swap3A_571 = tpu.vector_load %arg19[%swap3A, %swap3A_570] {strides = array<i32>} : memref<40x128xf32, #tpu.memory_space<vmem>>, vector<1x16xf32>,
      %swap3A_572 = vector.shape_cast %swap3A_571 : vector<1x16xf32> to vector<16xf32>
      %swap3A_573 = vector.shape_cast %broadcast_in_dim3A_569 : vector<16xf32> to vector<1x16xf32>
      tpu.vector_store %arg19[%swap3A, %swap3A_570], %swap3A_573 {strides = array<i32>} : memref<40x128xf32, #tpu.memory_space<vmem>>, vector<1x16xf32>,
      %broadcast_in_dim3A_574 = arith.constant 0.000000e+00 : f32
      %broadcast_in_dim3A_575 = vector.broadcast %broadcast_in_dim3A_574 : f32 to vector<16xf32>
      %swap3A_576 = arith.index_cast %scan3A_568 : i32 to index
      %swap3A_577 = arith.constant 16 : index
      %swap3A_578 = tpu.vector_load %arg19[%swap3A_576, %swap3A_577] {strides = array<i32>} : memref<40x128xf32, #tpu.memory_space<vmem>>, vector<1x16xf32>,
      %swap3A_579 = vector.shape_cast %swap3A_578 : vector<1x16xf32> to vector<16xf32>
      %swap3A_580 = vector.shape_cast %broadcast_in_dim3A_575 : vector<16xf32> to vector<1x16xf32>
      tpu.vector_store %arg19[%swap3A_576, %swap3A_577], %swap3A_580 {strides = array<i32>} : memref<40x128xf32, #tpu.memory_space<vmem>>, vector<1x16xf32>,
      %broadcast_in_dim3A_581 = arith.constant 0.000000e+00 : f32
      %broadcast_in_dim3A_582 = vector.broadcast %broadcast_in_dim3A_581 : f32 to vector<16xf32>
      %swap3A_583 = arith.index_cast %scan3A_568 : i32 to index
      %swap3A_584 = arith.constant 32 : index
      %swap3A_585 = tpu.vector_load %arg19[%swap3A_583, %swap3A_584] {strides = array<i32>} : memref<40x128xf32, #tpu.memory_space<vmem>>, vector<1x16xf32>,
      %swap3A_586 = vector.shape_cast %swap3A_585 : vector<1x16xf32> to vector<16xf32>
      %swap3A_587 = vector.shape_cast %broadcast_in_dim3A_582 : vector<16xf32> to vector<1x16xf32>
      tpu.vector_store %arg19[%swap3A_583, %swap3A_584], %swap3A_587 {strides = array<i32>} : memref<40x128xf32, #tpu.memory_space<vmem>>, vector<1x16xf32>,
      %broadcast_in_dim3A_588 = arith.constant 0.000000e+00 : f32
      %broadcast_in_dim3A_589 = vector.broadcast %broadcast_in_dim3A_588 : f32 to vector<16xf32>
      %swap3A_590 = arith.index_cast %scan3A_568 : i32 to index
      %swap3A_591 = arith.constant 48 : index
      %swap3A_592 = tpu.vector_load %arg19[%swap3A_590, %swap3A_591] {strides = array<i32>} : memref<40x128xf32, #tpu.memory_space<vmem>>, vector<1x16xf32>,
      %swap3A_593 = vector.shape_cast %swap3A_592 : vector<1x16xf32> to vector<16xf32>
      %swap3A_594 = vector.shape_cast %broadcast_in_dim3A_589 : vector<16xf32> to vector<1x16xf32>
      tpu.vector_store %arg19[%swap3A_590, %swap3A_591], %swap3A_594 {strides = array<i32>} : memref<40x128xf32, #tpu.memory_space<vmem>>, vector<1x16xf32>,
      %broadcast_in_dim3A_595 = arith.constant 0.000000e+00 : f32
      %broadcast_in_dim3A_596 = vector.broadcast %broadcast_in_dim3A_595 : f32 to vector<16xf32>
      %swap3A_597 = arith.index_cast %scan3A_568 : i32 to index
      %swap3A_598 = arith.constant 64 : index
      %swap3A_599 = tpu.vector_load %arg19[%swap3A_597, %swap3A_598] {strides = array<i32>} : memref<40x128xf32, #tpu.memory_space<vmem>>, vector<1x16xf32>,
      %swap3A_600 = vector.shape_cast %swap3A_599 : vector<1x16xf32> to vector<16xf32>
      %swap3A_601 = vector.shape_cast %broadcast_in_dim3A_596 : vector<16xf32> to vector<1x16xf32>
      tpu.vector_store %arg19[%swap3A_597, %swap3A_598], %swap3A_601 {strides = array<i32>} : memref<40x128xf32, #tpu.memory_space<vmem>>, vector<1x16xf32>,
      %broadcast_in_dim3A_602 = arith.constant 0.000000e+00 : f32
      %broadcast_in_dim3A_603 = vector.broadcast %broadcast_in_dim3A_602 : f32 to vector<16xf32>
      %swap3A_604 = arith.index_cast %scan3A_568 : i32 to index
      %swap3A_605 = arith.constant 80 : index
      %swap3A_606 = tpu.vector_load %arg19[%swap3A_604, %swap3A_605] {strides = array<i32>} : memref<40x128xf32, #tpu.memory_space<vmem>>, vector<1x16xf32>,
      %swap3A_607 = vector.shape_cast %swap3A_606 : vector<1x16xf32> to vector<16xf32>
      %swap3A_608 = vector.shape_cast %broadcast_in_dim3A_603 : vector<16xf32> to vector<1x16xf32>
      tpu.vector_store %arg19[%swap3A_604, %swap3A_605], %swap3A_608 {strides = array<i32>} : memref<40x128xf32, #tpu.memory_space<vmem>>, vector<1x16xf32>,
      %broadcast_in_dim3A_609 = arith.constant 0.000000e+00 : f32
      %broadcast_in_dim3A_610 = vector.broadcast %broadcast_in_dim3A_609 : f32 to vector<16xf32>
      %swap3A_611 = arith.index_cast %scan3A_568 : i32 to index
      %swap3A_612 = arith.constant 96 : index
      %swap3A_613 = tpu.vector_load %arg19[%swap3A_611, %swap3A_612] {strides = array<i32>} : memref<40x128xf32, #tpu.memory_space<vmem>>, vector<1x16xf32>,
      %swap3A_614 = vector.shape_cast %swap3A_613 : vector<1x16xf32> to vector<16xf32>
      %swap3A_615 = vector.shape_cast %broadcast_in_dim3A_610 : vector<16xf32> to vector<1x16xf32>
      tpu.vector_store %arg19[%swap3A_611, %swap3A_612], %swap3A_615 {strides = array<i32>} : memref<40x128xf32, #tpu.memory_space<vmem>>, vector<1x16xf32>,
      %broadcast_in_dim3A_616 = arith.constant 0.000000e+00 : f32
      %broadcast_in_dim3A_617 = vector.broadcast %broadcast_in_dim3A_616 : f32 to vector<16xf32>
      %swap3A_618 = arith.index_cast %scan3A_568 : i32 to index
      %swap3A_619 = arith.constant 112 : index
      %swap3A_620 = tpu.vector_load %arg19[%swap3A_618, %swap3A_619] {strides = array<i32>} : memref<40x128xf32, #tpu.memory_space<vmem>>, vector<1x16xf32>,
      %swap3A_621 = vector.shape_cast %swap3A_620 : vector<1x16xf32> to vector<16xf32>
      %swap3A_622 = vector.shape_cast %broadcast_in_dim3A_617 : vector<16xf32> to vector<1x16xf32>
      tpu.vector_store %arg19[%swap3A_618, %swap3A_619], %swap3A_622 {strides = array<i32>} : memref<40x128xf32, #tpu.memory_space<vmem>>, vector<1x16xf32>,
    }
    %scan3A_72 = arith.constant 40 : i32
    %eq3A = arith.constant 0 : i32
    %eq3A_73 = arith.cmpi eq, %arg0, %eq3A : i32
    %lt3A = arith.constant 15 : i32
    %lt3A_74 = arith.cmpi slt, %arg1, %lt3A : i32
    %and3A = arith.andi %eq3A_73, %lt3A_74 : i1
    %convert_element_type3A = arith.extui %and3A : i1 to i32
    %cond3A = arith.constant 0 : i32
    %cond3A_75 = arith.cmpi ne, %convert_element_type3A, %cond3A : i32
    scf.if %cond3A_75 {
      %mul3A_568 = arith.constant 640 : i32
      %mul3A_569 = arith.muli %arg1, %mul3A_568 : i32
      %mul3A_570 = arith.constant 640 : i32
      %mul3A_571 = arith.muli %arg1, %mul3A_570 : i32
      %dma_start3A_572 = arith.constant 0 : i32
      %dma_start3A_573 = tpu.memref_slice %arg20[%mul3A_571, %dma_start3A_572] : memref<10240x128xf32, #tpu.memory_space<vmem_shared>> -> memref<640x128xf32, #tpu.memory_space<vmem_shared>>
      %dma_start3A_574 = arith.constant 0 : i32
      %dma_start3A_575 = tpu.memref_slice %arg2[%mul3A_569, %dma_start3A_574] : memref<10000x128xf32, #tpu.memory_space<hbm>> -> memref<640x128xf32, #tpu.memory_space<hbm>>
      tpu.enqueue_dma source(%dma_start3A_575 : memref<640x128xf32, #tpu.memory_space<hbm>>) target(%dma_start3A_573 : memref<640x128xf32, #tpu.memory_space<vmem_shared>>) target_semaphore(%arg42 : memref<!tpu.dma_semaphore, #tpu.memory_space<semaphore_mem>>)
      %dma_wait3A_576 = arith.constant 0 : i32
      %dma_wait3A_577 = tpu.memref_slice %arg20[%mul3A_571, %dma_wait3A_576] : memref<10240x128xf32, #tpu.memory_space<vmem_shared>> -> memref<640x128xf32, #tpu.memory_space<vmem_shared>>
      %dma_wait3A_578 = arith.constant 0 : i32
      %dma_wait3A_579 = tpu.memref_slice %arg2[%mul3A_569, %dma_wait3A_578] : memref<10000x128xf32, #tpu.memory_space<hbm>> -> memref<640x128xf32, #tpu.memory_space<hbm>>
      tpu.wait_dma2 semaphore(%arg42 : memref<!tpu.dma_semaphore, #tpu.memory_space<semaphore_mem>>) src(%dma_wait3A_579 : memref<640x128xf32, #tpu.memory_space<hbm>>) dst(%dma_wait3A_577 : memref<640x128xf32, #tpu.memory_space<vmem_shared>>)
    } else {
    }
    %eq3A_76 = arith.constant 0 : i32
    %eq3A_77 = arith.cmpi eq, %arg0, %eq3A_76 : i32
    %eq3A_78 = arith.constant 15 : i32
    %eq3A_79 = arith.cmpi eq, %arg1, %eq3A_78 : i32
    %and3A_80 = arith.andi %eq3A_77, %eq3A_79 : i1
    %convert_element_type3A_81 = arith.extui %and3A_80 : i1 to i32
    %cond3A_82 = arith.constant 0 : i32
    %cond3A_83 = arith.cmpi ne, %convert_element_type3A_81, %cond3A_82 : i32
    scf.if %cond3A_83 {
      %dma_start3A_568 = arith.constant 9600 : i32
      %dma_start3A_569 = arith.constant 0 : i32
      %dma_start3A_570 = tpu.memref_slice %arg20[%dma_start3A_568, %dma_start3A_569] : memref<10240x128xf32, #tpu.memory_space<vmem_shared>> -> memref<400x128xf32, #tpu.memory_space<vmem_shared>>
      %dma_start3A_571 = arith.constant 9600 : i32
      %dma_start3A_572 = arith.constant 0 : i32
      %dma_start3A_573 = tpu.memref_slice %arg2[%dma_start3A_571, %dma_start3A_572] : memref<10000x128xf32, #tpu.memory_space<hbm>> -> memref<400x128xf32, #tpu.memory_space<hbm>>
      tpu.enqueue_dma source(%dma_start3A_573 : memref<400x128xf32, #tpu.memory_space<hbm>>) target(%dma_start3A_570 : memref<400x128xf32, #tpu.memory_space<vmem_shared>>) target_semaphore(%arg42 : memref<!tpu.dma_semaphore, #tpu.memory_space<semaphore_mem>>)
      %dma_start3A_574 = arith.constant 10000 : i32
      %dma_start3A_575 = arith.constant 0 : i32
      %dma_start3A_576 = tpu.memref_slice %arg20[%dma_start3A_574, %dma_start3A_575] : memref<10240x128xf32, #tpu.memory_space<vmem_shared>> -> memref<40x128xf32, #tpu.memory_space<vmem_shared>>
      %dma_start3A_577 = arith.constant 10000 : i32
      %dma_start3A_578 = arith.constant 0 : i32
      %dma_start3A_579 = tpu.memref_slice %arg20[%dma_start3A_577, %dma_start3A_578] : memref<10240x128xf32, #tpu.memory_space<vmem_shared>> -> memref<40x128xf32, #tpu.memory_space<vmem_shared>>
      tpu.enqueue_dma source(%arg19 : memref<40x128xf32, #tpu.memory_space<vmem>>) target(%dma_start3A_579 : memref<40x128xf32, #tpu.memory_space<vmem_shared>>) target_semaphore(%arg42 : memref<!tpu.dma_semaphore, #tpu.memory_space<semaphore_mem>>)
      %dma_start3A_580 = arith.constant 10040 : i32
      %dma_start3A_581 = arith.constant 0 : i32
      %dma_start3A_582 = tpu.memref_slice %arg20[%dma_start3A_580, %dma_start3A_581] : memref<10240x128xf32, #tpu.memory_space<vmem_shared>> -> memref<40x128xf32, #tpu.memory_space<vmem_shared>>
      %dma_start3A_583 = arith.constant 10040 : i32
      %dma_start3A_584 = arith.constant 0 : i32
      %dma_start3A_585 = tpu.memref_slice %arg20[%dma_start3A_583, %dma_start3A_584] : memref<10240x128xf32, #tpu.memory_space<vmem_shared>> -> memref<40x128xf32, #tpu.memory_space<vmem_shared>>
      tpu.enqueue_dma source(%arg19 : memref<40x128xf32, #tpu.memory_space<vmem>>) target(%dma_start3A_585 : memref<40x128xf32, #tpu.memory_space<vmem_shared>>) target_semaphore(%arg42 : memref<!tpu.dma_semaphore, #tpu.memory_space<semaphore_mem>>)
      %dma_start3A_586 = arith.constant 10080 : i32
      %dma_start3A_587 = arith.constant 0 : i32
      %dma_start3A_588 = tpu.memref_slice %arg20[%dma_start3A_586, %dma_start3A_587] : memref<10240x128xf32, #tpu.memory_space<vmem_shared>> -> memref<40x128xf32, #tpu.memory_space<vmem_shared>>
      %dma_start3A_589 = arith.constant 10080 : i32
      %dma_start3A_590 = arith.constant 0 : i32
      %dma_start3A_591 = tpu.memref_slice %arg20[%dma_start3A_589, %dma_start3A_590] : memref<10240x128xf32, #tpu.memory_space<vmem_shared>> -> memref<40x128xf32, #tpu.memory_space<vmem_shared>>
      tpu.enqueue_dma source(%arg19 : memref<40x128xf32, #tpu.memory_space<vmem>>) target(%dma_start3A_591 : memref<40x128xf32, #tpu.memory_space<vmem_shared>>) target_semaphore(%arg42 : memref<!tpu.dma_semaphore, #tpu.memory_space<semaphore_mem>>)
      %dma_start3A_592 = arith.constant 10120 : i32
      %dma_start3A_593 = arith.constant 0 : i32
      %dma_start3A_594 = tpu.memref_slice %arg20[%dma_start3A_592, %dma_start3A_593] : memref<10240x128xf32, #tpu.memory_space<vmem_shared>> -> memref<40x128xf32, #tpu.memory_space<vmem_shared>>
      %dma_start3A_595 = arith.constant 10120 : i32
      %dma_start3A_596 = arith.constant 0 : i32
      %dma_start3A_597 = tpu.memref_slice %arg20[%dma_start3A_595, %dma_start3A_596] : memref<10240x128xf32, #tpu.memory_space<vmem_shared>> -> memref<40x128xf32, #tpu.memory_space<vmem_shared>>
      tpu.enqueue_dma source(%arg19 : memref<40x128xf32, #tpu.memory_space<vmem>>) target(%dma_start3A_597 : memref<40x128xf32, #tpu.memory_space<vmem_shared>>) target_semaphore(%arg42 : memref<!tpu.dma_semaphore, #tpu.memory_space<semaphore_mem>>)
      %dma_start3A_598 = arith.constant 10160 : i32
      %dma_start3A_599 = arith.constant 0 : i32
      %dma_start3A_600 = tpu.memref_slice %arg20[%dma_start3A_598, %dma_start3A_599] : memref<10240x128xf32, #tpu.memory_space<vmem_shared>> -> memref<40x128xf32, #tpu.memory_space<vmem_shared>>
      %dma_start3A_601 = arith.constant 10160 : i32
      %dma_start3A_602 = arith.constant 0 : i32
      %dma_start3A_603 = tpu.memref_slice %arg20[%dma_start3A_601, %dma_start3A_602] : memref<10240x128xf32, #tpu.memory_space<vmem_shared>> -> memref<40x128xf32, #tpu.memory_space<vmem_shared>>
      tpu.enqueue_dma source(%arg19 : memref<40x128xf32, #tpu.memory_space<vmem>>) target(%dma_start3A_603 : memref<40x128xf32, #tpu.memory_space<vmem_shared>>) target_semaphore(%arg42 : memref<!tpu.dma_semaphore, #tpu.memory_space<semaphore_mem>>)
      %dma_start3A_604 = arith.constant 10200 : i32
      %dma_start3A_605 = arith.constant 0 : i32
      %dma_start3A_606 = tpu.memref_slice %arg20[%dma_start3A_604, %dma_start3A_605] : memref<10240x128xf32, #tpu.memory_space<vmem_shared>> -> memref<40x128xf32, #tpu.memory_space<vmem_shared>>
      %dma_start3A_607 = arith.constant 10200 : i32
      %dma_start3A_608 = arith.constant 0 : i32
      %dma_start3A_609 = tpu.memref_slice %arg20[%dma_start3A_607, %dma_start3A_608] : memref<10240x128xf32, #tpu.memory_space<vmem_shared>> -> memref<40x128xf32, #tpu.memory_space<vmem_shared>>
      tpu.enqueue_dma source(%arg19 : memref<40x128xf32, #tpu.memory_space<vmem>>) target(%dma_start3A_609 : memref<40x128xf32, #tpu.memory_space<vmem_shared>>) target_semaphore(%arg42 : memref<!tpu.dma_semaphore, #tpu.memory_space<semaphore_mem>>)
      %dma_wait3A_610 = arith.constant 9600 : i32
      %dma_wait3A_611 = arith.constant 0 : i32
      %dma_wait3A_612 = tpu.memref_slice %arg20[%dma_wait3A_610, %dma_wait3A_611] : memref<10240x128xf32, #tpu.memory_space<vmem_shared>> -> memref<400x128xf32, #tpu.memory_space<vmem_shared>>
      %dma_wait3A_613 = arith.constant 9600 : i32
      %dma_wait3A_614 = arith.constant 0 : i32
      %dma_wait3A_615 = tpu.memref_slice %arg2[%dma_wait3A_613, %dma_wait3A_614] : memref<10000x128xf32, #tpu.memory_space<hbm>> -> memref<400x128xf32, #tpu.memory_space<hbm>>
      tpu.wait_dma2 semaphore(%arg42 : memref<!tpu.dma_semaphore, #tpu.memory_space<semaphore_mem>>) src(%dma_wait3A_615 : memref<400x128xf32, #tpu.memory_space<hbm>>) dst(%dma_wait3A_612 : memref<400x128xf32, #tpu.memory_space<vmem_shared>>)
      %dma_wait3A_616 = arith.constant 10000 : i32
      %dma_wait3A_617 = arith.constant 0 : i32
      %dma_wait3A_618 = tpu.memref_slice %arg20[%dma_wait3A_616, %dma_wait3A_617] : memref<10240x128xf32, #tpu.memory_space<vmem_shared>> -> memref<40x128xf32, #tpu.memory_space<vmem_shared>>
      %dma_wait3A_619 = arith.constant 10000 : i32
      %dma_wait3A_620 = arith.constant 0 : i32
      %dma_wait3A_621 = tpu.memref_slice %arg20[%dma_wait3A_619, %dma_wait3A_620] : memref<10240x128xf32, #tpu.memory_space<vmem_shared>> -> memref<40x128xf32, #tpu.memory_space<vmem_shared>>
      tpu.wait_dma2 semaphore(%arg42 : memref<!tpu.dma_semaphore, #tpu.memory_space<semaphore_mem>>) src(%arg19 : memref<40x128xf32, #tpu.memory_space<vmem>>) dst(%dma_wait3A_621 : memref<40x128xf32, #tpu.memory_space<vmem_shared>>)
      %dma_wait3A_622 = arith.constant 10040 : i32
      %dma_wait3A_623 = arith.constant 0 : i32
      %dma_wait3A_624 = tpu.memref_slice %arg20[%dma_wait3A_622, %dma_wait3A_623] : memref<10240x128xf32, #tpu.memory_space<vmem_shared>> -> memref<40x128xf32, #tpu.memory_space<vmem_shared>>
      %dma_wait3A_625 = arith.constant 10040 : i32
      %dma_wait3A_626 = arith.constant 0 : i32
      %dma_wait3A_627 = tpu.memref_slice %arg20[%dma_wait3A_625, %dma_wait3A_626] : memref<10240x128xf32, #tpu.memory_space<vmem_shared>> -> memref<40x128xf32, #tpu.memory_space<vmem_shared>>
      tpu.wait_dma2 semaphore(%arg42 : memref<!tpu.dma_semaphore, #tpu.memory_space<semaphore_mem>>) src(%arg19 : memref<40x128xf32, #tpu.memory_space<vmem>>) dst(%dma_wait3A_627 : memref<40x128xf32, #tpu.memory_space<vmem_shared>>)
      %dma_wait3A_628 = arith.constant 10080 : i32
      %dma_wait3A_629 = arith.constant 0 : i32
      %dma_wait3A_630 = tpu.memref_slice %arg20[%dma_wait3A_628, %dma_wait3A_629] : memref<10240x128xf32, #tpu.memory_space<vmem_shared>> -> memref<40x128xf32, #tpu.memory_space<vmem_shared>>
      %dma_wait3A_631 = arith.constant 10080 : i32
      %dma_wait3A_632 = arith.constant 0 : i32
      %dma_wait3A_633 = tpu.memref_slice %arg20[%dma_wait3A_631, %dma_wait3A_632] : memref<10240x128xf32, #tpu.memory_space<vmem_shared>> -> memref<40x128xf32, #tpu.memory_space<vmem_shared>>
      tpu.wait_dma2 semaphore(%arg42 : memref<!tpu.dma_semaphore, #tpu.memory_space<semaphore_mem>>) src(%arg19 : memref<40x128xf32, #tpu.memory_space<vmem>>) dst(%dma_wait3A_633 : memref<40x128xf32, #tpu.memory_space<vmem_shared>>)
      %dma_wait3A_634 = arith.constant 10120 : i32
      %dma_wait3A_635 = arith.constant 0 : i32
      %dma_wait3A_636 = tpu.memref_slice %arg20[%dma_wait3A_634, %dma_wait3A_635] : memref<10240x128xf32, #tpu.memory_space<vmem_shared>> -> memref<40x128xf32, #tpu.memory_space<vmem_shared>>
      %dma_wait3A_637 = arith.constant 10120 : i32
      %dma_wait3A_638 = arith.constant 0 : i32
      %dma_wait3A_639 = tpu.memref_slice %arg20[%dma_wait3A_637, %dma_wait3A_638] : memref<10240x128xf32, #tpu.memory_space<vmem_shared>> -> memref<40x128xf32, #tpu.memory_space<vmem_shared>>
      tpu.wait_dma2 semaphore(%arg42 : memref<!tpu.dma_semaphore, #tpu.memory_space<semaphore_mem>>) src(%arg19 : memref<40x128xf32, #tpu.memory_space<vmem>>) dst(%dma_wait3A_639 : memref<40x128xf32, #tpu.memory_space<vmem_shared>>)
      %dma_wait3A_640 = arith.constant 10160 : i32
      %dma_wait3A_641 = arith.constant 0 : i32
      %dma_wait3A_642 = tpu.memref_slice %arg20[%dma_wait3A_640, %dma_wait3A_641] : memref<10240x128xf32, #tpu.memory_space<vmem_shared>> -> memref<40x128xf32, #tpu.memory_space<vmem_shared>>
      %dma_wait3A_643 = arith.constant 10160 : i32
      %dma_wait3A_644 = arith.constant 0 : i32
      %dma_wait3A_645 = tpu.memref_slice %arg20[%dma_wait3A_643, %dma_wait3A_644] : memref<10240x128xf32, #tpu.memory_space<vmem_shared>> -> memref<40x128xf32, #tpu.memory_space<vmem_shared>>
      tpu.wait_dma2 semaphore(%arg42 : memref<!tpu.dma_semaphore, #tpu.memory_space<semaphore_mem>>) src(%arg19 : memref<40x128xf32, #tpu.memory_space<vmem>>) dst(%dma_wait3A_645 : memref<40x128xf32, #tpu.memory_space<vmem_shared>>)
      %dma_wait3A_646 = arith.constant 10200 : i32
      %dma_wait3A_647 = arith.constant 0 : i32
      %dma_wait3A_648 = tpu.memref_slice %arg20[%dma_wait3A_646, %dma_wait3A_647] : memref<10240x128xf32, #tpu.memory_space<vmem_shared>> -> memref<40x128xf32, #tpu.memory_space<vmem_shared>>
      %dma_wait3A_649 = arith.constant 10200 : i32
      %dma_wait3A_650 = arith.constant 0 : i32
      %dma_wait3A_651 = tpu.memref_slice %arg20[%dma_wait3A_649, %dma_wait3A_650] : memref<10240x128xf32, #tpu.memory_space<vmem_shared>> -> memref<40x128xf32, #tpu.memory_space<vmem_shared>>
      tpu.wait_dma2 semaphore(%arg42 : memref<!tpu.dma_semaphore, #tpu.memory_space<semaphore_mem>>) src(%arg19 : memref<40x128xf32, #tpu.memory_space<vmem>>) dst(%dma_wait3A_651 : memref<40x128xf32, #tpu.memory_space<vmem_shared>>)
    } else {
    }
    %eq3A_84 = arith.constant 1 : i32
    %eq3A_85 = arith.cmpi eq, %arg0, %eq3A_84 : i32
    %convert_element_type3A_86 = arith.extui %eq3A_85 : i1 to i32
    %cond3A_87 = arith.constant 0 : i32
    %cond3A_88 = arith.cmpi ne, %convert_element_type3A_86, %cond3A_87 : i32
    scf.if %cond3A_88 {
      %mul3A_568 = arith.constant 640 : i32
      %mul3A_569 = arith.muli %arg1, %mul3A_568 : i32
      %add3A_570 = arith.constant 0 : i32
      %add3A_571 = arith.addi %mul3A_569, %add3A_570 : i32
      %dma_start3A_572 = arith.constant 0 : i32
      %dma_start3A_573 = tpu.memref_slice %arg20[%add3A_571, %dma_start3A_572] : memref<10240x128xf32, #tpu.memory_space<vmem_shared>> -> memref<40x128xf32, #tpu.memory_space<vmem_shared>>
      %dma_start3A_574 = arith.constant 0 : i32
      %dma_start3A_575 = tpu.memref_slice %arg20[%add3A_571, %dma_start3A_574] : memref<10240x128xf32, #tpu.memory_space<vmem_shared>> -> memref<40x128xf32, #tpu.memory_space<vmem_shared>>
      tpu.enqueue_dma source(%arg19 : memref<40x128xf32, #tpu.memory_space<vmem>>) target(%dma_start3A_575 : memref<40x128xf32, #tpu.memory_space<vmem_shared>>) target_semaphore(%arg42 : memref<!tpu.dma_semaphore, #tpu.memory_space<semaphore_mem>>)
      %mul3A_576 = arith.constant 640 : i32
      %mul3A_577 = arith.muli %arg1, %mul3A_576 : i32
      %add3A_578 = arith.constant 40 : i32
      %add3A_579 = arith.addi %mul3A_577, %add3A_578 : i32
      %dma_start3A_580 = arith.constant 0 : i32
      %dma_start3A_581 = tpu.memref_slice %arg20[%add3A_579, %dma_start3A_580] : memref<10240x128xf32, #tpu.memory_space<vmem_shared>> -> memref<40x128xf32, #tpu.memory_space<vmem_shared>>
      %dma_start3A_582 = arith.constant 0 : i32
      %dma_start3A_583 = tpu.memref_slice %arg20[%add3A_579, %dma_start3A_582] : memref<10240x128xf32, #tpu.memory_space<vmem_shared>> -> memref<40x128xf32, #tpu.memory_space<vmem_shared>>
      tpu.enqueue_dma source(%arg19 : memref<40x128xf32, #tpu.memory_space<vmem>>) target(%dma_start3A_583 : memref<40x128xf32, #tpu.memory_space<vmem_shared>>) target_semaphore(%arg42 : memref<!tpu.dma_semaphore, #tpu.memory_space<semaphore_mem>>)
      %mul3A_584 = arith.constant 640 : i32
      %mul3A_585 = arith.muli %arg1, %mul3A_584 : i32
      %add3A_586 = arith.constant 80 : i32
      %add3A_587 = arith.addi %mul3A_585, %add3A_586 : i32
      %dma_start3A_588 = arith.constant 0 : i32
      %dma_start3A_589 = tpu.memref_slice %arg20[%add3A_587, %dma_start3A_588] : memref<10240x128xf32, #tpu.memory_space<vmem_shared>> -> memref<40x128xf32, #tpu.memory_space<vmem_shared>>
      %dma_start3A_590 = arith.constant 0 : i32
      %dma_start3A_591 = tpu.memref_slice %arg20[%add3A_587, %dma_start3A_590] : memref<10240x128xf32, #tpu.memory_space<vmem_shared>> -> memref<40x128xf32, #tpu.memory_space<vmem_shared>>
      tpu.enqueue_dma source(%arg19 : memref<40x128xf32, #tpu.memory_space<vmem>>) target(%dma_start3A_591 : memref<40x128xf32, #tpu.memory_space<vmem_shared>>) target_semaphore(%arg42 : memref<!tpu.dma_semaphore, #tpu.memory_space<semaphore_mem>>)
      %mul3A_592 = arith.constant 640 : i32
      %mul3A_593 = arith.muli %arg1, %mul3A_592 : i32
      %add3A_594 = arith.constant 120 : i32
      %add3A_595 = arith.addi %mul3A_593, %add3A_594 : i32
      %dma_start3A_596 = arith.constant 0 : i32
      %dma_start3A_597 = tpu.memref_slice %arg20[%add3A_595, %dma_start3A_596] : memref<10240x128xf32, #tpu.memory_space<vmem_shared>> -> memref<40x128xf32, #tpu.memory_space<vmem_shared>>
      %dma_start3A_598 = arith.constant 0 : i32
      %dma_start3A_599 = tpu.memref_slice %arg20[%add3A_595, %dma_start3A_598] : memref<10240x128xf32, #tpu.memory_space<vmem_shared>> -> memref<40x128xf32, #tpu.memory_space<vmem_shared>>
      tpu.enqueue_dma source(%arg19 : memref<40x128xf32, #tpu.memory_space<vmem>>) target(%dma_start3A_599 : memref<40x128xf32, #tpu.memory_space<vmem_shared>>) target_semaphore(%arg42 : memref<!tpu.dma_semaphore, #tpu.memory_space<semaphore_mem>>)
      %mul3A_600 = arith.constant 640 : i32
      %mul3A_601 = arith.muli %arg1, %mul3A_600 : i32
      %add3A_602 = arith.constant 160 : i32
      %add3A_603 = arith.addi %mul3A_601, %add3A_602 : i32
      %dma_start3A_604 = arith.constant 0 : i32
      %dma_start3A_605 = tpu.memref_slice %arg20[%add3A_603, %dma_start3A_604] : memref<10240x128xf32, #tpu.memory_space<vmem_shared>> -> memref<40x128xf32, #tpu.memory_space<vmem_shared>>
      %dma_start3A_606 = arith.constant 0 : i32
      %dma_start3A_607 = tpu.memref_slice %arg20[%add3A_603, %dma_start3A_606] : memref<10240x128xf32, #tpu.memory_space<vmem_shared>> -> memref<40x128xf32, #tpu.memory_space<vmem_shared>>
      tpu.enqueue_dma source(%arg19 : memref<40x128xf32, #tpu.memory_space<vmem>>) target(%dma_start3A_607 : memref<40x128xf32, #tpu.memory_space<vmem_shared>>) target_semaphore(%arg42 : memref<!tpu.dma_semaphore, #tpu.memory_space<semaphore_mem>>)
      %mul3A_608 = arith.constant 640 : i32
      %mul3A_609 = arith.muli %arg1, %mul3A_608 : i32
      %add3A_610 = arith.constant 200 : i32
      %add3A_611 = arith.addi %mul3A_609, %add3A_610 : i32
      %dma_start3A_612 = arith.constant 0 : i32
      %dma_start3A_613 = tpu.memref_slice %arg20[%add3A_611, %dma_start3A_612] : memref<10240x128xf32, #tpu.memory_space<vmem_shared>> -> memref<40x128xf32, #tpu.memory_space<vmem_shared>>
      %dma_start3A_614 = arith.constant 0 : i32
      %dma_start3A_615 = tpu.memref_slice %arg20[%add3A_611, %dma_start3A_614] : memref<10240x128xf32, #tpu.memory_space<vmem_shared>> -> memref<40x128xf32, #tpu.memory_space<vmem_shared>>
      tpu.enqueue_dma source(%arg19 : memref<40x128xf32, #tpu.memory_space<vmem>>) target(%dma_start3A_615 : memref<40x128xf32, #tpu.memory_space<vmem_shared>>) target_semaphore(%arg42 : memref<!tpu.dma_semaphore, #tpu.memory_space<semaphore_mem>>)
      %mul3A_616 = arith.constant 640 : i32
      %mul3A_617 = arith.muli %arg1, %mul3A_616 : i32
      %add3A_618 = arith.constant 240 : i32
      %add3A_619 = arith.addi %mul3A_617, %add3A_618 : i32
      %dma_start3A_620 = arith.constant 0 : i32
      %dma_start3A_621 = tpu.memref_slice %arg20[%add3A_619, %dma_start3A_620] : memref<10240x128xf32, #tpu.memory_space<vmem_shared>> -> memref<40x128xf32, #tpu.memory_space<vmem_shared>>
      %dma_start3A_622 = arith.constant 0 : i32
      %dma_start3A_623 = tpu.memref_slice %arg20[%add3A_619, %dma_start3A_622] : memref<10240x128xf32, #tpu.memory_space<vmem_shared>> -> memref<40x128xf32, #tpu.memory_space<vmem_shared>>
      tpu.enqueue_dma source(%arg19 : memref<40x128xf32, #tpu.memory_space<vmem>>) target(%dma_start3A_623 : memref<40x128xf32, #tpu.memory_space<vmem_shared>>) target_semaphore(%arg42 : memref<!tpu.dma_semaphore, #tpu.memory_space<semaphore_mem>>)
      %mul3A_624 = arith.constant 640 : i32
      %mul3A_625 = arith.muli %arg1, %mul3A_624 : i32
      %add3A_626 = arith.constant 280 : i32
      %add3A_627 = arith.addi %mul3A_625, %add3A_626 : i32
      %dma_start3A_628 = arith.constant 0 : i32
      %dma_start3A_629 = tpu.memref_slice %arg20[%add3A_627, %dma_start3A_628] : memref<10240x128xf32, #tpu.memory_space<vmem_shared>> -> memref<40x128xf32, #tpu.memory_space<vmem_shared>>
      %dma_start3A_630 = arith.constant 0 : i32
      %dma_start3A_631 = tpu.memref_slice %arg20[%add3A_627, %dma_start3A_630] : memref<10240x128xf32, #tpu.memory_space<vmem_shared>> -> memref<40x128xf32, #tpu.memory_space<vmem_shared>>
      tpu.enqueue_dma source(%arg19 : memref<40x128xf32, #tpu.memory_space<vmem>>) target(%dma_start3A_631 : memref<40x128xf32, #tpu.memory_space<vmem_shared>>) target_semaphore(%arg42 : memref<!tpu.dma_semaphore, #tpu.memory_space<semaphore_mem>>)
      %mul3A_632 = arith.constant 640 : i32
      %mul3A_633 = arith.muli %arg1, %mul3A_632 : i32
      %add3A_634 = arith.constant 320 : i32
      %add3A_635 = arith.addi %mul3A_633, %add3A_634 : i32
      %dma_start3A_636 = arith.constant 0 : i32
      %dma_start3A_637 = tpu.memref_slice %arg20[%add3A_635, %dma_start3A_636] : memref<10240x128xf32, #tpu.memory_space<vmem_shared>> -> memref<40x128xf32, #tpu.memory_space<vmem_shared>>
      %dma_start3A_638 = arith.constant 0 : i32
      %dma_start3A_639 = tpu.memref_slice %arg20[%add3A_635, %dma_start3A_638] : memref<10240x128xf32, #tpu.memory_space<vmem_shared>> -> memref<40x128xf32, #tpu.memory_space<vmem_shared>>
      tpu.enqueue_dma source(%arg19 : memref<40x128xf32, #tpu.memory_space<vmem>>) target(%dma_start3A_639 : memref<40x128xf32, #tpu.memory_space<vmem_shared>>) target_semaphore(%arg42 : memref<!tpu.dma_semaphore, #tpu.memory_space<semaphore_mem>>)
      %mul3A_640 = arith.constant 640 : i32
      %mul3A_641 = arith.muli %arg1, %mul3A_640 : i32
      %add3A_642 = arith.constant 360 : i32
      %add3A_643 = arith.addi %mul3A_641, %add3A_642 : i32
      %dma_start3A_644 = arith.constant 0 : i32
      %dma_start3A_645 = tpu.memref_slice %arg20[%add3A_643, %dma_start3A_644] : memref<10240x128xf32, #tpu.memory_space<vmem_shared>> -> memref<40x128xf32, #tpu.memory_space<vmem_shared>>
      %dma_start3A_646 = arith.constant 0 : i32
      %dma_start3A_647 = tpu.memref_slice %arg20[%add3A_643, %dma_start3A_646] : memref<10240x128xf32, #tpu.memory_space<vmem_shared>> -> memref<40x128xf32, #tpu.memory_space<vmem_shared>>
      tpu.enqueue_dma source(%arg19 : memref<40x128xf32, #tpu.memory_space<vmem>>) target(%dma_start3A_647 : memref<40x128xf32, #tpu.memory_space<vmem_shared>>) target_semaphore(%arg42 : memref<!tpu.dma_semaphore, #tpu.memory_space<semaphore_mem>>)
      %mul3A_648 = arith.constant 640 : i32
      %mul3A_649 = arith.muli %arg1, %mul3A_648 : i32
      %add3A_650 = arith.constant 400 : i32
      %add3A_651 = arith.addi %mul3A_649, %add3A_650 : i32
      %dma_start3A_652 = arith.constant 0 : i32
      %dma_start3A_653 = tpu.memref_slice %arg20[%add3A_651, %dma_start3A_652] : memref<10240x128xf32, #tpu.memory_space<vmem_shared>> -> memref<40x128xf32, #tpu.memory_space<vmem_shared>>
      %dma_start3A_654 = arith.constant 0 : i32
      %dma_start3A_655 = tpu.memref_slice %arg20[%add3A_651, %dma_start3A_654] : memref<10240x128xf32, #tpu.memory_space<vmem_shared>> -> memref<40x128xf32, #tpu.memory_space<vmem_shared>>
      tpu.enqueue_dma source(%arg19 : memref<40x128xf32, #tpu.memory_space<vmem>>) target(%dma_start3A_655 : memref<40x128xf32, #tpu.memory_space<vmem_shared>>) target_semaphore(%arg42 : memref<!tpu.dma_semaphore, #tpu.memory_space<semaphore_mem>>)
      %mul3A_656 = arith.constant 640 : i32
      %mul3A_657 = arith.muli %arg1, %mul3A_656 : i32
      %add3A_658 = arith.constant 440 : i32
      %add3A_659 = arith.addi %mul3A_657, %add3A_658 : i32
      %dma_start3A_660 = arith.constant 0 : i32
      %dma_start3A_661 = tpu.memref_slice %arg20[%add3A_659, %dma_start3A_660] : memref<10240x128xf32, #tpu.memory_space<vmem_shared>> -> memref<40x128xf32, #tpu.memory_space<vmem_shared>>
      %dma_start3A_662 = arith.constant 0 : i32
      %dma_start3A_663 = tpu.memref_slice %arg20[%add3A_659, %dma_start3A_662] : memref<10240x128xf32, #tpu.memory_space<vmem_shared>> -> memref<40x128xf32, #tpu.memory_space<vmem_shared>>
      tpu.enqueue_dma source(%arg19 : memref<40x128xf32, #tpu.memory_space<vmem>>) target(%dma_start3A_663 : memref<40x128xf32, #tpu.memory_space<vmem_shared>>) target_semaphore(%arg42 : memref<!tpu.dma_semaphore, #tpu.memory_space<semaphore_mem>>)
      %mul3A_664 = arith.constant 640 : i32
      %mul3A_665 = arith.muli %arg1, %mul3A_664 : i32
      %add3A_666 = arith.constant 480 : i32
      %add3A_667 = arith.addi %mul3A_665, %add3A_666 : i32
      %dma_start3A_668 = arith.constant 0 : i32
      %dma_start3A_669 = tpu.memref_slice %arg20[%add3A_667, %dma_start3A_668] : memref<10240x128xf32, #tpu.memory_space<vmem_shared>> -> memref<40x128xf32, #tpu.memory_space<vmem_shared>>
      %dma_start3A_670 = arith.constant 0 : i32
      %dma_start3A_671 = tpu.memref_slice %arg20[%add3A_667, %dma_start3A_670] : memref<10240x128xf32, #tpu.memory_space<vmem_shared>> -> memref<40x128xf32, #tpu.memory_space<vmem_shared>>
      tpu.enqueue_dma source(%arg19 : memref<40x128xf32, #tpu.memory_space<vmem>>) target(%dma_start3A_671 : memref<40x128xf32, #tpu.memory_space<vmem_shared>>) target_semaphore(%arg42 : memref<!tpu.dma_semaphore, #tpu.memory_space<semaphore_mem>>)
      %mul3A_672 = arith.constant 640 : i32
      %mul3A_673 = arith.muli %arg1, %mul3A_672 : i32
      %add3A_674 = arith.constant 520 : i32
      %add3A_675 = arith.addi %mul3A_673, %add3A_674 : i32
      %dma_start3A_676 = arith.constant 0 : i32
      %dma_start3A_677 = tpu.memref_slice %arg20[%add3A_675, %dma_start3A_676] : memref<10240x128xf32, #tpu.memory_space<vmem_shared>> -> memref<40x128xf32, #tpu.memory_space<vmem_shared>>
      %dma_start3A_678 = arith.constant 0 : i32
      %dma_start3A_679 = tpu.memref_slice %arg20[%add3A_675, %dma_start3A_678] : memref<10240x128xf32, #tpu.memory_space<vmem_shared>> -> memref<40x128xf32, #tpu.memory_space<vmem_shared>>
      tpu.enqueue_dma source(%arg19 : memref<40x128xf32, #tpu.memory_space<vmem>>) target(%dma_start3A_679 : memref<40x128xf32, #tpu.memory_space<vmem_shared>>) target_semaphore(%arg42 : memref<!tpu.dma_semaphore, #tpu.memory_space<semaphore_mem>>)
      %mul3A_680 = arith.constant 640 : i32
      %mul3A_681 = arith.muli %arg1, %mul3A_680 : i32
      %add3A_682 = arith.constant 560 : i32
      %add3A_683 = arith.addi %mul3A_681, %add3A_682 : i32
      %dma_start3A_684 = arith.constant 0 : i32
      %dma_start3A_685 = tpu.memref_slice %arg20[%add3A_683, %dma_start3A_684] : memref<10240x128xf32, #tpu.memory_space<vmem_shared>> -> memref<40x128xf32, #tpu.memory_space<vmem_shared>>
      %dma_start3A_686 = arith.constant 0 : i32
      %dma_start3A_687 = tpu.memref_slice %arg20[%add3A_683, %dma_start3A_686] : memref<10240x128xf32, #tpu.memory_space<vmem_shared>> -> memref<40x128xf32, #tpu.memory_space<vmem_shared>>
      tpu.enqueue_dma source(%arg19 : memref<40x128xf32, #tpu.memory_space<vmem>>) target(%dma_start3A_687 : memref<40x128xf32, #tpu.memory_space<vmem_shared>>) target_semaphore(%arg42 : memref<!tpu.dma_semaphore, #tpu.memory_space<semaphore_mem>>)
      %mul3A_688 = arith.constant 640 : i32
      %mul3A_689 = arith.muli %arg1, %mul3A_688 : i32
      %add3A_690 = arith.constant 600 : i32
      %add3A_691 = arith.addi %mul3A_689, %add3A_690 : i32
      %dma_start3A_692 = arith.constant 0 : i32
      %dma_start3A_693 = tpu.memref_slice %arg20[%add3A_691, %dma_start3A_692] : memref<10240x128xf32, #tpu.memory_space<vmem_shared>> -> memref<40x128xf32, #tpu.memory_space<vmem_shared>>
      %dma_start3A_694 = arith.constant 0 : i32
      %dma_start3A_695 = tpu.memref_slice %arg20[%add3A_691, %dma_start3A_694] : memref<10240x128xf32, #tpu.memory_space<vmem_shared>> -> memref<40x128xf32, #tpu.memory_space<vmem_shared>>
      tpu.enqueue_dma source(%arg19 : memref<40x128xf32, #tpu.memory_space<vmem>>) target(%dma_start3A_695 : memref<40x128xf32, #tpu.memory_space<vmem_shared>>) target_semaphore(%arg42 : memref<!tpu.dma_semaphore, #tpu.memory_space<semaphore_mem>>)
      %mul3A_696 = arith.constant 640 : i32
      %mul3A_697 = arith.muli %arg1, %mul3A_696 : i32
      %add3A_698 = arith.constant 0 : i32
      %add3A_699 = arith.addi %mul3A_697, %add3A_698 : i32
      %dma_wait3A_700 = arith.constant 0 : i32
      %dma_wait3A_701 = tpu.memref_slice %arg20[%add3A_699, %dma_wait3A_700] : memref<10240x128xf32, #tpu.memory_space<vmem_shared>> -> memref<40x128xf32, #tpu.memory_space<vmem_shared>>
      %dma_wait3A_702 = arith.constant 0 : i32
      %dma_wait3A_703 = tpu.memref_slice %arg20[%add3A_699, %dma_wait3A_702] : memref<10240x128xf32, #tpu.memory_space<vmem_shared>> -> memref<40x128xf32, #tpu.memory_space<vmem_shared>>
      tpu.wait_dma2 semaphore(%arg42 : memref<!tpu.dma_semaphore, #tpu.memory_space<semaphore_mem>>) src(%arg19 : memref<40x128xf32, #tpu.memory_space<vmem>>) dst(%dma_wait3A_703 : memref<40x128xf32, #tpu.memory_space<vmem_shared>>)
      %mul3A_704 = arith.constant 640 : i32
      %mul3A_705 = arith.muli %arg1, %mul3A_704 : i32
      %add3A_706 = arith.constant 40 : i32
      %add3A_707 = arith.addi %mul3A_705, %add3A_706 : i32
      %dma_wait3A_708 = arith.constant 0 : i32
      %dma_wait3A_709 = tpu.memref_slice %arg20[%add3A_707, %dma_wait3A_708] : memref<10240x128xf32, #tpu.memory_space<vmem_shared>> -> memref<40x128xf32, #tpu.memory_space<vmem_shared>>
      %dma_wait3A_710 = arith.constant 0 : i32
      %dma_wait3A_711 = tpu.memref_slice %arg20[%add3A_707, %dma_wait3A_710] : memref<10240x128xf32, #tpu.memory_space<vmem_shared>> -> memref<40x128xf32, #tpu.memory_space<vmem_shared>>
      tpu.wait_dma2 semaphore(%arg42 : memref<!tpu.dma_semaphore, #tpu.memory_space<semaphore_mem>>) src(%arg19 : memref<40x128xf32, #tpu.memory_space<vmem>>) dst(%dma_wait3A_711 : memref<40x128xf32, #tpu.memory_space<vmem_shared>>)
      %mul3A_712 = arith.constant 640 : i32
      %mul3A_713 = arith.muli %arg1, %mul3A_712 : i32
      %add3A_714 = arith.constant 80 : i32
      %add3A_715 = arith.addi %mul3A_713, %add3A_714 : i32
      %dma_wait3A_716 = arith.constant 0 : i32
      %dma_wait3A_717 = tpu.memref_slice %arg20[%add3A_715, %dma_wait3A_716] : memref<10240x128xf32, #tpu.memory_space<vmem_shared>> -> memref<40x128xf32, #tpu.memory_space<vmem_shared>>
      %dma_wait3A_718 = arith.constant 0 : i32
      %dma_wait3A_719 = tpu.memref_slice %arg20[%add3A_715, %dma_wait3A_718] : memref<10240x128xf32, #tpu.memory_space<vmem_shared>> -> memref<40x128xf32, #tpu.memory_space<vmem_shared>>
      tpu.wait_dma2 semaphore(%arg42 : memref<!tpu.dma_semaphore, #tpu.memory_space<semaphore_mem>>) src(%arg19 : memref<40x128xf32, #tpu.memory_space<vmem>>) dst(%dma_wait3A_719 : memref<40x128xf32, #tpu.memory_space<vmem_shared>>)
      %mul3A_720 = arith.constant 640 : i32
      %mul3A_721 = arith.muli %arg1, %mul3A_720 : i32
      %add3A_722 = arith.constant 120 : i32
      %add3A_723 = arith.addi %mul3A_721, %add3A_722 : i32
      %dma_wait3A_724 = arith.constant 0 : i32
      %dma_wait3A_725 = tpu.memref_slice %arg20[%add3A_723, %dma_wait3A_724] : memref<10240x128xf32, #tpu.memory_space<vmem_shared>> -> memref<40x128xf32, #tpu.memory_space<vmem_shared>>
      %dma_wait3A_726 = arith.constant 0 : i32
      %dma_wait3A_727 = tpu.memref_slice %arg20[%add3A_723, %dma_wait3A_726] : memref<10240x128xf32, #tpu.memory_space<vmem_shared>> -> memref<40x128xf32, #tpu.memory_space<vmem_shared>>
      tpu.wait_dma2 semaphore(%arg42 : memref<!tpu.dma_semaphore, #tpu.memory_space<semaphore_mem>>) src(%arg19 : memref<40x128xf32, #tpu.memory_space<vmem>>) dst(%dma_wait3A_727 : memref<40x128xf32, #tpu.memory_space<vmem_shared>>)
      %mul3A_728 = arith.constant 640 : i32
      %mul3A_729 = arith.muli %arg1, %mul3A_728 : i32
      %add3A_730 = arith.constant 160 : i32
      %add3A_731 = arith.addi %mul3A_729, %add3A_730 : i32
      %dma_wait3A_732 = arith.constant 0 : i32
      %dma_wait3A_733 = tpu.memref_slice %arg20[%add3A_731, %dma_wait3A_732] : memref<10240x128xf32, #tpu.memory_space<vmem_shared>> -> memref<40x128xf32, #tpu.memory_space<vmem_shared>>
      %dma_wait3A_734 = arith.constant 0 : i32
      %dma_wait3A_735 = tpu.memref_slice %arg20[%add3A_731, %dma_wait3A_734] : memref<10240x128xf32, #tpu.memory_space<vmem_shared>> -> memref<40x128xf32, #tpu.memory_space<vmem_shared>>
      tpu.wait_dma2 semaphore(%arg42 : memref<!tpu.dma_semaphore, #tpu.memory_space<semaphore_mem>>) src(%arg19 : memref<40x128xf32, #tpu.memory_space<vmem>>) dst(%dma_wait3A_735 : memref<40x128xf32, #tpu.memory_space<vmem_shared>>)
      %mul3A_736 = arith.constant 640 : i32
      %mul3A_737 = arith.muli %arg1, %mul3A_736 : i32
      %add3A_738 = arith.constant 200 : i32
      %add3A_739 = arith.addi %mul3A_737, %add3A_738 : i32
      %dma_wait3A_740 = arith.constant 0 : i32
      %dma_wait3A_741 = tpu.memref_slice %arg20[%add3A_739, %dma_wait3A_740] : memref<10240x128xf32, #tpu.memory_space<vmem_shared>> -> memref<40x128xf32, #tpu.memory_space<vmem_shared>>
      %dma_wait3A_742 = arith.constant 0 : i32
      %dma_wait3A_743 = tpu.memref_slice %arg20[%add3A_739, %dma_wait3A_742] : memref<10240x128xf32, #tpu.memory_space<vmem_shared>> -> memref<40x128xf32, #tpu.memory_space<vmem_shared>>
      tpu.wait_dma2 semaphore(%arg42 : memref<!tpu.dma_semaphore, #tpu.memory_space<semaphore_mem>>) src(%arg19 : memref<40x128xf32, #tpu.memory_space<vmem>>) dst(%dma_wait3A_743 : memref<40x128xf32, #tpu.memory_space<vmem_shared>>)
      %mul3A_744 = arith.constant 640 : i32
      %mul3A_745 = arith.muli %arg1, %mul3A_744 : i32
      %add3A_746 = arith.constant 240 : i32
      %add3A_747 = arith.addi %mul3A_745, %add3A_746 : i32
      %dma_wait3A_748 = arith.constant 0 : i32
      %dma_wait3A_749 = tpu.memref_slice %arg20[%add3A_747, %dma_wait3A_748] : memref<10240x128xf32, #tpu.memory_space<vmem_shared>> -> memref<40x128xf32, #tpu.memory_space<vmem_shared>>
      %dma_wait3A_750 = arith.constant 0 : i32
      %dma_wait3A_751 = tpu.memref_slice %arg20[%add3A_747, %dma_wait3A_750] : memref<10240x128xf32, #tpu.memory_space<vmem_shared>> -> memref<40x128xf32, #tpu.memory_space<vmem_shared>>
      tpu.wait_dma2 semaphore(%arg42 : memref<!tpu.dma_semaphore, #tpu.memory_space<semaphore_mem>>) src(%arg19 : memref<40x128xf32, #tpu.memory_space<vmem>>) dst(%dma_wait3A_751 : memref<40x128xf32, #tpu.memory_space<vmem_shared>>)
      %mul3A_752 = arith.constant 640 : i32
      %mul3A_753 = arith.muli %arg1, %mul3A_752 : i32
      %add3A_754 = arith.constant 280 : i32
      %add3A_755 = arith.addi %mul3A_753, %add3A_754 : i32
      %dma_wait3A_756 = arith.constant 0 : i32
      %dma_wait3A_757 = tpu.memref_slice %arg20[%add3A_755, %dma_wait3A_756] : memref<10240x128xf32, #tpu.memory_space<vmem_shared>> -> memref<40x128xf32, #tpu.memory_space<vmem_shared>>
      %dma_wait3A_758 = arith.constant 0 : i32
      %dma_wait3A_759 = tpu.memref_slice %arg20[%add3A_755, %dma_wait3A_758] : memref<10240x128xf32, #tpu.memory_space<vmem_shared>> -> memref<40x128xf32, #tpu.memory_space<vmem_shared>>
      tpu.wait_dma2 semaphore(%arg42 : memref<!tpu.dma_semaphore, #tpu.memory_space<semaphore_mem>>) src(%arg19 : memref<40x128xf32, #tpu.memory_space<vmem>>) dst(%dma_wait3A_759 : memref<40x128xf32, #tpu.memory_space<vmem_shared>>)
      %mul3A_760 = arith.constant 640 : i32
      %mul3A_761 = arith.muli %arg1, %mul3A_760 : i32
      %add3A_762 = arith.constant 320 : i32
      %add3A_763 = arith.addi %mul3A_761, %add3A_762 : i32
      %dma_wait3A_764 = arith.constant 0 : i32
      %dma_wait3A_765 = tpu.memref_slice %arg20[%add3A_763, %dma_wait3A_764] : memref<10240x128xf32, #tpu.memory_space<vmem_shared>> -> memref<40x128xf32, #tpu.memory_space<vmem_shared>>
      %dma_wait3A_766 = arith.constant 0 : i32
      %dma_wait3A_767 = tpu.memref_slice %arg20[%add3A_763, %dma_wait3A_766] : memref<10240x128xf32, #tpu.memory_space<vmem_shared>> -> memref<40x128xf32, #tpu.memory_space<vmem_shared>>
      tpu.wait_dma2 semaphore(%arg42 : memref<!tpu.dma_semaphore, #tpu.memory_space<semaphore_mem>>) src(%arg19 : memref<40x128xf32, #tpu.memory_space<vmem>>) dst(%dma_wait3A_767 : memref<40x128xf32, #tpu.memory_space<vmem_shared>>)
      %mul3A_768 = arith.constant 640 : i32
      %mul3A_769 = arith.muli %arg1, %mul3A_768 : i32
      %add3A_770 = arith.constant 360 : i32
      %add3A_771 = arith.addi %mul3A_769, %add3A_770 : i32
      %dma_wait3A_772 = arith.constant 0 : i32
      %dma_wait3A_773 = tpu.memref_slice %arg20[%add3A_771, %dma_wait3A_772] : memref<10240x128xf32, #tpu.memory_space<vmem_shared>> -> memref<40x128xf32, #tpu.memory_space<vmem_shared>>
      %dma_wait3A_774 = arith.constant 0 : i32
      %dma_wait3A_775 = tpu.memref_slice %arg20[%add3A_771, %dma_wait3A_774] : memref<10240x128xf32, #tpu.memory_space<vmem_shared>> -> memref<40x128xf32, #tpu.memory_space<vmem_shared>>
      tpu.wait_dma2 semaphore(%arg42 : memref<!tpu.dma_semaphore, #tpu.memory_space<semaphore_mem>>) src(%arg19 : memref<40x128xf32, #tpu.memory_space<vmem>>) dst(%dma_wait3A_775 : memref<40x128xf32, #tpu.memory_space<vmem_shared>>)
      %mul3A_776 = arith.constant 640 : i32
      %mul3A_777 = arith.muli %arg1, %mul3A_776 : i32
      %add3A_778 = arith.constant 400 : i32
      %add3A_779 = arith.addi %mul3A_777, %add3A_778 : i32
      %dma_wait3A_780 = arith.constant 0 : i32
      %dma_wait3A_781 = tpu.memref_slice %arg20[%add3A_779, %dma_wait3A_780] : memref<10240x128xf32, #tpu.memory_space<vmem_shared>> -> memref<40x128xf32, #tpu.memory_space<vmem_shared>>
      %dma_wait3A_782 = arith.constant 0 : i32
      %dma_wait3A_783 = tpu.memref_slice %arg20[%add3A_779, %dma_wait3A_782] : memref<10240x128xf32, #tpu.memory_space<vmem_shared>> -> memref<40x128xf32, #tpu.memory_space<vmem_shared>>
      tpu.wait_dma2 semaphore(%arg42 : memref<!tpu.dma_semaphore, #tpu.memory_space<semaphore_mem>>) src(%arg19 : memref<40x128xf32, #tpu.memory_space<vmem>>) dst(%dma_wait3A_783 : memref<40x128xf32, #tpu.memory_space<vmem_shared>>)
      %mul3A_784 = arith.constant 640 : i32
      %mul3A_785 = arith.muli %arg1, %mul3A_784 : i32
      %add3A_786 = arith.constant 440 : i32
      %add3A_787 = arith.addi %mul3A_785, %add3A_786 : i32
      %dma_wait3A_788 = arith.constant 0 : i32
      %dma_wait3A_789 = tpu.memref_slice %arg20[%add3A_787, %dma_wait3A_788] : memref<10240x128xf32, #tpu.memory_space<vmem_shared>> -> memref<40x128xf32, #tpu.memory_space<vmem_shared>>
      %dma_wait3A_790 = arith.constant 0 : i32
      %dma_wait3A_791 = tpu.memref_slice %arg20[%add3A_787, %dma_wait3A_790] : memref<10240x128xf32, #tpu.memory_space<vmem_shared>> -> memref<40x128xf32, #tpu.memory_space<vmem_shared>>
      tpu.wait_dma2 semaphore(%arg42 : memref<!tpu.dma_semaphore, #tpu.memory_space<semaphore_mem>>) src(%arg19 : memref<40x128xf32, #tpu.memory_space<vmem>>) dst(%dma_wait3A_791 : memref<40x128xf32, #tpu.memory_space<vmem_shared>>)
      %mul3A_792 = arith.constant 640 : i32
      %mul3A_793 = arith.muli %arg1, %mul3A_792 : i32
      %add3A_794 = arith.constant 480 : i32
      %add3A_795 = arith.addi %mul3A_793, %add3A_794 : i32
      %dma_wait3A_796 = arith.constant 0 : i32
      %dma_wait3A_797 = tpu.memref_slice %arg20[%add3A_795, %dma_wait3A_796] : memref<10240x128xf32, #tpu.memory_space<vmem_shared>> -> memref<40x128xf32, #tpu.memory_space<vmem_shared>>
      %dma_wait3A_798 = arith.constant 0 : i32
      %dma_wait3A_799 = tpu.memref_slice %arg20[%add3A_795, %dma_wait3A_798] : memref<10240x128xf32, #tpu.memory_space<vmem_shared>> -> memref<40x128xf32, #tpu.memory_space<vmem_shared>>
      tpu.wait_dma2 semaphore(%arg42 : memref<!tpu.dma_semaphore, #tpu.memory_space<semaphore_mem>>) src(%arg19 : memref<40x128xf32, #tpu.memory_space<vmem>>) dst(%dma_wait3A_799 : memref<40x128xf32, #tpu.memory_space<vmem_shared>>)
      %mul3A_800 = arith.constant 640 : i32
      %mul3A_801 = arith.muli %arg1, %mul3A_800 : i32
      %add3A_802 = arith.constant 520 : i32
      %add3A_803 = arith.addi %mul3A_801, %add3A_802 : i32
      %dma_wait3A_804 = arith.constant 0 : i32
      %dma_wait3A_805 = tpu.memref_slice %arg20[%add3A_803, %dma_wait3A_804] : memref<10240x128xf32, #tpu.memory_space<vmem_shared>> -> memref<40x128xf32, #tpu.memory_space<vmem_shared>>
      %dma_wait3A_806 = arith.constant 0 : i32
      %dma_wait3A_807 = tpu.memref_slice %arg20[%add3A_803, %dma_wait3A_806] : memref<10240x128xf32, #tpu.memory_space<vmem_shared>> -> memref<40x128xf32, #tpu.memory_space<vmem_shared>>
      tpu.wait_dma2 semaphore(%arg42 : memref<!tpu.dma_semaphore, #tpu.memory_space<semaphore_mem>>) src(%arg19 : memref<40x128xf32, #tpu.memory_space<vmem>>) dst(%dma_wait3A_807 : memref<40x128xf32, #tpu.memory_space<vmem_shared>>)
      %mul3A_808 = arith.constant 640 : i32
      %mul3A_809 = arith.muli %arg1, %mul3A_808 : i32
      %add3A_810 = arith.constant 560 : i32
      %add3A_811 = arith.addi %mul3A_809, %add3A_810 : i32
      %dma_wait3A_812 = arith.constant 0 : i32
      %dma_wait3A_813 = tpu.memref_slice %arg20[%add3A_811, %dma_wait3A_812] : memref<10240x128xf32, #tpu.memory_space<vmem_shared>> -> memref<40x128xf32, #tpu.memory_space<vmem_shared>>
      %dma_wait3A_814 = arith.constant 0 : i32
      %dma_wait3A_815 = tpu.memref_slice %arg20[%add3A_811, %dma_wait3A_814] : memref<10240x128xf32, #tpu.memory_space<vmem_shared>> -> memref<40x128xf32, #tpu.memory_space<vmem_shared>>
      tpu.wait_dma2 semaphore(%arg42 : memref<!tpu.dma_semaphore, #tpu.memory_space<semaphore_mem>>) src(%arg19 : memref<40x128xf32, #tpu.memory_space<vmem>>) dst(%dma_wait3A_815 : memref<40x128xf32, #tpu.memory_space<vmem_shared>>)
      %mul3A_816 = arith.constant 640 : i32
      %mul3A_817 = arith.muli %arg1, %mul3A_816 : i32
      %add3A_818 = arith.constant 600 : i32
      %add3A_819 = arith.addi %mul3A_817, %add3A_818 : i32
      %dma_wait3A_820 = arith.constant 0 : i32
      %dma_wait3A_821 = tpu.memref_slice %arg20[%add3A_819, %dma_wait3A_820] : memref<10240x128xf32, #tpu.memory_space<vmem_shared>> -> memref<40x128xf32, #tpu.memory_space<vmem_shared>>
      %dma_wait3A_822 = arith.constant 0 : i32
      %dma_wait3A_823 = tpu.memref_slice %arg20[%add3A_819, %dma_wait3A_822] : memref<10240x128xf32, #tpu.memory_space<vmem_shared>> -> memref<40x128xf32, #tpu.memory_space<vmem_shared>>
      tpu.wait_dma2 semaphore(%arg42 : memref<!tpu.dma_semaphore, #tpu.memory_space<semaphore_mem>>) src(%arg19 : memref<40x128xf32, #tpu.memory_space<vmem>>) dst(%dma_wait3A_823 : memref<40x128xf32, #tpu.memory_space<vmem_shared>>)
    } else {
    }
    %barrier3A = arith.constant 0 : index
    tpu.barrier barrier_id(%barrier3A)
    %dma_wait3A = arith.constant 0 : i32
    %dma_wait3A_89 = tpu.memref_slice %arg5[%dma_wait3A] : memref<10000xi32, #tpu.memory_space<vmem>> -> memref<40xi32, #tpu.memory_space<vmem>>
    %dma_wait3A_90 = arith.constant 0 : i32
    %dma_wait3A_91 = arith.constant 0 : i32
    %dma_wait3A_92 = tpu.memref_slice %arg2[%dma_wait3A_90, %dma_wait3A_91] : memref<10000x128xf32, #tpu.memory_space<hbm>> -> memref<10000x128xf32, #tpu.memory_space<hbm>>
    tpu.wait_indirect_dma semaphore(%arg21 : memref<!tpu.dma_semaphore, #tpu.memory_space<semaphore_mem>>) src(%dma_wait3A_92 : memref<10000x128xf32, #tpu.memory_space<hbm>>) dst(%arg13 : memref<40x128xf32, #tpu.memory_space<vmem>>)
    %add3A_93 = arith.constant 320000 : i32
    %add3A_94 = arith.addi %add3A_93, %mul3A_2 : i32
    %add3A_95 = arith.constant 0 : i32
    %add3A_96 = arith.addi %add3A_94, %add3A_95 : i32
    %dma_wait3A_97 = tpu.memref_slice %arg3[%add3A_96] : memref<640000xi32, #tpu.memory_space<hbm>> -> memref<40xi32, #tpu.memory_space<hbm>>
    %dma_wait3A_98 = tpu.memref_slice %arg3[%add3A_96] : memref<640000xi32, #tpu.memory_space<hbm>> -> memref<40xi32, #tpu.memory_space<hbm>>
    tpu.wait_dma2 semaphore(%arg28 : memref<!tpu.dma_semaphore, #tpu.memory_space<semaphore_mem>>) src(%dma_wait3A_98 : memref<40xi32, #tpu.memory_space<hbm>>) dst(%arg6 : memref<40xi32, #tpu.memory_space<vmem>>)
    %dma_start3A_99 = arith.constant 0 : i32
    %dma_start3A_100 = arith.constant 0 : i32
    %dma_start3A_101 = tpu.memref_slice %arg20[%dma_start3A_99, %dma_start3A_100] : memref<10240x128xf32, #tpu.memory_space<vmem_shared>> -> memref<10240x128xf32, #tpu.memory_space<vmem_shared>>
    tpu.enqueue_indirect_dma source(%arg13 : memref<40x128xf32, #tpu.memory_space<vmem>>) target(%dma_start3A_101 : memref<10240x128xf32, #tpu.memory_space<vmem_shared>>) offsets(%arg6 : memref<40xi32, #tpu.memory_space<vmem>>) semaphore(%arg35 : memref<!tpu.dma_semaphore, #tpu.memory_space<semaphore_mem>>) {add = true}
    %add3A_102 = arith.constant 320000 : i32
    %add3A_103 = arith.addi %add3A_102, %mul3A_2 : i32
    %add3A_104 = arith.constant 240 : i32
    %add3A_105 = arith.addi %add3A_103, %add3A_104 : i32
    %dma_start3A_106 = tpu.memref_slice %arg3[%add3A_105] : memref<640000xi32, #tpu.memory_space<hbm>> -> memref<40xi32, #tpu.memory_space<hbm>>
    %dma_start3A_107 = tpu.memref_slice %arg3[%add3A_105] : memref<640000xi32, #tpu.memory_space<hbm>> -> memref<40xi32, #tpu.memory_space<hbm>>
    tpu.enqueue_dma source(%dma_start3A_107 : memref<40xi32, #tpu.memory_space<hbm>>) target(%arg12 : memref<40xi32, #tpu.memory_space<vmem>>) target_semaphore(%arg34 : memref<!tpu.dma_semaphore, #tpu.memory_space<semaphore_mem>>)
    %dma_start3A_108 = arith.constant 240 : i32
    %dma_start3A_109 = tpu.memref_slice %arg5[%dma_start3A_108] : memref<10000xi32, #tpu.memory_space<vmem>> -> memref<40xi32, #tpu.memory_space<vmem>>
    %dma_start3A_110 = arith.constant 0 : i32
    %dma_start3A_111 = arith.constant 0 : i32
    %dma_start3A_112 = tpu.memref_slice %arg2[%dma_start3A_110, %dma_start3A_111] : memref<10000x128xf32, #tpu.memory_space<hbm>> -> memref<10000x128xf32, #tpu.memory_space<hbm>>
    tpu.enqueue_indirect_dma source(%dma_start3A_112 : memref<10000x128xf32, #tpu.memory_space<hbm>>) target(%arg19 : memref<40x128xf32, #tpu.memory_space<vmem>>) offsets(%dma_start3A_109 : memref<40xi32, #tpu.memory_space<vmem>>) semaphore(%arg27 : memref<!tpu.dma_semaphore, #tpu.memory_space<semaphore_mem>>)
    %dma_wait3A_113 = arith.constant 40 : i32
    %dma_wait3A_114 = tpu.memref_slice %arg5[%dma_wait3A_113] : memref<10000xi32, #tpu.memory_space<vmem>> -> memref<40xi32, #tpu.memory_space<vmem>>
    %dma_wait3A_115 = arith.constant 0 : i32
    %dma_wait3A_116 = arith.constant 0 : i32
    %dma_wait3A_117 = tpu.memref_slice %arg2[%dma_wait3A_115, %dma_wait3A_116] : memref<10000x128xf32, #tpu.memory_space<hbm>> -> memref<10000x128xf32, #tpu.memory_space<hbm>>
    tpu.wait_indirect_dma semaphore(%arg22 : memref<!tpu.dma_semaphore, #tpu.memory_space<semaphore_mem>>) src(%dma_wait3A_117 : memref<10000x128xf32, #tpu.memory_space<hbm>>) dst(%arg14 : memref<40x128xf32, #tpu.memory_space<vmem>>)
    %add3A_118 = arith.constant 320000 : i32
    %add3A_119 = arith.addi %add3A_118, %mul3A_2 : i32
    %add3A_120 = arith.constant 40 : i32
    %add3A_121 = arith.addi %add3A_119, %add3A_120 : i32
    %dma_wait3A_122 = tpu.memref_slice %arg3[%add3A_121] : memref<640000xi32, #tpu.memory_space<hbm>> -> memref<40xi32, #tpu.memory_space<hbm>>
    %dma_wait3A_123 = tpu.memref_slice %arg3[%add3A_121] : memref<640000xi32, #tpu.memory_space<hbm>> -> memref<40xi32, #tpu.memory_space<hbm>>
    tpu.wait_dma2 semaphore(%arg29 : memref<!tpu.dma_semaphore, #tpu.memory_space<semaphore_mem>>) src(%dma_wait3A_123 : memref<40xi32, #tpu.memory_space<hbm>>) dst(%arg7 : memref<40xi32, #tpu.memory_space<vmem>>)
    %dma_start3A_124 = arith.constant 0 : i32
    %dma_start3A_125 = arith.constant 0 : i32
    %dma_start3A_126 = tpu.memref_slice %arg20[%dma_start3A_124, %dma_start3A_125] : memref<10240x128xf32, #tpu.memory_space<vmem_shared>> -> memref<10240x128xf32, #tpu.memory_space<vmem_shared>>
    tpu.enqueue_indirect_dma source(%arg14 : memref<40x128xf32, #tpu.memory_space<vmem>>) target(%dma_start3A_126 : memref<10240x128xf32, #tpu.memory_space<vmem_shared>>) offsets(%arg7 : memref<40xi32, #tpu.memory_space<vmem>>) semaphore(%arg36 : memref<!tpu.dma_semaphore, #tpu.memory_space<semaphore_mem>>) {add = true}
    %dma_wait3A_127 = arith.constant 0 : i32
    %dma_wait3A_128 = arith.constant 0 : i32
    %dma_wait3A_129 = tpu.memref_slice %arg20[%dma_wait3A_127, %dma_wait3A_128] : memref<10240x128xf32, #tpu.memory_space<vmem_shared>> -> memref<10240x128xf32, #tpu.memory_space<vmem_shared>>
    tpu.wait_indirect_dma semaphore(%arg35 : memref<!tpu.dma_semaphore, #tpu.memory_space<semaphore_mem>>) src(%arg13 : memref<40x128xf32, #tpu.memory_space<vmem>>) dst(%dma_wait3A_129 : memref<10240x128xf32, #tpu.memory_space<vmem_shared>>)
    %add3A_130 = arith.constant 320000 : i32
    %add3A_131 = arith.addi %add3A_130, %mul3A_2 : i32
    %add3A_132 = arith.constant 280 : i32
    %add3A_133 = arith.addi %add3A_131, %add3A_132 : i32
    %dma_start3A_134 = tpu.memref_slice %arg3[%add3A_133] : memref<640000xi32, #tpu.memory_space<hbm>> -> memref<40xi32, #tpu.memory_space<hbm>>
    %dma_start3A_135 = tpu.memref_slice %arg3[%add3A_133] : memref<640000xi32, #tpu.memory_space<hbm>> -> memref<40xi32, #tpu.memory_space<hbm>>
    tpu.enqueue_dma source(%dma_start3A_135 : memref<40xi32, #tpu.memory_space<hbm>>) target(%arg6 : memref<40xi32, #tpu.memory_space<vmem>>) target_semaphore(%arg28 : memref<!tpu.dma_semaphore, #tpu.memory_space<semaphore_mem>>)
    %dma_start3A_136 = arith.constant 280 : i32
    %dma_start3A_137 = tpu.memref_slice %arg5[%dma_start3A_136] : memref<10000xi32, #tpu.memory_space<vmem>> -> memref<40xi32, #tpu.memory_space<vmem>>
    %dma_start3A_138 = arith.constant 0 : i32
    %dma_start3A_139 = arith.constant 0 : i32
    %dma_start3A_140 = tpu.memref_slice %arg2[%dma_start3A_138, %dma_start3A_139] : memref<10000x128xf32, #tpu.memory_space<hbm>> -> memref<10000x128xf32, #tpu.memory_space<hbm>>
    tpu.enqueue_indirect_dma source(%dma_start3A_140 : memref<10000x128xf32, #tpu.memory_space<hbm>>) target(%arg13 : memref<40x128xf32, #tpu.memory_space<vmem>>) offsets(%dma_start3A_137 : memref<40xi32, #tpu.memory_space<vmem>>) semaphore(%arg21 : memref<!tpu.dma_semaphore, #tpu.memory_space<semaphore_mem>>)
    %dma_wait3A_141 = arith.constant 80 : i32
    %dma_wait3A_142 = tpu.memref_slice %arg5[%dma_wait3A_141] : memref<10000xi32, #tpu.memory_space<vmem>> -> memref<40xi32, #tpu.memory_space<vmem>>
    %dma_wait3A_143 = arith.constant 0 : i32
    %dma_wait3A_144 = arith.constant 0 : i32
    %dma_wait3A_145 = tpu.memref_slice %arg2[%dma_wait3A_143, %dma_wait3A_144] : memref<10000x128xf32, #tpu.memory_space<hbm>> -> memref<10000x128xf32, #tpu.memory_space<hbm>>
    tpu.wait_indirect_dma semaphore(%arg23 : memref<!tpu.dma_semaphore, #tpu.memory_space<semaphore_mem>>) src(%dma_wait3A_145 : memref<10000x128xf32, #tpu.memory_space<hbm>>) dst(%arg15 : memref<40x128xf32, #tpu.memory_space<vmem>>)
    %add3A_146 = arith.constant 320000 : i32
    %add3A_147 = arith.addi %add3A_146, %mul3A_2 : i32
    %add3A_148 = arith.constant 80 : i32
    %add3A_149 = arith.addi %add3A_147, %add3A_148 : i32
    %dma_wait3A_150 = tpu.memref_slice %arg3[%add3A_149] : memref<640000xi32, #tpu.memory_space<hbm>> -> memref<40xi32, #tpu.memory_space<hbm>>
    %dma_wait3A_151 = tpu.memref_slice %arg3[%add3A_149] : memref<640000xi32, #tpu.memory_space<hbm>> -> memref<40xi32, #tpu.memory_space<hbm>>
    tpu.wait_dma2 semaphore(%arg30 : memref<!tpu.dma_semaphore, #tpu.memory_space<semaphore_mem>>) src(%dma_wait3A_151 : memref<40xi32, #tpu.memory_space<hbm>>) dst(%arg8 : memref<40xi32, #tpu.memory_space<vmem>>)
    %dma_start3A_152 = arith.constant 0 : i32
    %dma_start3A_153 = arith.constant 0 : i32
    %dma_start3A_154 = tpu.memref_slice %arg20[%dma_start3A_152, %dma_start3A_153] : memref<10240x128xf32, #tpu.memory_space<vmem_shared>> -> memref<10240x128xf32, #tpu.memory_space<vmem_shared>>
    tpu.enqueue_indirect_dma source(%arg15 : memref<40x128xf32, #tpu.memory_space<vmem>>) target(%dma_start3A_154 : memref<10240x128xf32, #tpu.memory_space<vmem_shared>>) offsets(%arg8 : memref<40xi32, #tpu.memory_space<vmem>>) semaphore(%arg37 : memref<!tpu.dma_semaphore, #tpu.memory_space<semaphore_mem>>) {add = true}
    %dma_wait3A_155 = arith.constant 0 : i32
    %dma_wait3A_156 = arith.constant 0 : i32
    %dma_wait3A_157 = tpu.memref_slice %arg20[%dma_wait3A_155, %dma_wait3A_156] : memref<10240x128xf32, #tpu.memory_space<vmem_shared>> -> memref<10240x128xf32, #tpu.memory_space<vmem_shared>>
    tpu.wait_indirect_dma semaphore(%arg36 : memref<!tpu.dma_semaphore, #tpu.memory_space<semaphore_mem>>) src(%arg14 : memref<40x128xf32, #tpu.memory_space<vmem>>) dst(%dma_wait3A_157 : memref<10240x128xf32, #tpu.memory_space<vmem_shared>>)
    %add3A_158 = arith.constant 320000 : i32
    %add3A_159 = arith.addi %add3A_158, %mul3A_2 : i32
    %add3A_160 = arith.constant 320 : i32
    %add3A_161 = arith.addi %add3A_159, %add3A_160 : i32
    %dma_start3A_162 = tpu.memref_slice %arg3[%add3A_161] : memref<640000xi32, #tpu.memory_space<hbm>> -> memref<40xi32, #tpu.memory_space<hbm>>
    %dma_start3A_163 = tpu.memref_slice %arg3[%add3A_161] : memref<640000xi32, #tpu.memory_space<hbm>> -> memref<40xi32, #tpu.memory_space<hbm>>
    tpu.enqueue_dma source(%dma_start3A_163 : memref<40xi32, #tpu.memory_space<hbm>>) target(%arg7 : memref<40xi32, #tpu.memory_space<vmem>>) target_semaphore(%arg29 : memref<!tpu.dma_semaphore, #tpu.memory_space<semaphore_mem>>)
    %dma_start3A_164 = arith.constant 320 : i32
    %dma_start3A_165 = tpu.memref_slice %arg5[%dma_start3A_164] : memref<10000xi32, #tpu.memory_space<vmem>> -> memref<40xi32, #tpu.memory_space<vmem>>
    %dma_start3A_166 = arith.constant 0 : i32
    %dma_start3A_167 = arith.constant 0 : i32
    %dma_start3A_168 = tpu.memref_slice %arg2[%dma_start3A_166, %dma_start3A_167] : memref<10000x128xf32, #tpu.memory_space<hbm>> -> memref<10000x128xf32, #tpu.memory_space<hbm>>
    tpu.enqueue_indirect_dma source(%dma_start3A_168 : memref<10000x128xf32, #tpu.memory_space<hbm>>) target(%arg14 : memref<40x128xf32, #tpu.memory_space<vmem>>) offsets(%dma_start3A_165 : memref<40xi32, #tpu.memory_space<vmem>>) semaphore(%arg22 : memref<!tpu.dma_semaphore, #tpu.memory_space<semaphore_mem>>)
    %dma_wait3A_169 = arith.constant 120 : i32
    %dma_wait3A_170 = tpu.memref_slice %arg5[%dma_wait3A_169] : memref<10000xi32, #tpu.memory_space<vmem>> -> memref<40xi32, #tpu.memory_space<vmem>>
    %dma_wait3A_171 = arith.constant 0 : i32
    %dma_wait3A_172 = arith.constant 0 : i32
    %dma_wait3A_173 = tpu.memref_slice %arg2[%dma_wait3A_171, %dma_wait3A_172] : memref<10000x128xf32, #tpu.memory_space<hbm>> -> memref<10000x128xf32, #tpu.memory_space<hbm>>
    tpu.wait_indirect_dma semaphore(%arg24 : memref<!tpu.dma_semaphore, #tpu.memory_space<semaphore_mem>>) src(%dma_wait3A_173 : memref<10000x128xf32, #tpu.memory_space<hbm>>) dst(%arg16 : memref<40x128xf32, #tpu.memory_space<vmem>>)
    %add3A_174 = arith.constant 320000 : i32
    %add3A_175 = arith.addi %add3A_174, %mul3A_2 : i32
    %add3A_176 = arith.constant 120 : i32
    %add3A_177 = arith.addi %add3A_175, %add3A_176 : i32
    %dma_wait3A_178 = tpu.memref_slice %arg3[%add3A_177] : memref<640000xi32, #tpu.memory_space<hbm>> -> memref<40xi32, #tpu.memory_space<hbm>>
    %dma_wait3A_179 = tpu.memref_slice %arg3[%add3A_177] : memref<640000xi32, #tpu.memory_space<hbm>> -> memref<40xi32, #tpu.memory_space<hbm>>
    tpu.wait_dma2 semaphore(%arg31 : memref<!tpu.dma_semaphore, #tpu.memory_space<semaphore_mem>>) src(%dma_wait3A_179 : memref<40xi32, #tpu.memory_space<hbm>>) dst(%arg9 : memref<40xi32, #tpu.memory_space<vmem>>)
    %dma_start3A_180 = arith.constant 0 : i32
    %dma_start3A_181 = arith.constant 0 : i32
    %dma_start3A_182 = tpu.memref_slice %arg20[%dma_start3A_180, %dma_start3A_181] : memref<10240x128xf32, #tpu.memory_space<vmem_shared>> -> memref<10240x128xf32, #tpu.memory_space<vmem_shared>>
    tpu.enqueue_indirect_dma source(%arg16 : memref<40x128xf32, #tpu.memory_space<vmem>>) target(%dma_start3A_182 : memref<10240x128xf32, #tpu.memory_space<vmem_shared>>) offsets(%arg9 : memref<40xi32, #tpu.memory_space<vmem>>) semaphore(%arg38 : memref<!tpu.dma_semaphore, #tpu.memory_space<semaphore_mem>>) {add = true}
    %dma_wait3A_183 = arith.constant 0 : i32
    %dma_wait3A_184 = arith.constant 0 : i32
    %dma_wait3A_185 = tpu.memref_slice %arg20[%dma_wait3A_183, %dma_wait3A_184] : memref<10240x128xf32, #tpu.memory_space<vmem_shared>> -> memref<10240x128xf32, #tpu.memory_space<vmem_shared>>
    tpu.wait_indirect_dma semaphore(%arg37 : memref<!tpu.dma_semaphore, #tpu.memory_space<semaphore_mem>>) src(%arg15 : memref<40x128xf32, #tpu.memory_space<vmem>>) dst(%dma_wait3A_185 : memref<10240x128xf32, #tpu.memory_space<vmem_shared>>)
    %add3A_186 = arith.constant 320000 : i32
    %add3A_187 = arith.addi %add3A_186, %mul3A_2 : i32
    %add3A_188 = arith.constant 360 : i32
    %add3A_189 = arith.addi %add3A_187, %add3A_188 : i32
    %dma_start3A_190 = tpu.memref_slice %arg3[%add3A_189] : memref<640000xi32, #tpu.memory_space<hbm>> -> memref<40xi32, #tpu.memory_space<hbm>>
    %dma_start3A_191 = tpu.memref_slice %arg3[%add3A_189] : memref<640000xi32, #tpu.memory_space<hbm>> -> memref<40xi32, #tpu.memory_space<hbm>>
    tpu.enqueue_dma source(%dma_start3A_191 : memref<40xi32, #tpu.memory_space<hbm>>) target(%arg8 : memref<40xi32, #tpu.memory_space<vmem>>) target_semaphore(%arg30 : memref<!tpu.dma_semaphore, #tpu.memory_space<semaphore_mem>>)
    %dma_start3A_192 = arith.constant 360 : i32
    %dma_start3A_193 = tpu.memref_slice %arg5[%dma_start3A_192] : memref<10000xi32, #tpu.memory_space<vmem>> -> memref<40xi32, #tpu.memory_space<vmem>>
    %dma_start3A_194 = arith.constant 0 : i32
    %dma_start3A_195 = arith.constant 0 : i32
    %dma_start3A_196 = tpu.memref_slice %arg2[%dma_start3A_194, %dma_start3A_195] : memref<10000x128xf32, #tpu.memory_space<hbm>> -> memref<10000x128xf32, #tpu.memory_space<hbm>>
    tpu.enqueue_indirect_dma source(%dma_start3A_196 : memref<10000x128xf32, #tpu.memory_space<hbm>>) target(%arg15 : memref<40x128xf32, #tpu.memory_space<vmem>>) offsets(%dma_start3A_193 : memref<40xi32, #tpu.memory_space<vmem>>) semaphore(%arg23 : memref<!tpu.dma_semaphore, #tpu.memory_space<semaphore_mem>>)
    %dma_wait3A_197 = arith.constant 160 : i32
    %dma_wait3A_198 = tpu.memref_slice %arg5[%dma_wait3A_197] : memref<10000xi32, #tpu.memory_space<vmem>> -> memref<40xi32, #tpu.memory_space<vmem>>
    %dma_wait3A_199 = arith.constant 0 : i32
    %dma_wait3A_200 = arith.constant 0 : i32
    %dma_wait3A_201 = tpu.memref_slice %arg2[%dma_wait3A_199, %dma_wait3A_200] : memref<10000x128xf32, #tpu.memory_space<hbm>> -> memref<10000x128xf32, #tpu.memory_space<hbm>>
    tpu.wait_indirect_dma semaphore(%arg25 : memref<!tpu.dma_semaphore, #tpu.memory_space<semaphore_mem>>) src(%dma_wait3A_201 : memref<10000x128xf32, #tpu.memory_space<hbm>>) dst(%arg17 : memref<40x128xf32, #tpu.memory_space<vmem>>)
    %add3A_202 = arith.constant 320000 : i32
    %add3A_203 = arith.addi %add3A_202, %mul3A_2 : i32
    %add3A_204 = arith.constant 160 : i32
    %add3A_205 = arith.addi %add3A_203, %add3A_204 : i32
    %dma_wait3A_206 = tpu.memref_slice %arg3[%add3A_205] : memref<640000xi32, #tpu.memory_space<hbm>> -> memref<40xi32, #tpu.memory_space<hbm>>
    %dma_wait3A_207 = tpu.memref_slice %arg3[%add3A_205] : memref<640000xi32, #tpu.memory_space<hbm>> -> memref<40xi32, #tpu.memory_space<hbm>>
    tpu.wait_dma2 semaphore(%arg32 : memref<!tpu.dma_semaphore, #tpu.memory_space<semaphore_mem>>) src(%dma_wait3A_207 : memref<40xi32, #tpu.memory_space<hbm>>) dst(%arg10 : memref<40xi32, #tpu.memory_space<vmem>>)
    %dma_start3A_208 = arith.constant 0 : i32
    %dma_start3A_209 = arith.constant 0 : i32
    %dma_start3A_210 = tpu.memref_slice %arg20[%dma_start3A_208, %dma_start3A_209] : memref<10240x128xf32, #tpu.memory_space<vmem_shared>> -> memref<10240x128xf32, #tpu.memory_space<vmem_shared>>
    tpu.enqueue_indirect_dma source(%arg17 : memref<40x128xf32, #tpu.memory_space<vmem>>) target(%dma_start3A_210 : memref<10240x128xf32, #tpu.memory_space<vmem_shared>>) offsets(%arg10 : memref<40xi32, #tpu.memory_space<vmem>>) semaphore(%arg39 : memref<!tpu.dma_semaphore, #tpu.memory_space<semaphore_mem>>) {add = true}
    %dma_wait3A_211 = arith.constant 0 : i32
    %dma_wait3A_212 = arith.constant 0 : i32
    %dma_wait3A_213 = tpu.memref_slice %arg20[%dma_wait3A_211, %dma_wait3A_212] : memref<10240x128xf32, #tpu.memory_space<vmem_shared>> -> memref<10240x128xf32, #tpu.memory_space<vmem_shared>>
    tpu.wait_indirect_dma semaphore(%arg38 : memref<!tpu.dma_semaphore, #tpu.memory_space<semaphore_mem>>) src(%arg16 : memref<40x128xf32, #tpu.memory_space<vmem>>) dst(%dma_wait3A_213 : memref<10240x128xf32, #tpu.memory_space<vmem_shared>>)
    %add3A_214 = arith.constant 320000 : i32
    %add3A_215 = arith.addi %add3A_214, %mul3A_2 : i32
    %add3A_216 = arith.constant 400 : i32
    %add3A_217 = arith.addi %add3A_215, %add3A_216 : i32
    %dma_start3A_218 = tpu.memref_slice %arg3[%add3A_217] : memref<640000xi32, #tpu.memory_space<hbm>> -> memref<40xi32, #tpu.memory_space<hbm>>
    %dma_start3A_219 = tpu.memref_slice %arg3[%add3A_217] : memref<640000xi32, #tpu.memory_space<hbm>> -> memref<40xi32, #tpu.memory_space<hbm>>
    tpu.enqueue_dma source(%dma_start3A_219 : memref<40xi32, #tpu.memory_space<hbm>>) target(%arg9 : memref<40xi32, #tpu.memory_space<vmem>>) target_semaphore(%arg31 : memref<!tpu.dma_semaphore, #tpu.memory_space<semaphore_mem>>)
    %dma_start3A_220 = arith.constant 400 : i32
    %dma_start3A_221 = tpu.memref_slice %arg5[%dma_start3A_220] : memref<10000xi32, #tpu.memory_space<vmem>> -> memref<40xi32, #tpu.memory_space<vmem>>
    %dma_start3A_222 = arith.constant 0 : i32
    %dma_start3A_223 = arith.constant 0 : i32
    %dma_start3A_224 = tpu.memref_slice %arg2[%dma_start3A_222, %dma_start3A_223] : memref<10000x128xf32, #tpu.memory_space<hbm>> -> memref<10000x128xf32, #tpu.memory_space<hbm>>
    tpu.enqueue_indirect_dma source(%dma_start3A_224 : memref<10000x128xf32, #tpu.memory_space<hbm>>) target(%arg16 : memref<40x128xf32, #tpu.memory_space<vmem>>) offsets(%dma_start3A_221 : memref<40xi32, #tpu.memory_space<vmem>>) semaphore(%arg24 : memref<!tpu.dma_semaphore, #tpu.memory_space<semaphore_mem>>)
    %dma_wait3A_225 = arith.constant 200 : i32
    %dma_wait3A_226 = tpu.memref_slice %arg5[%dma_wait3A_225] : memref<10000xi32, #tpu.memory_space<vmem>> -> memref<40xi32, #tpu.memory_space<vmem>>
    %dma_wait3A_227 = arith.constant 0 : i32
    %dma_wait3A_228 = arith.constant 0 : i32
    %dma_wait3A_229 = tpu.memref_slice %arg2[%dma_wait3A_227, %dma_wait3A_228] : memref<10000x128xf32, #tpu.memory_space<hbm>> -> memref<10000x128xf32, #tpu.memory_space<hbm>>
    tpu.wait_indirect_dma semaphore(%arg26 : memref<!tpu.dma_semaphore, #tpu.memory_space<semaphore_mem>>) src(%dma_wait3A_229 : memref<10000x128xf32, #tpu.memory_space<hbm>>) dst(%arg18 : memref<40x128xf32, #tpu.memory_space<vmem>>)
    %add3A_230 = arith.constant 320000 : i32
    %add3A_231 = arith.addi %add3A_230, %mul3A_2 : i32
    %add3A_232 = arith.constant 200 : i32
    %add3A_233 = arith.addi %add3A_231, %add3A_232 : i32
    %dma_wait3A_234 = tpu.memref_slice %arg3[%add3A_233] : memref<640000xi32, #tpu.memory_space<hbm>> -> memref<40xi32, #tpu.memory_space<hbm>>
    %dma_wait3A_235 = tpu.memref_slice %arg3[%add3A_233] : memref<640000xi32, #tpu.memory_space<hbm>> -> memref<40xi32, #tpu.memory_space<hbm>>
    tpu.wait_dma2 semaphore(%arg33 : memref<!tpu.dma_semaphore, #tpu.memory_space<semaphore_mem>>) src(%dma_wait3A_235 : memref<40xi32, #tpu.memory_space<hbm>>) dst(%arg11 : memref<40xi32, #tpu.memory_space<vmem>>)
    %dma_start3A_236 = arith.constant 0 : i32
    %dma_start3A_237 = arith.constant 0 : i32
    %dma_start3A_238 = tpu.memref_slice %arg20[%dma_start3A_236, %dma_start3A_237] : memref<10240x128xf32, #tpu.memory_space<vmem_shared>> -> memref<10240x128xf32, #tpu.memory_space<vmem_shared>>
    tpu.enqueue_indirect_dma source(%arg18 : memref<40x128xf32, #tpu.memory_space<vmem>>) target(%dma_start3A_238 : memref<10240x128xf32, #tpu.memory_space<vmem_shared>>) offsets(%arg11 : memref<40xi32, #tpu.memory_space<vmem>>) semaphore(%arg40 : memref<!tpu.dma_semaphore, #tpu.memory_space<semaphore_mem>>) {add = true}
    %dma_wait3A_239 = arith.constant 0 : i32
    %dma_wait3A_240 = arith.constant 0 : i32
    %dma_wait3A_241 = tpu.memref_slice %arg20[%dma_wait3A_239, %dma_wait3A_240] : memref<10240x128xf32, #tpu.memory_space<vmem_shared>> -> memref<10240x128xf32, #tpu.memory_space<vmem_shared>>
    tpu.wait_indirect_dma semaphore(%arg39 : memref<!tpu.dma_semaphore, #tpu.memory_space<semaphore_mem>>) src(%arg17 : memref<40x128xf32, #tpu.memory_space<vmem>>) dst(%dma_wait3A_241 : memref<10240x128xf32, #tpu.memory_space<vmem_shared>>)
    %add3A_242 = arith.constant 320000 : i32
    %add3A_243 = arith.addi %add3A_242, %mul3A_2 : i32
    %add3A_244 = arith.constant 440 : i32
    %add3A_245 = arith.addi %add3A_243, %add3A_244 : i32
    %dma_start3A_246 = tpu.memref_slice %arg3[%add3A_245] : memref<640000xi32, #tpu.memory_space<hbm>> -> memref<40xi32, #tpu.memory_space<hbm>>
    %dma_start3A_247 = tpu.memref_slice %arg3[%add3A_245] : memref<640000xi32, #tpu.memory_space<hbm>> -> memref<40xi32, #tpu.memory_space<hbm>>
    tpu.enqueue_dma source(%dma_start3A_247 : memref<40xi32, #tpu.memory_space<hbm>>) target(%arg10 : memref<40xi32, #tpu.memory_space<vmem>>) target_semaphore(%arg32 : memref<!tpu.dma_semaphore, #tpu.memory_space<semaphore_mem>>)
    %dma_start3A_248 = arith.constant 440 : i32
    %dma_start3A_249 = tpu.memref_slice %arg5[%dma_start3A_248] : memref<10000xi32, #tpu.memory_space<vmem>> -> memref<40xi32, #tpu.memory_space<vmem>>
    %dma_start3A_250 = arith.constant 0 : i32
    %dma_start3A_251 = arith.constant 0 : i32
    %dma_start3A_252 = tpu.memref_slice %arg2[%dma_start3A_250, %dma_start3A_251] : memref<10000x128xf32, #tpu.memory_space<hbm>> -> memref<10000x128xf32, #tpu.memory_space<hbm>>
    tpu.enqueue_indirect_dma source(%dma_start3A_252 : memref<10000x128xf32, #tpu.memory_space<hbm>>) target(%arg17 : memref<40x128xf32, #tpu.memory_space<vmem>>) offsets(%dma_start3A_249 : memref<40xi32, #tpu.memory_space<vmem>>) semaphore(%arg25 : memref<!tpu.dma_semaphore, #tpu.memory_space<semaphore_mem>>)
    %dma_wait3A_253 = arith.constant 240 : i32
    %dma_wait3A_254 = tpu.memref_slice %arg5[%dma_wait3A_253] : memref<10000xi32, #tpu.memory_space<vmem>> -> memref<40xi32, #tpu.memory_space<vmem>>
    %dma_wait3A_255 = arith.constant 0 : i32
    %dma_wait3A_256 = arith.constant 0 : i32
    %dma_wait3A_257 = tpu.memref_slice %arg2[%dma_wait3A_255, %dma_wait3A_256] : memref<10000x128xf32, #tpu.memory_space<hbm>> -> memref<10000x128xf32, #tpu.memory_space<hbm>>
    tpu.wait_indirect_dma semaphore(%arg27 : memref<!tpu.dma_semaphore, #tpu.memory_space<semaphore_mem>>) src(%dma_wait3A_257 : memref<10000x128xf32, #tpu.memory_space<hbm>>) dst(%arg19 : memref<40x128xf32, #tpu.memory_space<vmem>>)
    %add3A_258 = arith.constant 320000 : i32
    %add3A_259 = arith.addi %add3A_258, %mul3A_2 : i32
    %add3A_260 = arith.constant 240 : i32
    %add3A_261 = arith.addi %add3A_259, %add3A_260 : i32
    %dma_wait3A_262 = tpu.memref_slice %arg3[%add3A_261] : memref<640000xi32, #tpu.memory_space<hbm>> -> memref<40xi32, #tpu.memory_space<hbm>>
    %dma_wait3A_263 = tpu.memref_slice %arg3[%add3A_261] : memref<640000xi32, #tpu.memory_space<hbm>> -> memref<40xi32, #tpu.memory_space<hbm>>
    tpu.wait_dma2 semaphore(%arg34 : memref<!tpu.dma_semaphore, #tpu.memory_space<semaphore_mem>>) src(%dma_wait3A_263 : memref<40xi32, #tpu.memory_space<hbm>>) dst(%arg12 : memref<40xi32, #tpu.memory_space<vmem>>)
    %dma_start3A_264 = arith.constant 0 : i32
    %dma_start3A_265 = arith.constant 0 : i32
    %dma_start3A_266 = tpu.memref_slice %arg20[%dma_start3A_264, %dma_start3A_265] : memref<10240x128xf32, #tpu.memory_space<vmem_shared>> -> memref<10240x128xf32, #tpu.memory_space<vmem_shared>>
    tpu.enqueue_indirect_dma source(%arg19 : memref<40x128xf32, #tpu.memory_space<vmem>>) target(%dma_start3A_266 : memref<10240x128xf32, #tpu.memory_space<vmem_shared>>) offsets(%arg12 : memref<40xi32, #tpu.memory_space<vmem>>) semaphore(%arg41 : memref<!tpu.dma_semaphore, #tpu.memory_space<semaphore_mem>>) {add = true}
    %dma_wait3A_267 = arith.constant 0 : i32
    %dma_wait3A_268 = arith.constant 0 : i32
    %dma_wait3A_269 = tpu.memref_slice %arg20[%dma_wait3A_267, %dma_wait3A_268] : memref<10240x128xf32, #tpu.memory_space<vmem_shared>> -> memref<10240x128xf32, #tpu.memory_space<vmem_shared>>
    tpu.wait_indirect_dma semaphore(%arg40 : memref<!tpu.dma_semaphore, #tpu.memory_space<semaphore_mem>>) src(%arg18 : memref<40x128xf32, #tpu.memory_space<vmem>>) dst(%dma_wait3A_269 : memref<10240x128xf32, #tpu.memory_space<vmem_shared>>)
    %add3A_270 = arith.constant 320000 : i32
    %add3A_271 = arith.addi %add3A_270, %mul3A_2 : i32
    %add3A_272 = arith.constant 480 : i32
    %add3A_273 = arith.addi %add3A_271, %add3A_272 : i32
    %dma_start3A_274 = tpu.memref_slice %arg3[%add3A_273] : memref<640000xi32, #tpu.memory_space<hbm>> -> memref<40xi32, #tpu.memory_space<hbm>>
    %dma_start3A_275 = tpu.memref_slice %arg3[%add3A_273] : memref<640000xi32, #tpu.memory_space<hbm>> -> memref<40xi32, #tpu.memory_space<hbm>>
    tpu.enqueue_dma source(%dma_start3A_275 : memref<40xi32, #tpu.memory_space<hbm>>) target(%arg11 : memref<40xi32, #tpu.memory_space<vmem>>) target_semaphore(%arg33 : memref<!tpu.dma_semaphore, #tpu.memory_space<semaphore_mem>>)
    %dma_start3A_276 = arith.constant 480 : i32
    %dma_start3A_277 = tpu.memref_slice %arg5[%dma_start3A_276] : memref<10000xi32, #tpu.memory_space<vmem>> -> memref<40xi32, #tpu.memory_space<vmem>>
    %dma_start3A_278 = arith.constant 0 : i32
    %dma_start3A_279 = arith.constant 0 : i32
    %dma_start3A_280 = tpu.memref_slice %arg2[%dma_start3A_278, %dma_start3A_279] : memref<10000x128xf32, #tpu.memory_space<hbm>> -> memref<10000x128xf32, #tpu.memory_space<hbm>>
    tpu.enqueue_indirect_dma source(%dma_start3A_280 : memref<10000x128xf32, #tpu.memory_space<hbm>>) target(%arg18 : memref<40x128xf32, #tpu.memory_space<vmem>>) offsets(%dma_start3A_277 : memref<40xi32, #tpu.memory_space<vmem>>) semaphore(%arg26 : memref<!tpu.dma_semaphore, #tpu.memory_space<semaphore_mem>>)
    %scan3A_281 = arith.constant 0 : i32
    %scan3A_282 = arith.constant 1 : i32
    %scan3A_283 = arith.constant 33 : i32
    %scan3A_284 = arith.addi %scan3A_282, %scan3A_283 : i32
    %scan3A_285 = arith.constant 1 : i32
    scf.for %scan3A_568 = %scan3A_282 to %scan3A_284 step %scan3A_285  : i32 {
      %mul3A_569 = arith.constant 7 : i32
      %mul3A_570 = arith.muli %mul3A_569, %scan3A_568 : i32
      %add3A_571 = arith.constant 0 : i32
      %add3A_572 = arith.addi %mul3A_570, %add3A_571 : i32
      %mul3A_573 = arith.constant 40 : i32
      %mul3A_574 = arith.muli %add3A_572, %mul3A_573 : i32
      %dma_wait3A_575 = tpu.memref_slice %arg5[%mul3A_574] : memref<10000xi32, #tpu.memory_space<vmem>> -> memref<40xi32, #tpu.memory_space<vmem>>
      %dma_wait3A_576 = arith.constant 0 : i32
      %dma_wait3A_577 = arith.constant 0 : i32
      %dma_wait3A_578 = tpu.memref_slice %arg2[%dma_wait3A_576, %dma_wait3A_577] : memref<10000x128xf32, #tpu.memory_space<hbm>> -> memref<10000x128xf32, #tpu.memory_space<hbm>>
      tpu.wait_indirect_dma semaphore(%arg21 : memref<!tpu.dma_semaphore, #tpu.memory_space<semaphore_mem>>) src(%dma_wait3A_578 : memref<10000x128xf32, #tpu.memory_space<hbm>>) dst(%arg13 : memref<40x128xf32, #tpu.memory_space<vmem>>)
      %add3A_579 = arith.constant 320000 : i32
      %add3A_580 = arith.addi %add3A_579, %mul3A_2 : i32
      %mul3A_581 = arith.constant 40 : i32
      %mul3A_582 = arith.muli %add3A_572, %mul3A_581 : i32
      %add3A_583 = arith.addi %add3A_580, %mul3A_582 : i32
      %dma_wait3A_584 = tpu.memref_slice %arg3[%add3A_583] : memref<640000xi32, #tpu.memory_space<hbm>> -> memref<40xi32, #tpu.memory_space<hbm>>
      %dma_wait3A_585 = tpu.memref_slice %arg3[%add3A_583] : memref<640000xi32, #tpu.memory_space<hbm>> -> memref<40xi32, #tpu.memory_space<hbm>>
      tpu.wait_dma2 semaphore(%arg28 : memref<!tpu.dma_semaphore, #tpu.memory_space<semaphore_mem>>) src(%dma_wait3A_585 : memref<40xi32, #tpu.memory_space<hbm>>) dst(%arg6 : memref<40xi32, #tpu.memory_space<vmem>>)
      %dma_start3A_586 = arith.constant 0 : i32
      %dma_start3A_587 = arith.constant 0 : i32
      %dma_start3A_588 = tpu.memref_slice %arg20[%dma_start3A_586, %dma_start3A_587] : memref<10240x128xf32, #tpu.memory_space<vmem_shared>> -> memref<10240x128xf32, #tpu.memory_space<vmem_shared>>
      tpu.enqueue_indirect_dma source(%arg13 : memref<40x128xf32, #tpu.memory_space<vmem>>) target(%dma_start3A_588 : memref<10240x128xf32, #tpu.memory_space<vmem_shared>>) offsets(%arg6 : memref<40xi32, #tpu.memory_space<vmem>>) semaphore(%arg35 : memref<!tpu.dma_semaphore, #tpu.memory_space<semaphore_mem>>) {add = true}
      %dma_wait3A_589 = arith.constant 0 : i32
      %dma_wait3A_590 = arith.constant 0 : i32
      %dma_wait3A_591 = tpu.memref_slice %arg20[%dma_wait3A_589, %dma_wait3A_590] : memref<10240x128xf32, #tpu.memory_space<vmem_shared>> -> memref<10240x128xf32, #tpu.memory_space<vmem_shared>>
      tpu.wait_indirect_dma semaphore(%arg41 : memref<!tpu.dma_semaphore, #tpu.memory_space<semaphore_mem>>) src(%arg19 : memref<40x128xf32, #tpu.memory_space<vmem>>) dst(%dma_wait3A_591 : memref<10240x128xf32, #tpu.memory_space<vmem_shared>>)
      %add3A_592 = arith.constant 7 : i32
      %add3A_593 = arith.addi %add3A_572, %add3A_592 : i32
      %sub3A = arith.constant 1 : i32
      %sub3A_594 = arith.subi %add3A_593, %sub3A : i32
      %add3A_595 = arith.constant 320000 : i32
      %add3A_596 = arith.addi %add3A_595, %mul3A_2 : i32
      %mul3A_597 = arith.constant 40 : i32
      %mul3A_598 = arith.muli %sub3A_594, %mul3A_597 : i32
      %add3A_599 = arith.addi %add3A_596, %mul3A_598 : i32
      %dma_start3A_600 = tpu.memref_slice %arg3[%add3A_599] : memref<640000xi32, #tpu.memory_space<hbm>> -> memref<40xi32, #tpu.memory_space<hbm>>
      %dma_start3A_601 = tpu.memref_slice %arg3[%add3A_599] : memref<640000xi32, #tpu.memory_space<hbm>> -> memref<40xi32, #tpu.memory_space<hbm>>
      tpu.enqueue_dma source(%dma_start3A_601 : memref<40xi32, #tpu.memory_space<hbm>>) target(%arg12 : memref<40xi32, #tpu.memory_space<vmem>>) target_semaphore(%arg34 : memref<!tpu.dma_semaphore, #tpu.memory_space<semaphore_mem>>)
      %mul3A_602 = arith.constant 40 : i32
      %mul3A_603 = arith.muli %sub3A_594, %mul3A_602 : i32
      %dma_start3A_604 = tpu.memref_slice %arg5[%mul3A_603] : memref<10000xi32, #tpu.memory_space<vmem>> -> memref<40xi32, #tpu.memory_space<vmem>>
      %dma_start3A_605 = arith.constant 0 : i32
      %dma_start3A_606 = arith.constant 0 : i32
      %dma_start3A_607 = tpu.memref_slice %arg2[%dma_start3A_605, %dma_start3A_606] : memref<10000x128xf32, #tpu.memory_space<hbm>> -> memref<10000x128xf32, #tpu.memory_space<hbm>>
      tpu.enqueue_indirect_dma source(%dma_start3A_607 : memref<10000x128xf32, #tpu.memory_space<hbm>>) target(%arg19 : memref<40x128xf32, #tpu.memory_space<vmem>>) offsets(%dma_start3A_604 : memref<40xi32, #tpu.memory_space<vmem>>) semaphore(%arg27 : memref<!tpu.dma_semaphore, #tpu.memory_space<semaphore_mem>>)
      %add3A_608 = arith.constant 1 : i32
      %add3A_609 = arith.addi %mul3A_570, %add3A_608 : i32
      %mul3A_610 = arith.constant 40 : i32
      %mul3A_611 = arith.muli %add3A_609, %mul3A_610 : i32
      %dma_wait3A_612 = tpu.memref_slice %arg5[%mul3A_611] : memref<10000xi32, #tpu.memory_space<vmem>> -> memref<40xi32, #tpu.memory_space<vmem>>
      %dma_wait3A_613 = arith.constant 0 : i32
      %dma_wait3A_614 = arith.constant 0 : i32
      %dma_wait3A_615 = tpu.memref_slice %arg2[%dma_wait3A_613, %dma_wait3A_614] : memref<10000x128xf32, #tpu.memory_space<hbm>> -> memref<10000x128xf32, #tpu.memory_space<hbm>>
      tpu.wait_indirect_dma semaphore(%arg22 : memref<!tpu.dma_semaphore, #tpu.memory_space<semaphore_mem>>) src(%dma_wait3A_615 : memref<10000x128xf32, #tpu.memory_space<hbm>>) dst(%arg14 : memref<40x128xf32, #tpu.memory_space<vmem>>)
      %add3A_616 = arith.constant 320000 : i32
      %add3A_617 = arith.addi %add3A_616, %mul3A_2 : i32
      %mul3A_618 = arith.constant 40 : i32
      %mul3A_619 = arith.muli %add3A_609, %mul3A_618 : i32
      %add3A_620 = arith.addi %add3A_617, %mul3A_619 : i32
      %dma_wait3A_621 = tpu.memref_slice %arg3[%add3A_620] : memref<640000xi32, #tpu.memory_space<hbm>> -> memref<40xi32, #tpu.memory_space<hbm>>
      %dma_wait3A_622 = tpu.memref_slice %arg3[%add3A_620] : memref<640000xi32, #tpu.memory_space<hbm>> -> memref<40xi32, #tpu.memory_space<hbm>>
      tpu.wait_dma2 semaphore(%arg29 : memref<!tpu.dma_semaphore, #tpu.memory_space<semaphore_mem>>) src(%dma_wait3A_622 : memref<40xi32, #tpu.memory_space<hbm>>) dst(%arg7 : memref<40xi32, #tpu.memory_space<vmem>>)
      %dma_start3A_623 = arith.constant 0 : i32
      %dma_start3A_624 = arith.constant 0 : i32
      %dma_start3A_625 = tpu.memref_slice %arg20[%dma_start3A_623, %dma_start3A_624] : memref<10240x128xf32, #tpu.memory_space<vmem_shared>> -> memref<10240x128xf32, #tpu.memory_space<vmem_shared>>
      tpu.enqueue_indirect_dma source(%arg14 : memref<40x128xf32, #tpu.memory_space<vmem>>) target(%dma_start3A_625 : memref<10240x128xf32, #tpu.memory_space<vmem_shared>>) offsets(%arg7 : memref<40xi32, #tpu.memory_space<vmem>>) semaphore(%arg36 : memref<!tpu.dma_semaphore, #tpu.memory_space<semaphore_mem>>) {add = true}
      %dma_wait3A_626 = arith.constant 0 : i32
      %dma_wait3A_627 = arith.constant 0 : i32
      %dma_wait3A_628 = tpu.memref_slice %arg20[%dma_wait3A_626, %dma_wait3A_627] : memref<10240x128xf32, #tpu.memory_space<vmem_shared>> -> memref<10240x128xf32, #tpu.memory_space<vmem_shared>>
      tpu.wait_indirect_dma semaphore(%arg35 : memref<!tpu.dma_semaphore, #tpu.memory_space<semaphore_mem>>) src(%arg13 : memref<40x128xf32, #tpu.memory_space<vmem>>) dst(%dma_wait3A_628 : memref<10240x128xf32, #tpu.memory_space<vmem_shared>>)
      %add3A_629 = arith.constant 7 : i32
      %add3A_630 = arith.addi %add3A_609, %add3A_629 : i32
      %sub3A_631 = arith.constant 1 : i32
      %sub3A_632 = arith.subi %add3A_630, %sub3A_631 : i32
      %add3A_633 = arith.constant 320000 : i32
      %add3A_634 = arith.addi %add3A_633, %mul3A_2 : i32
      %mul3A_635 = arith.constant 40 : i32
      %mul3A_636 = arith.muli %sub3A_632, %mul3A_635 : i32
      %add3A_637 = arith.addi %add3A_634, %mul3A_636 : i32
      %dma_start3A_638 = tpu.memref_slice %arg3[%add3A_637] : memref<640000xi32, #tpu.memory_space<hbm>> -> memref<40xi32, #tpu.memory_space<hbm>>
      %dma_start3A_639 = tpu.memref_slice %arg3[%add3A_637] : memref<640000xi32, #tpu.memory_space<hbm>> -> memref<40xi32, #tpu.memory_space<hbm>>
      tpu.enqueue_dma source(%dma_start3A_639 : memref<40xi32, #tpu.memory_space<hbm>>) target(%arg6 : memref<40xi32, #tpu.memory_space<vmem>>) target_semaphore(%arg28 : memref<!tpu.dma_semaphore, #tpu.memory_space<semaphore_mem>>)
      %mul3A_640 = arith.constant 40 : i32
      %mul3A_641 = arith.muli %sub3A_632, %mul3A_640 : i32
      %dma_start3A_642 = tpu.memref_slice %arg5[%mul3A_641] : memref<10000xi32, #tpu.memory_space<vmem>> -> memref<40xi32, #tpu.memory_space<vmem>>
      %dma_start3A_643 = arith.constant 0 : i32
      %dma_start3A_644 = arith.constant 0 : i32
      %dma_start3A_645 = tpu.memref_slice %arg2[%dma_start3A_643, %dma_start3A_644] : memref<10000x128xf32, #tpu.memory_space<hbm>> -> memref<10000x128xf32, #tpu.memory_space<hbm>>
      tpu.enqueue_indirect_dma source(%dma_start3A_645 : memref<10000x128xf32, #tpu.memory_space<hbm>>) target(%arg13 : memref<40x128xf32, #tpu.memory_space<vmem>>) offsets(%dma_start3A_642 : memref<40xi32, #tpu.memory_space<vmem>>) semaphore(%arg21 : memref<!tpu.dma_semaphore, #tpu.memory_space<semaphore_mem>>)
      %add3A_646 = arith.constant 2 : i32
      %add3A_647 = arith.addi %mul3A_570, %add3A_646 : i32
      %mul3A_648 = arith.constant 40 : i32
      %mul3A_649 = arith.muli %add3A_647, %mul3A_648 : i32
      %dma_wait3A_650 = tpu.memref_slice %arg5[%mul3A_649] : memref<10000xi32, #tpu.memory_space<vmem>> -> memref<40xi32, #tpu.memory_space<vmem>>
      %dma_wait3A_651 = arith.constant 0 : i32
      %dma_wait3A_652 = arith.constant 0 : i32
      %dma_wait3A_653 = tpu.memref_slice %arg2[%dma_wait3A_651, %dma_wait3A_652] : memref<10000x128xf32, #tpu.memory_space<hbm>> -> memref<10000x128xf32, #tpu.memory_space<hbm>>
      tpu.wait_indirect_dma semaphore(%arg23 : memref<!tpu.dma_semaphore, #tpu.memory_space<semaphore_mem>>) src(%dma_wait3A_653 : memref<10000x128xf32, #tpu.memory_space<hbm>>) dst(%arg15 : memref<40x128xf32, #tpu.memory_space<vmem>>)
      %add3A_654 = arith.constant 320000 : i32
      %add3A_655 = arith.addi %add3A_654, %mul3A_2 : i32
      %mul3A_656 = arith.constant 40 : i32
      %mul3A_657 = arith.muli %add3A_647, %mul3A_656 : i32
      %add3A_658 = arith.addi %add3A_655, %mul3A_657 : i32
      %dma_wait3A_659 = tpu.memref_slice %arg3[%add3A_658] : memref<640000xi32, #tpu.memory_space<hbm>> -> memref<40xi32, #tpu.memory_space<hbm>>
      %dma_wait3A_660 = tpu.memref_slice %arg3[%add3A_658] : memref<640000xi32, #tpu.memory_space<hbm>> -> memref<40xi32, #tpu.memory_space<hbm>>
      tpu.wait_dma2 semaphore(%arg30 : memref<!tpu.dma_semaphore, #tpu.memory_space<semaphore_mem>>) src(%dma_wait3A_660 : memref<40xi32, #tpu.memory_space<hbm>>) dst(%arg8 : memref<40xi32, #tpu.memory_space<vmem>>)
      %dma_start3A_661 = arith.constant 0 : i32
      %dma_start3A_662 = arith.constant 0 : i32
      %dma_start3A_663 = tpu.memref_slice %arg20[%dma_start3A_661, %dma_start3A_662] : memref<10240x128xf32, #tpu.memory_space<vmem_shared>> -> memref<10240x128xf32, #tpu.memory_space<vmem_shared>>
      tpu.enqueue_indirect_dma source(%arg15 : memref<40x128xf32, #tpu.memory_space<vmem>>) target(%dma_start3A_663 : memref<10240x128xf32, #tpu.memory_space<vmem_shared>>) offsets(%arg8 : memref<40xi32, #tpu.memory_space<vmem>>) semaphore(%arg37 : memref<!tpu.dma_semaphore, #tpu.memory_space<semaphore_mem>>) {add = true}
      %dma_wait3A_664 = arith.constant 0 : i32
      %dma_wait3A_665 = arith.constant 0 : i32
      %dma_wait3A_666 = tpu.memref_slice %arg20[%dma_wait3A_664, %dma_wait3A_665] : memref<10240x128xf32, #tpu.memory_space<vmem_shared>> -> memref<10240x128xf32, #tpu.memory_space<vmem_shared>>
      tpu.wait_indirect_dma semaphore(%arg36 : memref<!tpu.dma_semaphore, #tpu.memory_space<semaphore_mem>>) src(%arg14 : memref<40x128xf32, #tpu.memory_space<vmem>>) dst(%dma_wait3A_666 : memref<10240x128xf32, #tpu.memory_space<vmem_shared>>)
      %add3A_667 = arith.constant 7 : i32
      %add3A_668 = arith.addi %add3A_647, %add3A_667 : i32
      %sub3A_669 = arith.constant 1 : i32
      %sub3A_670 = arith.subi %add3A_668, %sub3A_669 : i32
      %add3A_671 = arith.constant 320000 : i32
      %add3A_672 = arith.addi %add3A_671, %mul3A_2 : i32
      %mul3A_673 = arith.constant 40 : i32
      %mul3A_674 = arith.muli %sub3A_670, %mul3A_673 : i32
      %add3A_675 = arith.addi %add3A_672, %mul3A_674 : i32
      %dma_start3A_676 = tpu.memref_slice %arg3[%add3A_675] : memref<640000xi32, #tpu.memory_space<hbm>> -> memref<40xi32, #tpu.memory_space<hbm>>
      %dma_start3A_677 = tpu.memref_slice %arg3[%add3A_675] : memref<640000xi32, #tpu.memory_space<hbm>> -> memref<40xi32, #tpu.memory_space<hbm>>
      tpu.enqueue_dma source(%dma_start3A_677 : memref<40xi32, #tpu.memory_space<hbm>>) target(%arg7 : memref<40xi32, #tpu.memory_space<vmem>>) target_semaphore(%arg29 : memref<!tpu.dma_semaphore, #tpu.memory_space<semaphore_mem>>)
      %mul3A_678 = arith.constant 40 : i32
      %mul3A_679 = arith.muli %sub3A_670, %mul3A_678 : i32
      %dma_start3A_680 = tpu.memref_slice %arg5[%mul3A_679] : memref<10000xi32, #tpu.memory_space<vmem>> -> memref<40xi32, #tpu.memory_space<vmem>>
      %dma_start3A_681 = arith.constant 0 : i32
      %dma_start3A_682 = arith.constant 0 : i32
      %dma_start3A_683 = tpu.memref_slice %arg2[%dma_start3A_681, %dma_start3A_682] : memref<10000x128xf32, #tpu.memory_space<hbm>> -> memref<10000x128xf32, #tpu.memory_space<hbm>>
      tpu.enqueue_indirect_dma source(%dma_start3A_683 : memref<10000x128xf32, #tpu.memory_space<hbm>>) target(%arg14 : memref<40x128xf32, #tpu.memory_space<vmem>>) offsets(%dma_start3A_680 : memref<40xi32, #tpu.memory_space<vmem>>) semaphore(%arg22 : memref<!tpu.dma_semaphore, #tpu.memory_space<semaphore_mem>>)
      %add3A_684 = arith.constant 3 : i32
      %add3A_685 = arith.addi %mul3A_570, %add3A_684 : i32
      %mul3A_686 = arith.constant 40 : i32
      %mul3A_687 = arith.muli %add3A_685, %mul3A_686 : i32
      %dma_wait3A_688 = tpu.memref_slice %arg5[%mul3A_687] : memref<10000xi32, #tpu.memory_space<vmem>> -> memref<40xi32, #tpu.memory_space<vmem>>
      %dma_wait3A_689 = arith.constant 0 : i32
      %dma_wait3A_690 = arith.constant 0 : i32
      %dma_wait3A_691 = tpu.memref_slice %arg2[%dma_wait3A_689, %dma_wait3A_690] : memref<10000x128xf32, #tpu.memory_space<hbm>> -> memref<10000x128xf32, #tpu.memory_space<hbm>>
      tpu.wait_indirect_dma semaphore(%arg24 : memref<!tpu.dma_semaphore, #tpu.memory_space<semaphore_mem>>) src(%dma_wait3A_691 : memref<10000x128xf32, #tpu.memory_space<hbm>>) dst(%arg16 : memref<40x128xf32, #tpu.memory_space<vmem>>)
      %add3A_692 = arith.constant 320000 : i32
      %add3A_693 = arith.addi %add3A_692, %mul3A_2 : i32
      %mul3A_694 = arith.constant 40 : i32
      %mul3A_695 = arith.muli %add3A_685, %mul3A_694 : i32
      %add3A_696 = arith.addi %add3A_693, %mul3A_695 : i32
      %dma_wait3A_697 = tpu.memref_slice %arg3[%add3A_696] : memref<640000xi32, #tpu.memory_space<hbm>> -> memref<40xi32, #tpu.memory_space<hbm>>
      %dma_wait3A_698 = tpu.memref_slice %arg3[%add3A_696] : memref<640000xi32, #tpu.memory_space<hbm>> -> memref<40xi32, #tpu.memory_space<hbm>>
      tpu.wait_dma2 semaphore(%arg31 : memref<!tpu.dma_semaphore, #tpu.memory_space<semaphore_mem>>) src(%dma_wait3A_698 : memref<40xi32, #tpu.memory_space<hbm>>) dst(%arg9 : memref<40xi32, #tpu.memory_space<vmem>>)
      %dma_start3A_699 = arith.constant 0 : i32
      %dma_start3A_700 = arith.constant 0 : i32
      %dma_start3A_701 = tpu.memref_slice %arg20[%dma_start3A_699, %dma_start3A_700] : memref<10240x128xf32, #tpu.memory_space<vmem_shared>> -> memref<10240x128xf32, #tpu.memory_space<vmem_shared>>
      tpu.enqueue_indirect_dma source(%arg16 : memref<40x128xf32, #tpu.memory_space<vmem>>) target(%dma_start3A_701 : memref<10240x128xf32, #tpu.memory_space<vmem_shared>>) offsets(%arg9 : memref<40xi32, #tpu.memory_space<vmem>>) semaphore(%arg38 : memref<!tpu.dma_semaphore, #tpu.memory_space<semaphore_mem>>) {add = true}
      %dma_wait3A_702 = arith.constant 0 : i32
      %dma_wait3A_703 = arith.constant 0 : i32
      %dma_wait3A_704 = tpu.memref_slice %arg20[%dma_wait3A_702, %dma_wait3A_703] : memref<10240x128xf32, #tpu.memory_space<vmem_shared>> -> memref<10240x128xf32, #tpu.memory_space<vmem_shared>>
      tpu.wait_indirect_dma semaphore(%arg37 : memref<!tpu.dma_semaphore, #tpu.memory_space<semaphore_mem>>) src(%arg15 : memref<40x128xf32, #tpu.memory_space<vmem>>) dst(%dma_wait3A_704 : memref<10240x128xf32, #tpu.memory_space<vmem_shared>>)
      %add3A_705 = arith.constant 7 : i32
      %add3A_706 = arith.addi %add3A_685, %add3A_705 : i32
      %sub3A_707 = arith.constant 1 : i32
      %sub3A_708 = arith.subi %add3A_706, %sub3A_707 : i32
      %add3A_709 = arith.constant 320000 : i32
      %add3A_710 = arith.addi %add3A_709, %mul3A_2 : i32
      %mul3A_711 = arith.constant 40 : i32
      %mul3A_712 = arith.muli %sub3A_708, %mul3A_711 : i32
      %add3A_713 = arith.addi %add3A_710, %mul3A_712 : i32
      %dma_start3A_714 = tpu.memref_slice %arg3[%add3A_713] : memref<640000xi32, #tpu.memory_space<hbm>> -> memref<40xi32, #tpu.memory_space<hbm>>
      %dma_start3A_715 = tpu.memref_slice %arg3[%add3A_713] : memref<640000xi32, #tpu.memory_space<hbm>> -> memref<40xi32, #tpu.memory_space<hbm>>
      tpu.enqueue_dma source(%dma_start3A_715 : memref<40xi32, #tpu.memory_space<hbm>>) target(%arg8 : memref<40xi32, #tpu.memory_space<vmem>>) target_semaphore(%arg30 : memref<!tpu.dma_semaphore, #tpu.memory_space<semaphore_mem>>)
      %mul3A_716 = arith.constant 40 : i32
      %mul3A_717 = arith.muli %sub3A_708, %mul3A_716 : i32
      %dma_start3A_718 = tpu.memref_slice %arg5[%mul3A_717] : memref<10000xi32, #tpu.memory_space<vmem>> -> memref<40xi32, #tpu.memory_space<vmem>>
      %dma_start3A_719 = arith.constant 0 : i32
      %dma_start3A_720 = arith.constant 0 : i32
      %dma_start3A_721 = tpu.memref_slice %arg2[%dma_start3A_719, %dma_start3A_720] : memref<10000x128xf32, #tpu.memory_space<hbm>> -> memref<10000x128xf32, #tpu.memory_space<hbm>>
      tpu.enqueue_indirect_dma source(%dma_start3A_721 : memref<10000x128xf32, #tpu.memory_space<hbm>>) target(%arg15 : memref<40x128xf32, #tpu.memory_space<vmem>>) offsets(%dma_start3A_718 : memref<40xi32, #tpu.memory_space<vmem>>) semaphore(%arg23 : memref<!tpu.dma_semaphore, #tpu.memory_space<semaphore_mem>>)
      %add3A_722 = arith.constant 4 : i32
      %add3A_723 = arith.addi %mul3A_570, %add3A_722 : i32
      %mul3A_724 = arith.constant 40 : i32
      %mul3A_725 = arith.muli %add3A_723, %mul3A_724 : i32
      %dma_wait3A_726 = tpu.memref_slice %arg5[%mul3A_725] : memref<10000xi32, #tpu.memory_space<vmem>> -> memref<40xi32, #tpu.memory_space<vmem>>
      %dma_wait3A_727 = arith.constant 0 : i32
      %dma_wait3A_728 = arith.constant 0 : i32
      %dma_wait3A_729 = tpu.memref_slice %arg2[%dma_wait3A_727, %dma_wait3A_728] : memref<10000x128xf32, #tpu.memory_space<hbm>> -> memref<10000x128xf32, #tpu.memory_space<hbm>>
      tpu.wait_indirect_dma semaphore(%arg25 : memref<!tpu.dma_semaphore, #tpu.memory_space<semaphore_mem>>) src(%dma_wait3A_729 : memref<10000x128xf32, #tpu.memory_space<hbm>>) dst(%arg17 : memref<40x128xf32, #tpu.memory_space<vmem>>)
      %add3A_730 = arith.constant 320000 : i32
      %add3A_731 = arith.addi %add3A_730, %mul3A_2 : i32
      %mul3A_732 = arith.constant 40 : i32
      %mul3A_733 = arith.muli %add3A_723, %mul3A_732 : i32
      %add3A_734 = arith.addi %add3A_731, %mul3A_733 : i32
      %dma_wait3A_735 = tpu.memref_slice %arg3[%add3A_734] : memref<640000xi32, #tpu.memory_space<hbm>> -> memref<40xi32, #tpu.memory_space<hbm>>
      %dma_wait3A_736 = tpu.memref_slice %arg3[%add3A_734] : memref<640000xi32, #tpu.memory_space<hbm>> -> memref<40xi32, #tpu.memory_space<hbm>>
      tpu.wait_dma2 semaphore(%arg32 : memref<!tpu.dma_semaphore, #tpu.memory_space<semaphore_mem>>) src(%dma_wait3A_736 : memref<40xi32, #tpu.memory_space<hbm>>) dst(%arg10 : memref<40xi32, #tpu.memory_space<vmem>>)
      %dma_start3A_737 = arith.constant 0 : i32
      %dma_start3A_738 = arith.constant 0 : i32
      %dma_start3A_739 = tpu.memref_slice %arg20[%dma_start3A_737, %dma_start3A_738] : memref<10240x128xf32, #tpu.memory_space<vmem_shared>> -> memref<10240x128xf32, #tpu.memory_space<vmem_shared>>
      tpu.enqueue_indirect_dma source(%arg17 : memref<40x128xf32, #tpu.memory_space<vmem>>) target(%dma_start3A_739 : memref<10240x128xf32, #tpu.memory_space<vmem_shared>>) offsets(%arg10 : memref<40xi32, #tpu.memory_space<vmem>>) semaphore(%arg39 : memref<!tpu.dma_semaphore, #tpu.memory_space<semaphore_mem>>) {add = true}
      %dma_wait3A_740 = arith.constant 0 : i32
      %dma_wait3A_741 = arith.constant 0 : i32
      %dma_wait3A_742 = tpu.memref_slice %arg20[%dma_wait3A_740, %dma_wait3A_741] : memref<10240x128xf32, #tpu.memory_space<vmem_shared>> -> memref<10240x128xf32, #tpu.memory_space<vmem_shared>>
      tpu.wait_indirect_dma semaphore(%arg38 : memref<!tpu.dma_semaphore, #tpu.memory_space<semaphore_mem>>) src(%arg16 : memref<40x128xf32, #tpu.memory_space<vmem>>) dst(%dma_wait3A_742 : memref<10240x128xf32, #tpu.memory_space<vmem_shared>>)
      %add3A_743 = arith.constant 7 : i32
      %add3A_744 = arith.addi %add3A_723, %add3A_743 : i32
      %sub3A_745 = arith.constant 1 : i32
      %sub3A_746 = arith.subi %add3A_744, %sub3A_745 : i32
      %add3A_747 = arith.constant 320000 : i32
      %add3A_748 = arith.addi %add3A_747, %mul3A_2 : i32
      %mul3A_749 = arith.constant 40 : i32
      %mul3A_750 = arith.muli %sub3A_746, %mul3A_749 : i32
      %add3A_751 = arith.addi %add3A_748, %mul3A_750 : i32
      %dma_start3A_752 = tpu.memref_slice %arg3[%add3A_751] : memref<640000xi32, #tpu.memory_space<hbm>> -> memref<40xi32, #tpu.memory_space<hbm>>
      %dma_start3A_753 = tpu.memref_slice %arg3[%add3A_751] : memref<640000xi32, #tpu.memory_space<hbm>> -> memref<40xi32, #tpu.memory_space<hbm>>
      tpu.enqueue_dma source(%dma_start3A_753 : memref<40xi32, #tpu.memory_space<hbm>>) target(%arg9 : memref<40xi32, #tpu.memory_space<vmem>>) target_semaphore(%arg31 : memref<!tpu.dma_semaphore, #tpu.memory_space<semaphore_mem>>)
      %mul3A_754 = arith.constant 40 : i32
      %mul3A_755 = arith.muli %sub3A_746, %mul3A_754 : i32
      %dma_start3A_756 = tpu.memref_slice %arg5[%mul3A_755] : memref<10000xi32, #tpu.memory_space<vmem>> -> memref<40xi32, #tpu.memory_space<vmem>>
      %dma_start3A_757 = arith.constant 0 : i32
      %dma_start3A_758 = arith.constant 0 : i32
      %dma_start3A_759 = tpu.memref_slice %arg2[%dma_start3A_757, %dma_start3A_758] : memref<10000x128xf32, #tpu.memory_space<hbm>> -> memref<10000x128xf32, #tpu.memory_space<hbm>>
      tpu.enqueue_indirect_dma source(%dma_start3A_759 : memref<10000x128xf32, #tpu.memory_space<hbm>>) target(%arg16 : memref<40x128xf32, #tpu.memory_space<vmem>>) offsets(%dma_start3A_756 : memref<40xi32, #tpu.memory_space<vmem>>) semaphore(%arg24 : memref<!tpu.dma_semaphore, #tpu.memory_space<semaphore_mem>>)
      %add3A_760 = arith.constant 5 : i32
      %add3A_761 = arith.addi %mul3A_570, %add3A_760 : i32
      %mul3A_762 = arith.constant 40 : i32
      %mul3A_763 = arith.muli %add3A_761, %mul3A_762 : i32
      %dma_wait3A_764 = tpu.memref_slice %arg5[%mul3A_763] : memref<10000xi32, #tpu.memory_space<vmem>> -> memref<40xi32, #tpu.memory_space<vmem>>
      %dma_wait3A_765 = arith.constant 0 : i32
      %dma_wait3A_766 = arith.constant 0 : i32
      %dma_wait3A_767 = tpu.memref_slice %arg2[%dma_wait3A_765, %dma_wait3A_766] : memref<10000x128xf32, #tpu.memory_space<hbm>> -> memref<10000x128xf32, #tpu.memory_space<hbm>>
      tpu.wait_indirect_dma semaphore(%arg26 : memref<!tpu.dma_semaphore, #tpu.memory_space<semaphore_mem>>) src(%dma_wait3A_767 : memref<10000x128xf32, #tpu.memory_space<hbm>>) dst(%arg18 : memref<40x128xf32, #tpu.memory_space<vmem>>)
      %add3A_768 = arith.constant 320000 : i32
      %add3A_769 = arith.addi %add3A_768, %mul3A_2 : i32
      %mul3A_770 = arith.constant 40 : i32
      %mul3A_771 = arith.muli %add3A_761, %mul3A_770 : i32
      %add3A_772 = arith.addi %add3A_769, %mul3A_771 : i32
      %dma_wait3A_773 = tpu.memref_slice %arg3[%add3A_772] : memref<640000xi32, #tpu.memory_space<hbm>> -> memref<40xi32, #tpu.memory_space<hbm>>
      %dma_wait3A_774 = tpu.memref_slice %arg3[%add3A_772] : memref<640000xi32, #tpu.memory_space<hbm>> -> memref<40xi32, #tpu.memory_space<hbm>>
      tpu.wait_dma2 semaphore(%arg33 : memref<!tpu.dma_semaphore, #tpu.memory_space<semaphore_mem>>) src(%dma_wait3A_774 : memref<40xi32, #tpu.memory_space<hbm>>) dst(%arg11 : memref<40xi32, #tpu.memory_space<vmem>>)
      %dma_start3A_775 = arith.constant 0 : i32
      %dma_start3A_776 = arith.constant 0 : i32
      %dma_start3A_777 = tpu.memref_slice %arg20[%dma_start3A_775, %dma_start3A_776] : memref<10240x128xf32, #tpu.memory_space<vmem_shared>> -> memref<10240x128xf32, #tpu.memory_space<vmem_shared>>
      tpu.enqueue_indirect_dma source(%arg18 : memref<40x128xf32, #tpu.memory_space<vmem>>) target(%dma_start3A_777 : memref<10240x128xf32, #tpu.memory_space<vmem_shared>>) offsets(%arg11 : memref<40xi32, #tpu.memory_space<vmem>>) semaphore(%arg40 : memref<!tpu.dma_semaphore, #tpu.memory_space<semaphore_mem>>) {add = true}
      %dma_wait3A_778 = arith.constant 0 : i32
      %dma_wait3A_779 = arith.constant 0 : i32
      %dma_wait3A_780 = tpu.memref_slice %arg20[%dma_wait3A_778, %dma_wait3A_779] : memref<10240x128xf32, #tpu.memory_space<vmem_shared>> -> memref<10240x128xf32, #tpu.memory_space<vmem_shared>>
      tpu.wait_indirect_dma semaphore(%arg39 : memref<!tpu.dma_semaphore, #tpu.memory_space<semaphore_mem>>) src(%arg17 : memref<40x128xf32, #tpu.memory_space<vmem>>) dst(%dma_wait3A_780 : memref<10240x128xf32, #tpu.memory_space<vmem_shared>>)
      %add3A_781 = arith.constant 7 : i32
      %add3A_782 = arith.addi %add3A_761, %add3A_781 : i32
      %sub3A_783 = arith.constant 1 : i32
      %sub3A_784 = arith.subi %add3A_782, %sub3A_783 : i32
      %add3A_785 = arith.constant 320000 : i32
      %add3A_786 = arith.addi %add3A_785, %mul3A_2 : i32
      %mul3A_787 = arith.constant 40 : i32
      %mul3A_788 = arith.muli %sub3A_784, %mul3A_787 : i32
      %add3A_789 = arith.addi %add3A_786, %mul3A_788 : i32
      %dma_start3A_790 = tpu.memref_slice %arg3[%add3A_789] : memref<640000xi32, #tpu.memory_space<hbm>> -> memref<40xi32, #tpu.memory_space<hbm>>
      %dma_start3A_791 = tpu.memref_slice %arg3[%add3A_789] : memref<640000xi32, #tpu.memory_space<hbm>> -> memref<40xi32, #tpu.memory_space<hbm>>
      tpu.enqueue_dma source(%dma_start3A_791 : memref<40xi32, #tpu.memory_space<hbm>>) target(%arg10 : memref<40xi32, #tpu.memory_space<vmem>>) target_semaphore(%arg32 : memref<!tpu.dma_semaphore, #tpu.memory_space<semaphore_mem>>)
      %mul3A_792 = arith.constant 40 : i32
      %mul3A_793 = arith.muli %sub3A_784, %mul3A_792 : i32
      %dma_start3A_794 = tpu.memref_slice %arg5[%mul3A_793] : memref<10000xi32, #tpu.memory_space<vmem>> -> memref<40xi32, #tpu.memory_space<vmem>>
      %dma_start3A_795 = arith.constant 0 : i32
      %dma_start3A_796 = arith.constant 0 : i32
      %dma_start3A_797 = tpu.memref_slice %arg2[%dma_start3A_795, %dma_start3A_796] : memref<10000x128xf32, #tpu.memory_space<hbm>> -> memref<10000x128xf32, #tpu.memory_space<hbm>>
      tpu.enqueue_indirect_dma source(%dma_start3A_797 : memref<10000x128xf32, #tpu.memory_space<hbm>>) target(%arg17 : memref<40x128xf32, #tpu.memory_space<vmem>>) offsets(%dma_start3A_794 : memref<40xi32, #tpu.memory_space<vmem>>) semaphore(%arg25 : memref<!tpu.dma_semaphore, #tpu.memory_space<semaphore_mem>>)
      %add3A_798 = arith.constant 6 : i32
      %add3A_799 = arith.addi %mul3A_570, %add3A_798 : i32
      %mul3A_800 = arith.constant 40 : i32
      %mul3A_801 = arith.muli %add3A_799, %mul3A_800 : i32
      %dma_wait3A_802 = tpu.memref_slice %arg5[%mul3A_801] : memref<10000xi32, #tpu.memory_space<vmem>> -> memref<40xi32, #tpu.memory_space<vmem>>
      %dma_wait3A_803 = arith.constant 0 : i32
      %dma_wait3A_804 = arith.constant 0 : i32
      %dma_wait3A_805 = tpu.memref_slice %arg2[%dma_wait3A_803, %dma_wait3A_804] : memref<10000x128xf32, #tpu.memory_space<hbm>> -> memref<10000x128xf32, #tpu.memory_space<hbm>>
      tpu.wait_indirect_dma semaphore(%arg27 : memref<!tpu.dma_semaphore, #tpu.memory_space<semaphore_mem>>) src(%dma_wait3A_805 : memref<10000x128xf32, #tpu.memory_space<hbm>>) dst(%arg19 : memref<40x128xf32, #tpu.memory_space<vmem>>)
      %add3A_806 = arith.constant 320000 : i32
      %add3A_807 = arith.addi %add3A_806, %mul3A_2 : i32
      %mul3A_808 = arith.constant 40 : i32
      %mul3A_809 = arith.muli %add3A_799, %mul3A_808 : i32
      %add3A_810 = arith.addi %add3A_807, %mul3A_809 : i32
      %dma_wait3A_811 = tpu.memref_slice %arg3[%add3A_810] : memref<640000xi32, #tpu.memory_space<hbm>> -> memref<40xi32, #tpu.memory_space<hbm>>
      %dma_wait3A_812 = tpu.memref_slice %arg3[%add3A_810] : memref<640000xi32, #tpu.memory_space<hbm>> -> memref<40xi32, #tpu.memory_space<hbm>>
      tpu.wait_dma2 semaphore(%arg34 : memref<!tpu.dma_semaphore, #tpu.memory_space<semaphore_mem>>) src(%dma_wait3A_812 : memref<40xi32, #tpu.memory_space<hbm>>) dst(%arg12 : memref<40xi32, #tpu.memory_space<vmem>>)
      %dma_start3A_813 = arith.constant 0 : i32
      %dma_start3A_814 = arith.constant 0 : i32
      %dma_start3A_815 = tpu.memref_slice %arg20[%dma_start3A_813, %dma_start3A_814] : memref<10240x128xf32, #tpu.memory_space<vmem_shared>> -> memref<10240x128xf32, #tpu.memory_space<vmem_shared>>
      tpu.enqueue_indirect_dma source(%arg19 : memref<40x128xf32, #tpu.memory_space<vmem>>) target(%dma_start3A_815 : memref<10240x128xf32, #tpu.memory_space<vmem_shared>>) offsets(%arg12 : memref<40xi32, #tpu.memory_space<vmem>>) semaphore(%arg41 : memref<!tpu.dma_semaphore, #tpu.memory_space<semaphore_mem>>) {add = true}
      %dma_wait3A_816 = arith.constant 0 : i32
      %dma_wait3A_817 = arith.constant 0 : i32
      %dma_wait3A_818 = tpu.memref_slice %arg20[%dma_wait3A_816, %dma_wait3A_817] : memref<10240x128xf32, #tpu.memory_space<vmem_shared>> -> memref<10240x128xf32, #tpu.memory_space<vmem_shared>>
      tpu.wait_indirect_dma semaphore(%arg40 : memref<!tpu.dma_semaphore, #tpu.memory_space<semaphore_mem>>) src(%arg18 : memref<40x128xf32, #tpu.memory_space<vmem>>) dst(%dma_wait3A_818 : memref<10240x128xf32, #tpu.memory_space<vmem_shared>>)
      %add3A_819 = arith.constant 7 : i32
      %add3A_820 = arith.addi %add3A_799, %add3A_819 : i32
      %sub3A_821 = arith.constant 1 : i32
      %sub3A_822 = arith.subi %add3A_820, %sub3A_821 : i32
      %add3A_823 = arith.constant 320000 : i32
      %add3A_824 = arith.addi %add3A_823, %mul3A_2 : i32
      %mul3A_825 = arith.constant 40 : i32
      %mul3A_826 = arith.muli %sub3A_822, %mul3A_825 : i32
      %add3A_827 = arith.addi %add3A_824, %mul3A_826 : i32
      %dma_start3A_828 = tpu.memref_slice %arg3[%add3A_827] : memref<640000xi32, #tpu.memory_space<hbm>> -> memref<40xi32, #tpu.memory_space<hbm>>
      %dma_start3A_829 = tpu.memref_slice %arg3[%add3A_827] : memref<640000xi32, #tpu.memory_space<hbm>> -> memref<40xi32, #tpu.memory_space<hbm>>
      tpu.enqueue_dma source(%dma_start3A_829 : memref<40xi32, #tpu.memory_space<hbm>>) target(%arg11 : memref<40xi32, #tpu.memory_space<vmem>>) target_semaphore(%arg33 : memref<!tpu.dma_semaphore, #tpu.memory_space<semaphore_mem>>)
      %mul3A_830 = arith.constant 40 : i32
      %mul3A_831 = arith.muli %sub3A_822, %mul3A_830 : i32
      %dma_start3A_832 = tpu.memref_slice %arg5[%mul3A_831] : memref<10000xi32, #tpu.memory_space<vmem>> -> memref<40xi32, #tpu.memory_space<vmem>>
      %dma_start3A_833 = arith.constant 0 : i32
      %dma_start3A_834 = arith.constant 0 : i32
      %dma_start3A_835 = tpu.memref_slice %arg2[%dma_start3A_833, %dma_start3A_834] : memref<10000x128xf32, #tpu.memory_space<hbm>> -> memref<10000x128xf32, #tpu.memory_space<hbm>>
      tpu.enqueue_indirect_dma source(%dma_start3A_835 : memref<10000x128xf32, #tpu.memory_space<hbm>>) target(%arg18 : memref<40x128xf32, #tpu.memory_space<vmem>>) offsets(%dma_start3A_832 : memref<40xi32, #tpu.memory_space<vmem>>) semaphore(%arg26 : memref<!tpu.dma_semaphore, #tpu.memory_space<semaphore_mem>>)
    }
    %scan3A_286 = arith.constant 33 : i32
    %dma_wait3A_287 = arith.constant 9520 : i32
    %dma_wait3A_288 = tpu.memref_slice %arg5[%dma_wait3A_287] : memref<10000xi32, #tpu.memory_space<vmem>> -> memref<40xi32, #tpu.memory_space<vmem>>
    %dma_wait3A_289 = arith.constant 0 : i32
    %dma_wait3A_290 = arith.constant 0 : i32
    %dma_wait3A_291 = tpu.memref_slice %arg2[%dma_wait3A_289, %dma_wait3A_290] : memref<10000x128xf32, #tpu.memory_space<hbm>> -> memref<10000x128xf32, #tpu.memory_space<hbm>>
    tpu.wait_indirect_dma semaphore(%arg21 : memref<!tpu.dma_semaphore, #tpu.memory_space<semaphore_mem>>) src(%dma_wait3A_291 : memref<10000x128xf32, #tpu.memory_space<hbm>>) dst(%arg13 : memref<40x128xf32, #tpu.memory_space<vmem>>)
    %add3A_292 = arith.constant 320000 : i32
    %add3A_293 = arith.addi %add3A_292, %mul3A_2 : i32
    %add3A_294 = arith.constant 9520 : i32
    %add3A_295 = arith.addi %add3A_293, %add3A_294 : i32
    %dma_wait3A_296 = tpu.memref_slice %arg3[%add3A_295] : memref<640000xi32, #tpu.memory_space<hbm>> -> memref<40xi32, #tpu.memory_space<hbm>>
    %dma_wait3A_297 = tpu.memref_slice %arg3[%add3A_295] : memref<640000xi32, #tpu.memory_space<hbm>> -> memref<40xi32, #tpu.memory_space<hbm>>
    tpu.wait_dma2 semaphore(%arg28 : memref<!tpu.dma_semaphore, #tpu.memory_space<semaphore_mem>>) src(%dma_wait3A_297 : memref<40xi32, #tpu.memory_space<hbm>>) dst(%arg6 : memref<40xi32, #tpu.memory_space<vmem>>)
    %dma_start3A_298 = arith.constant 0 : i32
    %dma_start3A_299 = arith.constant 0 : i32
    %dma_start3A_300 = tpu.memref_slice %arg20[%dma_start3A_298, %dma_start3A_299] : memref<10240x128xf32, #tpu.memory_space<vmem_shared>> -> memref<10240x128xf32, #tpu.memory_space<vmem_shared>>
    tpu.enqueue_indirect_dma source(%arg13 : memref<40x128xf32, #tpu.memory_space<vmem>>) target(%dma_start3A_300 : memref<10240x128xf32, #tpu.memory_space<vmem_shared>>) offsets(%arg6 : memref<40xi32, #tpu.memory_space<vmem>>) semaphore(%arg35 : memref<!tpu.dma_semaphore, #tpu.memory_space<semaphore_mem>>) {add = true}
    %dma_wait3A_301 = arith.constant 0 : i32
    %dma_wait3A_302 = arith.constant 0 : i32
    %dma_wait3A_303 = tpu.memref_slice %arg20[%dma_wait3A_301, %dma_wait3A_302] : memref<10240x128xf32, #tpu.memory_space<vmem_shared>> -> memref<10240x128xf32, #tpu.memory_space<vmem_shared>>
    tpu.wait_indirect_dma semaphore(%arg41 : memref<!tpu.dma_semaphore, #tpu.memory_space<semaphore_mem>>) src(%arg19 : memref<40x128xf32, #tpu.memory_space<vmem>>) dst(%dma_wait3A_303 : memref<10240x128xf32, #tpu.memory_space<vmem_shared>>)
    %add3A_304 = arith.constant 320000 : i32
    %add3A_305 = arith.addi %add3A_304, %mul3A_2 : i32
    %add3A_306 = arith.constant 9760 : i32
    %add3A_307 = arith.addi %add3A_305, %add3A_306 : i32
    %dma_start3A_308 = tpu.memref_slice %arg3[%add3A_307] : memref<640000xi32, #tpu.memory_space<hbm>> -> memref<40xi32, #tpu.memory_space<hbm>>
    %dma_start3A_309 = tpu.memref_slice %arg3[%add3A_307] : memref<640000xi32, #tpu.memory_space<hbm>> -> memref<40xi32, #tpu.memory_space<hbm>>
    tpu.enqueue_dma source(%dma_start3A_309 : memref<40xi32, #tpu.memory_space<hbm>>) target(%arg12 : memref<40xi32, #tpu.memory_space<vmem>>) target_semaphore(%arg34 : memref<!tpu.dma_semaphore, #tpu.memory_space<semaphore_mem>>)
    %dma_start3A_310 = arith.constant 9760 : i32
    %dma_start3A_311 = tpu.memref_slice %arg5[%dma_start3A_310] : memref<10000xi32, #tpu.memory_space<vmem>> -> memref<40xi32, #tpu.memory_space<vmem>>
    %dma_start3A_312 = arith.constant 0 : i32
    %dma_start3A_313 = arith.constant 0 : i32
    %dma_start3A_314 = tpu.memref_slice %arg2[%dma_start3A_312, %dma_start3A_313] : memref<10000x128xf32, #tpu.memory_space<hbm>> -> memref<10000x128xf32, #tpu.memory_space<hbm>>
    tpu.enqueue_indirect_dma source(%dma_start3A_314 : memref<10000x128xf32, #tpu.memory_space<hbm>>) target(%arg19 : memref<40x128xf32, #tpu.memory_space<vmem>>) offsets(%dma_start3A_311 : memref<40xi32, #tpu.memory_space<vmem>>) semaphore(%arg27 : memref<!tpu.dma_semaphore, #tpu.memory_space<semaphore_mem>>)
    %dma_wait3A_315 = arith.constant 9560 : i32
    %dma_wait3A_316 = tpu.memref_slice %arg5[%dma_wait3A_315] : memref<10000xi32, #tpu.memory_space<vmem>> -> memref<40xi32, #tpu.memory_space<vmem>>
    %dma_wait3A_317 = arith.constant 0 : i32
    %dma_wait3A_318 = arith.constant 0 : i32
    %dma_wait3A_319 = tpu.memref_slice %arg2[%dma_wait3A_317, %dma_wait3A_318] : memref<10000x128xf32, #tpu.memory_space<hbm>> -> memref<10000x128xf32, #tpu.memory_space<hbm>>
    tpu.wait_indirect_dma semaphore(%arg22 : memref<!tpu.dma_semaphore, #tpu.memory_space<semaphore_mem>>) src(%dma_wait3A_319 : memref<10000x128xf32, #tpu.memory_space<hbm>>) dst(%arg14 : memref<40x128xf32, #tpu.memory_space<vmem>>)
    %add3A_320 = arith.constant 320000 : i32
    %add3A_321 = arith.addi %add3A_320, %mul3A_2 : i32
    %add3A_322 = arith.constant 9560 : i32
    %add3A_323 = arith.addi %add3A_321, %add3A_322 : i32
    %dma_wait3A_324 = tpu.memref_slice %arg3[%add3A_323] : memref<640000xi32, #tpu.memory_space<hbm>> -> memref<40xi32, #tpu.memory_space<hbm>>
    %dma_wait3A_325 = tpu.memref_slice %arg3[%add3A_323] : memref<640000xi32, #tpu.memory_space<hbm>> -> memref<40xi32, #tpu.memory_space<hbm>>
    tpu.wait_dma2 semaphore(%arg29 : memref<!tpu.dma_semaphore, #tpu.memory_space<semaphore_mem>>) src(%dma_wait3A_325 : memref<40xi32, #tpu.memory_space<hbm>>) dst(%arg7 : memref<40xi32, #tpu.memory_space<vmem>>)
    %dma_start3A_326 = arith.constant 0 : i32
    %dma_start3A_327 = arith.constant 0 : i32
    %dma_start3A_328 = tpu.memref_slice %arg20[%dma_start3A_326, %dma_start3A_327] : memref<10240x128xf32, #tpu.memory_space<vmem_shared>> -> memref<10240x128xf32, #tpu.memory_space<vmem_shared>>
    tpu.enqueue_indirect_dma source(%arg14 : memref<40x128xf32, #tpu.memory_space<vmem>>) target(%dma_start3A_328 : memref<10240x128xf32, #tpu.memory_space<vmem_shared>>) offsets(%arg7 : memref<40xi32, #tpu.memory_space<vmem>>) semaphore(%arg36 : memref<!tpu.dma_semaphore, #tpu.memory_space<semaphore_mem>>) {add = true}
    %dma_wait3A_329 = arith.constant 0 : i32
    %dma_wait3A_330 = arith.constant 0 : i32
    %dma_wait3A_331 = tpu.memref_slice %arg20[%dma_wait3A_329, %dma_wait3A_330] : memref<10240x128xf32, #tpu.memory_space<vmem_shared>> -> memref<10240x128xf32, #tpu.memory_space<vmem_shared>>
    tpu.wait_indirect_dma semaphore(%arg35 : memref<!tpu.dma_semaphore, #tpu.memory_space<semaphore_mem>>) src(%arg13 : memref<40x128xf32, #tpu.memory_space<vmem>>) dst(%dma_wait3A_331 : memref<10240x128xf32, #tpu.memory_space<vmem_shared>>)
    %add3A_332 = arith.constant 320000 : i32
    %add3A_333 = arith.addi %add3A_332, %mul3A_2 : i32
    %add3A_334 = arith.constant 9800 : i32
    %add3A_335 = arith.addi %add3A_333, %add3A_334 : i32
    %dma_start3A_336 = tpu.memref_slice %arg3[%add3A_335] : memref<640000xi32, #tpu.memory_space<hbm>> -> memref<40xi32, #tpu.memory_space<hbm>>
    %dma_start3A_337 = tpu.memref_slice %arg3[%add3A_335] : memref<640000xi32, #tpu.memory_space<hbm>> -> memref<40xi32, #tpu.memory_space<hbm>>
    tpu.enqueue_dma source(%dma_start3A_337 : memref<40xi32, #tpu.memory_space<hbm>>) target(%arg6 : memref<40xi32, #tpu.memory_space<vmem>>) target_semaphore(%arg28 : memref<!tpu.dma_semaphore, #tpu.memory_space<semaphore_mem>>)
    %dma_start3A_338 = arith.constant 9800 : i32
    %dma_start3A_339 = tpu.memref_slice %arg5[%dma_start3A_338] : memref<10000xi32, #tpu.memory_space<vmem>> -> memref<40xi32, #tpu.memory_space<vmem>>
    %dma_start3A_340 = arith.constant 0 : i32
    %dma_start3A_341 = arith.constant 0 : i32
    %dma_start3A_342 = tpu.memref_slice %arg2[%dma_start3A_340, %dma_start3A_341] : memref<10000x128xf32, #tpu.memory_space<hbm>> -> memref<10000x128xf32, #tpu.memory_space<hbm>>
    tpu.enqueue_indirect_dma source(%dma_start3A_342 : memref<10000x128xf32, #tpu.memory_space<hbm>>) target(%arg13 : memref<40x128xf32, #tpu.memory_space<vmem>>) offsets(%dma_start3A_339 : memref<40xi32, #tpu.memory_space<vmem>>) semaphore(%arg21 : memref<!tpu.dma_semaphore, #tpu.memory_space<semaphore_mem>>)
    %dma_wait3A_343 = arith.constant 9600 : i32
    %dma_wait3A_344 = tpu.memref_slice %arg5[%dma_wait3A_343] : memref<10000xi32, #tpu.memory_space<vmem>> -> memref<40xi32, #tpu.memory_space<vmem>>
    %dma_wait3A_345 = arith.constant 0 : i32
    %dma_wait3A_346 = arith.constant 0 : i32
    %dma_wait3A_347 = tpu.memref_slice %arg2[%dma_wait3A_345, %dma_wait3A_346] : memref<10000x128xf32, #tpu.memory_space<hbm>> -> memref<10000x128xf32, #tpu.memory_space<hbm>>
    tpu.wait_indirect_dma semaphore(%arg23 : memref<!tpu.dma_semaphore, #tpu.memory_space<semaphore_mem>>) src(%dma_wait3A_347 : memref<10000x128xf32, #tpu.memory_space<hbm>>) dst(%arg15 : memref<40x128xf32, #tpu.memory_space<vmem>>)
    %add3A_348 = arith.constant 320000 : i32
    %add3A_349 = arith.addi %add3A_348, %mul3A_2 : i32
    %add3A_350 = arith.constant 9600 : i32
    %add3A_351 = arith.addi %add3A_349, %add3A_350 : i32
    %dma_wait3A_352 = tpu.memref_slice %arg3[%add3A_351] : memref<640000xi32, #tpu.memory_space<hbm>> -> memref<40xi32, #tpu.memory_space<hbm>>
    %dma_wait3A_353 = tpu.memref_slice %arg3[%add3A_351] : memref<640000xi32, #tpu.memory_space<hbm>> -> memref<40xi32, #tpu.memory_space<hbm>>
    tpu.wait_dma2 semaphore(%arg30 : memref<!tpu.dma_semaphore, #tpu.memory_space<semaphore_mem>>) src(%dma_wait3A_353 : memref<40xi32, #tpu.memory_space<hbm>>) dst(%arg8 : memref<40xi32, #tpu.memory_space<vmem>>)
    %dma_start3A_354 = arith.constant 0 : i32
    %dma_start3A_355 = arith.constant 0 : i32
    %dma_start3A_356 = tpu.memref_slice %arg20[%dma_start3A_354, %dma_start3A_355] : memref<10240x128xf32, #tpu.memory_space<vmem_shared>> -> memref<10240x128xf32, #tpu.memory_space<vmem_shared>>
    tpu.enqueue_indirect_dma source(%arg15 : memref<40x128xf32, #tpu.memory_space<vmem>>) target(%dma_start3A_356 : memref<10240x128xf32, #tpu.memory_space<vmem_shared>>) offsets(%arg8 : memref<40xi32, #tpu.memory_space<vmem>>) semaphore(%arg37 : memref<!tpu.dma_semaphore, #tpu.memory_space<semaphore_mem>>) {add = true}
    %dma_wait3A_357 = arith.constant 0 : i32
    %dma_wait3A_358 = arith.constant 0 : i32
    %dma_wait3A_359 = tpu.memref_slice %arg20[%dma_wait3A_357, %dma_wait3A_358] : memref<10240x128xf32, #tpu.memory_space<vmem_shared>> -> memref<10240x128xf32, #tpu.memory_space<vmem_shared>>
    tpu.wait_indirect_dma semaphore(%arg36 : memref<!tpu.dma_semaphore, #tpu.memory_space<semaphore_mem>>) src(%arg14 : memref<40x128xf32, #tpu.memory_space<vmem>>) dst(%dma_wait3A_359 : memref<10240x128xf32, #tpu.memory_space<vmem_shared>>)
    %add3A_360 = arith.constant 320000 : i32
    %add3A_361 = arith.addi %add3A_360, %mul3A_2 : i32
    %add3A_362 = arith.constant 9840 : i32
    %add3A_363 = arith.addi %add3A_361, %add3A_362 : i32
    %dma_start3A_364 = tpu.memref_slice %arg3[%add3A_363] : memref<640000xi32, #tpu.memory_space<hbm>> -> memref<40xi32, #tpu.memory_space<hbm>>
    %dma_start3A_365 = tpu.memref_slice %arg3[%add3A_363] : memref<640000xi32, #tpu.memory_space<hbm>> -> memref<40xi32, #tpu.memory_space<hbm>>
    tpu.enqueue_dma source(%dma_start3A_365 : memref<40xi32, #tpu.memory_space<hbm>>) target(%arg7 : memref<40xi32, #tpu.memory_space<vmem>>) target_semaphore(%arg29 : memref<!tpu.dma_semaphore, #tpu.memory_space<semaphore_mem>>)
    %dma_start3A_366 = arith.constant 9840 : i32
    %dma_start3A_367 = tpu.memref_slice %arg5[%dma_start3A_366] : memref<10000xi32, #tpu.memory_space<vmem>> -> memref<40xi32, #tpu.memory_space<vmem>>
    %dma_start3A_368 = arith.constant 0 : i32
    %dma_start3A_369 = arith.constant 0 : i32
    %dma_start3A_370 = tpu.memref_slice %arg2[%dma_start3A_368, %dma_start3A_369] : memref<10000x128xf32, #tpu.memory_space<hbm>> -> memref<10000x128xf32, #tpu.memory_space<hbm>>
    tpu.enqueue_indirect_dma source(%dma_start3A_370 : memref<10000x128xf32, #tpu.memory_space<hbm>>) target(%arg14 : memref<40x128xf32, #tpu.memory_space<vmem>>) offsets(%dma_start3A_367 : memref<40xi32, #tpu.memory_space<vmem>>) semaphore(%arg22 : memref<!tpu.dma_semaphore, #tpu.memory_space<semaphore_mem>>)
    %dma_wait3A_371 = arith.constant 9640 : i32
    %dma_wait3A_372 = tpu.memref_slice %arg5[%dma_wait3A_371] : memref<10000xi32, #tpu.memory_space<vmem>> -> memref<40xi32, #tpu.memory_space<vmem>>
    %dma_wait3A_373 = arith.constant 0 : i32
    %dma_wait3A_374 = arith.constant 0 : i32
    %dma_wait3A_375 = tpu.memref_slice %arg2[%dma_wait3A_373, %dma_wait3A_374] : memref<10000x128xf32, #tpu.memory_space<hbm>> -> memref<10000x128xf32, #tpu.memory_space<hbm>>
    tpu.wait_indirect_dma semaphore(%arg24 : memref<!tpu.dma_semaphore, #tpu.memory_space<semaphore_mem>>) src(%dma_wait3A_375 : memref<10000x128xf32, #tpu.memory_space<hbm>>) dst(%arg16 : memref<40x128xf32, #tpu.memory_space<vmem>>)
    %add3A_376 = arith.constant 320000 : i32
    %add3A_377 = arith.addi %add3A_376, %mul3A_2 : i32
    %add3A_378 = arith.constant 9640 : i32
    %add3A_379 = arith.addi %add3A_377, %add3A_378 : i32
    %dma_wait3A_380 = tpu.memref_slice %arg3[%add3A_379] : memref<640000xi32, #tpu.memory_space<hbm>> -> memref<40xi32, #tpu.memory_space<hbm>>
    %dma_wait3A_381 = tpu.memref_slice %arg3[%add3A_379] : memref<640000xi32, #tpu.memory_space<hbm>> -> memref<40xi32, #tpu.memory_space<hbm>>
    tpu.wait_dma2 semaphore(%arg31 : memref<!tpu.dma_semaphore, #tpu.memory_space<semaphore_mem>>) src(%dma_wait3A_381 : memref<40xi32, #tpu.memory_space<hbm>>) dst(%arg9 : memref<40xi32, #tpu.memory_space<vmem>>)
    %dma_start3A_382 = arith.constant 0 : i32
    %dma_start3A_383 = arith.constant 0 : i32
    %dma_start3A_384 = tpu.memref_slice %arg20[%dma_start3A_382, %dma_start3A_383] : memref<10240x128xf32, #tpu.memory_space<vmem_shared>> -> memref<10240x128xf32, #tpu.memory_space<vmem_shared>>
    tpu.enqueue_indirect_dma source(%arg16 : memref<40x128xf32, #tpu.memory_space<vmem>>) target(%dma_start3A_384 : memref<10240x128xf32, #tpu.memory_space<vmem_shared>>) offsets(%arg9 : memref<40xi32, #tpu.memory_space<vmem>>) semaphore(%arg38 : memref<!tpu.dma_semaphore, #tpu.memory_space<semaphore_mem>>) {add = true}
    %dma_wait3A_385 = arith.constant 0 : i32
    %dma_wait3A_386 = arith.constant 0 : i32
    %dma_wait3A_387 = tpu.memref_slice %arg20[%dma_wait3A_385, %dma_wait3A_386] : memref<10240x128xf32, #tpu.memory_space<vmem_shared>> -> memref<10240x128xf32, #tpu.memory_space<vmem_shared>>
    tpu.wait_indirect_dma semaphore(%arg37 : memref<!tpu.dma_semaphore, #tpu.memory_space<semaphore_mem>>) src(%arg15 : memref<40x128xf32, #tpu.memory_space<vmem>>) dst(%dma_wait3A_387 : memref<10240x128xf32, #tpu.memory_space<vmem_shared>>)
    %add3A_388 = arith.constant 320000 : i32
    %add3A_389 = arith.addi %add3A_388, %mul3A_2 : i32
    %add3A_390 = arith.constant 9880 : i32
    %add3A_391 = arith.addi %add3A_389, %add3A_390 : i32
    %dma_start3A_392 = tpu.memref_slice %arg3[%add3A_391] : memref<640000xi32, #tpu.memory_space<hbm>> -> memref<40xi32, #tpu.memory_space<hbm>>
    %dma_start3A_393 = tpu.memref_slice %arg3[%add3A_391] : memref<640000xi32, #tpu.memory_space<hbm>> -> memref<40xi32, #tpu.memory_space<hbm>>
    tpu.enqueue_dma source(%dma_start3A_393 : memref<40xi32, #tpu.memory_space<hbm>>) target(%arg8 : memref<40xi32, #tpu.memory_space<vmem>>) target_semaphore(%arg30 : memref<!tpu.dma_semaphore, #tpu.memory_space<semaphore_mem>>)
    %dma_start3A_394 = arith.constant 9880 : i32
    %dma_start3A_395 = tpu.memref_slice %arg5[%dma_start3A_394] : memref<10000xi32, #tpu.memory_space<vmem>> -> memref<40xi32, #tpu.memory_space<vmem>>
    %dma_start3A_396 = arith.constant 0 : i32
    %dma_start3A_397 = arith.constant 0 : i32
    %dma_start3A_398 = tpu.memref_slice %arg2[%dma_start3A_396, %dma_start3A_397] : memref<10000x128xf32, #tpu.memory_space<hbm>> -> memref<10000x128xf32, #tpu.memory_space<hbm>>
    tpu.enqueue_indirect_dma source(%dma_start3A_398 : memref<10000x128xf32, #tpu.memory_space<hbm>>) target(%arg15 : memref<40x128xf32, #tpu.memory_space<vmem>>) offsets(%dma_start3A_395 : memref<40xi32, #tpu.memory_space<vmem>>) semaphore(%arg23 : memref<!tpu.dma_semaphore, #tpu.memory_space<semaphore_mem>>)
    %dma_wait3A_399 = arith.constant 9680 : i32
    %dma_wait3A_400 = tpu.memref_slice %arg5[%dma_wait3A_399] : memref<10000xi32, #tpu.memory_space<vmem>> -> memref<40xi32, #tpu.memory_space<vmem>>
    %dma_wait3A_401 = arith.constant 0 : i32
    %dma_wait3A_402 = arith.constant 0 : i32
    %dma_wait3A_403 = tpu.memref_slice %arg2[%dma_wait3A_401, %dma_wait3A_402] : memref<10000x128xf32, #tpu.memory_space<hbm>> -> memref<10000x128xf32, #tpu.memory_space<hbm>>
    tpu.wait_indirect_dma semaphore(%arg25 : memref<!tpu.dma_semaphore, #tpu.memory_space<semaphore_mem>>) src(%dma_wait3A_403 : memref<10000x128xf32, #tpu.memory_space<hbm>>) dst(%arg17 : memref<40x128xf32, #tpu.memory_space<vmem>>)
    %add3A_404 = arith.constant 320000 : i32
    %add3A_405 = arith.addi %add3A_404, %mul3A_2 : i32
    %add3A_406 = arith.constant 9680 : i32
    %add3A_407 = arith.addi %add3A_405, %add3A_406 : i32
    %dma_wait3A_408 = tpu.memref_slice %arg3[%add3A_407] : memref<640000xi32, #tpu.memory_space<hbm>> -> memref<40xi32, #tpu.memory_space<hbm>>
    %dma_wait3A_409 = tpu.memref_slice %arg3[%add3A_407] : memref<640000xi32, #tpu.memory_space<hbm>> -> memref<40xi32, #tpu.memory_space<hbm>>
    tpu.wait_dma2 semaphore(%arg32 : memref<!tpu.dma_semaphore, #tpu.memory_space<semaphore_mem>>) src(%dma_wait3A_409 : memref<40xi32, #tpu.memory_space<hbm>>) dst(%arg10 : memref<40xi32, #tpu.memory_space<vmem>>)
    %dma_start3A_410 = arith.constant 0 : i32
    %dma_start3A_411 = arith.constant 0 : i32
    %dma_start3A_412 = tpu.memref_slice %arg20[%dma_start3A_410, %dma_start3A_411] : memref<10240x128xf32, #tpu.memory_space<vmem_shared>> -> memref<10240x128xf32, #tpu.memory_space<vmem_shared>>
    tpu.enqueue_indirect_dma source(%arg17 : memref<40x128xf32, #tpu.memory_space<vmem>>) target(%dma_start3A_412 : memref<10240x128xf32, #tpu.memory_space<vmem_shared>>) offsets(%arg10 : memref<40xi32, #tpu.memory_space<vmem>>) semaphore(%arg39 : memref<!tpu.dma_semaphore, #tpu.memory_space<semaphore_mem>>) {add = true}
    %dma_wait3A_413 = arith.constant 0 : i32
    %dma_wait3A_414 = arith.constant 0 : i32
    %dma_wait3A_415 = tpu.memref_slice %arg20[%dma_wait3A_413, %dma_wait3A_414] : memref<10240x128xf32, #tpu.memory_space<vmem_shared>> -> memref<10240x128xf32, #tpu.memory_space<vmem_shared>>
    tpu.wait_indirect_dma semaphore(%arg38 : memref<!tpu.dma_semaphore, #tpu.memory_space<semaphore_mem>>) src(%arg16 : memref<40x128xf32, #tpu.memory_space<vmem>>) dst(%dma_wait3A_415 : memref<10240x128xf32, #tpu.memory_space<vmem_shared>>)
    %add3A_416 = arith.constant 320000 : i32
    %add3A_417 = arith.addi %add3A_416, %mul3A_2 : i32
    %add3A_418 = arith.constant 9920 : i32
    %add3A_419 = arith.addi %add3A_417, %add3A_418 : i32
    %dma_start3A_420 = tpu.memref_slice %arg3[%add3A_419] : memref<640000xi32, #tpu.memory_space<hbm>> -> memref<40xi32, #tpu.memory_space<hbm>>
    %dma_start3A_421 = tpu.memref_slice %arg3[%add3A_419] : memref<640000xi32, #tpu.memory_space<hbm>> -> memref<40xi32, #tpu.memory_space<hbm>>
    tpu.enqueue_dma source(%dma_start3A_421 : memref<40xi32, #tpu.memory_space<hbm>>) target(%arg9 : memref<40xi32, #tpu.memory_space<vmem>>) target_semaphore(%arg31 : memref<!tpu.dma_semaphore, #tpu.memory_space<semaphore_mem>>)
    %dma_start3A_422 = arith.constant 9920 : i32
    %dma_start3A_423 = tpu.memref_slice %arg5[%dma_start3A_422] : memref<10000xi32, #tpu.memory_space<vmem>> -> memref<40xi32, #tpu.memory_space<vmem>>
    %dma_start3A_424 = arith.constant 0 : i32
    %dma_start3A_425 = arith.constant 0 : i32
    %dma_start3A_426 = tpu.memref_slice %arg2[%dma_start3A_424, %dma_start3A_425] : memref<10000x128xf32, #tpu.memory_space<hbm>> -> memref<10000x128xf32, #tpu.memory_space<hbm>>
    tpu.enqueue_indirect_dma source(%dma_start3A_426 : memref<10000x128xf32, #tpu.memory_space<hbm>>) target(%arg16 : memref<40x128xf32, #tpu.memory_space<vmem>>) offsets(%dma_start3A_423 : memref<40xi32, #tpu.memory_space<vmem>>) semaphore(%arg24 : memref<!tpu.dma_semaphore, #tpu.memory_space<semaphore_mem>>)
    %dma_wait3A_427 = arith.constant 9720 : i32
    %dma_wait3A_428 = tpu.memref_slice %arg5[%dma_wait3A_427] : memref<10000xi32, #tpu.memory_space<vmem>> -> memref<40xi32, #tpu.memory_space<vmem>>
    %dma_wait3A_429 = arith.constant 0 : i32
    %dma_wait3A_430 = arith.constant 0 : i32
    %dma_wait3A_431 = tpu.memref_slice %arg2[%dma_wait3A_429, %dma_wait3A_430] : memref<10000x128xf32, #tpu.memory_space<hbm>> -> memref<10000x128xf32, #tpu.memory_space<hbm>>
    tpu.wait_indirect_dma semaphore(%arg26 : memref<!tpu.dma_semaphore, #tpu.memory_space<semaphore_mem>>) src(%dma_wait3A_431 : memref<10000x128xf32, #tpu.memory_space<hbm>>) dst(%arg18 : memref<40x128xf32, #tpu.memory_space<vmem>>)
    %add3A_432 = arith.constant 320000 : i32
    %add3A_433 = arith.addi %add3A_432, %mul3A_2 : i32
    %add3A_434 = arith.constant 9720 : i32
    %add3A_435 = arith.addi %add3A_433, %add3A_434 : i32
    %dma_wait3A_436 = tpu.memref_slice %arg3[%add3A_435] : memref<640000xi32, #tpu.memory_space<hbm>> -> memref<40xi32, #tpu.memory_space<hbm>>
    %dma_wait3A_437 = tpu.memref_slice %arg3[%add3A_435] : memref<640000xi32, #tpu.memory_space<hbm>> -> memref<40xi32, #tpu.memory_space<hbm>>
    tpu.wait_dma2 semaphore(%arg33 : memref<!tpu.dma_semaphore, #tpu.memory_space<semaphore_mem>>) src(%dma_wait3A_437 : memref<40xi32, #tpu.memory_space<hbm>>) dst(%arg11 : memref<40xi32, #tpu.memory_space<vmem>>)
    %dma_start3A_438 = arith.constant 0 : i32
    %dma_start3A_439 = arith.constant 0 : i32
    %dma_start3A_440 = tpu.memref_slice %arg20[%dma_start3A_438, %dma_start3A_439] : memref<10240x128xf32, #tpu.memory_space<vmem_shared>> -> memref<10240x128xf32, #tpu.memory_space<vmem_shared>>
    tpu.enqueue_indirect_dma source(%arg18 : memref<40x128xf32, #tpu.memory_space<vmem>>) target(%dma_start3A_440 : memref<10240x128xf32, #tpu.memory_space<vmem_shared>>) offsets(%arg11 : memref<40xi32, #tpu.memory_space<vmem>>) semaphore(%arg40 : memref<!tpu.dma_semaphore, #tpu.memory_space<semaphore_mem>>) {add = true}
    %dma_wait3A_441 = arith.constant 0 : i32
    %dma_wait3A_442 = arith.constant 0 : i32
    %dma_wait3A_443 = tpu.memref_slice %arg20[%dma_wait3A_441, %dma_wait3A_442] : memref<10240x128xf32, #tpu.memory_space<vmem_shared>> -> memref<10240x128xf32, #tpu.memory_space<vmem_shared>>
    tpu.wait_indirect_dma semaphore(%arg39 : memref<!tpu.dma_semaphore, #tpu.memory_space<semaphore_mem>>) src(%arg17 : memref<40x128xf32, #tpu.memory_space<vmem>>) dst(%dma_wait3A_443 : memref<10240x128xf32, #tpu.memory_space<vmem_shared>>)
    %add3A_444 = arith.constant 320000 : i32
    %add3A_445 = arith.addi %add3A_444, %mul3A_2 : i32
    %add3A_446 = arith.constant 9960 : i32
    %add3A_447 = arith.addi %add3A_445, %add3A_446 : i32
    %dma_start3A_448 = tpu.memref_slice %arg3[%add3A_447] : memref<640000xi32, #tpu.memory_space<hbm>> -> memref<40xi32, #tpu.memory_space<hbm>>
    %dma_start3A_449 = tpu.memref_slice %arg3[%add3A_447] : memref<640000xi32, #tpu.memory_space<hbm>> -> memref<40xi32, #tpu.memory_space<hbm>>
    tpu.enqueue_dma source(%dma_start3A_449 : memref<40xi32, #tpu.memory_space<hbm>>) target(%arg10 : memref<40xi32, #tpu.memory_space<vmem>>) target_semaphore(%arg32 : memref<!tpu.dma_semaphore, #tpu.memory_space<semaphore_mem>>)
    %dma_start3A_450 = arith.constant 9960 : i32
    %dma_start3A_451 = tpu.memref_slice %arg5[%dma_start3A_450] : memref<10000xi32, #tpu.memory_space<vmem>> -> memref<40xi32, #tpu.memory_space<vmem>>
    %dma_start3A_452 = arith.constant 0 : i32
    %dma_start3A_453 = arith.constant 0 : i32
    %dma_start3A_454 = tpu.memref_slice %arg2[%dma_start3A_452, %dma_start3A_453] : memref<10000x128xf32, #tpu.memory_space<hbm>> -> memref<10000x128xf32, #tpu.memory_space<hbm>>
    tpu.enqueue_indirect_dma source(%dma_start3A_454 : memref<10000x128xf32, #tpu.memory_space<hbm>>) target(%arg17 : memref<40x128xf32, #tpu.memory_space<vmem>>) offsets(%dma_start3A_451 : memref<40xi32, #tpu.memory_space<vmem>>) semaphore(%arg25 : memref<!tpu.dma_semaphore, #tpu.memory_space<semaphore_mem>>)
    %dma_wait3A_455 = arith.constant 9760 : i32
    %dma_wait3A_456 = tpu.memref_slice %arg5[%dma_wait3A_455] : memref<10000xi32, #tpu.memory_space<vmem>> -> memref<40xi32, #tpu.memory_space<vmem>>
    %dma_wait3A_457 = arith.constant 0 : i32
    %dma_wait3A_458 = arith.constant 0 : i32
    %dma_wait3A_459 = tpu.memref_slice %arg2[%dma_wait3A_457, %dma_wait3A_458] : memref<10000x128xf32, #tpu.memory_space<hbm>> -> memref<10000x128xf32, #tpu.memory_space<hbm>>
    tpu.wait_indirect_dma semaphore(%arg27 : memref<!tpu.dma_semaphore, #tpu.memory_space<semaphore_mem>>) src(%dma_wait3A_459 : memref<10000x128xf32, #tpu.memory_space<hbm>>) dst(%arg19 : memref<40x128xf32, #tpu.memory_space<vmem>>)
    %add3A_460 = arith.constant 320000 : i32
    %add3A_461 = arith.addi %add3A_460, %mul3A_2 : i32
    %add3A_462 = arith.constant 9760 : i32
    %add3A_463 = arith.addi %add3A_461, %add3A_462 : i32
    %dma_wait3A_464 = tpu.memref_slice %arg3[%add3A_463] : memref<640000xi32, #tpu.memory_space<hbm>> -> memref<40xi32, #tpu.memory_space<hbm>>
    %dma_wait3A_465 = tpu.memref_slice %arg3[%add3A_463] : memref<640000xi32, #tpu.memory_space<hbm>> -> memref<40xi32, #tpu.memory_space<hbm>>
    tpu.wait_dma2 semaphore(%arg34 : memref<!tpu.dma_semaphore, #tpu.memory_space<semaphore_mem>>) src(%dma_wait3A_465 : memref<40xi32, #tpu.memory_space<hbm>>) dst(%arg12 : memref<40xi32, #tpu.memory_space<vmem>>)
    %dma_start3A_466 = arith.constant 0 : i32
    %dma_start3A_467 = arith.constant 0 : i32
    %dma_start3A_468 = tpu.memref_slice %arg20[%dma_start3A_466, %dma_start3A_467] : memref<10240x128xf32, #tpu.memory_space<vmem_shared>> -> memref<10240x128xf32, #tpu.memory_space<vmem_shared>>
    tpu.enqueue_indirect_dma source(%arg19 : memref<40x128xf32, #tpu.memory_space<vmem>>) target(%dma_start3A_468 : memref<10240x128xf32, #tpu.memory_space<vmem_shared>>) offsets(%arg12 : memref<40xi32, #tpu.memory_space<vmem>>) semaphore(%arg41 : memref<!tpu.dma_semaphore, #tpu.memory_space<semaphore_mem>>) {add = true}
    %dma_wait3A_469 = arith.constant 0 : i32
    %dma_wait3A_470 = arith.constant 0 : i32
    %dma_wait3A_471 = tpu.memref_slice %arg20[%dma_wait3A_469, %dma_wait3A_470] : memref<10240x128xf32, #tpu.memory_space<vmem_shared>> -> memref<10240x128xf32, #tpu.memory_space<vmem_shared>>
    tpu.wait_indirect_dma semaphore(%arg40 : memref<!tpu.dma_semaphore, #tpu.memory_space<semaphore_mem>>) src(%arg18 : memref<40x128xf32, #tpu.memory_space<vmem>>) dst(%dma_wait3A_471 : memref<10240x128xf32, #tpu.memory_space<vmem_shared>>)
    %dma_wait3A_472 = arith.constant 9800 : i32
    %dma_wait3A_473 = tpu.memref_slice %arg5[%dma_wait3A_472] : memref<10000xi32, #tpu.memory_space<vmem>> -> memref<40xi32, #tpu.memory_space<vmem>>
    %dma_wait3A_474 = arith.constant 0 : i32
    %dma_wait3A_475 = arith.constant 0 : i32
    %dma_wait3A_476 = tpu.memref_slice %arg2[%dma_wait3A_474, %dma_wait3A_475] : memref<10000x128xf32, #tpu.memory_space<hbm>> -> memref<10000x128xf32, #tpu.memory_space<hbm>>
    tpu.wait_indirect_dma semaphore(%arg21 : memref<!tpu.dma_semaphore, #tpu.memory_space<semaphore_mem>>) src(%dma_wait3A_476 : memref<10000x128xf32, #tpu.memory_space<hbm>>) dst(%arg13 : memref<40x128xf32, #tpu.memory_space<vmem>>)
    %add3A_477 = arith.constant 320000 : i32
    %add3A_478 = arith.addi %add3A_477, %mul3A_2 : i32
    %add3A_479 = arith.constant 9800 : i32
    %add3A_480 = arith.addi %add3A_478, %add3A_479 : i32
    %dma_wait3A_481 = tpu.memref_slice %arg3[%add3A_480] : memref<640000xi32, #tpu.memory_space<hbm>> -> memref<40xi32, #tpu.memory_space<hbm>>
    %dma_wait3A_482 = tpu.memref_slice %arg3[%add3A_480] : memref<640000xi32, #tpu.memory_space<hbm>> -> memref<40xi32, #tpu.memory_space<hbm>>
    tpu.wait_dma2 semaphore(%arg28 : memref<!tpu.dma_semaphore, #tpu.memory_space<semaphore_mem>>) src(%dma_wait3A_482 : memref<40xi32, #tpu.memory_space<hbm>>) dst(%arg6 : memref<40xi32, #tpu.memory_space<vmem>>)
    %dma_start3A_483 = arith.constant 0 : i32
    %dma_start3A_484 = arith.constant 0 : i32
    %dma_start3A_485 = tpu.memref_slice %arg20[%dma_start3A_483, %dma_start3A_484] : memref<10240x128xf32, #tpu.memory_space<vmem_shared>> -> memref<10240x128xf32, #tpu.memory_space<vmem_shared>>
    tpu.enqueue_indirect_dma source(%arg13 : memref<40x128xf32, #tpu.memory_space<vmem>>) target(%dma_start3A_485 : memref<10240x128xf32, #tpu.memory_space<vmem_shared>>) offsets(%arg6 : memref<40xi32, #tpu.memory_space<vmem>>) semaphore(%arg35 : memref<!tpu.dma_semaphore, #tpu.memory_space<semaphore_mem>>) {add = true}
    %dma_wait3A_486 = arith.constant 0 : i32
    %dma_wait3A_487 = arith.constant 0 : i32
    %dma_wait3A_488 = tpu.memref_slice %arg20[%dma_wait3A_486, %dma_wait3A_487] : memref<10240x128xf32, #tpu.memory_space<vmem_shared>> -> memref<10240x128xf32, #tpu.memory_space<vmem_shared>>
    tpu.wait_indirect_dma semaphore(%arg41 : memref<!tpu.dma_semaphore, #tpu.memory_space<semaphore_mem>>) src(%arg19 : memref<40x128xf32, #tpu.memory_space<vmem>>) dst(%dma_wait3A_488 : memref<10240x128xf32, #tpu.memory_space<vmem_shared>>)
    %dma_wait3A_489 = arith.constant 9840 : i32
    %dma_wait3A_490 = tpu.memref_slice %arg5[%dma_wait3A_489] : memref<10000xi32, #tpu.memory_space<vmem>> -> memref<40xi32, #tpu.memory_space<vmem>>
    %dma_wait3A_491 = arith.constant 0 : i32
    %dma_wait3A_492 = arith.constant 0 : i32
    %dma_wait3A_493 = tpu.memref_slice %arg2[%dma_wait3A_491, %dma_wait3A_492] : memref<10000x128xf32, #tpu.memory_space<hbm>> -> memref<10000x128xf32, #tpu.memory_space<hbm>>
    tpu.wait_indirect_dma semaphore(%arg22 : memref<!tpu.dma_semaphore, #tpu.memory_space<semaphore_mem>>) src(%dma_wait3A_493 : memref<10000x128xf32, #tpu.memory_space<hbm>>) dst(%arg14 : memref<40x128xf32, #tpu.memory_space<vmem>>)
    %add3A_494 = arith.constant 320000 : i32
    %add3A_495 = arith.addi %add3A_494, %mul3A_2 : i32
    %add3A_496 = arith.constant 9840 : i32
    %add3A_497 = arith.addi %add3A_495, %add3A_496 : i32
    %dma_wait3A_498 = tpu.memref_slice %arg3[%add3A_497] : memref<640000xi32, #tpu.memory_space<hbm>> -> memref<40xi32, #tpu.memory_space<hbm>>
    %dma_wait3A_499 = tpu.memref_slice %arg3[%add3A_497] : memref<640000xi32, #tpu.memory_space<hbm>> -> memref<40xi32, #tpu.memory_space<hbm>>
    tpu.wait_dma2 semaphore(%arg29 : memref<!tpu.dma_semaphore, #tpu.memory_space<semaphore_mem>>) src(%dma_wait3A_499 : memref<40xi32, #tpu.memory_space<hbm>>) dst(%arg7 : memref<40xi32, #tpu.memory_space<vmem>>)
    %dma_start3A_500 = arith.constant 0 : i32
    %dma_start3A_501 = arith.constant 0 : i32
    %dma_start3A_502 = tpu.memref_slice %arg20[%dma_start3A_500, %dma_start3A_501] : memref<10240x128xf32, #tpu.memory_space<vmem_shared>> -> memref<10240x128xf32, #tpu.memory_space<vmem_shared>>
    tpu.enqueue_indirect_dma source(%arg14 : memref<40x128xf32, #tpu.memory_space<vmem>>) target(%dma_start3A_502 : memref<10240x128xf32, #tpu.memory_space<vmem_shared>>) offsets(%arg7 : memref<40xi32, #tpu.memory_space<vmem>>) semaphore(%arg36 : memref<!tpu.dma_semaphore, #tpu.memory_space<semaphore_mem>>) {add = true}
    %dma_wait3A_503 = arith.constant 0 : i32
    %dma_wait3A_504 = arith.constant 0 : i32
    %dma_wait3A_505 = tpu.memref_slice %arg20[%dma_wait3A_503, %dma_wait3A_504] : memref<10240x128xf32, #tpu.memory_space<vmem_shared>> -> memref<10240x128xf32, #tpu.memory_space<vmem_shared>>
    tpu.wait_indirect_dma semaphore(%arg35 : memref<!tpu.dma_semaphore, #tpu.memory_space<semaphore_mem>>) src(%arg13 : memref<40x128xf32, #tpu.memory_space<vmem>>) dst(%dma_wait3A_505 : memref<10240x128xf32, #tpu.memory_space<vmem_shared>>)
    %dma_wait3A_506 = arith.constant 9880 : i32
    %dma_wait3A_507 = tpu.memref_slice %arg5[%dma_wait3A_506] : memref<10000xi32, #tpu.memory_space<vmem>> -> memref<40xi32, #tpu.memory_space<vmem>>
    %dma_wait3A_508 = arith.constant 0 : i32
    %dma_wait3A_509 = arith.constant 0 : i32
    %dma_wait3A_510 = tpu.memref_slice %arg2[%dma_wait3A_508, %dma_wait3A_509] : memref<10000x128xf32, #tpu.memory_space<hbm>> -> memref<10000x128xf32, #tpu.memory_space<hbm>>
    tpu.wait_indirect_dma semaphore(%arg23 : memref<!tpu.dma_semaphore, #tpu.memory_space<semaphore_mem>>) src(%dma_wait3A_510 : memref<10000x128xf32, #tpu.memory_space<hbm>>) dst(%arg15 : memref<40x128xf32, #tpu.memory_space<vmem>>)
    %add3A_511 = arith.constant 320000 : i32
    %add3A_512 = arith.addi %add3A_511, %mul3A_2 : i32
    %add3A_513 = arith.constant 9880 : i32
    %add3A_514 = arith.addi %add3A_512, %add3A_513 : i32
    %dma_wait3A_515 = tpu.memref_slice %arg3[%add3A_514] : memref<640000xi32, #tpu.memory_space<hbm>> -> memref<40xi32, #tpu.memory_space<hbm>>
    %dma_wait3A_516 = tpu.memref_slice %arg3[%add3A_514] : memref<640000xi32, #tpu.memory_space<hbm>> -> memref<40xi32, #tpu.memory_space<hbm>>
    tpu.wait_dma2 semaphore(%arg30 : memref<!tpu.dma_semaphore, #tpu.memory_space<semaphore_mem>>) src(%dma_wait3A_516 : memref<40xi32, #tpu.memory_space<hbm>>) dst(%arg8 : memref<40xi32, #tpu.memory_space<vmem>>)
    %dma_start3A_517 = arith.constant 0 : i32
    %dma_start3A_518 = arith.constant 0 : i32
    %dma_start3A_519 = tpu.memref_slice %arg20[%dma_start3A_517, %dma_start3A_518] : memref<10240x128xf32, #tpu.memory_space<vmem_shared>> -> memref<10240x128xf32, #tpu.memory_space<vmem_shared>>
    tpu.enqueue_indirect_dma source(%arg15 : memref<40x128xf32, #tpu.memory_space<vmem>>) target(%dma_start3A_519 : memref<10240x128xf32, #tpu.memory_space<vmem_shared>>) offsets(%arg8 : memref<40xi32, #tpu.memory_space<vmem>>) semaphore(%arg37 : memref<!tpu.dma_semaphore, #tpu.memory_space<semaphore_mem>>) {add = true}
    %dma_wait3A_520 = arith.constant 0 : i32
    %dma_wait3A_521 = arith.constant 0 : i32
    %dma_wait3A_522 = tpu.memref_slice %arg20[%dma_wait3A_520, %dma_wait3A_521] : memref<10240x128xf32, #tpu.memory_space<vmem_shared>> -> memref<10240x128xf32, #tpu.memory_space<vmem_shared>>
    tpu.wait_indirect_dma semaphore(%arg36 : memref<!tpu.dma_semaphore, #tpu.memory_space<semaphore_mem>>) src(%arg14 : memref<40x128xf32, #tpu.memory_space<vmem>>) dst(%dma_wait3A_522 : memref<10240x128xf32, #tpu.memory_space<vmem_shared>>)
    %dma_wait3A_523 = arith.constant 9920 : i32
    %dma_wait3A_524 = tpu.memref_slice %arg5[%dma_wait3A_523] : memref<10000xi32, #tpu.memory_space<vmem>> -> memref<40xi32, #tpu.memory_space<vmem>>
    %dma_wait3A_525 = arith.constant 0 : i32
    %dma_wait3A_526 = arith.constant 0 : i32
    %dma_wait3A_527 = tpu.memref_slice %arg2[%dma_wait3A_525, %dma_wait3A_526] : memref<10000x128xf32, #tpu.memory_space<hbm>> -> memref<10000x128xf32, #tpu.memory_space<hbm>>
    tpu.wait_indirect_dma semaphore(%arg24 : memref<!tpu.dma_semaphore, #tpu.memory_space<semaphore_mem>>) src(%dma_wait3A_527 : memref<10000x128xf32, #tpu.memory_space<hbm>>) dst(%arg16 : memref<40x128xf32, #tpu.memory_space<vmem>>)
    %add3A_528 = arith.constant 320000 : i32
    %add3A_529 = arith.addi %add3A_528, %mul3A_2 : i32
    %add3A_530 = arith.constant 9920 : i32
    %add3A_531 = arith.addi %add3A_529, %add3A_530 : i32
    %dma_wait3A_532 = tpu.memref_slice %arg3[%add3A_531] : memref<640000xi32, #tpu.memory_space<hbm>> -> memref<40xi32, #tpu.memory_space<hbm>>
    %dma_wait3A_533 = tpu.memref_slice %arg3[%add3A_531] : memref<640000xi32, #tpu.memory_space<hbm>> -> memref<40xi32, #tpu.memory_space<hbm>>
    tpu.wait_dma2 semaphore(%arg31 : memref<!tpu.dma_semaphore, #tpu.memory_space<semaphore_mem>>) src(%dma_wait3A_533 : memref<40xi32, #tpu.memory_space<hbm>>) dst(%arg9 : memref<40xi32, #tpu.memory_space<vmem>>)
    %dma_start3A_534 = arith.constant 0 : i32
    %dma_start3A_535 = arith.constant 0 : i32
    %dma_start3A_536 = tpu.memref_slice %arg20[%dma_start3A_534, %dma_start3A_535] : memref<10240x128xf32, #tpu.memory_space<vmem_shared>> -> memref<10240x128xf32, #tpu.memory_space<vmem_shared>>
    tpu.enqueue_indirect_dma source(%arg16 : memref<40x128xf32, #tpu.memory_space<vmem>>) target(%dma_start3A_536 : memref<10240x128xf32, #tpu.memory_space<vmem_shared>>) offsets(%arg9 : memref<40xi32, #tpu.memory_space<vmem>>) semaphore(%arg38 : memref<!tpu.dma_semaphore, #tpu.memory_space<semaphore_mem>>) {add = true}
    %dma_wait3A_537 = arith.constant 0 : i32
    %dma_wait3A_538 = arith.constant 0 : i32
    %dma_wait3A_539 = tpu.memref_slice %arg20[%dma_wait3A_537, %dma_wait3A_538] : memref<10240x128xf32, #tpu.memory_space<vmem_shared>> -> memref<10240x128xf32, #tpu.memory_space<vmem_shared>>
    tpu.wait_indirect_dma semaphore(%arg37 : memref<!tpu.dma_semaphore, #tpu.memory_space<semaphore_mem>>) src(%arg15 : memref<40x128xf32, #tpu.memory_space<vmem>>) dst(%dma_wait3A_539 : memref<10240x128xf32, #tpu.memory_space<vmem_shared>>)
    %dma_wait3A_540 = arith.constant 9960 : i32
    %dma_wait3A_541 = tpu.memref_slice %arg5[%dma_wait3A_540] : memref<10000xi32, #tpu.memory_space<vmem>> -> memref<40xi32, #tpu.memory_space<vmem>>
    %dma_wait3A_542 = arith.constant 0 : i32
    %dma_wait3A_543 = arith.constant 0 : i32
    %dma_wait3A_544 = tpu.memref_slice %arg2[%dma_wait3A_542, %dma_wait3A_543] : memref<10000x128xf32, #tpu.memory_space<hbm>> -> memref<10000x128xf32, #tpu.memory_space<hbm>>
    tpu.wait_indirect_dma semaphore(%arg25 : memref<!tpu.dma_semaphore, #tpu.memory_space<semaphore_mem>>) src(%dma_wait3A_544 : memref<10000x128xf32, #tpu.memory_space<hbm>>) dst(%arg17 : memref<40x128xf32, #tpu.memory_space<vmem>>)
    %add3A_545 = arith.constant 320000 : i32
    %add3A_546 = arith.addi %add3A_545, %mul3A_2 : i32
    %add3A_547 = arith.constant 9960 : i32
    %add3A_548 = arith.addi %add3A_546, %add3A_547 : i32
    %dma_wait3A_549 = tpu.memref_slice %arg3[%add3A_548] : memref<640000xi32, #tpu.memory_space<hbm>> -> memref<40xi32, #tpu.memory_space<hbm>>
    %dma_wait3A_550 = tpu.memref_slice %arg3[%add3A_548] : memref<640000xi32, #tpu.memory_space<hbm>> -> memref<40xi32, #tpu.memory_space<hbm>>
    tpu.wait_dma2 semaphore(%arg32 : memref<!tpu.dma_semaphore, #tpu.memory_space<semaphore_mem>>) src(%dma_wait3A_550 : memref<40xi32, #tpu.memory_space<hbm>>) dst(%arg10 : memref<40xi32, #tpu.memory_space<vmem>>)
    %dma_start3A_551 = arith.constant 0 : i32
    %dma_start3A_552 = arith.constant 0 : i32
    %dma_start3A_553 = tpu.memref_slice %arg20[%dma_start3A_551, %dma_start3A_552] : memref<10240x128xf32, #tpu.memory_space<vmem_shared>> -> memref<10240x128xf32, #tpu.memory_space<vmem_shared>>
    tpu.enqueue_indirect_dma source(%arg17 : memref<40x128xf32, #tpu.memory_space<vmem>>) target(%dma_start3A_553 : memref<10240x128xf32, #tpu.memory_space<vmem_shared>>) offsets(%arg10 : memref<40xi32, #tpu.memory_space<vmem>>) semaphore(%arg39 : memref<!tpu.dma_semaphore, #tpu.memory_space<semaphore_mem>>) {add = true}
    %dma_wait3A_554 = arith.constant 0 : i32
    %dma_wait3A_555 = arith.constant 0 : i32
    %dma_wait3A_556 = tpu.memref_slice %arg20[%dma_wait3A_554, %dma_wait3A_555] : memref<10240x128xf32, #tpu.memory_space<vmem_shared>> -> memref<10240x128xf32, #tpu.memory_space<vmem_shared>>
    tpu.wait_indirect_dma semaphore(%arg38 : memref<!tpu.dma_semaphore, #tpu.memory_space<semaphore_mem>>) src(%arg16 : memref<40x128xf32, #tpu.memory_space<vmem>>) dst(%dma_wait3A_556 : memref<10240x128xf32, #tpu.memory_space<vmem_shared>>)
    %dma_wait3A_557 = arith.constant 0 : i32
    %dma_wait3A_558 = arith.constant 0 : i32
    %dma_wait3A_559 = tpu.memref_slice %arg20[%dma_wait3A_557, %dma_wait3A_558] : memref<10240x128xf32, #tpu.memory_space<vmem_shared>> -> memref<10240x128xf32, #tpu.memory_space<vmem_shared>>
    tpu.wait_indirect_dma semaphore(%arg39 : memref<!tpu.dma_semaphore, #tpu.memory_space<semaphore_mem>>) src(%arg17 : memref<40x128xf32, #tpu.memory_space<vmem>>) dst(%dma_wait3A_559 : memref<10240x128xf32, #tpu.memory_space<vmem_shared>>)
    %barrier3A_560 = arith.constant 0 : index
    tpu.barrier barrier_id(%barrier3A_560)
    %mul3A_561 = arith.constant 640 : i32
    %mul3A_562 = arith.muli %arg1, %mul3A_561 : i32
    %mul3A_563 = arith.constant 10240 : i32
    %mul3A_564 = arith.muli %arg0, %mul3A_563 : i32
    %mul3A_565 = arith.constant 640 : i32
    %mul3A_566 = arith.muli %arg1, %mul3A_565 : i32
    %add3A_567 = arith.addi %mul3A_564, %mul3A_566 : i32
    "tpu.region"() ({
      %run_scoped3A = tpu.sem_alloc : memref<!tpu.dma_semaphore, #tpu.memory_space<semaphore_mem>>
      %dma_start3A_568 = arith.constant 0 : i32
      %dma_start3A_569 = tpu.memref_slice %arg4[%add3A_567, %dma_start3A_568] : memref<20480x128xf32, #tpu.memory_space<hbm>> -> memref<640x128xf32, #tpu.memory_space<hbm>>
      %dma_start3A_570 = arith.constant 0 : i32
      %dma_start3A_571 = tpu.memref_slice %arg20[%mul3A_562, %dma_start3A_570] : memref<10240x128xf32, #tpu.memory_space<vmem_shared>> -> memref<640x128xf32, #tpu.memory_space<vmem_shared>>
      tpu.enqueue_dma source(%dma_start3A_571 : memref<640x128xf32, #tpu.memory_space<vmem_shared>>) target(%dma_start3A_569 : memref<640x128xf32, #tpu.memory_space<hbm>>) target_semaphore(%run_scoped3A : memref<!tpu.dma_semaphore, #tpu.memory_space<semaphore_mem>>)
      %dma_wait3A_572 = arith.constant 0 : i32
      %dma_wait3A_573 = tpu.memref_slice %arg4[%add3A_567, %dma_wait3A_572] : memref<20480x128xf32, #tpu.memory_space<hbm>> -> memref<640x128xf32, #tpu.memory_space<hbm>>
      %dma_wait3A_574 = arith.constant 0 : i32
      %dma_wait3A_575 = tpu.memref_slice %arg20[%mul3A_562, %dma_wait3A_574] : memref<10240x128xf32, #tpu.memory_space<vmem_shared>> -> memref<640x128xf32, #tpu.memory_space<vmem_shared>>
      tpu.wait_dma2 semaphore(%run_scoped3A : memref<!tpu.dma_semaphore, #tpu.memory_space<semaphore_mem>>) src(%dma_wait3A_575 : memref<640x128xf32, #tpu.memory_space<vmem_shared>>) dst(%dma_wait3A_573 : memref<640x128xf32, #tpu.memory_space<hbm>>)
      tpu.yield
    }) : () -> ()
    return
  }
}

#map = affine_map<(d0, d1) -> (0, 0)>
#map1 = affine_map<(d0, d1) -> (0)>
module attributes {stable_mosaic.version = 14 : i64} {
  func.func @seg_sum(%arg0: i32, %arg1: i32, %arg2: memref<10000x128xf32, #tpu.memory_space<hbm>>, %arg3: memref<640000xi32, #tpu.memory_space<hbm>>, %arg4: memref<20480x128xf32, #tpu.memory_space<hbm>>, %arg5: memref<10000xi32, #tpu.memory_space<vmem>>, %arg6: memref<40xi32, #tpu.memory_space<vmem>>, %arg7: memref<40xi32, #tpu.memory_space<vmem>>, %arg8: memref<40xi32, #tpu.memory_space<vmem>>, %arg9: memref<40xi32, #tpu.memory_space<vmem>>, %arg10: memref<40xi32, #tpu.memory_space<vmem>>, %arg11: memref<40xi32, #tpu.memory_space<vmem>>, %arg12: memref<40xi32, #tpu.memory_space<vmem>>, %arg13: memref<40x128xf32, #tpu.memory_space<vmem>>, %arg14: memref<40x128xf32, #tpu.memory_space<vmem>>, %arg15: memref<40x128xf32, #tpu.memory_space<vmem>>, %arg16: memref<40x128xf32, #tpu.memory_space<vmem>>, %arg17: memref<40x128xf32, #tpu.memory_space<vmem>>, %arg18: memref<40x128xf32, #tpu.memory_space<vmem>>, %arg19: memref<40x128xf32, #tpu.memory_space<vmem>>, %arg20: memref<10240x128xf32, #tpu.memory_space<vmem_shared>>, %arg21: memref<!tpu.dma_semaphore, #tpu.memory_space<semaphore_mem>>, %arg22: memref<!tpu.dma_semaphore, #tpu.memory_space<semaphore_mem>>, %arg23: memref<!tpu.dma_semaphore, #tpu.memory_space<semaphore_mem>>, %arg24: memref<!tpu.dma_semaphore, #tpu.memory_space<semaphore_mem>>, %arg25: memref<!tpu.dma_semaphore, #tpu.memory_space<semaphore_mem>>, %arg26: memref<!tpu.dma_semaphore, #tpu.memory_space<semaphore_mem>>, %arg27: memref<!tpu.dma_semaphore, #tpu.memory_space<semaphore_mem>>, %arg28: memref<!tpu.dma_semaphore, #tpu.memory_space<semaphore_mem>>, %arg29: memref<!tpu.dma_semaphore, #tpu.memory_space<semaphore_mem>>, %arg30: memref<!tpu.dma_semaphore, #tpu.memory_space<semaphore_mem>>, %arg31: memref<!tpu.dma_semaphore, #tpu.memory_space<semaphore_mem>>, %arg32: memref<!tpu.dma_semaphore, #tpu.memory_space<semaphore_mem>>, %arg33: memref<!tpu.dma_semaphore, #tpu.memory_space<semaphore_mem>>, %arg34: memref<!tpu.dma_semaphore, #tpu.memory_space<semaphore_mem>>, %arg35: memref<!tpu.dma_semaphore, #tpu.memory_space<semaphore_mem>>, %arg36: memref<!tpu.dma_semaphore, #tpu.memory_space<semaphore_mem>>, %arg37: memref<!tpu.dma_semaphore, #tpu.memory_space<semaphore_mem>>, %arg38: memref<!tpu.dma_semaphore, #tpu.memory_space<semaphore_mem>>, %arg39: memref<!tpu.dma_semaphore, #tpu.memory_space<semaphore_mem>>, %arg40: memref<!tpu.dma_semaphore, #tpu.memory_space<semaphore_mem>>, %arg41: memref<!tpu.dma_semaphore, #tpu.memory_space<semaphore_mem>>, %arg42: memref<!tpu.dma_semaphore, #tpu.memory_space<semaphore_mem>>) attributes {dimension_semantics = [#tpu.dimension_semantics<core_parallel>, #tpu.dimension_semantics<subcore_parallel>], iteration_bounds = array<i64: 2, 16>, scalar_prefetch = 0 : i64, scratch_operands = 38 : i64, tpu.core_type = #tpu.core_type<sc_vector_subcore>, window_params = [{transform_indices = #map}, {transform_indices = #map1}, {transform_indices = #map}]} {
    %mul3A = arith.constant 16 : i32
    %mul3A_0 = arith.muli %arg0, %mul3A : i32
    %add3A = arith.addi %mul3A_0, %arg1 : i32
    %mul3A_1 = arith.constant 10000 : i32
    %mul3A_2 = arith.muli %add3A, %mul3A_1 : i32
    "tpu.region"() ({
      %run_scoped3A = tpu.sem_alloc : memref<!tpu.dma_semaphore, #tpu.memory_space<semaphore_mem>>
      %dma_start3A_568 = tpu.memref_slice %arg3[%mul3A_2] : memref<640000xi32, #tpu.memory_space<hbm>> -> memref<10000xi32, #tpu.memory_space<hbm>>
      %dma_start3A_569 = tpu.memref_slice %arg3[%mul3A_2] : memref<640000xi32, #tpu.memory_space<hbm>> -> memref<10000xi32, #tpu.memory_space<hbm>>
      tpu.enqueue_dma source(%dma_start3A_569 : memref<10000xi32, #tpu.memory_space<hbm>>) target(%arg5 : memref<10000xi32, #tpu.memory_space<vmem>>) target_semaphore(%run_scoped3A : memref<!tpu.dma_semaphore, #tpu.memory_space<semaphore_mem>>)
      %dma_wait3A_570 = tpu.memref_slice %arg3[%mul3A_2] : memref<640000xi32, #tpu.memory_space<hbm>> -> memref<10000xi32, #tpu.memory_space<hbm>>
      %dma_wait3A_571 = tpu.memref_slice %arg3[%mul3A_2] : memref<640000xi32, #tpu.memory_space<hbm>> -> memref<10000xi32, #tpu.memory_space<hbm>>
      tpu.wait_dma2 semaphore(%run_scoped3A : memref<!tpu.dma_semaphore, #tpu.memory_space<semaphore_mem>>) src(%dma_wait3A_571 : memref<10000xi32, #tpu.memory_space<hbm>>) dst(%arg5 : memref<10000xi32, #tpu.memory_space<vmem>>)
      tpu.yield
    }) : () -> ()
    %add3A_3 = arith.constant 320000 : i32
    %add3A_4 = arith.addi %add3A_3, %mul3A_2 : i32
    %add3A_5 = arith.constant 0 : i32
    %add3A_6 = arith.addi %add3A_4, %add3A_5 : i32
    %dma_start3A = tpu.memref_slice %arg3[%add3A_6] : memref<640000xi32, #tpu.memory_space<hbm>> -> memref<40xi32, #tpu.memory_space<hbm>>
    %dma_start3A_7 = tpu.memref_slice %arg3[%add3A_6] : memref<640000xi32, #tpu.memory_space<hbm>> -> memref<40xi32, #tpu.memory_space<hbm>>
    tpu.enqueue_dma source(%dma_start3A_7 : memref<40xi32, #tpu.memory_space<hbm>>) target(%arg6 : memref<40xi32, #tpu.memory_space<vmem>>) target_semaphore(%arg28 : memref<!tpu.dma_semaphore, #tpu.memory_space<semaphore_mem>>)
    %dma_start3A_8 = arith.constant 0 : i32
    %dma_start3A_9 = tpu.memref_slice %arg5[%dma_start3A_8] : memref<10000xi32, #tpu.memory_space<vmem>> -> memref<40xi32, #tpu.memory_space<vmem>>
    %dma_start3A_10 = arith.constant 0 : i32
    %dma_start3A_11 = arith.constant 0 : i32
    %dma_start3A_12 = tpu.memref_slice %arg2[%dma_start3A_10, %dma_start3A_11] : memref<10000x128xf32, #tpu.memory_space<hbm>> -> memref<10000x128xf32, #tpu.memory_space<hbm>>
    tpu.enqueue_indirect_dma source(%dma_start3A_12 : memref<10000x128xf32, #tpu.memory_space<hbm>>) target(%arg13 : memref<40x128xf32, #tpu.memory_space<vmem>>) offsets(%dma_start3A_9 : memref<40xi32, #tpu.memory_space<vmem>>) semaphore(%arg21 : memref<!tpu.dma_semaphore, #tpu.memory_space<semaphore_mem>>)
    %add3A_13 = arith.constant 320000 : i32
    %add3A_14 = arith.addi %add3A_13, %mul3A_2 : i32
    %add3A_15 = arith.constant 40 : i32
    %add3A_16 = arith.addi %add3A_14, %add3A_15 : i32
    %dma_start3A_17 = tpu.memref_slice %arg3[%add3A_16] : memref<640000xi32, #tpu.memory_space<hbm>> -> memref<40xi32, #tpu.memory_space<hbm>>
    %dma_start3A_18 = tpu.memref_slice %arg3[%add3A_16] : memref<640000xi32, #tpu.memory_space<hbm>> -> memref<40xi32, #tpu.memory_space<hbm>>
    tpu.enqueue_dma source(%dma_start3A_18 : memref<40xi32, #tpu.memory_space<hbm>>) target(%arg7 : memref<40xi32, #tpu.memory_space<vmem>>) target_semaphore(%arg29 : memref<!tpu.dma_semaphore, #tpu.memory_space<semaphore_mem>>)
    %dma_start3A_19 = arith.constant 40 : i32
    %dma_start3A_20 = tpu.memref_slice %arg5[%dma_start3A_19] : memref<10000xi32, #tpu.memory_space<vmem>> -> memref<40xi32, #tpu.memory_space<vmem>>
    %dma_start3A_21 = arith.constant 0 : i32
    %dma_start3A_22 = arith.constant 0 : i32
    %dma_start3A_23 = tpu.memref_slice %arg2[%dma_start3A_21, %dma_start3A_22] : memref<10000x128xf32, #tpu.memory_space<hbm>> -> memref<10000x128xf32, #tpu.memory_space<hbm>>
    tpu.enqueue_indirect_dma source(%dma_start3A_23 : memref<10000x128xf32, #tpu.memory_space<hbm>>) target(%arg14 : memref<40x128xf32, #tpu.memory_space<vmem>>) offsets(%dma_start3A_20 : memref<40xi32, #tpu.memory_space<vmem>>) semaphore(%arg22 : memref<!tpu.dma_semaphore, #tpu.memory_space<semaphore_mem>>)
    %add3A_24 = arith.constant 320000 : i32
    %add3A_25 = arith.addi %add3A_24, %mul3A_2 : i32
    %add3A_26 = arith.constant 80 : i32
    %add3A_27 = arith.addi %add3A_25, %add3A_26 : i32
    %dma_start3A_28 = tpu.memref_slice %arg3[%add3A_27] : memref<640000xi32, #tpu.memory_space<hbm>> -> memref<40xi32, #tpu.memory_space<hbm>>
    %dma_start3A_29 = tpu.memref_slice %arg3[%add3A_27] : memref<640000xi32, #tpu.memory_space<hbm>> -> memref<40xi32, #tpu.memory_space<hbm>>
    tpu.enqueue_dma source(%dma_start3A_29 : memref<40xi32, #tpu.memory_space<hbm>>) target(%arg8 : memref<40xi32, #tpu.memory_space<vmem>>) target_semaphore(%arg30 : memref<!tpu.dma_semaphore, #tpu.memory_space<semaphore_mem>>)
    %dma_start3A_30 = arith.constant 80 : i32
    %dma_start3A_31 = tpu.memref_slice %arg5[%dma_start3A_30] : memref<10000xi32, #tpu.memory_space<vmem>> -> memref<40xi32, #tpu.memory_space<vmem>>
    %dma_start3A_32 = arith.constant 0 : i32
    %dma_start3A_33 = arith.constant 0 : i32
    %dma_start3A_34 = tpu.memref_slice %arg2[%dma_start3A_32, %dma_start3A_33] : memref<10000x128xf32, #tpu.memory_space<hbm>> -> memref<10000x128xf32, #tpu.memory_space<hbm>>
    tpu.enqueue_indirect_dma source(%dma_start3A_34 : memref<10000x128xf32, #tpu.memory_space<hbm>>) target(%arg15 : memref<40x128xf32, #tpu.memory_space<vmem>>) offsets(%dma_start3A_31 : memref<40xi32, #tpu.memory_space<vmem>>) semaphore(%arg23 : memref<!tpu.dma_semaphore, #tpu.memory_space<semaphore_mem>>)
    %add3A_35 = arith.constant 320000 : i32
    %add3A_36 = arith.addi %add3A_35, %mul3A_2 : i32
    %add3A_37 = arith.constant 120 : i32
    %add3A_38 = arith.addi %add3A_36, %add3A_37 : i32
    %dma_start3A_39 = tpu.memref_slice %arg3[%add3A_38] : memref<640000xi32, #tpu.memory_space<hbm>> -> memref<40xi32, #tpu.memory_space<hbm>>
    %dma_start3A_40 = tpu.memref_slice %arg3[%add3A_38] : memref<640000xi32, #tpu.memory_space<hbm>> -> memref<40xi32, #tpu.memory_space<hbm>>
    tpu.enqueue_dma source(%dma_start3A_40 : memref<40xi32, #tpu.memory_space<hbm>>) target(%arg9 : memref<40xi32, #tpu.memory_space<vmem>>) target_semaphore(%arg31 : memref<!tpu.dma_semaphore, #tpu.memory_space<semaphore_mem>>)
    %dma_start3A_41 = arith.constant 120 : i32
    %dma_start3A_42 = tpu.memref_slice %arg5[%dma_start3A_41] : memref<10000xi32, #tpu.memory_space<vmem>> -> memref<40xi32, #tpu.memory_space<vmem>>
    %dma_start3A_43 = arith.constant 0 : i32
    %dma_start3A_44 = arith.constant 0 : i32
    %dma_start3A_45 = tpu.memref_slice %arg2[%dma_start3A_43, %dma_start3A_44] : memref<10000x128xf32, #tpu.memory_space<hbm>> -> memref<10000x128xf32, #tpu.memory_space<hbm>>
    tpu.enqueue_indirect_dma source(%dma_start3A_45 : memref<10000x128xf32, #tpu.memory_space<hbm>>) target(%arg16 : memref<40x128xf32, #tpu.memory_space<vmem>>) offsets(%dma_start3A_42 : memref<40xi32, #tpu.memory_space<vmem>>) semaphore(%arg24 : memref<!tpu.dma_semaphore, #tpu.memory_space<semaphore_mem>>)
    %add3A_46 = arith.constant 320000 : i32
    %add3A_47 = arith.addi %add3A_46, %mul3A_2 : i32
    %add3A_48 = arith.constant 160 : i32
    %add3A_49 = arith.addi %add3A_47, %add3A_48 : i32
    %dma_start3A_50 = tpu.memref_slice %arg3[%add3A_49] : memref<640000xi32, #tpu.memory_space<hbm>> -> memref<40xi32, #tpu.memory_space<hbm>>
    %dma_start3A_51 = tpu.memref_slice %arg3[%add3A_49] : memref<640000xi32, #tpu.memory_space<hbm>> -> memref<40xi32, #tpu.memory_space<hbm>>
    tpu.enqueue_dma source(%dma_start3A_51 : memref<40xi32, #tpu.memory_space<hbm>>) target(%arg10 : memref<40xi32, #tpu.memory_space<vmem>>) target_semaphore(%arg32 : memref<!tpu.dma_semaphore, #tpu.memory_space<semaphore_mem>>)
    %dma_start3A_52 = arith.constant 160 : i32
    %dma_start3A_53 = tpu.memref_slice %arg5[%dma_start3A_52] : memref<10000xi32, #tpu.memory_space<vmem>> -> memref<40xi32, #tpu.memory_space<vmem>>
    %dma_start3A_54 = arith.constant 0 : i32
    %dma_start3A_55 = arith.constant 0 : i32
    %dma_start3A_56 = tpu.memref_slice %arg2[%dma_start3A_54, %dma_start3A_55] : memref<10000x128xf32, #tpu.memory_space<hbm>> -> memref<10000x128xf32, #tpu.memory_space<hbm>>
    tpu.enqueue_indirect_dma source(%dma_start3A_56 : memref<10000x128xf32, #tpu.memory_space<hbm>>) target(%arg17 : memref<40x128xf32, #tpu.memory_space<vmem>>) offsets(%dma_start3A_53 : memref<40xi32, #tpu.memory_space<vmem>>) semaphore(%arg25 : memref<!tpu.dma_semaphore, #tpu.memory_space<semaphore_mem>>)
    %add3A_57 = arith.constant 320000 : i32
    %add3A_58 = arith.addi %add3A_57, %mul3A_2 : i32
    %add3A_59 = arith.constant 200 : i32
    %add3A_60 = arith.addi %add3A_58, %add3A_59 : i32
    %dma_start3A_61 = tpu.memref_slice %arg3[%add3A_60] : memref<640000xi32, #tpu.memory_space<hbm>> -> memref<40xi32, #tpu.memory_space<hbm>>
    %dma_start3A_62 = tpu.memref_slice %arg3[%add3A_60] : memref<640000xi32, #tpu.memory_space<hbm>> -> memref<40xi32, #tpu.memory_space<hbm>>
    tpu.enqueue_dma source(%dma_start3A_62 : memref<40xi32, #tpu.memory_space<hbm>>) target(%arg11 : memref<40xi32, #tpu.memory_space<vmem>>) target_semaphore(%arg33 : memref<!tpu.dma_semaphore, #tpu.memory_space<semaphore_mem>>)
    %dma_start3A_63 = arith.constant 200 : i32
    %dma_start3A_64 = tpu.memref_slice %arg5[%dma_start3A_63] : memref<10000xi32, #tpu.memory_space<vmem>> -> memref<40xi32, #tpu.memory_space<vmem>>
    %dma_start3A_65 = arith.constant 0 : i32
    %dma_start3A_66 = arith.constant 0 : i32
    %dma_start3A_67 = tpu.memref_slice %arg2[%dma_start3A_65, %dma_start3A_66] : memref<10000x128xf32, #tpu.memory_space<hbm>> -> memref<10000x128xf32, #tpu.memory_space<hbm>>
    tpu.enqueue_indirect_dma source(%dma_start3A_67 : memref<10000x128xf32, #tpu.memory_space<hbm>>) target(%arg18 : memref<40x128xf32, #tpu.memory_space<vmem>>) offsets(%dma_start3A_64 : memref<40xi32, #tpu.memory_space<vmem>>) semaphore(%arg26 : memref<!tpu.dma_semaphore, #tpu.memory_space<semaphore_mem>>)
    %scan3A = arith.constant 0 : i32
    %scan3A_68 = arith.constant 0 : i32
    %scan3A_69 = arith.constant 40 : i32
    %scan3A_70 = arith.addi %scan3A_68, %scan3A_69 : i32
    %scan3A_71 = arith.constant 1 : i32
    scf.for %scan3A_568 = %scan3A_68 to %scan3A_70 step %scan3A_71  : i32 {
      %broadcast_in_dim3A = arith.constant 0.000000e+00 : f32
      %broadcast_in_dim3A_569 = vector.broadcast %broadcast_in_dim3A : f32 to vector<16xf32>
      %swap3A = arith.index_cast %scan3A_568 : i32 to index
      %swap3A_570 = arith.constant 0 : index
      %swap3A_571 = tpu.vector_load %arg19[%swap3A, %swap3A_570] {strides = array<i32>} : memref<40x128xf32, #tpu.memory_space<vmem>>, vector<1x16xf32>,
      %swap3A_572 = vector.shape_cast %swap3A_571 : vector<1x16xf32> to vector<16xf32>
      %swap3A_573 = vector.shape_cast %broadcast_in_dim3A_569 : vector<16xf32> to vector<1x16xf32>
      tpu.vector_store %arg19[%swap3A, %swap3A_570], %swap3A_573 {strides = array<i32>} : memref<40x128xf32, #tpu.memory_space<vmem>>, vector<1x16xf32>,
      %broadcast_in_dim3A_574 = arith.constant 0.000000e+00 : f32
      %broadcast_in_dim3A_575 = vector.broadcast %broadcast_in_dim3A_574 : f32 to vector<16xf32>
      %swap3A_576 = arith.index_cast %scan3A_568 : i32 to index
      %swap3A_577 = arith.constant 16 : index
      %swap3A_578 = tpu.vector_load %arg19[%swap3A_576, %swap3A_577] {strides = array<i32>} : memref<40x128xf32, #tpu.memory_space<vmem>>, vector<1x16xf32>,
      %swap3A_579 = vector.shape_cast %swap3A_578 : vector<1x16xf32> to vector<16xf32>
      %swap3A_580 = vector.shape_cast %broadcast_in_dim3A_575 : vector<16xf32> to vector<1x16xf32>
      tpu.vector_store %arg19[%swap3A_576, %swap3A_577], %swap3A_580 {strides = array<i32>} : memref<40x128xf32, #tpu.memory_space<vmem>>, vector<1x16xf32>,
      %broadcast_in_dim3A_581 = arith.constant 0.000000e+00 : f32
      %broadcast_in_dim3A_582 = vector.broadcast %broadcast_in_dim3A_581 : f32 to vector<16xf32>
      %swap3A_583 = arith.index_cast %scan3A_568 : i32 to index
      %swap3A_584 = arith.constant 32 : index
      %swap3A_585 = tpu.vector_load %arg19[%swap3A_583, %swap3A_584] {strides = array<i32>} : memref<40x128xf32, #tpu.memory_space<vmem>>, vector<1x16xf32>,
      %swap3A_586 = vector.shape_cast %swap3A_585 : vector<1x16xf32> to vector<16xf32>
      %swap3A_587 = vector.shape_cast %broadcast_in_dim3A_582 : vector<16xf32> to vector<1x16xf32>
      tpu.vector_store %arg19[%swap3A_583, %swap3A_584], %swap3A_587 {strides = array<i32>} : memref<40x128xf32, #tpu.memory_space<vmem>>, vector<1x16xf32>,
      %broadcast_in_dim3A_588 = arith.constant 0.000000e+00 : f32
      %broadcast_in_dim3A_589 = vector.broadcast %broadcast_in_dim3A_588 : f32 to vector<16xf32>
      %swap3A_590 = arith.index_cast %scan3A_568 : i32 to index
      %swap3A_591 = arith.constant 48 : index
      %swap3A_592 = tpu.vector_load %arg19[%swap3A_590, %swap3A_591] {strides = array<i32>} : memref<40x128xf32, #tpu.memory_space<vmem>>, vector<1x16xf32>,
      %swap3A_593 = vector.shape_cast %swap3A_592 : vector<1x16xf32> to vector<16xf32>
      %swap3A_594 = vector.shape_cast %broadcast_in_dim3A_589 : vector<16xf32> to vector<1x16xf32>
      tpu.vector_store %arg19[%swap3A_590, %swap3A_591], %swap3A_594 {strides = array<i32>} : memref<40x128xf32, #tpu.memory_space<vmem>>, vector<1x16xf32>,
      %broadcast_in_dim3A_595 = arith.constant 0.000000e+00 : f32
      %broadcast_in_dim3A_596 = vector.broadcast %broadcast_in_dim3A_595 : f32 to vector<16xf32>
      %swap3A_597 = arith.index_cast %scan3A_568 : i32 to index
      %swap3A_598 = arith.constant 64 : index
      %swap3A_599 = tpu.vector_load %arg19[%swap3A_597, %swap3A_598] {strides = array<i32>} : memref<40x128xf32, #tpu.memory_space<vmem>>, vector<1x16xf32>,
      %swap3A_600 = vector.shape_cast %swap3A_599 : vector<1x16xf32> to vector<16xf32>
      %swap3A_601 = vector.shape_cast %broadcast_in_dim3A_596 : vector<16xf32> to vector<1x16xf32>
      tpu.vector_store %arg19[%swap3A_597, %swap3A_598], %swap3A_601 {strides = array<i32>} : memref<40x128xf32, #tpu.memory_space<vmem>>, vector<1x16xf32>,
      %broadcast_in_dim3A_602 = arith.constant 0.000000e+00 : f32
      %broadcast_in_dim3A_603 = vector.broadcast %broadcast_in_dim3A_602 : f32 to vector<16xf32>
      %swap3A_604 = arith.index_cast %scan3A_568 : i32 to index
      %swap3A_605 = arith.constant 80 : index
      %swap3A_606 = tpu.vector_load %arg19[%swap3A_604, %swap3A_605] {strides = array<i32>} : memref<40x128xf32, #tpu.memory_space<vmem>>, vector<1x16xf32>,
      %swap3A_607 = vector.shape_cast %swap3A_606 : vector<1x16xf32> to vector<16xf32>
      %swap3A_608 = vector.shape_cast %broadcast_in_dim3A_603 : vector<16xf32> to vector<1x16xf32>
      tpu.vector_store %arg19[%swap3A_604, %swap3A_605], %swap3A_608 {strides = array<i32>} : memref<40x128xf32, #tpu.memory_space<vmem>>, vector<1x16xf32>,
      %broadcast_in_dim3A_609 = arith.constant 0.000000e+00 : f32
      %broadcast_in_dim3A_610 = vector.broadcast %broadcast_in_dim3A_609 : f32 to vector<16xf32>
      %swap3A_611 = arith.index_cast %scan3A_568 : i32 to index
      %swap3A_612 = arith.constant 96 : index
      %swap3A_613 = tpu.vector_load %arg19[%swap3A_611, %swap3A_612] {strides = array<i32>} : memref<40x128xf32, #tpu.memory_space<vmem>>, vector<1x16xf32>,
      %swap3A_614 = vector.shape_cast %swap3A_613 : vector<1x16xf32> to vector<16xf32>
      %swap3A_615 = vector.shape_cast %broadcast_in_dim3A_610 : vector<16xf32> to vector<1x16xf32>
      tpu.vector_store %arg19[%swap3A_611, %swap3A_612], %swap3A_615 {strides = array<i32>} : memref<40x128xf32, #tpu.memory_space<vmem>>, vector<1x16xf32>,
      %broadcast_in_dim3A_616 = arith.constant 0.000000e+00 : f32
      %broadcast_in_dim3A_617 = vector.broadcast %broadcast_in_dim3A_616 : f32 to vector<16xf32>
      %swap3A_618 = arith.index_cast %scan3A_568 : i32 to index
      %swap3A_619 = arith.constant 112 : index
      %swap3A_620 = tpu.vector_load %arg19[%swap3A_618, %swap3A_619] {strides = array<i32>} : memref<40x128xf32, #tpu.memory_space<vmem>>, vector<1x16xf32>,
      %swap3A_621 = vector.shape_cast %swap3A_620 : vector<1x16xf32> to vector<16xf32>
      %swap3A_622 = vector.shape_cast %broadcast_in_dim3A_617 : vector<16xf32> to vector<1x16xf32>
      tpu.vector_store %arg19[%swap3A_618, %swap3A_619], %swap3A_622 {strides = array<i32>} : memref<40x128xf32, #tpu.memory_space<vmem>>, vector<1x16xf32>,
    }
    %scan3A_72 = arith.constant 40 : i32
    %eq3A = arith.constant 0 : i32
    %eq3A_73 = arith.cmpi eq, %arg0, %eq3A : i32
    %lt3A = arith.constant 15 : i32
    %lt3A_74 = arith.cmpi slt, %arg1, %lt3A : i32
    %and3A = arith.andi %eq3A_73, %lt3A_74 : i1
    %convert_element_type3A = arith.extui %and3A : i1 to i32
    %cond3A = arith.constant 0 : i32
    %cond3A_75 = arith.cmpi ne, %convert_element_type3A, %cond3A : i32
    scf.if %cond3A_75 {
      %mul3A_568 = arith.constant 640 : i32
      %mul3A_569 = arith.muli %arg1, %mul3A_568 : i32
      %mul3A_570 = arith.constant 640 : i32
      %mul3A_571 = arith.muli %arg1, %mul3A_570 : i32
      %dma_start3A_572 = arith.constant 0 : i32
      %dma_start3A_573 = tpu.memref_slice %arg20[%mul3A_571, %dma_start3A_572] : memref<10240x128xf32, #tpu.memory_space<vmem_shared>> -> memref<640x128xf32, #tpu.memory_space<vmem_shared>>
      %dma_start3A_574 = arith.constant 0 : i32
      %dma_start3A_575 = tpu.memref_slice %arg2[%mul3A_569, %dma_start3A_574] : memref<10000x128xf32, #tpu.memory_space<hbm>> -> memref<640x128xf32, #tpu.memory_space<hbm>>
      tpu.enqueue_dma source(%dma_start3A_575 : memref<640x128xf32, #tpu.memory_space<hbm>>) target(%dma_start3A_573 : memref<640x128xf32, #tpu.memory_space<vmem_shared>>) target_semaphore(%arg42 : memref<!tpu.dma_semaphore, #tpu.memory_space<semaphore_mem>>)
      %dma_wait3A_576 = arith.constant 0 : i32
      %dma_wait3A_577 = tpu.memref_slice %arg20[%mul3A_571, %dma_wait3A_576] : memref<10240x128xf32, #tpu.memory_space<vmem_shared>> -> memref<640x128xf32, #tpu.memory_space<vmem_shared>>
      %dma_wait3A_578 = arith.constant 0 : i32
      %dma_wait3A_579 = tpu.memref_slice %arg2[%mul3A_569, %dma_wait3A_578] : memref<10000x128xf32, #tpu.memory_space<hbm>> -> memref<640x128xf32, #tpu.memory_space<hbm>>
      tpu.wait_dma2 semaphore(%arg42 : memref<!tpu.dma_semaphore, #tpu.memory_space<semaphore_mem>>) src(%dma_wait3A_579 : memref<640x128xf32, #tpu.memory_space<hbm>>) dst(%dma_wait3A_577 : memref<640x128xf32, #tpu.memory_space<vmem_shared>>)
    } else {
    }
    %eq3A_76 = arith.constant 0 : i32
    %eq3A_77 = arith.cmpi eq, %arg0, %eq3A_76 : i32
    %eq3A_78 = arith.constant 15 : i32
    %eq3A_79 = arith.cmpi eq, %arg1, %eq3A_78 : i32
    %and3A_80 = arith.andi %eq3A_77, %eq3A_79 : i1
    %convert_element_type3A_81 = arith.extui %and3A_80 : i1 to i32
    %cond3A_82 = arith.constant 0 : i32
    %cond3A_83 = arith.cmpi ne, %convert_element_type3A_81, %cond3A_82 : i32
    scf.if %cond3A_83 {
      %dma_start3A_568 = arith.constant 9600 : i32
      %dma_start3A_569 = arith.constant 0 : i32
      %dma_start3A_570 = tpu.memref_slice %arg20[%dma_start3A_568, %dma_start3A_569] : memref<10240x128xf32, #tpu.memory_space<vmem_shared>> -> memref<400x128xf32, #tpu.memory_space<vmem_shared>>
      %dma_start3A_571 = arith.constant 9600 : i32
      %dma_start3A_572 = arith.constant 0 : i32
      %dma_start3A_573 = tpu.memref_slice %arg2[%dma_start3A_571, %dma_start3A_572] : memref<10000x128xf32, #tpu.memory_space<hbm>> -> memref<400x128xf32, #tpu.memory_space<hbm>>
      tpu.enqueue_dma source(%dma_start3A_573 : memref<400x128xf32, #tpu.memory_space<hbm>>) target(%dma_start3A_570 : memref<400x128xf32, #tpu.memory_space<vmem_shared>>) target_semaphore(%arg42 : memref<!tpu.dma_semaphore, #tpu.memory_space<semaphore_mem>>)
      %dma_start3A_574 = arith.constant 10000 : i32
      %dma_start3A_575 = arith.constant 0 : i32
      %dma_start3A_576 = tpu.memref_slice %arg20[%dma_start3A_574, %dma_start3A_575] : memref<10240x128xf32, #tpu.memory_space<vmem_shared>> -> memref<40x128xf32, #tpu.memory_space<vmem_shared>>
      %dma_start3A_577 = arith.constant 10000 : i32
      %dma_start3A_578 = arith.constant 0 : i32
      %dma_start3A_579 = tpu.memref_slice %arg20[%dma_start3A_577, %dma_start3A_578] : memref<10240x128xf32, #tpu.memory_space<vmem_shared>> -> memref<40x128xf32, #tpu.memory_space<vmem_shared>>
      tpu.enqueue_dma source(%arg19 : memref<40x128xf32, #tpu.memory_space<vmem>>) target(%dma_start3A_579 : memref<40x128xf32, #tpu.memory_space<vmem_shared>>) target_semaphore(%arg42 : memref<!tpu.dma_semaphore, #tpu.memory_space<semaphore_mem>>)
      %dma_start3A_580 = arith.constant 10040 : i32
      %dma_start3A_581 = arith.constant 0 : i32
      %dma_start3A_582 = tpu.memref_slice %arg20[%dma_start3A_580, %dma_start3A_581] : memref<10240x128xf32, #tpu.memory_space<vmem_shared>> -> memref<40x128xf32, #tpu.memory_space<vmem_shared>>
      %dma_start3A_583 = arith.constant 10040 : i32
      %dma_start3A_584 = arith.constant 0 : i32
      %dma_start3A_585 = tpu.memref_slice %arg20[%dma_start3A_583, %dma_start3A_584] : memref<10240x128xf32, #tpu.memory_space<vmem_shared>> -> memref<40x128xf32, #tpu.memory_space<vmem_shared>>
      tpu.enqueue_dma source(%arg19 : memref<40x128xf32, #tpu.memory_space<vmem>>) target(%dma_start3A_585 : memref<40x128xf32, #tpu.memory_space<vmem_shared>>) target_semaphore(%arg42 : memref<!tpu.dma_semaphore, #tpu.memory_space<semaphore_mem>>)
      %dma_start3A_586 = arith.constant 10080 : i32
      %dma_start3A_587 = arith.constant 0 : i32
      %dma_start3A_588 = tpu.memref_slice %arg20[%dma_start3A_586, %dma_start3A_587] : memref<10240x128xf32, #tpu.memory_space<vmem_shared>> -> memref<40x128xf32, #tpu.memory_space<vmem_shared>>
      %dma_start3A_589 = arith.constant 10080 : i32
      %dma_start3A_590 = arith.constant 0 : i32
      %dma_start3A_591 = tpu.memref_slice %arg20[%dma_start3A_589, %dma_start3A_590] : memref<10240x128xf32, #tpu.memory_space<vmem_shared>> -> memref<40x128xf32, #tpu.memory_space<vmem_shared>>
      tpu.enqueue_dma source(%arg19 : memref<40x128xf32, #tpu.memory_space<vmem>>) target(%dma_start3A_591 : memref<40x128xf32, #tpu.memory_space<vmem_shared>>) target_semaphore(%arg42 : memref<!tpu.dma_semaphore, #tpu.memory_space<semaphore_mem>>)
      %dma_start3A_592 = arith.constant 10120 : i32
      %dma_start3A_593 = arith.constant 0 : i32
      %dma_start3A_594 = tpu.memref_slice %arg20[%dma_start3A_592, %dma_start3A_593] : memref<10240x128xf32, #tpu.memory_space<vmem_shared>> -> memref<40x128xf32, #tpu.memory_space<vmem_shared>>
      %dma_start3A_595 = arith.constant 10120 : i32
      %dma_start3A_596 = arith.constant 0 : i32
      %dma_start3A_597 = tpu.memref_slice %arg20[%dma_start3A_595, %dma_start3A_596] : memref<10240x128xf32, #tpu.memory_space<vmem_shared>> -> memref<40x128xf32, #tpu.memory_space<vmem_shared>>
      tpu.enqueue_dma source(%arg19 : memref<40x128xf32, #tpu.memory_space<vmem>>) target(%dma_start3A_597 : memref<40x128xf32, #tpu.memory_space<vmem_shared>>) target_semaphore(%arg42 : memref<!tpu.dma_semaphore, #tpu.memory_space<semaphore_mem>>)
      %dma_start3A_598 = arith.constant 10160 : i32
      %dma_start3A_599 = arith.constant 0 : i32
      %dma_start3A_600 = tpu.memref_slice %arg20[%dma_start3A_598, %dma_start3A_599] : memref<10240x128xf32, #tpu.memory_space<vmem_shared>> -> memref<40x128xf32, #tpu.memory_space<vmem_shared>>
      %dma_start3A_601 = arith.constant 10160 : i32
      %dma_start3A_602 = arith.constant 0 : i32
      %dma_start3A_603 = tpu.memref_slice %arg20[%dma_start3A_601, %dma_start3A_602] : memref<10240x128xf32, #tpu.memory_space<vmem_shared>> -> memref<40x128xf32, #tpu.memory_space<vmem_shared>>
      tpu.enqueue_dma source(%arg19 : memref<40x128xf32, #tpu.memory_space<vmem>>) target(%dma_start3A_603 : memref<40x128xf32, #tpu.memory_space<vmem_shared>>) target_semaphore(%arg42 : memref<!tpu.dma_semaphore, #tpu.memory_space<semaphore_mem>>)
      %dma_start3A_604 = arith.constant 10200 : i32
      %dma_start3A_605 = arith.constant 0 : i32
      %dma_start3A_606 = tpu.memref_slice %arg20[%dma_start3A_604, %dma_start3A_605] : memref<10240x128xf32, #tpu.memory_space<vmem_shared>> -> memref<40x128xf32, #tpu.memory_space<vmem_shared>>
      %dma_start3A_607 = arith.constant 10200 : i32
      %dma_start3A_608 = arith.constant 0 : i32
      %dma_start3A_609 = tpu.memref_slice %arg20[%dma_start3A_607, %dma_start3A_608] : memref<10240x128xf32, #tpu.memory_space<vmem_shared>> -> memref<40x128xf32, #tpu.memory_space<vmem_shared>>
      tpu.enqueue_dma source(%arg19 : memref<40x128xf32, #tpu.memory_space<vmem>>) target(%dma_start3A_609 : memref<40x128xf32, #tpu.memory_space<vmem_shared>>) target_semaphore(%arg42 : memref<!tpu.dma_semaphore, #tpu.memory_space<semaphore_mem>>)
      %dma_wait3A_610 = arith.constant 9600 : i32
      %dma_wait3A_611 = arith.constant 0 : i32
      %dma_wait3A_612 = tpu.memref_slice %arg20[%dma_wait3A_610, %dma_wait3A_611] : memref<10240x128xf32, #tpu.memory_space<vmem_shared>> -> memref<400x128xf32, #tpu.memory_space<vmem_shared>>
      %dma_wait3A_613 = arith.constant 9600 : i32
      %dma_wait3A_614 = arith.constant 0 : i32
      %dma_wait3A_615 = tpu.memref_slice %arg2[%dma_wait3A_613, %dma_wait3A_614] : memref<10000x128xf32, #tpu.memory_space<hbm>> -> memref<400x128xf32, #tpu.memory_space<hbm>>
      tpu.wait_dma2 semaphore(%arg42 : memref<!tpu.dma_semaphore, #tpu.memory_space<semaphore_mem>>) src(%dma_wait3A_615 : memref<400x128xf32, #tpu.memory_space<hbm>>) dst(%dma_wait3A_612 : memref<400x128xf32, #tpu.memory_space<vmem_shared>>)
      %dma_wait3A_616 = arith.constant 10000 : i32
      %dma_wait3A_617 = arith.constant 0 : i32
      %dma_wait3A_618 = tpu.memref_slice %arg20[%dma_wait3A_616, %dma_wait3A_617] : memref<10240x128xf32, #tpu.memory_space<vmem_shared>> -> memref<40x128xf32, #tpu.memory_space<vmem_shared>>
      %dma_wait3A_619 = arith.constant 10000 : i32
      %dma_wait3A_620 = arith.constant 0 : i32
      %dma_wait3A_621 = tpu.memref_slice %arg20[%dma_wait3A_619, %dma_wait3A_620] : memref<10240x128xf32, #tpu.memory_space<vmem_shared>> -> memref<40x128xf32, #tpu.memory_space<vmem_shared>>
      tpu.wait_dma2 semaphore(%arg42 : memref<!tpu.dma_semaphore, #tpu.memory_space<semaphore_mem>>) src(%arg19 : memref<40x128xf32, #tpu.memory_space<vmem>>) dst(%dma_wait3A_621 : memref<40x128xf32, #tpu.memory_space<vmem_shared>>)
      %dma_wait3A_622 = arith.constant 10040 : i32
      %dma_wait3A_623 = arith.constant 0 : i32
      %dma_wait3A_624 = tpu.memref_slice %arg20[%dma_wait3A_622, %dma_wait3A_623] : memref<10240x128xf32, #tpu.memory_space<vmem_shared>> -> memref<40x128xf32, #tpu.memory_space<vmem_shared>>
      %dma_wait3A_625 = arith.constant 10040 : i32
      %dma_wait3A_626 = arith.constant 0 : i32
      %dma_wait3A_627 = tpu.memref_slice %arg20[%dma_wait3A_625, %dma_wait3A_626] : memref<10240x128xf32, #tpu.memory_space<vmem_shared>> -> memref<40x128xf32, #tpu.memory_space<vmem_shared>>
      tpu.wait_dma2 semaphore(%arg42 : memref<!tpu.dma_semaphore, #tpu.memory_space<semaphore_mem>>) src(%arg19 : memref<40x128xf32, #tpu.memory_space<vmem>>) dst(%dma_wait3A_627 : memref<40x128xf32, #tpu.memory_space<vmem_shared>>)
      %dma_wait3A_628 = arith.constant 10080 : i32
      %dma_wait3A_629 = arith.constant 0 : i32
      %dma_wait3A_630 = tpu.memref_slice %arg20[%dma_wait3A_628, %dma_wait3A_629] : memref<10240x128xf32, #tpu.memory_space<vmem_shared>> -> memref<40x128xf32, #tpu.memory_space<vmem_shared>>
      %dma_wait3A_631 = arith.constant 10080 : i32
      %dma_wait3A_632 = arith.constant 0 : i32
      %dma_wait3A_633 = tpu.memref_slice %arg20[%dma_wait3A_631, %dma_wait3A_632] : memref<10240x128xf32, #tpu.memory_space<vmem_shared>> -> memref<40x128xf32, #tpu.memory_space<vmem_shared>>
      tpu.wait_dma2 semaphore(%arg42 : memref<!tpu.dma_semaphore, #tpu.memory_space<semaphore_mem>>) src(%arg19 : memref<40x128xf32, #tpu.memory_space<vmem>>) dst(%dma_wait3A_633 : memref<40x128xf32, #tpu.memory_space<vmem_shared>>)
      %dma_wait3A_634 = arith.constant 10120 : i32
      %dma_wait3A_635 = arith.constant 0 : i32
      %dma_wait3A_636 = tpu.memref_slice %arg20[%dma_wait3A_634, %dma_wait3A_635] : memref<10240x128xf32, #tpu.memory_space<vmem_shared>> -> memref<40x128xf32, #tpu.memory_space<vmem_shared>>
      %dma_wait3A_637 = arith.constant 10120 : i32
      %dma_wait3A_638 = arith.constant 0 : i32
      %dma_wait3A_639 = tpu.memref_slice %arg20[%dma_wait3A_637, %dma_wait3A_638] : memref<10240x128xf32, #tpu.memory_space<vmem_shared>> -> memref<40x128xf32, #tpu.memory_space<vmem_shared>>
      tpu.wait_dma2 semaphore(%arg42 : memref<!tpu.dma_semaphore, #tpu.memory_space<semaphore_mem>>) src(%arg19 : memref<40x128xf32, #tpu.memory_space<vmem>>) dst(%dma_wait3A_639 : memref<40x128xf32, #tpu.memory_space<vmem_shared>>)
      %dma_wait3A_640 = arith.constant 10160 : i32
      %dma_wait3A_641 = arith.constant 0 : i32
      %dma_wait3A_642 = tpu.memref_slice %arg20[%dma_wait3A_640, %dma_wait3A_641] : memref<10240x128xf32, #tpu.memory_space<vmem_shared>> -> memref<40x128xf32, #tpu.memory_space<vmem_shared>>
      %dma_wait3A_643 = arith.constant 10160 : i32
      %dma_wait3A_644 = arith.constant 0 : i32
      %dma_wait3A_645 = tpu.memref_slice %arg20[%dma_wait3A_643, %dma_wait3A_644] : memref<10240x128xf32, #tpu.memory_space<vmem_shared>> -> memref<40x128xf32, #tpu.memory_space<vmem_shared>>
      tpu.wait_dma2 semaphore(%arg42 : memref<!tpu.dma_semaphore, #tpu.memory_space<semaphore_mem>>) src(%arg19 : memref<40x128xf32, #tpu.memory_space<vmem>>) dst(%dma_wait3A_645 : memref<40x128xf32, #tpu.memory_space<vmem_shared>>)
      %dma_wait3A_646 = arith.constant 10200 : i32
      %dma_wait3A_647 = arith.constant 0 : i32
      %dma_wait3A_648 = tpu.memref_slice %arg20[%dma_wait3A_646, %dma_wait3A_647] : memref<10240x128xf32, #tpu.memory_space<vmem_shared>> -> memref<40x128xf32, #tpu.memory_space<vmem_shared>>
      %dma_wait3A_649 = arith.constant 10200 : i32
      %dma_wait3A_650 = arith.constant 0 : i32
      %dma_wait3A_651 = tpu.memref_slice %arg20[%dma_wait3A_649, %dma_wait3A_650] : memref<10240x128xf32, #tpu.memory_space<vmem_shared>> -> memref<40x128xf32, #tpu.memory_space<vmem_shared>>
      tpu.wait_dma2 semaphore(%arg42 : memref<!tpu.dma_semaphore, #tpu.memory_space<semaphore_mem>>) src(%arg19 : memref<40x128xf32, #tpu.memory_space<vmem>>) dst(%dma_wait3A_651 : memref<40x128xf32, #tpu.memory_space<vmem_shared>>)
    } else {
    }
    %eq3A_84 = arith.constant 1 : i32
    %eq3A_85 = arith.cmpi eq, %arg0, %eq3A_84 : i32
    %convert_element_type3A_86 = arith.extui %eq3A_85 : i1 to i32
    %cond3A_87 = arith.constant 0 : i32
    %cond3A_88 = arith.cmpi ne, %convert_element_type3A_86, %cond3A_87 : i32
    scf.if %cond3A_88 {
      %mul3A_568 = arith.constant 640 : i32
      %mul3A_569 = arith.muli %arg1, %mul3A_568 : i32
      %add3A_570 = arith.constant 0 : i32
      %add3A_571 = arith.addi %mul3A_569, %add3A_570 : i32
      %dma_start3A_572 = arith.constant 0 : i32
      %dma_start3A_573 = tpu.memref_slice %arg20[%add3A_571, %dma_start3A_572] : memref<10240x128xf32, #tpu.memory_space<vmem_shared>> -> memref<40x128xf32, #tpu.memory_space<vmem_shared>>
      %dma_start3A_574 = arith.constant 0 : i32
      %dma_start3A_575 = tpu.memref_slice %arg20[%add3A_571, %dma_start3A_574] : memref<10240x128xf32, #tpu.memory_space<vmem_shared>> -> memref<40x128xf32, #tpu.memory_space<vmem_shared>>
      tpu.enqueue_dma source(%arg19 : memref<40x128xf32, #tpu.memory_space<vmem>>) target(%dma_start3A_575 : memref<40x128xf32, #tpu.memory_space<vmem_shared>>) target_semaphore(%arg42 : memref<!tpu.dma_semaphore, #tpu.memory_space<semaphore_mem>>)
      %mul3A_576 = arith.constant 640 : i32
      %mul3A_577 = arith.muli %arg1, %mul3A_576 : i32
      %add3A_578 = arith.constant 40 : i32
      %add3A_579 = arith.addi %mul3A_577, %add3A_578 : i32
      %dma_start3A_580 = arith.constant 0 : i32
      %dma_start3A_581 = tpu.memref_slice %arg20[%add3A_579, %dma_start3A_580] : memref<10240x128xf32, #tpu.memory_space<vmem_shared>> -> memref<40x128xf32, #tpu.memory_space<vmem_shared>>
      %dma_start3A_582 = arith.constant 0 : i32
      %dma_start3A_583 = tpu.memref_slice %arg20[%add3A_579, %dma_start3A_582] : memref<10240x128xf32, #tpu.memory_space<vmem_shared>> -> memref<40x128xf32, #tpu.memory_space<vmem_shared>>
      tpu.enqueue_dma source(%arg19 : memref<40x128xf32, #tpu.memory_space<vmem>>) target(%dma_start3A_583 : memref<40x128xf32, #tpu.memory_space<vmem_shared>>) target_semaphore(%arg42 : memref<!tpu.dma_semaphore, #tpu.memory_space<semaphore_mem>>)
      %mul3A_584 = arith.constant 640 : i32
      %mul3A_585 = arith.muli %arg1, %mul3A_584 : i32
      %add3A_586 = arith.constant 80 : i32
      %add3A_587 = arith.addi %mul3A_585, %add3A_586 : i32
      %dma_start3A_588 = arith.constant 0 : i32
      %dma_start3A_589 = tpu.memref_slice %arg20[%add3A_587, %dma_start3A_588] : memref<10240x128xf32, #tpu.memory_space<vmem_shared>> -> memref<40x128xf32, #tpu.memory_space<vmem_shared>>
      %dma_start3A_590 = arith.constant 0 : i32
      %dma_start3A_591 = tpu.memref_slice %arg20[%add3A_587, %dma_start3A_590] : memref<10240x128xf32, #tpu.memory_space<vmem_shared>> -> memref<40x128xf32, #tpu.memory_space<vmem_shared>>
      tpu.enqueue_dma source(%arg19 : memref<40x128xf32, #tpu.memory_space<vmem>>) target(%dma_start3A_591 : memref<40x128xf32, #tpu.memory_space<vmem_shared>>) target_semaphore(%arg42 : memref<!tpu.dma_semaphore, #tpu.memory_space<semaphore_mem>>)
      %mul3A_592 = arith.constant 640 : i32
      %mul3A_593 = arith.muli %arg1, %mul3A_592 : i32
      %add3A_594 = arith.constant 120 : i32
      %add3A_595 = arith.addi %mul3A_593, %add3A_594 : i32
      %dma_start3A_596 = arith.constant 0 : i32
      %dma_start3A_597 = tpu.memref_slice %arg20[%add3A_595, %dma_start3A_596] : memref<10240x128xf32, #tpu.memory_space<vmem_shared>> -> memref<40x128xf32, #tpu.memory_space<vmem_shared>>
      %dma_start3A_598 = arith.constant 0 : i32
      %dma_start3A_599 = tpu.memref_slice %arg20[%add3A_595, %dma_start3A_598] : memref<10240x128xf32, #tpu.memory_space<vmem_shared>> -> memref<40x128xf32, #tpu.memory_space<vmem_shared>>
      tpu.enqueue_dma source(%arg19 : memref<40x128xf32, #tpu.memory_space<vmem>>) target(%dma_start3A_599 : memref<40x128xf32, #tpu.memory_space<vmem_shared>>) target_semaphore(%arg42 : memref<!tpu.dma_semaphore, #tpu.memory_space<semaphore_mem>>)
      %mul3A_600 = arith.constant 640 : i32
      %mul3A_601 = arith.muli %arg1, %mul3A_600 : i32
      %add3A_602 = arith.constant 160 : i32
      %add3A_603 = arith.addi %mul3A_601, %add3A_602 : i32
      %dma_start3A_604 = arith.constant 0 : i32
      %dma_start3A_605 = tpu.memref_slice %arg20[%add3A_603, %dma_start3A_604] : memref<10240x128xf32, #tpu.memory_space<vmem_shared>> -> memref<40x128xf32, #tpu.memory_space<vmem_shared>>
      %dma_start3A_606 = arith.constant 0 : i32
      %dma_start3A_607 = tpu.memref_slice %arg20[%add3A_603, %dma_start3A_606] : memref<10240x128xf32, #tpu.memory_space<vmem_shared>> -> memref<40x128xf32, #tpu.memory_space<vmem_shared>>
      tpu.enqueue_dma source(%arg19 : memref<40x128xf32, #tpu.memory_space<vmem>>) target(%dma_start3A_607 : memref<40x128xf32, #tpu.memory_space<vmem_shared>>) target_semaphore(%arg42 : memref<!tpu.dma_semaphore, #tpu.memory_space<semaphore_mem>>)
      %mul3A_608 = arith.constant 640 : i32
      %mul3A_609 = arith.muli %arg1, %mul3A_608 : i32
      %add3A_610 = arith.constant 200 : i32
      %add3A_611 = arith.addi %mul3A_609, %add3A_610 : i32
      %dma_start3A_612 = arith.constant 0 : i32
      %dma_start3A_613 = tpu.memref_slice %arg20[%add3A_611, %dma_start3A_612] : memref<10240x128xf32, #tpu.memory_space<vmem_shared>> -> memref<40x128xf32, #tpu.memory_space<vmem_shared>>
      %dma_start3A_614 = arith.constant 0 : i32
      %dma_start3A_615 = tpu.memref_slice %arg20[%add3A_611, %dma_start3A_614] : memref<10240x128xf32, #tpu.memory_space<vmem_shared>> -> memref<40x128xf32, #tpu.memory_space<vmem_shared>>
      tpu.enqueue_dma source(%arg19 : memref<40x128xf32, #tpu.memory_space<vmem>>) target(%dma_start3A_615 : memref<40x128xf32, #tpu.memory_space<vmem_shared>>) target_semaphore(%arg42 : memref<!tpu.dma_semaphore, #tpu.memory_space<semaphore_mem>>)
      %mul3A_616 = arith.constant 640 : i32
      %mul3A_617 = arith.muli %arg1, %mul3A_616 : i32
      %add3A_618 = arith.constant 240 : i32
      %add3A_619 = arith.addi %mul3A_617, %add3A_618 : i32
      %dma_start3A_620 = arith.constant 0 : i32
      %dma_start3A_621 = tpu.memref_slice %arg20[%add3A_619, %dma_start3A_620] : memref<10240x128xf32, #tpu.memory_space<vmem_shared>> -> memref<40x128xf32, #tpu.memory_space<vmem_shared>>
      %dma_start3A_622 = arith.constant 0 : i32
      %dma_start3A_623 = tpu.memref_slice %arg20[%add3A_619, %dma_start3A_622] : memref<10240x128xf32, #tpu.memory_space<vmem_shared>> -> memref<40x128xf32, #tpu.memory_space<vmem_shared>>
      tpu.enqueue_dma source(%arg19 : memref<40x128xf32, #tpu.memory_space<vmem>>) target(%dma_start3A_623 : memref<40x128xf32, #tpu.memory_space<vmem_shared>>) target_semaphore(%arg42 : memref<!tpu.dma_semaphore, #tpu.memory_space<semaphore_mem>>)
      %mul3A_624 = arith.constant 640 : i32
      %mul3A_625 = arith.muli %arg1, %mul3A_624 : i32
      %add3A_626 = arith.constant 280 : i32
      %add3A_627 = arith.addi %mul3A_625, %add3A_626 : i32
      %dma_start3A_628 = arith.constant 0 : i32
      %dma_start3A_629 = tpu.memref_slice %arg20[%add3A_627, %dma_start3A_628] : memref<10240x128xf32, #tpu.memory_space<vmem_shared>> -> memref<40x128xf32, #tpu.memory_space<vmem_shared>>
      %dma_start3A_630 = arith.constant 0 : i32
      %dma_start3A_631 = tpu.memref_slice %arg20[%add3A_627, %dma_start3A_630] : memref<10240x128xf32, #tpu.memory_space<vmem_shared>> -> memref<40x128xf32, #tpu.memory_space<vmem_shared>>
      tpu.enqueue_dma source(%arg19 : memref<40x128xf32, #tpu.memory_space<vmem>>) target(%dma_start3A_631 : memref<40x128xf32, #tpu.memory_space<vmem_shared>>) target_semaphore(%arg42 : memref<!tpu.dma_semaphore, #tpu.memory_space<semaphore_mem>>)
      %mul3A_632 = arith.constant 640 : i32
      %mul3A_633 = arith.muli %arg1, %mul3A_632 : i32
      %add3A_634 = arith.constant 320 : i32
      %add3A_635 = arith.addi %mul3A_633, %add3A_634 : i32
      %dma_start3A_636 = arith.constant 0 : i32
      %dma_start3A_637 = tpu.memref_slice %arg20[%add3A_635, %dma_start3A_636] : memref<10240x128xf32, #tpu.memory_space<vmem_shared>> -> memref<40x128xf32, #tpu.memory_space<vmem_shared>>
      %dma_start3A_638 = arith.constant 0 : i32
      %dma_start3A_639 = tpu.memref_slice %arg20[%add3A_635, %dma_start3A_638] : memref<10240x128xf32, #tpu.memory_space<vmem_shared>> -> memref<40x128xf32, #tpu.memory_space<vmem_shared>>
      tpu.enqueue_dma source(%arg19 : memref<40x128xf32, #tpu.memory_space<vmem>>) target(%dma_start3A_639 : memref<40x128xf32, #tpu.memory_space<vmem_shared>>) target_semaphore(%arg42 : memref<!tpu.dma_semaphore, #tpu.memory_space<semaphore_mem>>)
      %mul3A_640 = arith.constant 640 : i32
      %mul3A_641 = arith.muli %arg1, %mul3A_640 : i32
      %add3A_642 = arith.constant 360 : i32
      %add3A_643 = arith.addi %mul3A_641, %add3A_642 : i32
      %dma_start3A_644 = arith.constant 0 : i32
      %dma_start3A_645 = tpu.memref_slice %arg20[%add3A_643, %dma_start3A_644] : memref<10240x128xf32, #tpu.memory_space<vmem_shared>> -> memref<40x128xf32, #tpu.memory_space<vmem_shared>>
      %dma_start3A_646 = arith.constant 0 : i32
      %dma_start3A_647 = tpu.memref_slice %arg20[%add3A_643, %dma_start3A_646] : memref<10240x128xf32, #tpu.memory_space<vmem_shared>> -> memref<40x128xf32, #tpu.memory_space<vmem_shared>>
      tpu.enqueue_dma source(%arg19 : memref<40x128xf32, #tpu.memory_space<vmem>>) target(%dma_start3A_647 : memref<40x128xf32, #tpu.memory_space<vmem_shared>>) target_semaphore(%arg42 : memref<!tpu.dma_semaphore, #tpu.memory_space<semaphore_mem>>)
      %mul3A_648 = arith.constant 640 : i32
      %mul3A_649 = arith.muli %arg1, %mul3A_648 : i32
      %add3A_650 = arith.constant 400 : i32
      %add3A_651 = arith.addi %mul3A_649, %add3A_650 : i32
      %dma_start3A_652 = arith.constant 0 : i32
      %dma_start3A_653 = tpu.memref_slice %arg20[%add3A_651, %dma_start3A_652] : memref<10240x128xf32, #tpu.memory_space<vmem_shared>> -> memref<40x128xf32, #tpu.memory_space<vmem_shared>>
      %dma_start3A_654 = arith.constant 0 : i32
      %dma_start3A_655 = tpu.memref_slice %arg20[%add3A_651, %dma_start3A_654] : memref<10240x128xf32, #tpu.memory_space<vmem_shared>> -> memref<40x128xf32, #tpu.memory_space<vmem_shared>>
      tpu.enqueue_dma source(%arg19 : memref<40x128xf32, #tpu.memory_space<vmem>>) target(%dma_start3A_655 : memref<40x128xf32, #tpu.memory_space<vmem_shared>>) target_semaphore(%arg42 : memref<!tpu.dma_semaphore, #tpu.memory_space<semaphore_mem>>)
      %mul3A_656 = arith.constant 640 : i32
      %mul3A_657 = arith.muli %arg1, %mul3A_656 : i32
      %add3A_658 = arith.constant 440 : i32
      %add3A_659 = arith.addi %mul3A_657, %add3A_658 : i32
      %dma_start3A_660 = arith.constant 0 : i32
      %dma_start3A_661 = tpu.memref_slice %arg20[%add3A_659, %dma_start3A_660] : memref<10240x128xf32, #tpu.memory_space<vmem_shared>> -> memref<40x128xf32, #tpu.memory_space<vmem_shared>>
      %dma_start3A_662 = arith.constant 0 : i32
      %dma_start3A_663 = tpu.memref_slice %arg20[%add3A_659, %dma_start3A_662] : memref<10240x128xf32, #tpu.memory_space<vmem_shared>> -> memref<40x128xf32, #tpu.memory_space<vmem_shared>>
      tpu.enqueue_dma source(%arg19 : memref<40x128xf32, #tpu.memory_space<vmem>>) target(%dma_start3A_663 : memref<40x128xf32, #tpu.memory_space<vmem_shared>>) target_semaphore(%arg42 : memref<!tpu.dma_semaphore, #tpu.memory_space<semaphore_mem>>)
      %mul3A_664 = arith.constant 640 : i32
      %mul3A_665 = arith.muli %arg1, %mul3A_664 : i32
      %add3A_666 = arith.constant 480 : i32
      %add3A_667 = arith.addi %mul3A_665, %add3A_666 : i32
      %dma_start3A_668 = arith.constant 0 : i32
      %dma_start3A_669 = tpu.memref_slice %arg20[%add3A_667, %dma_start3A_668] : memref<10240x128xf32, #tpu.memory_space<vmem_shared>> -> memref<40x128xf32, #tpu.memory_space<vmem_shared>>
      %dma_start3A_670 = arith.constant 0 : i32
      %dma_start3A_671 = tpu.memref_slice %arg20[%add3A_667, %dma_start3A_670] : memref<10240x128xf32, #tpu.memory_space<vmem_shared>> -> memref<40x128xf32, #tpu.memory_space<vmem_shared>>
      tpu.enqueue_dma source(%arg19 : memref<40x128xf32, #tpu.memory_space<vmem>>) target(%dma_start3A_671 : memref<40x128xf32, #tpu.memory_space<vmem_shared>>) target_semaphore(%arg42 : memref<!tpu.dma_semaphore, #tpu.memory_space<semaphore_mem>>)
      %mul3A_672 = arith.constant 640 : i32
      %mul3A_673 = arith.muli %arg1, %mul3A_672 : i32
      %add3A_674 = arith.constant 520 : i32
      %add3A_675 = arith.addi %mul3A_673, %add3A_674 : i32
      %dma_start3A_676 = arith.constant 0 : i32
      %dma_start3A_677 = tpu.memref_slice %arg20[%add3A_675, %dma_start3A_676] : memref<10240x128xf32, #tpu.memory_space<vmem_shared>> -> memref<40x128xf32, #tpu.memory_space<vmem_shared>>
      %dma_start3A_678 = arith.constant 0 : i32
      %dma_start3A_679 = tpu.memref_slice %arg20[%add3A_675, %dma_start3A_678] : memref<10240x128xf32, #tpu.memory_space<vmem_shared>> -> memref<40x128xf32, #tpu.memory_space<vmem_shared>>
      tpu.enqueue_dma source(%arg19 : memref<40x128xf32, #tpu.memory_space<vmem>>) target(%dma_start3A_679 : memref<40x128xf32, #tpu.memory_space<vmem_shared>>) target_semaphore(%arg42 : memref<!tpu.dma_semaphore, #tpu.memory_space<semaphore_mem>>)
      %mul3A_680 = arith.constant 640 : i32
      %mul3A_681 = arith.muli %arg1, %mul3A_680 : i32
      %add3A_682 = arith.constant 560 : i32
      %add3A_683 = arith.addi %mul3A_681, %add3A_682 : i32
      %dma_start3A_684 = arith.constant 0 : i32
      %dma_start3A_685 = tpu.memref_slice %arg20[%add3A_683, %dma_start3A_684] : memref<10240x128xf32, #tpu.memory_space<vmem_shared>> -> memref<40x128xf32, #tpu.memory_space<vmem_shared>>
      %dma_start3A_686 = arith.constant 0 : i32
      %dma_start3A_687 = tpu.memref_slice %arg20[%add3A_683, %dma_start3A_686] : memref<10240x128xf32, #tpu.memory_space<vmem_shared>> -> memref<40x128xf32, #tpu.memory_space<vmem_shared>>
      tpu.enqueue_dma source(%arg19 : memref<40x128xf32, #tpu.memory_space<vmem>>) target(%dma_start3A_687 : memref<40x128xf32, #tpu.memory_space<vmem_shared>>) target_semaphore(%arg42 : memref<!tpu.dma_semaphore, #tpu.memory_space<semaphore_mem>>)
      %mul3A_688 = arith.constant 640 : i32
      %mul3A_689 = arith.muli %arg1, %mul3A_688 : i32
      %add3A_690 = arith.constant 600 : i32
      %add3A_691 = arith.addi %mul3A_689, %add3A_690 : i32
      %dma_start3A_692 = arith.constant 0 : i32
      %dma_start3A_693 = tpu.memref_slice %arg20[%add3A_691, %dma_start3A_692] : memref<10240x128xf32, #tpu.memory_space<vmem_shared>> -> memref<40x128xf32, #tpu.memory_space<vmem_shared>>
      %dma_start3A_694 = arith.constant 0 : i32
      %dma_start3A_695 = tpu.memref_slice %arg20[%add3A_691, %dma_start3A_694] : memref<10240x128xf32, #tpu.memory_space<vmem_shared>> -> memref<40x128xf32, #tpu.memory_space<vmem_shared>>
      tpu.enqueue_dma source(%arg19 : memref<40x128xf32, #tpu.memory_space<vmem>>) target(%dma_start3A_695 : memref<40x128xf32, #tpu.memory_space<vmem_shared>>) target_semaphore(%arg42 : memref<!tpu.dma_semaphore, #tpu.memory_space<semaphore_mem>>)
      %mul3A_696 = arith.constant 640 : i32
      %mul3A_697 = arith.muli %arg1, %mul3A_696 : i32
      %add3A_698 = arith.constant 0 : i32
      %add3A_699 = arith.addi %mul3A_697, %add3A_698 : i32
      %dma_wait3A_700 = arith.constant 0 : i32
      %dma_wait3A_701 = tpu.memref_slice %arg20[%add3A_699, %dma_wait3A_700] : memref<10240x128xf32, #tpu.memory_space<vmem_shared>> -> memref<40x128xf32, #tpu.memory_space<vmem_shared>>
      %dma_wait3A_702 = arith.constant 0 : i32
      %dma_wait3A_703 = tpu.memref_slice %arg20[%add3A_699, %dma_wait3A_702] : memref<10240x128xf32, #tpu.memory_space<vmem_shared>> -> memref<40x128xf32, #tpu.memory_space<vmem_shared>>
      tpu.wait_dma2 semaphore(%arg42 : memref<!tpu.dma_semaphore, #tpu.memory_space<semaphore_mem>>) src(%arg19 : memref<40x128xf32, #tpu.memory_space<vmem>>) dst(%dma_wait3A_703 : memref<40x128xf32, #tpu.memory_space<vmem_shared>>)
      %mul3A_704 = arith.constant 640 : i32
      %mul3A_705 = arith.muli %arg1, %mul3A_704 : i32
      %add3A_706 = arith.constant 40 : i32
      %add3A_707 = arith.addi %mul3A_705, %add3A_706 : i32
      %dma_wait3A_708 = arith.constant 0 : i32
      %dma_wait3A_709 = tpu.memref_slice %arg20[%add3A_707, %dma_wait3A_708] : memref<10240x128xf32, #tpu.memory_space<vmem_shared>> -> memref<40x128xf32, #tpu.memory_space<vmem_shared>>
      %dma_wait3A_710 = arith.constant 0 : i32
      %dma_wait3A_711 = tpu.memref_slice %arg20[%add3A_707, %dma_wait3A_710] : memref<10240x128xf32, #tpu.memory_space<vmem_shared>> -> memref<40x128xf32, #tpu.memory_space<vmem_shared>>
      tpu.wait_dma2 semaphore(%arg42 : memref<!tpu.dma_semaphore, #tpu.memory_space<semaphore_mem>>) src(%arg19 : memref<40x128xf32, #tpu.memory_space<vmem>>) dst(%dma_wait3A_711 : memref<40x128xf32, #tpu.memory_space<vmem_shared>>)
      %mul3A_712 = arith.constant 640 : i32
      %mul3A_713 = arith.muli %arg1, %mul3A_712 : i32
      %add3A_714 = arith.constant 80 : i32
      %add3A_715 = arith.addi %mul3A_713, %add3A_714 : i32
      %dma_wait3A_716 = arith.constant 0 : i32
      %dma_wait3A_717 = tpu.memref_slice %arg20[%add3A_715, %dma_wait3A_716] : memref<10240x128xf32, #tpu.memory_space<vmem_shared>> -> memref<40x128xf32, #tpu.memory_space<vmem_shared>>
      %dma_wait3A_718 = arith.constant 0 : i32
      %dma_wait3A_719 = tpu.memref_slice %arg20[%add3A_715, %dma_wait3A_718] : memref<10240x128xf32, #tpu.memory_space<vmem_shared>> -> memref<40x128xf32, #tpu.memory_space<vmem_shared>>
      tpu.wait_dma2 semaphore(%arg42 : memref<!tpu.dma_semaphore, #tpu.memory_space<semaphore_mem>>) src(%arg19 : memref<40x128xf32, #tpu.memory_space<vmem>>) dst(%dma_wait3A_719 : memref<40x128xf32, #tpu.memory_space<vmem_shared>>)
      %mul3A_720 = arith.constant 640 : i32
      %mul3A_721 = arith.muli %arg1, %mul3A_720 : i32
      %add3A_722 = arith.constant 120 : i32
      %add3A_723 = arith.addi %mul3A_721, %add3A_722 : i32
      %dma_wait3A_724 = arith.constant 0 : i32
      %dma_wait3A_725 = tpu.memref_slice %arg20[%add3A_723, %dma_wait3A_724] : memref<10240x128xf32, #tpu.memory_space<vmem_shared>> -> memref<40x128xf32, #tpu.memory_space<vmem_shared>>
      %dma_wait3A_726 = arith.constant 0 : i32
      %dma_wait3A_727 = tpu.memref_slice %arg20[%add3A_723, %dma_wait3A_726] : memref<10240x128xf32, #tpu.memory_space<vmem_shared>> -> memref<40x128xf32, #tpu.memory_space<vmem_shared>>
      tpu.wait_dma2 semaphore(%arg42 : memref<!tpu.dma_semaphore, #tpu.memory_space<semaphore_mem>>) src(%arg19 : memref<40x128xf32, #tpu.memory_space<vmem>>) dst(%dma_wait3A_727 : memref<40x128xf32, #tpu.memory_space<vmem_shared>>)
      %mul3A_728 = arith.constant 640 : i32
      %mul3A_729 = arith.muli %arg1, %mul3A_728 : i32
      %add3A_730 = arith.constant 160 : i32
      %add3A_731 = arith.addi %mul3A_729, %add3A_730 : i32
      %dma_wait3A_732 = arith.constant 0 : i32
      %dma_wait3A_733 = tpu.memref_slice %arg20[%add3A_731, %dma_wait3A_732] : memref<10240x128xf32, #tpu.memory_space<vmem_shared>> -> memref<40x128xf32, #tpu.memory_space<vmem_shared>>
      %dma_wait3A_734 = arith.constant 0 : i32
      %dma_wait3A_735 = tpu.memref_slice %arg20[%add3A_731, %dma_wait3A_734] : memref<10240x128xf32, #tpu.memory_space<vmem_shared>> -> memref<40x128xf32, #tpu.memory_space<vmem_shared>>
      tpu.wait_dma2 semaphore(%arg42 : memref<!tpu.dma_semaphore, #tpu.memory_space<semaphore_mem>>) src(%arg19 : memref<40x128xf32, #tpu.memory_space<vmem>>) dst(%dma_wait3A_735 : memref<40x128xf32, #tpu.memory_space<vmem_shared>>)
      %mul3A_736 = arith.constant 640 : i32
      %mul3A_737 = arith.muli %arg1, %mul3A_736 : i32
      %add3A_738 = arith.constant 200 : i32
      %add3A_739 = arith.addi %mul3A_737, %add3A_738 : i32
      %dma_wait3A_740 = arith.constant 0 : i32
      %dma_wait3A_741 = tpu.memref_slice %arg20[%add3A_739, %dma_wait3A_740] : memref<10240x128xf32, #tpu.memory_space<vmem_shared>> -> memref<40x128xf32, #tpu.memory_space<vmem_shared>>
      %dma_wait3A_742 = arith.constant 0 : i32
      %dma_wait3A_743 = tpu.memref_slice %arg20[%add3A_739, %dma_wait3A_742] : memref<10240x128xf32, #tpu.memory_space<vmem_shared>> -> memref<40x128xf32, #tpu.memory_space<vmem_shared>>
      tpu.wait_dma2 semaphore(%arg42 : memref<!tpu.dma_semaphore, #tpu.memory_space<semaphore_mem>>) src(%arg19 : memref<40x128xf32, #tpu.memory_space<vmem>>) dst(%dma_wait3A_743 : memref<40x128xf32, #tpu.memory_space<vmem_shared>>)
      %mul3A_744 = arith.constant 640 : i32
      %mul3A_745 = arith.muli %arg1, %mul3A_744 : i32
      %add3A_746 = arith.constant 240 : i32
      %add3A_747 = arith.addi %mul3A_745, %add3A_746 : i32
      %dma_wait3A_748 = arith.constant 0 : i32
      %dma_wait3A_749 = tpu.memref_slice %arg20[%add3A_747, %dma_wait3A_748] : memref<10240x128xf32, #tpu.memory_space<vmem_shared>> -> memref<40x128xf32, #tpu.memory_space<vmem_shared>>
      %dma_wait3A_750 = arith.constant 0 : i32
      %dma_wait3A_751 = tpu.memref_slice %arg20[%add3A_747, %dma_wait3A_750] : memref<10240x128xf32, #tpu.memory_space<vmem_shared>> -> memref<40x128xf32, #tpu.memory_space<vmem_shared>>
      tpu.wait_dma2 semaphore(%arg42 : memref<!tpu.dma_semaphore, #tpu.memory_space<semaphore_mem>>) src(%arg19 : memref<40x128xf32, #tpu.memory_space<vmem>>) dst(%dma_wait3A_751 : memref<40x128xf32, #tpu.memory_space<vmem_shared>>)
      %mul3A_752 = arith.constant 640 : i32
      %mul3A_753 = arith.muli %arg1, %mul3A_752 : i32
      %add3A_754 = arith.constant 280 : i32
      %add3A_755 = arith.addi %mul3A_753, %add3A_754 : i32
      %dma_wait3A_756 = arith.constant 0 : i32
      %dma_wait3A_757 = tpu.memref_slice %arg20[%add3A_755, %dma_wait3A_756] : memref<10240x128xf32, #tpu.memory_space<vmem_shared>> -> memref<40x128xf32, #tpu.memory_space<vmem_shared>>
      %dma_wait3A_758 = arith.constant 0 : i32
      %dma_wait3A_759 = tpu.memref_slice %arg20[%add3A_755, %dma_wait3A_758] : memref<10240x128xf32, #tpu.memory_space<vmem_shared>> -> memref<40x128xf32, #tpu.memory_space<vmem_shared>>
      tpu.wait_dma2 semaphore(%arg42 : memref<!tpu.dma_semaphore, #tpu.memory_space<semaphore_mem>>) src(%arg19 : memref<40x128xf32, #tpu.memory_space<vmem>>) dst(%dma_wait3A_759 : memref<40x128xf32, #tpu.memory_space<vmem_shared>>)
      %mul3A_760 = arith.constant 640 : i32
      %mul3A_761 = arith.muli %arg1, %mul3A_760 : i32
      %add3A_762 = arith.constant 320 : i32
      %add3A_763 = arith.addi %mul3A_761, %add3A_762 : i32
      %dma_wait3A_764 = arith.constant 0 : i32
      %dma_wait3A_765 = tpu.memref_slice %arg20[%add3A_763, %dma_wait3A_764] : memref<10240x128xf32, #tpu.memory_space<vmem_shared>> -> memref<40x128xf32, #tpu.memory_space<vmem_shared>>
      %dma_wait3A_766 = arith.constant 0 : i32
      %dma_wait3A_767 = tpu.memref_slice %arg20[%add3A_763, %dma_wait3A_766] : memref<10240x128xf32, #tpu.memory_space<vmem_shared>> -> memref<40x128xf32, #tpu.memory_space<vmem_shared>>
      tpu.wait_dma2 semaphore(%arg42 : memref<!tpu.dma_semaphore, #tpu.memory_space<semaphore_mem>>) src(%arg19 : memref<40x128xf32, #tpu.memory_space<vmem>>) dst(%dma_wait3A_767 : memref<40x128xf32, #tpu.memory_space<vmem_shared>>)
      %mul3A_768 = arith.constant 640 : i32
      %mul3A_769 = arith.muli %arg1, %mul3A_768 : i32
      %add3A_770 = arith.constant 360 : i32
      %add3A_771 = arith.addi %mul3A_769, %add3A_770 : i32
      %dma_wait3A_772 = arith.constant 0 : i32
      %dma_wait3A_773 = tpu.memref_slice %arg20[%add3A_771, %dma_wait3A_772] : memref<10240x128xf32, #tpu.memory_space<vmem_shared>> -> memref<40x128xf32, #tpu.memory_space<vmem_shared>>
      %dma_wait3A_774 = arith.constant 0 : i32
      %dma_wait3A_775 = tpu.memref_slice %arg20[%add3A_771, %dma_wait3A_774] : memref<10240x128xf32, #tpu.memory_space<vmem_shared>> -> memref<40x128xf32, #tpu.memory_space<vmem_shared>>
      tpu.wait_dma2 semaphore(%arg42 : memref<!tpu.dma_semaphore, #tpu.memory_space<semaphore_mem>>) src(%arg19 : memref<40x128xf32, #tpu.memory_space<vmem>>) dst(%dma_wait3A_775 : memref<40x128xf32, #tpu.memory_space<vmem_shared>>)
      %mul3A_776 = arith.constant 640 : i32
      %mul3A_777 = arith.muli %arg1, %mul3A_776 : i32
      %add3A_778 = arith.constant 400 : i32
      %add3A_779 = arith.addi %mul3A_777, %add3A_778 : i32
      %dma_wait3A_780 = arith.constant 0 : i32
      %dma_wait3A_781 = tpu.memref_slice %arg20[%add3A_779, %dma_wait3A_780] : memref<10240x128xf32, #tpu.memory_space<vmem_shared>> -> memref<40x128xf32, #tpu.memory_space<vmem_shared>>
      %dma_wait3A_782 = arith.constant 0 : i32
      %dma_wait3A_783 = tpu.memref_slice %arg20[%add3A_779, %dma_wait3A_782] : memref<10240x128xf32, #tpu.memory_space<vmem_shared>> -> memref<40x128xf32, #tpu.memory_space<vmem_shared>>
      tpu.wait_dma2 semaphore(%arg42 : memref<!tpu.dma_semaphore, #tpu.memory_space<semaphore_mem>>) src(%arg19 : memref<40x128xf32, #tpu.memory_space<vmem>>) dst(%dma_wait3A_783 : memref<40x128xf32, #tpu.memory_space<vmem_shared>>)
      %mul3A_784 = arith.constant 640 : i32
      %mul3A_785 = arith.muli %arg1, %mul3A_784 : i32
      %add3A_786 = arith.constant 440 : i32
      %add3A_787 = arith.addi %mul3A_785, %add3A_786 : i32
      %dma_wait3A_788 = arith.constant 0 : i32
      %dma_wait3A_789 = tpu.memref_slice %arg20[%add3A_787, %dma_wait3A_788] : memref<10240x128xf32, #tpu.memory_space<vmem_shared>> -> memref<40x128xf32, #tpu.memory_space<vmem_shared>>
      %dma_wait3A_790 = arith.constant 0 : i32
      %dma_wait3A_791 = tpu.memref_slice %arg20[%add3A_787, %dma_wait3A_790] : memref<10240x128xf32, #tpu.memory_space<vmem_shared>> -> memref<40x128xf32, #tpu.memory_space<vmem_shared>>
      tpu.wait_dma2 semaphore(%arg42 : memref<!tpu.dma_semaphore, #tpu.memory_space<semaphore_mem>>) src(%arg19 : memref<40x128xf32, #tpu.memory_space<vmem>>) dst(%dma_wait3A_791 : memref<40x128xf32, #tpu.memory_space<vmem_shared>>)
      %mul3A_792 = arith.constant 640 : i32
      %mul3A_793 = arith.muli %arg1, %mul3A_792 : i32
      %add3A_794 = arith.constant 480 : i32
      %add3A_795 = arith.addi %mul3A_793, %add3A_794 : i32
      %dma_wait3A_796 = arith.constant 0 : i32
      %dma_wait3A_797 = tpu.memref_slice %arg20[%add3A_795, %dma_wait3A_796] : memref<10240x128xf32, #tpu.memory_space<vmem_shared>> -> memref<40x128xf32, #tpu.memory_space<vmem_shared>>
      %dma_wait3A_798 = arith.constant 0 : i32
      %dma_wait3A_799 = tpu.memref_slice %arg20[%add3A_795, %dma_wait3A_798] : memref<10240x128xf32, #tpu.memory_space<vmem_shared>> -> memref<40x128xf32, #tpu.memory_space<vmem_shared>>
      tpu.wait_dma2 semaphore(%arg42 : memref<!tpu.dma_semaphore, #tpu.memory_space<semaphore_mem>>) src(%arg19 : memref<40x128xf32, #tpu.memory_space<vmem>>) dst(%dma_wait3A_799 : memref<40x128xf32, #tpu.memory_space<vmem_shared>>)
      %mul3A_800 = arith.constant 640 : i32
      %mul3A_801 = arith.muli %arg1, %mul3A_800 : i32
      %add3A_802 = arith.constant 520 : i32
      %add3A_803 = arith.addi %mul3A_801, %add3A_802 : i32
      %dma_wait3A_804 = arith.constant 0 : i32
      %dma_wait3A_805 = tpu.memref_slice %arg20[%add3A_803, %dma_wait3A_804] : memref<10240x128xf32, #tpu.memory_space<vmem_shared>> -> memref<40x128xf32, #tpu.memory_space<vmem_shared>>
      %dma_wait3A_806 = arith.constant 0 : i32
      %dma_wait3A_807 = tpu.memref_slice %arg20[%add3A_803, %dma_wait3A_806] : memref<10240x128xf32, #tpu.memory_space<vmem_shared>> -> memref<40x128xf32, #tpu.memory_space<vmem_shared>>
      tpu.wait_dma2 semaphore(%arg42 : memref<!tpu.dma_semaphore, #tpu.memory_space<semaphore_mem>>) src(%arg19 : memref<40x128xf32, #tpu.memory_space<vmem>>) dst(%dma_wait3A_807 : memref<40x128xf32, #tpu.memory_space<vmem_shared>>)
      %mul3A_808 = arith.constant 640 : i32
      %mul3A_809 = arith.muli %arg1, %mul3A_808 : i32
      %add3A_810 = arith.constant 560 : i32
      %add3A_811 = arith.addi %mul3A_809, %add3A_810 : i32
      %dma_wait3A_812 = arith.constant 0 : i32
      %dma_wait3A_813 = tpu.memref_slice %arg20[%add3A_811, %dma_wait3A_812] : memref<10240x128xf32, #tpu.memory_space<vmem_shared>> -> memref<40x128xf32, #tpu.memory_space<vmem_shared>>
      %dma_wait3A_814 = arith.constant 0 : i32
      %dma_wait3A_815 = tpu.memref_slice %arg20[%add3A_811, %dma_wait3A_814] : memref<10240x128xf32, #tpu.memory_space<vmem_shared>> -> memref<40x128xf32, #tpu.memory_space<vmem_shared>>
      tpu.wait_dma2 semaphore(%arg42 : memref<!tpu.dma_semaphore, #tpu.memory_space<semaphore_mem>>) src(%arg19 : memref<40x128xf32, #tpu.memory_space<vmem>>) dst(%dma_wait3A_815 : memref<40x128xf32, #tpu.memory_space<vmem_shared>>)
      %mul3A_816 = arith.constant 640 : i32
      %mul3A_817 = arith.muli %arg1, %mul3A_816 : i32
      %add3A_818 = arith.constant 600 : i32
      %add3A_819 = arith.addi %mul3A_817, %add3A_818 : i32
      %dma_wait3A_820 = arith.constant 0 : i32
      %dma_wait3A_821 = tpu.memref_slice %arg20[%add3A_819, %dma_wait3A_820] : memref<10240x128xf32, #tpu.memory_space<vmem_shared>> -> memref<40x128xf32, #tpu.memory_space<vmem_shared>>
      %dma_wait3A_822 = arith.constant 0 : i32
      %dma_wait3A_823 = tpu.memref_slice %arg20[%add3A_819, %dma_wait3A_822] : memref<10240x128xf32, #tpu.memory_space<vmem_shared>> -> memref<40x128xf32, #tpu.memory_space<vmem_shared>>
      tpu.wait_dma2 semaphore(%arg42 : memref<!tpu.dma_semaphore, #tpu.memory_space<semaphore_mem>>) src(%arg19 : memref<40x128xf32, #tpu.memory_space<vmem>>) dst(%dma_wait3A_823 : memref<40x128xf32, #tpu.memory_space<vmem_shared>>)
    } else {
    }
    %barrier3A = arith.constant 0 : index
    tpu.barrier barrier_id(%barrier3A)
    %dma_wait3A = arith.constant 0 : i32
    %dma_wait3A_89 = tpu.memref_slice %arg5[%dma_wait3A] : memref<10000xi32, #tpu.memory_space<vmem>> -> memref<40xi32, #tpu.memory_space<vmem>>
    %dma_wait3A_90 = arith.constant 0 : i32
    %dma_wait3A_91 = arith.constant 0 : i32
    %dma_wait3A_92 = tpu.memref_slice %arg2[%dma_wait3A_90, %dma_wait3A_91] : memref<10000x128xf32, #tpu.memory_space<hbm>> -> memref<10000x128xf32, #tpu.memory_space<hbm>>
    tpu.wait_indirect_dma semaphore(%arg21 : memref<!tpu.dma_semaphore, #tpu.memory_space<semaphore_mem>>) src(%dma_wait3A_92 : memref<10000x128xf32, #tpu.memory_space<hbm>>) dst(%arg13 : memref<40x128xf32, #tpu.memory_space<vmem>>)
    %add3A_93 = arith.constant 320000 : i32
    %add3A_94 = arith.addi %add3A_93, %mul3A_2 : i32
    %add3A_95 = arith.constant 0 : i32
    %add3A_96 = arith.addi %add3A_94, %add3A_95 : i32
    %dma_wait3A_97 = tpu.memref_slice %arg3[%add3A_96] : memref<640000xi32, #tpu.memory_space<hbm>> -> memref<40xi32, #tpu.memory_space<hbm>>
    %dma_wait3A_98 = tpu.memref_slice %arg3[%add3A_96] : memref<640000xi32, #tpu.memory_space<hbm>> -> memref<40xi32, #tpu.memory_space<hbm>>
    tpu.wait_dma2 semaphore(%arg28 : memref<!tpu.dma_semaphore, #tpu.memory_space<semaphore_mem>>) src(%dma_wait3A_98 : memref<40xi32, #tpu.memory_space<hbm>>) dst(%arg6 : memref<40xi32, #tpu.memory_space<vmem>>)
    %dma_start3A_99 = arith.constant 0 : i32
    %dma_start3A_100 = arith.constant 0 : i32
    %dma_start3A_101 = tpu.memref_slice %arg20[%dma_start3A_99, %dma_start3A_100] : memref<10240x128xf32, #tpu.memory_space<vmem_shared>> -> memref<10240x128xf32, #tpu.memory_space<vmem_shared>>
    tpu.enqueue_indirect_dma source(%arg13 : memref<40x128xf32, #tpu.memory_space<vmem>>) target(%dma_start3A_101 : memref<10240x128xf32, #tpu.memory_space<vmem_shared>>) offsets(%arg6 : memref<40xi32, #tpu.memory_space<vmem>>) semaphore(%arg35 : memref<!tpu.dma_semaphore, #tpu.memory_space<semaphore_mem>>) {add = true}
    %add3A_102 = arith.constant 320000 : i32
    %add3A_103 = arith.addi %add3A_102, %mul3A_2 : i32
    %add3A_104 = arith.constant 240 : i32
    %add3A_105 = arith.addi %add3A_103, %add3A_104 : i32
    %dma_start3A_106 = tpu.memref_slice %arg3[%add3A_105] : memref<640000xi32, #tpu.memory_space<hbm>> -> memref<40xi32, #tpu.memory_space<hbm>>
    %dma_start3A_107 = tpu.memref_slice %arg3[%add3A_105] : memref<640000xi32, #tpu.memory_space<hbm>> -> memref<40xi32, #tpu.memory_space<hbm>>
    tpu.enqueue_dma source(%dma_start3A_107 : memref<40xi32, #tpu.memory_space<hbm>>) target(%arg12 : memref<40xi32, #tpu.memory_space<vmem>>) target_semaphore(%arg34 : memref<!tpu.dma_semaphore, #tpu.memory_space<semaphore_mem>>)
    %dma_start3A_108 = arith.constant 240 : i32
    %dma_start3A_109 = tpu.memref_slice %arg5[%dma_start3A_108] : memref<10000xi32, #tpu.memory_space<vmem>> -> memref<40xi32, #tpu.memory_space<vmem>>
    %dma_start3A_110 = arith.constant 0 : i32
    %dma_start3A_111 = arith.constant 0 : i32
    %dma_start3A_112 = tpu.memref_slice %arg2[%dma_start3A_110, %dma_start3A_111] : memref<10000x128xf32, #tpu.memory_space<hbm>> -> memref<10000x128xf32, #tpu.memory_space<hbm>>
    tpu.enqueue_indirect_dma source(%dma_start3A_112 : memref<10000x128xf32, #tpu.memory_space<hbm>>) target(%arg19 : memref<40x128xf32, #tpu.memory_space<vmem>>) offsets(%dma_start3A_109 : memref<40xi32, #tpu.memory_space<vmem>>) semaphore(%arg27 : memref<!tpu.dma_semaphore, #tpu.memory_space<semaphore_mem>>)
    %dma_wait3A_113 = arith.constant 40 : i32
    %dma_wait3A_114 = tpu.memref_slice %arg5[%dma_wait3A_113] : memref<10000xi32, #tpu.memory_space<vmem>> -> memref<40xi32, #tpu.memory_space<vmem>>
    %dma_wait3A_115 = arith.constant 0 : i32
    %dma_wait3A_116 = arith.constant 0 : i32
    %dma_wait3A_117 = tpu.memref_slice %arg2[%dma_wait3A_115, %dma_wait3A_116] : memref<10000x128xf32, #tpu.memory_space<hbm>> -> memref<10000x128xf32, #tpu.memory_space<hbm>>
    tpu.wait_indirect_dma semaphore(%arg22 : memref<!tpu.dma_semaphore, #tpu.memory_space<semaphore_mem>>) src(%dma_wait3A_117 : memref<10000x128xf32, #tpu.memory_space<hbm>>) dst(%arg14 : memref<40x128xf32, #tpu.memory_space<vmem>>)
    %add3A_118 = arith.constant 320000 : i32
    %add3A_119 = arith.addi %add3A_118, %mul3A_2 : i32
    %add3A_120 = arith.constant 40 : i32
    %add3A_121 = arith.addi %add3A_119, %add3A_120 : i32
    %dma_wait3A_122 = tpu.memref_slice %arg3[%add3A_121] : memref<640000xi32, #tpu.memory_space<hbm>> -> memref<40xi32, #tpu.memory_space<hbm>>
    %dma_wait3A_123 = tpu.memref_slice %arg3[%add3A_121] : memref<640000xi32, #tpu.memory_space<hbm>> -> memref<40xi32, #tpu.memory_space<hbm>>
    tpu.wait_dma2 semaphore(%arg29 : memref<!tpu.dma_semaphore, #tpu.memory_space<semaphore_mem>>) src(%dma_wait3A_123 : memref<40xi32, #tpu.memory_space<hbm>>) dst(%arg7 : memref<40xi32, #tpu.memory_space<vmem>>)
    %dma_start3A_124 = arith.constant 0 : i32
    %dma_start3A_125 = arith.constant 0 : i32
    %dma_start3A_126 = tpu.memref_slice %arg20[%dma_start3A_124, %dma_start3A_125] : memref<10240x128xf32, #tpu.memory_space<vmem_shared>> -> memref<10240x128xf32, #tpu.memory_space<vmem_shared>>
    tpu.enqueue_indirect_dma source(%arg14 : memref<40x128xf32, #tpu.memory_space<vmem>>) target(%dma_start3A_126 : memref<10240x128xf32, #tpu.memory_space<vmem_shared>>) offsets(%arg7 : memref<40xi32, #tpu.memory_space<vmem>>) semaphore(%arg36 : memref<!tpu.dma_semaphore, #tpu.memory_space<semaphore_mem>>) {add = true}
    %dma_wait3A_127 = arith.constant 0 : i32
    %dma_wait3A_128 = arith.constant 0 : i32
    %dma_wait3A_129 = tpu.memref_slice %arg20[%dma_wait3A_127, %dma_wait3A_128] : memref<10240x128xf32, #tpu.memory_space<vmem_shared>> -> memref<10240x128xf32, #tpu.memory_space<vmem_shared>>
    tpu.wait_indirect_dma semaphore(%arg35 : memref<!tpu.dma_semaphore, #tpu.memory_space<semaphore_mem>>) src(%arg13 : memref<40x128xf32, #tpu.memory_space<vmem>>) dst(%dma_wait3A_129 : memref<10240x128xf32, #tpu.memory_space<vmem_shared>>)
    %add3A_130 = arith.constant 320000 : i32
    %add3A_131 = arith.addi %add3A_130, %mul3A_2 : i32
    %add3A_132 = arith.constant 280 : i32
    %add3A_133 = arith.addi %add3A_131, %add3A_132 : i32
    %dma_start3A_134 = tpu.memref_slice %arg3[%add3A_133] : memref<640000xi32, #tpu.memory_space<hbm>> -> memref<40xi32, #tpu.memory_space<hbm>>
    %dma_start3A_135 = tpu.memref_slice %arg3[%add3A_133] : memref<640000xi32, #tpu.memory_space<hbm>> -> memref<40xi32, #tpu.memory_space<hbm>>
    tpu.enqueue_dma source(%dma_start3A_135 : memref<40xi32, #tpu.memory_space<hbm>>) target(%arg6 : memref<40xi32, #tpu.memory_space<vmem>>) target_semaphore(%arg28 : memref<!tpu.dma_semaphore, #tpu.memory_space<semaphore_mem>>)
    %dma_start3A_136 = arith.constant 280 : i32
    %dma_start3A_137 = tpu.memref_slice %arg5[%dma_start3A_136] : memref<10000xi32, #tpu.memory_space<vmem>> -> memref<40xi32, #tpu.memory_space<vmem>>
    %dma_start3A_138 = arith.constant 0 : i32
    %dma_start3A_139 = arith.constant 0 : i32
    %dma_start3A_140 = tpu.memref_slice %arg2[%dma_start3A_138, %dma_start3A_139] : memref<10000x128xf32, #tpu.memory_space<hbm>> -> memref<10000x128xf32, #tpu.memory_space<hbm>>
    tpu.enqueue_indirect_dma source(%dma_start3A_140 : memref<10000x128xf32, #tpu.memory_space<hbm>>) target(%arg13 : memref<40x128xf32, #tpu.memory_space<vmem>>) offsets(%dma_start3A_137 : memref<40xi32, #tpu.memory_space<vmem>>) semaphore(%arg21 : memref<!tpu.dma_semaphore, #tpu.memory_space<semaphore_mem>>)
    %dma_wait3A_141 = arith.constant 80 : i32
    %dma_wait3A_142 = tpu.memref_slice %arg5[%dma_wait3A_141] : memref<10000xi32, #tpu.memory_space<vmem>> -> memref<40xi32, #tpu.memory_space<vmem>>
    %dma_wait3A_143 = arith.constant 0 : i32
    %dma_wait3A_144 = arith.constant 0 : i32
    %dma_wait3A_145 = tpu.memref_slice %arg2[%dma_wait3A_143, %dma_wait3A_144] : memref<10000x128xf32, #tpu.memory_space<hbm>> -> memref<10000x128xf32, #tpu.memory_space<hbm>>
    tpu.wait_indirect_dma semaphore(%arg23 : memref<!tpu.dma_semaphore, #tpu.memory_space<semaphore_mem>>) src(%dma_wait3A_145 : memref<10000x128xf32, #tpu.memory_space<hbm>>) dst(%arg15 : memref<40x128xf32, #tpu.memory_space<vmem>>)
    %add3A_146 = arith.constant 320000 : i32
    %add3A_147 = arith.addi %add3A_146, %mul3A_2 : i32
    %add3A_148 = arith.constant 80 : i32
    %add3A_149 = arith.addi %add3A_147, %add3A_148 : i32
    %dma_wait3A_150 = tpu.memref_slice %arg3[%add3A_149] : memref<640000xi32, #tpu.memory_space<hbm>> -> memref<40xi32, #tpu.memory_space<hbm>>
    %dma_wait3A_151 = tpu.memref_slice %arg3[%add3A_149] : memref<640000xi32, #tpu.memory_space<hbm>> -> memref<40xi32, #tpu.memory_space<hbm>>
    tpu.wait_dma2 semaphore(%arg30 : memref<!tpu.dma_semaphore, #tpu.memory_space<semaphore_mem>>) src(%dma_wait3A_151 : memref<40xi32, #tpu.memory_space<hbm>>) dst(%arg8 : memref<40xi32, #tpu.memory_space<vmem>>)
    %dma_start3A_152 = arith.constant 0 : i32
    %dma_start3A_153 = arith.constant 0 : i32
    %dma_start3A_154 = tpu.memref_slice %arg20[%dma_start3A_152, %dma_start3A_153] : memref<10240x128xf32, #tpu.memory_space<vmem_shared>> -> memref<10240x128xf32, #tpu.memory_space<vmem_shared>>
    tpu.enqueue_indirect_dma source(%arg15 : memref<40x128xf32, #tpu.memory_space<vmem>>) target(%dma_start3A_154 : memref<10240x128xf32, #tpu.memory_space<vmem_shared>>) offsets(%arg8 : memref<40xi32, #tpu.memory_space<vmem>>) semaphore(%arg37 : memref<!tpu.dma_semaphore, #tpu.memory_space<semaphore_mem>>) {add = true}
    %dma_wait3A_155 = arith.constant 0 : i32
    %dma_wait3A_156 = arith.constant 0 : i32
    %dma_wait3A_157 = tpu.memref_slice %arg20[%dma_wait3A_155, %dma_wait3A_156] : memref<10240x128xf32, #tpu.memory_space<vmem_shared>> -> memref<10240x128xf32, #tpu.memory_space<vmem_shared>>
    tpu.wait_indirect_dma semaphore(%arg36 : memref<!tpu.dma_semaphore, #tpu.memory_space<semaphore_mem>>) src(%arg14 : memref<40x128xf32, #tpu.memory_space<vmem>>) dst(%dma_wait3A_157 : memref<10240x128xf32, #tpu.memory_space<vmem_shared>>)
    %add3A_158 = arith.constant 320000 : i32
    %add3A_159 = arith.addi %add3A_158, %mul3A_2 : i32
    %add3A_160 = arith.constant 320 : i32
    %add3A_161 = arith.addi %add3A_159, %add3A_160 : i32
    %dma_start3A_162 = tpu.memref_slice %arg3[%add3A_161] : memref<640000xi32, #tpu.memory_space<hbm>> -> memref<40xi32, #tpu.memory_space<hbm>>
    %dma_start3A_163 = tpu.memref_slice %arg3[%add3A_161] : memref<640000xi32, #tpu.memory_space<hbm>> -> memref<40xi32, #tpu.memory_space<hbm>>
    tpu.enqueue_dma source(%dma_start3A_163 : memref<40xi32, #tpu.memory_space<hbm>>) target(%arg7 : memref<40xi32, #tpu.memory_space<vmem>>) target_semaphore(%arg29 : memref<!tpu.dma_semaphore, #tpu.memory_space<semaphore_mem>>)
    %dma_start3A_164 = arith.constant 320 : i32
    %dma_start3A_165 = tpu.memref_slice %arg5[%dma_start3A_164] : memref<10000xi32, #tpu.memory_space<vmem>> -> memref<40xi32, #tpu.memory_space<vmem>>
    %dma_start3A_166 = arith.constant 0 : i32
    %dma_start3A_167 = arith.constant 0 : i32
    %dma_start3A_168 = tpu.memref_slice %arg2[%dma_start3A_166, %dma_start3A_167] : memref<10000x128xf32, #tpu.memory_space<hbm>> -> memref<10000x128xf32, #tpu.memory_space<hbm>>
    tpu.enqueue_indirect_dma source(%dma_start3A_168 : memref<10000x128xf32, #tpu.memory_space<hbm>>) target(%arg14 : memref<40x128xf32, #tpu.memory_space<vmem>>) offsets(%dma_start3A_165 : memref<40xi32, #tpu.memory_space<vmem>>) semaphore(%arg22 : memref<!tpu.dma_semaphore, #tpu.memory_space<semaphore_mem>>)
    %dma_wait3A_169 = arith.constant 120 : i32
    %dma_wait3A_170 = tpu.memref_slice %arg5[%dma_wait3A_169] : memref<10000xi32, #tpu.memory_space<vmem>> -> memref<40xi32, #tpu.memory_space<vmem>>
    %dma_wait3A_171 = arith.constant 0 : i32
    %dma_wait3A_172 = arith.constant 0 : i32
    %dma_wait3A_173 = tpu.memref_slice %arg2[%dma_wait3A_171, %dma_wait3A_172] : memref<10000x128xf32, #tpu.memory_space<hbm>> -> memref<10000x128xf32, #tpu.memory_space<hbm>>
    tpu.wait_indirect_dma semaphore(%arg24 : memref<!tpu.dma_semaphore, #tpu.memory_space<semaphore_mem>>) src(%dma_wait3A_173 : memref<10000x128xf32, #tpu.memory_space<hbm>>) dst(%arg16 : memref<40x128xf32, #tpu.memory_space<vmem>>)
    %add3A_174 = arith.constant 320000 : i32
    %add3A_175 = arith.addi %add3A_174, %mul3A_2 : i32
    %add3A_176 = arith.constant 120 : i32
    %add3A_177 = arith.addi %add3A_175, %add3A_176 : i32
    %dma_wait3A_178 = tpu.memref_slice %arg3[%add3A_177] : memref<640000xi32, #tpu.memory_space<hbm>> -> memref<40xi32, #tpu.memory_space<hbm>>
    %dma_wait3A_179 = tpu.memref_slice %arg3[%add3A_177] : memref<640000xi32, #tpu.memory_space<hbm>> -> memref<40xi32, #tpu.memory_space<hbm>>
    tpu.wait_dma2 semaphore(%arg31 : memref<!tpu.dma_semaphore, #tpu.memory_space<semaphore_mem>>) src(%dma_wait3A_179 : memref<40xi32, #tpu.memory_space<hbm>>) dst(%arg9 : memref<40xi32, #tpu.memory_space<vmem>>)
    %dma_start3A_180 = arith.constant 0 : i32
    %dma_start3A_181 = arith.constant 0 : i32
    %dma_start3A_182 = tpu.memref_slice %arg20[%dma_start3A_180, %dma_start3A_181] : memref<10240x128xf32, #tpu.memory_space<vmem_shared>> -> memref<10240x128xf32, #tpu.memory_space<vmem_shared>>
    tpu.enqueue_indirect_dma source(%arg16 : memref<40x128xf32, #tpu.memory_space<vmem>>) target(%dma_start3A_182 : memref<10240x128xf32, #tpu.memory_space<vmem_shared>>) offsets(%arg9 : memref<40xi32, #tpu.memory_space<vmem>>) semaphore(%arg38 : memref<!tpu.dma_semaphore, #tpu.memory_space<semaphore_mem>>) {add = true}
    %dma_wait3A_183 = arith.constant 0 : i32
    %dma_wait3A_184 = arith.constant 0 : i32
    %dma_wait3A_185 = tpu.memref_slice %arg20[%dma_wait3A_183, %dma_wait3A_184] : memref<10240x128xf32, #tpu.memory_space<vmem_shared>> -> memref<10240x128xf32, #tpu.memory_space<vmem_shared>>
    tpu.wait_indirect_dma semaphore(%arg37 : memref<!tpu.dma_semaphore, #tpu.memory_space<semaphore_mem>>) src(%arg15 : memref<40x128xf32, #tpu.memory_space<vmem>>) dst(%dma_wait3A_185 : memref<10240x128xf32, #tpu.memory_space<vmem_shared>>)
    %add3A_186 = arith.constant 320000 : i32
    %add3A_187 = arith.addi %add3A_186, %mul3A_2 : i32
    %add3A_188 = arith.constant 360 : i32
    %add3A_189 = arith.addi %add3A_187, %add3A_188 : i32
    %dma_start3A_190 = tpu.memref_slice %arg3[%add3A_189] : memref<640000xi32, #tpu.memory_space<hbm>> -> memref<40xi32, #tpu.memory_space<hbm>>
    %dma_start3A_191 = tpu.memref_slice %arg3[%add3A_189] : memref<640000xi32, #tpu.memory_space<hbm>> -> memref<40xi32, #tpu.memory_space<hbm>>
    tpu.enqueue_dma source(%dma_start3A_191 : memref<40xi32, #tpu.memory_space<hbm>>) target(%arg8 : memref<40xi32, #tpu.memory_space<vmem>>) target_semaphore(%arg30 : memref<!tpu.dma_semaphore, #tpu.memory_space<semaphore_mem>>)
    %dma_start3A_192 = arith.constant 360 : i32
    %dma_start3A_193 = tpu.memref_slice %arg5[%dma_start3A_192] : memref<10000xi32, #tpu.memory_space<vmem>> -> memref<40xi32, #tpu.memory_space<vmem>>
    %dma_start3A_194 = arith.constant 0 : i32
    %dma_start3A_195 = arith.constant 0 : i32
    %dma_start3A_196 = tpu.memref_slice %arg2[%dma_start3A_194, %dma_start3A_195] : memref<10000x128xf32, #tpu.memory_space<hbm>> -> memref<10000x128xf32, #tpu.memory_space<hbm>>
    tpu.enqueue_indirect_dma source(%dma_start3A_196 : memref<10000x128xf32, #tpu.memory_space<hbm>>) target(%arg15 : memref<40x128xf32, #tpu.memory_space<vmem>>) offsets(%dma_start3A_193 : memref<40xi32, #tpu.memory_space<vmem>>) semaphore(%arg23 : memref<!tpu.dma_semaphore, #tpu.memory_space<semaphore_mem>>)
    %dma_wait3A_197 = arith.constant 160 : i32
    %dma_wait3A_198 = tpu.memref_slice %arg5[%dma_wait3A_197] : memref<10000xi32, #tpu.memory_space<vmem>> -> memref<40xi32, #tpu.memory_space<vmem>>
    %dma_wait3A_199 = arith.constant 0 : i32
    %dma_wait3A_200 = arith.constant 0 : i32
    %dma_wait3A_201 = tpu.memref_slice %arg2[%dma_wait3A_199, %dma_wait3A_200] : memref<10000x128xf32, #tpu.memory_space<hbm>> -> memref<10000x128xf32, #tpu.memory_space<hbm>>
    tpu.wait_indirect_dma semaphore(%arg25 : memref<!tpu.dma_semaphore, #tpu.memory_space<semaphore_mem>>) src(%dma_wait3A_201 : memref<10000x128xf32, #tpu.memory_space<hbm>>) dst(%arg17 : memref<40x128xf32, #tpu.memory_space<vmem>>)
    %add3A_202 = arith.constant 320000 : i32
    %add3A_203 = arith.addi %add3A_202, %mul3A_2 : i32
    %add3A_204 = arith.constant 160 : i32
    %add3A_205 = arith.addi %add3A_203, %add3A_204 : i32
    %dma_wait3A_206 = tpu.memref_slice %arg3[%add3A_205] : memref<640000xi32, #tpu.memory_space<hbm>> -> memref<40xi32, #tpu.memory_space<hbm>>
    %dma_wait3A_207 = tpu.memref_slice %arg3[%add3A_205] : memref<640000xi32, #tpu.memory_space<hbm>> -> memref<40xi32, #tpu.memory_space<hbm>>
    tpu.wait_dma2 semaphore(%arg32 : memref<!tpu.dma_semaphore, #tpu.memory_space<semaphore_mem>>) src(%dma_wait3A_207 : memref<40xi32, #tpu.memory_space<hbm>>) dst(%arg10 : memref<40xi32, #tpu.memory_space<vmem>>)
    %dma_start3A_208 = arith.constant 0 : i32
    %dma_start3A_209 = arith.constant 0 : i32
    %dma_start3A_210 = tpu.memref_slice %arg20[%dma_start3A_208, %dma_start3A_209] : memref<10240x128xf32, #tpu.memory_space<vmem_shared>> -> memref<10240x128xf32, #tpu.memory_space<vmem_shared>>
    tpu.enqueue_indirect_dma source(%arg17 : memref<40x128xf32, #tpu.memory_space<vmem>>) target(%dma_start3A_210 : memref<10240x128xf32, #tpu.memory_space<vmem_shared>>) offsets(%arg10 : memref<40xi32, #tpu.memory_space<vmem>>) semaphore(%arg39 : memref<!tpu.dma_semaphore, #tpu.memory_space<semaphore_mem>>) {add = true}
    %dma_wait3A_211 = arith.constant 0 : i32
    %dma_wait3A_212 = arith.constant 0 : i32
    %dma_wait3A_213 = tpu.memref_slice %arg20[%dma_wait3A_211, %dma_wait3A_212] : memref<10240x128xf32, #tpu.memory_space<vmem_shared>> -> memref<10240x128xf32, #tpu.memory_space<vmem_shared>>
    tpu.wait_indirect_dma semaphore(%arg38 : memref<!tpu.dma_semaphore, #tpu.memory_space<semaphore_mem>>) src(%arg16 : memref<40x128xf32, #tpu.memory_space<vmem>>) dst(%dma_wait3A_213 : memref<10240x128xf32, #tpu.memory_space<vmem_shared>>)
    %add3A_214 = arith.constant 320000 : i32
    %add3A_215 = arith.addi %add3A_214, %mul3A_2 : i32
    %add3A_216 = arith.constant 400 : i32
    %add3A_217 = arith.addi %add3A_215, %add3A_216 : i32
    %dma_start3A_218 = tpu.memref_slice %arg3[%add3A_217] : memref<640000xi32, #tpu.memory_space<hbm>> -> memref<40xi32, #tpu.memory_space<hbm>>
    %dma_start3A_219 = tpu.memref_slice %arg3[%add3A_217] : memref<640000xi32, #tpu.memory_space<hbm>> -> memref<40xi32, #tpu.memory_space<hbm>>
    tpu.enqueue_dma source(%dma_start3A_219 : memref<40xi32, #tpu.memory_space<hbm>>) target(%arg9 : memref<40xi32, #tpu.memory_space<vmem>>) target_semaphore(%arg31 : memref<!tpu.dma_semaphore, #tpu.memory_space<semaphore_mem>>)
    %dma_start3A_220 = arith.constant 400 : i32
    %dma_start3A_221 = tpu.memref_slice %arg5[%dma_start3A_220] : memref<10000xi32, #tpu.memory_space<vmem>> -> memref<40xi32, #tpu.memory_space<vmem>>
    %dma_start3A_222 = arith.constant 0 : i32
    %dma_start3A_223 = arith.constant 0 : i32
    %dma_start3A_224 = tpu.memref_slice %arg2[%dma_start3A_222, %dma_start3A_223] : memref<10000x128xf32, #tpu.memory_space<hbm>> -> memref<10000x128xf32, #tpu.memory_space<hbm>>
    tpu.enqueue_indirect_dma source(%dma_start3A_224 : memref<10000x128xf32, #tpu.memory_space<hbm>>) target(%arg16 : memref<40x128xf32, #tpu.memory_space<vmem>>) offsets(%dma_start3A_221 : memref<40xi32, #tpu.memory_space<vmem>>) semaphore(%arg24 : memref<!tpu.dma_semaphore, #tpu.memory_space<semaphore_mem>>)
    %dma_wait3A_225 = arith.constant 200 : i32
    %dma_wait3A_226 = tpu.memref_slice %arg5[%dma_wait3A_225] : memref<10000xi32, #tpu.memory_space<vmem>> -> memref<40xi32, #tpu.memory_space<vmem>>
    %dma_wait3A_227 = arith.constant 0 : i32
    %dma_wait3A_228 = arith.constant 0 : i32
    %dma_wait3A_229 = tpu.memref_slice %arg2[%dma_wait3A_227, %dma_wait3A_228] : memref<10000x128xf32, #tpu.memory_space<hbm>> -> memref<10000x128xf32, #tpu.memory_space<hbm>>
    tpu.wait_indirect_dma semaphore(%arg26 : memref<!tpu.dma_semaphore, #tpu.memory_space<semaphore_mem>>) src(%dma_wait3A_229 : memref<10000x128xf32, #tpu.memory_space<hbm>>) dst(%arg18 : memref<40x128xf32, #tpu.memory_space<vmem>>)
    %add3A_230 = arith.constant 320000 : i32
    %add3A_231 = arith.addi %add3A_230, %mul3A_2 : i32
    %add3A_232 = arith.constant 200 : i32
    %add3A_233 = arith.addi %add3A_231, %add3A_232 : i32
    %dma_wait3A_234 = tpu.memref_slice %arg3[%add3A_233] : memref<640000xi32, #tpu.memory_space<hbm>> -> memref<40xi32, #tpu.memory_space<hbm>>
    %dma_wait3A_235 = tpu.memref_slice %arg3[%add3A_233] : memref<640000xi32, #tpu.memory_space<hbm>> -> memref<40xi32, #tpu.memory_space<hbm>>
    tpu.wait_dma2 semaphore(%arg33 : memref<!tpu.dma_semaphore, #tpu.memory_space<semaphore_mem>>) src(%dma_wait3A_235 : memref<40xi32, #tpu.memory_space<hbm>>) dst(%arg11 : memref<40xi32, #tpu.memory_space<vmem>>)
    %dma_start3A_236 = arith.constant 0 : i32
    %dma_start3A_237 = arith.constant 0 : i32
    %dma_start3A_238 = tpu.memref_slice %arg20[%dma_start3A_236, %dma_start3A_237] : memref<10240x128xf32, #tpu.memory_space<vmem_shared>> -> memref<10240x128xf32, #tpu.memory_space<vmem_shared>>
    tpu.enqueue_indirect_dma source(%arg18 : memref<40x128xf32, #tpu.memory_space<vmem>>) target(%dma_start3A_238 : memref<10240x128xf32, #tpu.memory_space<vmem_shared>>) offsets(%arg11 : memref<40xi32, #tpu.memory_space<vmem>>) semaphore(%arg40 : memref<!tpu.dma_semaphore, #tpu.memory_space<semaphore_mem>>) {add = true}
    %dma_wait3A_239 = arith.constant 0 : i32
    %dma_wait3A_240 = arith.constant 0 : i32
    %dma_wait3A_241 = tpu.memref_slice %arg20[%dma_wait3A_239, %dma_wait3A_240] : memref<10240x128xf32, #tpu.memory_space<vmem_shared>> -> memref<10240x128xf32, #tpu.memory_space<vmem_shared>>
    tpu.wait_indirect_dma semaphore(%arg39 : memref<!tpu.dma_semaphore, #tpu.memory_space<semaphore_mem>>) src(%arg17 : memref<40x128xf32, #tpu.memory_space<vmem>>) dst(%dma_wait3A_241 : memref<10240x128xf32, #tpu.memory_space<vmem_shared>>)
    %add3A_242 = arith.constant 320000 : i32
    %add3A_243 = arith.addi %add3A_242, %mul3A_2 : i32
    %add3A_244 = arith.constant 440 : i32
    %add3A_245 = arith.addi %add3A_243, %add3A_244 : i32
    %dma_start3A_246 = tpu.memref_slice %arg3[%add3A_245] : memref<640000xi32, #tpu.memory_space<hbm>> -> memref<40xi32, #tpu.memory_space<hbm>>
    %dma_start3A_247 = tpu.memref_slice %arg3[%add3A_245] : memref<640000xi32, #tpu.memory_space<hbm>> -> memref<40xi32, #tpu.memory_space<hbm>>
    tpu.enqueue_dma source(%dma_start3A_247 : memref<40xi32, #tpu.memory_space<hbm>>) target(%arg10 : memref<40xi32, #tpu.memory_space<vmem>>) target_semaphore(%arg32 : memref<!tpu.dma_semaphore, #tpu.memory_space<semaphore_mem>>)
    %dma_start3A_248 = arith.constant 440 : i32
    %dma_start3A_249 = tpu.memref_slice %arg5[%dma_start3A_248] : memref<10000xi32, #tpu.memory_space<vmem>> -> memref<40xi32, #tpu.memory_space<vmem>>
    %dma_start3A_250 = arith.constant 0 : i32
    %dma_start3A_251 = arith.constant 0 : i32
    %dma_start3A_252 = tpu.memref_slice %arg2[%dma_start3A_250, %dma_start3A_251] : memref<10000x128xf32, #tpu.memory_space<hbm>> -> memref<10000x128xf32, #tpu.memory_space<hbm>>
    tpu.enqueue_indirect_dma source(%dma_start3A_252 : memref<10000x128xf32, #tpu.memory_space<hbm>>) target(%arg17 : memref<40x128xf32, #tpu.memory_space<vmem>>) offsets(%dma_start3A_249 : memref<40xi32, #tpu.memory_space<vmem>>) semaphore(%arg25 : memref<!tpu.dma_semaphore, #tpu.memory_space<semaphore_mem>>)
    %dma_wait3A_253 = arith.constant 240 : i32
    %dma_wait3A_254 = tpu.memref_slice %arg5[%dma_wait3A_253] : memref<10000xi32, #tpu.memory_space<vmem>> -> memref<40xi32, #tpu.memory_space<vmem>>
    %dma_wait3A_255 = arith.constant 0 : i32
    %dma_wait3A_256 = arith.constant 0 : i32
    %dma_wait3A_257 = tpu.memref_slice %arg2[%dma_wait3A_255, %dma_wait3A_256] : memref<10000x128xf32, #tpu.memory_space<hbm>> -> memref<10000x128xf32, #tpu.memory_space<hbm>>
    tpu.wait_indirect_dma semaphore(%arg27 : memref<!tpu.dma_semaphore, #tpu.memory_space<semaphore_mem>>) src(%dma_wait3A_257 : memref<10000x128xf32, #tpu.memory_space<hbm>>) dst(%arg19 : memref<40x128xf32, #tpu.memory_space<vmem>>)
    %add3A_258 = arith.constant 320000 : i32
    %add3A_259 = arith.addi %add3A_258, %mul3A_2 : i32
    %add3A_260 = arith.constant 240 : i32
    %add3A_261 = arith.addi %add3A_259, %add3A_260 : i32
    %dma_wait3A_262 = tpu.memref_slice %arg3[%add3A_261] : memref<640000xi32, #tpu.memory_space<hbm>> -> memref<40xi32, #tpu.memory_space<hbm>>
    %dma_wait3A_263 = tpu.memref_slice %arg3[%add3A_261] : memref<640000xi32, #tpu.memory_space<hbm>> -> memref<40xi32, #tpu.memory_space<hbm>>
    tpu.wait_dma2 semaphore(%arg34 : memref<!tpu.dma_semaphore, #tpu.memory_space<semaphore_mem>>) src(%dma_wait3A_263 : memref<40xi32, #tpu.memory_space<hbm>>) dst(%arg12 : memref<40xi32, #tpu.memory_space<vmem>>)
    %dma_start3A_264 = arith.constant 0 : i32
    %dma_start3A_265 = arith.constant 0 : i32
    %dma_start3A_266 = tpu.memref_slice %arg20[%dma_start3A_264, %dma_start3A_265] : memref<10240x128xf32, #tpu.memory_space<vmem_shared>> -> memref<10240x128xf32, #tpu.memory_space<vmem_shared>>
    tpu.enqueue_indirect_dma source(%arg19 : memref<40x128xf32, #tpu.memory_space<vmem>>) target(%dma_start3A_266 : memref<10240x128xf32, #tpu.memory_space<vmem_shared>>) offsets(%arg12 : memref<40xi32, #tpu.memory_space<vmem>>) semaphore(%arg41 : memref<!tpu.dma_semaphore, #tpu.memory_space<semaphore_mem>>) {add = true}
    %dma_wait3A_267 = arith.constant 0 : i32
    %dma_wait3A_268 = arith.constant 0 : i32
    %dma_wait3A_269 = tpu.memref_slice %arg20[%dma_wait3A_267, %dma_wait3A_268] : memref<10240x128xf32, #tpu.memory_space<vmem_shared>> -> memref<10240x128xf32, #tpu.memory_space<vmem_shared>>
    tpu.wait_indirect_dma semaphore(%arg40 : memref<!tpu.dma_semaphore, #tpu.memory_space<semaphore_mem>>) src(%arg18 : memref<40x128xf32, #tpu.memory_space<vmem>>) dst(%dma_wait3A_269 : memref<10240x128xf32, #tpu.memory_space<vmem_shared>>)
    %add3A_270 = arith.constant 320000 : i32
    %add3A_271 = arith.addi %add3A_270, %mul3A_2 : i32
    %add3A_272 = arith.constant 480 : i32
    %add3A_273 = arith.addi %add3A_271, %add3A_272 : i32
    %dma_start3A_274 = tpu.memref_slice %arg3[%add3A_273] : memref<640000xi32, #tpu.memory_space<hbm>> -> memref<40xi32, #tpu.memory_space<hbm>>
    %dma_start3A_275 = tpu.memref_slice %arg3[%add3A_273] : memref<640000xi32, #tpu.memory_space<hbm>> -> memref<40xi32, #tpu.memory_space<hbm>>
    tpu.enqueue_dma source(%dma_start3A_275 : memref<40xi32, #tpu.memory_space<hbm>>) target(%arg11 : memref<40xi32, #tpu.memory_space<vmem>>) target_semaphore(%arg33 : memref<!tpu.dma_semaphore, #tpu.memory_space<semaphore_mem>>)
    %dma_start3A_276 = arith.constant 480 : i32
    %dma_start3A_277 = tpu.memref_slice %arg5[%dma_start3A_276] : memref<10000xi32, #tpu.memory_space<vmem>> -> memref<40xi32, #tpu.memory_space<vmem>>
    %dma_start3A_278 = arith.constant 0 : i32
    %dma_start3A_279 = arith.constant 0 : i32
    %dma_start3A_280 = tpu.memref_slice %arg2[%dma_start3A_278, %dma_start3A_279] : memref<10000x128xf32, #tpu.memory_space<hbm>> -> memref<10000x128xf32, #tpu.memory_space<hbm>>
    tpu.enqueue_indirect_dma source(%dma_start3A_280 : memref<10000x128xf32, #tpu.memory_space<hbm>>) target(%arg18 : memref<40x128xf32, #tpu.memory_space<vmem>>) offsets(%dma_start3A_277 : memref<40xi32, #tpu.memory_space<vmem>>) semaphore(%arg26 : memref<!tpu.dma_semaphore, #tpu.memory_space<semaphore_mem>>)
    %scan3A_281 = arith.constant 0 : i32
    %scan3A_282 = arith.constant 1 : i32
    %scan3A_283 = arith.constant 33 : i32
    %scan3A_284 = arith.addi %scan3A_282, %scan3A_283 : i32
    %scan3A_285 = arith.constant 1 : i32
    scf.for %scan3A_568 = %scan3A_282 to %scan3A_284 step %scan3A_285  : i32 {
      %mul3A_569 = arith.constant 7 : i32
      %mul3A_570 = arith.muli %mul3A_569, %scan3A_568 : i32
      %add3A_571 = arith.constant 0 : i32
      %add3A_572 = arith.addi %mul3A_570, %add3A_571 : i32
      %mul3A_573 = arith.constant 40 : i32
      %mul3A_574 = arith.muli %add3A_572, %mul3A_573 : i32
      %dma_wait3A_575 = tpu.memref_slice %arg5[%mul3A_574] : memref<10000xi32, #tpu.memory_space<vmem>> -> memref<40xi32, #tpu.memory_space<vmem>>
      %dma_wait3A_576 = arith.constant 0 : i32
      %dma_wait3A_577 = arith.constant 0 : i32
      %dma_wait3A_578 = tpu.memref_slice %arg2[%dma_wait3A_576, %dma_wait3A_577] : memref<10000x128xf32, #tpu.memory_space<hbm>> -> memref<10000x128xf32, #tpu.memory_space<hbm>>
      tpu.wait_indirect_dma semaphore(%arg21 : memref<!tpu.dma_semaphore, #tpu.memory_space<semaphore_mem>>) src(%dma_wait3A_578 : memref<10000x128xf32, #tpu.memory_space<hbm>>) dst(%arg13 : memref<40x128xf32, #tpu.memory_space<vmem>>)
      %add3A_579 = arith.constant 320000 : i32
      %add3A_580 = arith.addi %add3A_579, %mul3A_2 : i32
      %mul3A_581 = arith.constant 40 : i32
      %mul3A_582 = arith.muli %add3A_572, %mul3A_581 : i32
      %add3A_583 = arith.addi %add3A_580, %mul3A_582 : i32
      %dma_wait3A_584 = tpu.memref_slice %arg3[%add3A_583] : memref<640000xi32, #tpu.memory_space<hbm>> -> memref<40xi32, #tpu.memory_space<hbm>>
      %dma_wait3A_585 = tpu.memref_slice %arg3[%add3A_583] : memref<640000xi32, #tpu.memory_space<hbm>> -> memref<40xi32, #tpu.memory_space<hbm>>
      tpu.wait_dma2 semaphore(%arg28 : memref<!tpu.dma_semaphore, #tpu.memory_space<semaphore_mem>>) src(%dma_wait3A_585 : memref<40xi32, #tpu.memory_space<hbm>>) dst(%arg6 : memref<40xi32, #tpu.memory_space<vmem>>)
      %dma_start3A_586 = arith.constant 0 : i32
      %dma_start3A_587 = arith.constant 0 : i32
      %dma_start3A_588 = tpu.memref_slice %arg20[%dma_start3A_586, %dma_start3A_587] : memref<10240x128xf32, #tpu.memory_space<vmem_shared>> -> memref<10240x128xf32, #tpu.memory_space<vmem_shared>>
      tpu.enqueue_indirect_dma source(%arg13 : memref<40x128xf32, #tpu.memory_space<vmem>>) target(%dma_start3A_588 : memref<10240x128xf32, #tpu.memory_space<vmem_shared>>) offsets(%arg6 : memref<40xi32, #tpu.memory_space<vmem>>) semaphore(%arg35 : memref<!tpu.dma_semaphore, #tpu.memory_space<semaphore_mem>>) {add = true}
      %dma_wait3A_589 = arith.constant 0 : i32
      %dma_wait3A_590 = arith.constant 0 : i32
      %dma_wait3A_591 = tpu.memref_slice %arg20[%dma_wait3A_589, %dma_wait3A_590] : memref<10240x128xf32, #tpu.memory_space<vmem_shared>> -> memref<10240x128xf32, #tpu.memory_space<vmem_shared>>
      tpu.wait_indirect_dma semaphore(%arg41 : memref<!tpu.dma_semaphore, #tpu.memory_space<semaphore_mem>>) src(%arg19 : memref<40x128xf32, #tpu.memory_space<vmem>>) dst(%dma_wait3A_591 : memref<10240x128xf32, #tpu.memory_space<vmem_shared>>)
      %add3A_592 = arith.constant 7 : i32
      %add3A_593 = arith.addi %add3A_572, %add3A_592 : i32
      %sub3A = arith.constant 1 : i32
      %sub3A_594 = arith.subi %add3A_593, %sub3A : i32
      %add3A_595 = arith.constant 320000 : i32
      %add3A_596 = arith.addi %add3A_595, %mul3A_2 : i32
      %mul3A_597 = arith.constant 40 : i32
      %mul3A_598 = arith.muli %sub3A_594, %mul3A_597 : i32
      %add3A_599 = arith.addi %add3A_596, %mul3A_598 : i32
      %dma_start3A_600 = tpu.memref_slice %arg3[%add3A_599] : memref<640000xi32, #tpu.memory_space<hbm>> -> memref<40xi32, #tpu.memory_space<hbm>>
      %dma_start3A_601 = tpu.memref_slice %arg3[%add3A_599] : memref<640000xi32, #tpu.memory_space<hbm>> -> memref<40xi32, #tpu.memory_space<hbm>>
      tpu.enqueue_dma source(%dma_start3A_601 : memref<40xi32, #tpu.memory_space<hbm>>) target(%arg12 : memref<40xi32, #tpu.memory_space<vmem>>) target_semaphore(%arg34 : memref<!tpu.dma_semaphore, #tpu.memory_space<semaphore_mem>>)
      %mul3A_602 = arith.constant 40 : i32
      %mul3A_603 = arith.muli %sub3A_594, %mul3A_602 : i32
      %dma_start3A_604 = tpu.memref_slice %arg5[%mul3A_603] : memref<10000xi32, #tpu.memory_space<vmem>> -> memref<40xi32, #tpu.memory_space<vmem>>
      %dma_start3A_605 = arith.constant 0 : i32
      %dma_start3A_606 = arith.constant 0 : i32
      %dma_start3A_607 = tpu.memref_slice %arg2[%dma_start3A_605, %dma_start3A_606] : memref<10000x128xf32, #tpu.memory_space<hbm>> -> memref<10000x128xf32, #tpu.memory_space<hbm>>
      tpu.enqueue_indirect_dma source(%dma_start3A_607 : memref<10000x128xf32, #tpu.memory_space<hbm>>) target(%arg19 : memref<40x128xf32, #tpu.memory_space<vmem>>) offsets(%dma_start3A_604 : memref<40xi32, #tpu.memory_space<vmem>>) semaphore(%arg27 : memref<!tpu.dma_semaphore, #tpu.memory_space<semaphore_mem>>)
      %add3A_608 = arith.constant 1 : i32
      %add3A_609 = arith.addi %mul3A_570, %add3A_608 : i32
      %mul3A_610 = arith.constant 40 : i32
      %mul3A_611 = arith.muli %add3A_609, %mul3A_610 : i32
      %dma_wait3A_612 = tpu.memref_slice %arg5[%mul3A_611] : memref<10000xi32, #tpu.memory_space<vmem>> -> memref<40xi32, #tpu.memory_space<vmem>>
      %dma_wait3A_613 = arith.constant 0 : i32
      %dma_wait3A_614 = arith.constant 0 : i32
      %dma_wait3A_615 = tpu.memref_slice %arg2[%dma_wait3A_613, %dma_wait3A_614] : memref<10000x128xf32, #tpu.memory_space<hbm>> -> memref<10000x128xf32, #tpu.memory_space<hbm>>
      tpu.wait_indirect_dma semaphore(%arg22 : memref<!tpu.dma_semaphore, #tpu.memory_space<semaphore_mem>>) src(%dma_wait3A_615 : memref<10000x128xf32, #tpu.memory_space<hbm>>) dst(%arg14 : memref<40x128xf32, #tpu.memory_space<vmem>>)
      %add3A_616 = arith.constant 320000 : i32
      %add3A_617 = arith.addi %add3A_616, %mul3A_2 : i32
      %mul3A_618 = arith.constant 40 : i32
      %mul3A_619 = arith.muli %add3A_609, %mul3A_618 : i32
      %add3A_620 = arith.addi %add3A_617, %mul3A_619 : i32
      %dma_wait3A_621 = tpu.memref_slice %arg3[%add3A_620] : memref<640000xi32, #tpu.memory_space<hbm>> -> memref<40xi32, #tpu.memory_space<hbm>>
      %dma_wait3A_622 = tpu.memref_slice %arg3[%add3A_620] : memref<640000xi32, #tpu.memory_space<hbm>> -> memref<40xi32, #tpu.memory_space<hbm>>
      tpu.wait_dma2 semaphore(%arg29 : memref<!tpu.dma_semaphore, #tpu.memory_space<semaphore_mem>>) src(%dma_wait3A_622 : memref<40xi32, #tpu.memory_space<hbm>>) dst(%arg7 : memref<40xi32, #tpu.memory_space<vmem>>)
      %dma_start3A_623 = arith.constant 0 : i32
      %dma_start3A_624 = arith.constant 0 : i32
      %dma_start3A_625 = tpu.memref_slice %arg20[%dma_start3A_623, %dma_start3A_624] : memref<10240x128xf32, #tpu.memory_space<vmem_shared>> -> memref<10240x128xf32, #tpu.memory_space<vmem_shared>>
      tpu.enqueue_indirect_dma source(%arg14 : memref<40x128xf32, #tpu.memory_space<vmem>>) target(%dma_start3A_625 : memref<10240x128xf32, #tpu.memory_space<vmem_shared>>) offsets(%arg7 : memref<40xi32, #tpu.memory_space<vmem>>) semaphore(%arg36 : memref<!tpu.dma_semaphore, #tpu.memory_space<semaphore_mem>>) {add = true}
      %dma_wait3A_626 = arith.constant 0 : i32
      %dma_wait3A_627 = arith.constant 0 : i32
      %dma_wait3A_628 = tpu.memref_slice %arg20[%dma_wait3A_626, %dma_wait3A_627] : memref<10240x128xf32, #tpu.memory_space<vmem_shared>> -> memref<10240x128xf32, #tpu.memory_space<vmem_shared>>
      tpu.wait_indirect_dma semaphore(%arg35 : memref<!tpu.dma_semaphore, #tpu.memory_space<semaphore_mem>>) src(%arg13 : memref<40x128xf32, #tpu.memory_space<vmem>>) dst(%dma_wait3A_628 : memref<10240x128xf32, #tpu.memory_space<vmem_shared>>)
      %add3A_629 = arith.constant 7 : i32
      %add3A_630 = arith.addi %add3A_609, %add3A_629 : i32
      %sub3A_631 = arith.constant 1 : i32
      %sub3A_632 = arith.subi %add3A_630, %sub3A_631 : i32
      %add3A_633 = arith.constant 320000 : i32
      %add3A_634 = arith.addi %add3A_633, %mul3A_2 : i32
      %mul3A_635 = arith.constant 40 : i32
      %mul3A_636 = arith.muli %sub3A_632, %mul3A_635 : i32
      %add3A_637 = arith.addi %add3A_634, %mul3A_636 : i32
      %dma_start3A_638 = tpu.memref_slice %arg3[%add3A_637] : memref<640000xi32, #tpu.memory_space<hbm>> -> memref<40xi32, #tpu.memory_space<hbm>>
      %dma_start3A_639 = tpu.memref_slice %arg3[%add3A_637] : memref<640000xi32, #tpu.memory_space<hbm>> -> memref<40xi32, #tpu.memory_space<hbm>>
      tpu.enqueue_dma source(%dma_start3A_639 : memref<40xi32, #tpu.memory_space<hbm>>) target(%arg6 : memref<40xi32, #tpu.memory_space<vmem>>) target_semaphore(%arg28 : memref<!tpu.dma_semaphore, #tpu.memory_space<semaphore_mem>>)
      %mul3A_640 = arith.constant 40 : i32
      %mul3A_641 = arith.muli %sub3A_632, %mul3A_640 : i32
      %dma_start3A_642 = tpu.memref_slice %arg5[%mul3A_641] : memref<10000xi32, #tpu.memory_space<vmem>> -> memref<40xi32, #tpu.memory_space<vmem>>
      %dma_start3A_643 = arith.constant 0 : i32
      %dma_start3A_644 = arith.constant 0 : i32
      %dma_start3A_645 = tpu.memref_slice %arg2[%dma_start3A_643, %dma_start3A_644] : memref<10000x128xf32, #tpu.memory_space<hbm>> -> memref<10000x128xf32, #tpu.memory_space<hbm>>
      tpu.enqueue_indirect_dma source(%dma_start3A_645 : memref<10000x128xf32, #tpu.memory_space<hbm>>) target(%arg13 : memref<40x128xf32, #tpu.memory_space<vmem>>) offsets(%dma_start3A_642 : memref<40xi32, #tpu.memory_space<vmem>>) semaphore(%arg21 : memref<!tpu.dma_semaphore, #tpu.memory_space<semaphore_mem>>)
      %add3A_646 = arith.constant 2 : i32
      %add3A_647 = arith.addi %mul3A_570, %add3A_646 : i32
      %mul3A_648 = arith.constant 40 : i32
      %mul3A_649 = arith.muli %add3A_647, %mul3A_648 : i32
      %dma_wait3A_650 = tpu.memref_slice %arg5[%mul3A_649] : memref<10000xi32, #tpu.memory_space<vmem>> -> memref<40xi32, #tpu.memory_space<vmem>>
      %dma_wait3A_651 = arith.constant 0 : i32
      %dma_wait3A_652 = arith.constant 0 : i32
      %dma_wait3A_653 = tpu.memref_slice %arg2[%dma_wait3A_651, %dma_wait3A_652] : memref<10000x128xf32, #tpu.memory_space<hbm>> -> memref<10000x128xf32, #tpu.memory_space<hbm>>
      tpu.wait_indirect_dma semaphore(%arg23 : memref<!tpu.dma_semaphore, #tpu.memory_space<semaphore_mem>>) src(%dma_wait3A_653 : memref<10000x128xf32, #tpu.memory_space<hbm>>) dst(%arg15 : memref<40x128xf32, #tpu.memory_space<vmem>>)
      %add3A_654 = arith.constant 320000 : i32
      %add3A_655 = arith.addi %add3A_654, %mul3A_2 : i32
      %mul3A_656 = arith.constant 40 : i32
      %mul3A_657 = arith.muli %add3A_647, %mul3A_656 : i32
      %add3A_658 = arith.addi %add3A_655, %mul3A_657 : i32
      %dma_wait3A_659 = tpu.memref_slice %arg3[%add3A_658] : memref<640000xi32, #tpu.memory_space<hbm>> -> memref<40xi32, #tpu.memory_space<hbm>>
      %dma_wait3A_660 = tpu.memref_slice %arg3[%add3A_658] : memref<640000xi32, #tpu.memory_space<hbm>> -> memref<40xi32, #tpu.memory_space<hbm>>
      tpu.wait_dma2 semaphore(%arg30 : memref<!tpu.dma_semaphore, #tpu.memory_space<semaphore_mem>>) src(%dma_wait3A_660 : memref<40xi32, #tpu.memory_space<hbm>>) dst(%arg8 : memref<40xi32, #tpu.memory_space<vmem>>)
      %dma_start3A_661 = arith.constant 0 : i32
      %dma_start3A_662 = arith.constant 0 : i32
      %dma_start3A_663 = tpu.memref_slice %arg20[%dma_start3A_661, %dma_start3A_662] : memref<10240x128xf32, #tpu.memory_space<vmem_shared>> -> memref<10240x128xf32, #tpu.memory_space<vmem_shared>>
      tpu.enqueue_indirect_dma source(%arg15 : memref<40x128xf32, #tpu.memory_space<vmem>>) target(%dma_start3A_663 : memref<10240x128xf32, #tpu.memory_space<vmem_shared>>) offsets(%arg8 : memref<40xi32, #tpu.memory_space<vmem>>) semaphore(%arg37 : memref<!tpu.dma_semaphore, #tpu.memory_space<semaphore_mem>>) {add = true}
      %dma_wait3A_664 = arith.constant 0 : i32
      %dma_wait3A_665 = arith.constant 0 : i32
      %dma_wait3A_666 = tpu.memref_slice %arg20[%dma_wait3A_664, %dma_wait3A_665] : memref<10240x128xf32, #tpu.memory_space<vmem_shared>> -> memref<10240x128xf32, #tpu.memory_space<vmem_shared>>
      tpu.wait_indirect_dma semaphore(%arg36 : memref<!tpu.dma_semaphore, #tpu.memory_space<semaphore_mem>>) src(%arg14 : memref<40x128xf32, #tpu.memory_space<vmem>>) dst(%dma_wait3A_666 : memref<10240x128xf32, #tpu.memory_space<vmem_shared>>)
      %add3A_667 = arith.constant 7 : i32
      %add3A_668 = arith.addi %add3A_647, %add3A_667 : i32
      %sub3A_669 = arith.constant 1 : i32
      %sub3A_670 = arith.subi %add3A_668, %sub3A_669 : i32
      %add3A_671 = arith.constant 320000 : i32
      %add3A_672 = arith.addi %add3A_671, %mul3A_2 : i32
      %mul3A_673 = arith.constant 40 : i32
      %mul3A_674 = arith.muli %sub3A_670, %mul3A_673 : i32
      %add3A_675 = arith.addi %add3A_672, %mul3A_674 : i32
      %dma_start3A_676 = tpu.memref_slice %arg3[%add3A_675] : memref<640000xi32, #tpu.memory_space<hbm>> -> memref<40xi32, #tpu.memory_space<hbm>>
      %dma_start3A_677 = tpu.memref_slice %arg3[%add3A_675] : memref<640000xi32, #tpu.memory_space<hbm>> -> memref<40xi32, #tpu.memory_space<hbm>>
      tpu.enqueue_dma source(%dma_start3A_677 : memref<40xi32, #tpu.memory_space<hbm>>) target(%arg7 : memref<40xi32, #tpu.memory_space<vmem>>) target_semaphore(%arg29 : memref<!tpu.dma_semaphore, #tpu.memory_space<semaphore_mem>>)
      %mul3A_678 = arith.constant 40 : i32
      %mul3A_679 = arith.muli %sub3A_670, %mul3A_678 : i32
      %dma_start3A_680 = tpu.memref_slice %arg5[%mul3A_679] : memref<10000xi32, #tpu.memory_space<vmem>> -> memref<40xi32, #tpu.memory_space<vmem>>
      %dma_start3A_681 = arith.constant 0 : i32
      %dma_start3A_682 = arith.constant 0 : i32
      %dma_start3A_683 = tpu.memref_slice %arg2[%dma_start3A_681, %dma_start3A_682] : memref<10000x128xf32, #tpu.memory_space<hbm>> -> memref<10000x128xf32, #tpu.memory_space<hbm>>
      tpu.enqueue_indirect_dma source(%dma_start3A_683 : memref<10000x128xf32, #tpu.memory_space<hbm>>) target(%arg14 : memref<40x128xf32, #tpu.memory_space<vmem>>) offsets(%dma_start3A_680 : memref<40xi32, #tpu.memory_space<vmem>>) semaphore(%arg22 : memref<!tpu.dma_semaphore, #tpu.memory_space<semaphore_mem>>)
      %add3A_684 = arith.constant 3 : i32
      %add3A_685 = arith.addi %mul3A_570, %add3A_684 : i32
      %mul3A_686 = arith.constant 40 : i32
      %mul3A_687 = arith.muli %add3A_685, %mul3A_686 : i32
      %dma_wait3A_688 = tpu.memref_slice %arg5[%mul3A_687] : memref<10000xi32, #tpu.memory_space<vmem>> -> memref<40xi32, #tpu.memory_space<vmem>>
      %dma_wait3A_689 = arith.constant 0 : i32
      %dma_wait3A_690 = arith.constant 0 : i32
      %dma_wait3A_691 = tpu.memref_slice %arg2[%dma_wait3A_689, %dma_wait3A_690] : memref<10000x128xf32, #tpu.memory_space<hbm>> -> memref<10000x128xf32, #tpu.memory_space<hbm>>
      tpu.wait_indirect_dma semaphore(%arg24 : memref<!tpu.dma_semaphore, #tpu.memory_space<semaphore_mem>>) src(%dma_wait3A_691 : memref<10000x128xf32, #tpu.memory_space<hbm>>) dst(%arg16 : memref<40x128xf32, #tpu.memory_space<vmem>>)
      %add3A_692 = arith.constant 320000 : i32
      %add3A_693 = arith.addi %add3A_692, %mul3A_2 : i32
      %mul3A_694 = arith.constant 40 : i32
      %mul3A_695 = arith.muli %add3A_685, %mul3A_694 : i32
      %add3A_696 = arith.addi %add3A_693, %mul3A_695 : i32
      %dma_wait3A_697 = tpu.memref_slice %arg3[%add3A_696] : memref<640000xi32, #tpu.memory_space<hbm>> -> memref<40xi32, #tpu.memory_space<hbm>>
      %dma_wait3A_698 = tpu.memref_slice %arg3[%add3A_696] : memref<640000xi32, #tpu.memory_space<hbm>> -> memref<40xi32, #tpu.memory_space<hbm>>
      tpu.wait_dma2 semaphore(%arg31 : memref<!tpu.dma_semaphore, #tpu.memory_space<semaphore_mem>>) src(%dma_wait3A_698 : memref<40xi32, #tpu.memory_space<hbm>>) dst(%arg9 : memref<40xi32, #tpu.memory_space<vmem>>)
      %dma_start3A_699 = arith.constant 0 : i32
      %dma_start3A_700 = arith.constant 0 : i32
      %dma_start3A_701 = tpu.memref_slice %arg20[%dma_start3A_699, %dma_start3A_700] : memref<10240x128xf32, #tpu.memory_space<vmem_shared>> -> memref<10240x128xf32, #tpu.memory_space<vmem_shared>>
      tpu.enqueue_indirect_dma source(%arg16 : memref<40x128xf32, #tpu.memory_space<vmem>>) target(%dma_start3A_701 : memref<10240x128xf32, #tpu.memory_space<vmem_shared>>) offsets(%arg9 : memref<40xi32, #tpu.memory_space<vmem>>) semaphore(%arg38 : memref<!tpu.dma_semaphore, #tpu.memory_space<semaphore_mem>>) {add = true}
      %dma_wait3A_702 = arith.constant 0 : i32
      %dma_wait3A_703 = arith.constant 0 : i32
      %dma_wait3A_704 = tpu.memref_slice %arg20[%dma_wait3A_702, %dma_wait3A_703] : memref<10240x128xf32, #tpu.memory_space<vmem_shared>> -> memref<10240x128xf32, #tpu.memory_space<vmem_shared>>
      tpu.wait_indirect_dma semaphore(%arg37 : memref<!tpu.dma_semaphore, #tpu.memory_space<semaphore_mem>>) src(%arg15 : memref<40x128xf32, #tpu.memory_space<vmem>>) dst(%dma_wait3A_704 : memref<10240x128xf32, #tpu.memory_space<vmem_shared>>)
      %add3A_705 = arith.constant 7 : i32
      %add3A_706 = arith.addi %add3A_685, %add3A_705 : i32
      %sub3A_707 = arith.constant 1 : i32
      %sub3A_708 = arith.subi %add3A_706, %sub3A_707 : i32
      %add3A_709 = arith.constant 320000 : i32
      %add3A_710 = arith.addi %add3A_709, %mul3A_2 : i32
      %mul3A_711 = arith.constant 40 : i32
      %mul3A_712 = arith.muli %sub3A_708, %mul3A_711 : i32
      %add3A_713 = arith.addi %add3A_710, %mul3A_712 : i32
      %dma_start3A_714 = tpu.memref_slice %arg3[%add3A_713] : memref<640000xi32, #tpu.memory_space<hbm>> -> memref<40xi32, #tpu.memory_space<hbm>>
      %dma_start3A_715 = tpu.memref_slice %arg3[%add3A_713] : memref<640000xi32, #tpu.memory_space<hbm>> -> memref<40xi32, #tpu.memory_space<hbm>>
      tpu.enqueue_dma source(%dma_start3A_715 : memref<40xi32, #tpu.memory_space<hbm>>) target(%arg8 : memref<40xi32, #tpu.memory_space<vmem>>) target_semaphore(%arg30 : memref<!tpu.dma_semaphore, #tpu.memory_space<semaphore_mem>>)
      %mul3A_716 = arith.constant 40 : i32
      %mul3A_717 = arith.muli %sub3A_708, %mul3A_716 : i32
      %dma_start3A_718 = tpu.memref_slice %arg5[%mul3A_717] : memref<10000xi32, #tpu.memory_space<vmem>> -> memref<40xi32, #tpu.memory_space<vmem>>
      %dma_start3A_719 = arith.constant 0 : i32
      %dma_start3A_720 = arith.constant 0 : i32
      %dma_start3A_721 = tpu.memref_slice %arg2[%dma_start3A_719, %dma_start3A_720] : memref<10000x128xf32, #tpu.memory_space<hbm>> -> memref<10000x128xf32, #tpu.memory_space<hbm>>
      tpu.enqueue_indirect_dma source(%dma_start3A_721 : memref<10000x128xf32, #tpu.memory_space<hbm>>) target(%arg15 : memref<40x128xf32, #tpu.memory_space<vmem>>) offsets(%dma_start3A_718 : memref<40xi32, #tpu.memory_space<vmem>>) semaphore(%arg23 : memref<!tpu.dma_semaphore, #tpu.memory_space<semaphore_mem>>)
      %add3A_722 = arith.constant 4 : i32
      %add3A_723 = arith.addi %mul3A_570, %add3A_722 : i32
      %mul3A_724 = arith.constant 40 : i32
      %mul3A_725 = arith.muli %add3A_723, %mul3A_724 : i32
      %dma_wait3A_726 = tpu.memref_slice %arg5[%mul3A_725] : memref<10000xi32, #tpu.memory_space<vmem>> -> memref<40xi32, #tpu.memory_space<vmem>>
      %dma_wait3A_727 = arith.constant 0 : i32
      %dma_wait3A_728 = arith.constant 0 : i32
      %dma_wait3A_729 = tpu.memref_slice %arg2[%dma_wait3A_727, %dma_wait3A_728] : memref<10000x128xf32, #tpu.memory_space<hbm>> -> memref<10000x128xf32, #tpu.memory_space<hbm>>
      tpu.wait_indirect_dma semaphore(%arg25 : memref<!tpu.dma_semaphore, #tpu.memory_space<semaphore_mem>>) src(%dma_wait3A_729 : memref<10000x128xf32, #tpu.memory_space<hbm>>) dst(%arg17 : memref<40x128xf32, #tpu.memory_space<vmem>>)
      %add3A_730 = arith.constant 320000 : i32
      %add3A_731 = arith.addi %add3A_730, %mul3A_2 : i32
      %mul3A_732 = arith.constant 40 : i32
      %mul3A_733 = arith.muli %add3A_723, %mul3A_732 : i32
      %add3A_734 = arith.addi %add3A_731, %mul3A_733 : i32
      %dma_wait3A_735 = tpu.memref_slice %arg3[%add3A_734] : memref<640000xi32, #tpu.memory_space<hbm>> -> memref<40xi32, #tpu.memory_space<hbm>>
      %dma_wait3A_736 = tpu.memref_slice %arg3[%add3A_734] : memref<640000xi32, #tpu.memory_space<hbm>> -> memref<40xi32, #tpu.memory_space<hbm>>
      tpu.wait_dma2 semaphore(%arg32 : memref<!tpu.dma_semaphore, #tpu.memory_space<semaphore_mem>>) src(%dma_wait3A_736 : memref<40xi32, #tpu.memory_space<hbm>>) dst(%arg10 : memref<40xi32, #tpu.memory_space<vmem>>)
      %dma_start3A_737 = arith.constant 0 : i32
      %dma_start3A_738 = arith.constant 0 : i32
      %dma_start3A_739 = tpu.memref_slice %arg20[%dma_start3A_737, %dma_start3A_738] : memref<10240x128xf32, #tpu.memory_space<vmem_shared>> -> memref<10240x128xf32, #tpu.memory_space<vmem_shared>>
      tpu.enqueue_indirect_dma source(%arg17 : memref<40x128xf32, #tpu.memory_space<vmem>>) target(%dma_start3A_739 : memref<10240x128xf32, #tpu.memory_space<vmem_shared>>) offsets(%arg10 : memref<40xi32, #tpu.memory_space<vmem>>) semaphore(%arg39 : memref<!tpu.dma_semaphore, #tpu.memory_space<semaphore_mem>>) {add = true}
      %dma_wait3A_740 = arith.constant 0 : i32
      %dma_wait3A_741 = arith.constant 0 : i32
      %dma_wait3A_742 = tpu.memref_slice %arg20[%dma_wait3A_740, %dma_wait3A_741] : memref<10240x128xf32, #tpu.memory_space<vmem_shared>> -> memref<10240x128xf32, #tpu.memory_space<vmem_shared>>
      tpu.wait_indirect_dma semaphore(%arg38 : memref<!tpu.dma_semaphore, #tpu.memory_space<semaphore_mem>>) src(%arg16 : memref<40x128xf32, #tpu.memory_space<vmem>>) dst(%dma_wait3A_742 : memref<10240x128xf32, #tpu.memory_space<vmem_shared>>)
      %add3A_743 = arith.constant 7 : i32
      %add3A_744 = arith.addi %add3A_723, %add3A_743 : i32
      %sub3A_745 = arith.constant 1 : i32
      %sub3A_746 = arith.subi %add3A_744, %sub3A_745 : i32
      %add3A_747 = arith.constant 320000 : i32
      %add3A_748 = arith.addi %add3A_747, %mul3A_2 : i32
      %mul3A_749 = arith.constant 40 : i32
      %mul3A_750 = arith.muli %sub3A_746, %mul3A_749 : i32
      %add3A_751 = arith.addi %add3A_748, %mul3A_750 : i32
      %dma_start3A_752 = tpu.memref_slice %arg3[%add3A_751] : memref<640000xi32, #tpu.memory_space<hbm>> -> memref<40xi32, #tpu.memory_space<hbm>>
      %dma_start3A_753 = tpu.memref_slice %arg3[%add3A_751] : memref<640000xi32, #tpu.memory_space<hbm>> -> memref<40xi32, #tpu.memory_space<hbm>>
      tpu.enqueue_dma source(%dma_start3A_753 : memref<40xi32, #tpu.memory_space<hbm>>) target(%arg9 : memref<40xi32, #tpu.memory_space<vmem>>) target_semaphore(%arg31 : memref<!tpu.dma_semaphore, #tpu.memory_space<semaphore_mem>>)
      %mul3A_754 = arith.constant 40 : i32
      %mul3A_755 = arith.muli %sub3A_746, %mul3A_754 : i32
      %dma_start3A_756 = tpu.memref_slice %arg5[%mul3A_755] : memref<10000xi32, #tpu.memory_space<vmem>> -> memref<40xi32, #tpu.memory_space<vmem>>
      %dma_start3A_757 = arith.constant 0 : i32
      %dma_start3A_758 = arith.constant 0 : i32
      %dma_start3A_759 = tpu.memref_slice %arg2[%dma_start3A_757, %dma_start3A_758] : memref<10000x128xf32, #tpu.memory_space<hbm>> -> memref<10000x128xf32, #tpu.memory_space<hbm>>
      tpu.enqueue_indirect_dma source(%dma_start3A_759 : memref<10000x128xf32, #tpu.memory_space<hbm>>) target(%arg16 : memref<40x128xf32, #tpu.memory_space<vmem>>) offsets(%dma_start3A_756 : memref<40xi32, #tpu.memory_space<vmem>>) semaphore(%arg24 : memref<!tpu.dma_semaphore, #tpu.memory_space<semaphore_mem>>)
      %add3A_760 = arith.constant 5 : i32
      %add3A_761 = arith.addi %mul3A_570, %add3A_760 : i32
      %mul3A_762 = arith.constant 40 : i32
      %mul3A_763 = arith.muli %add3A_761, %mul3A_762 : i32
      %dma_wait3A_764 = tpu.memref_slice %arg5[%mul3A_763] : memref<10000xi32, #tpu.memory_space<vmem>> -> memref<40xi32, #tpu.memory_space<vmem>>
      %dma_wait3A_765 = arith.constant 0 : i32
      %dma_wait3A_766 = arith.constant 0 : i32
      %dma_wait3A_767 = tpu.memref_slice %arg2[%dma_wait3A_765, %dma_wait3A_766] : memref<10000x128xf32, #tpu.memory_space<hbm>> -> memref<10000x128xf32, #tpu.memory_space<hbm>>
      tpu.wait_indirect_dma semaphore(%arg26 : memref<!tpu.dma_semaphore, #tpu.memory_space<semaphore_mem>>) src(%dma_wait3A_767 : memref<10000x128xf32, #tpu.memory_space<hbm>>) dst(%arg18 : memref<40x128xf32, #tpu.memory_space<vmem>>)
      %add3A_768 = arith.constant 320000 : i32
      %add3A_769 = arith.addi %add3A_768, %mul3A_2 : i32
      %mul3A_770 = arith.constant 40 : i32
      %mul3A_771 = arith.muli %add3A_761, %mul3A_770 : i32
      %add3A_772 = arith.addi %add3A_769, %mul3A_771 : i32
      %dma_wait3A_773 = tpu.memref_slice %arg3[%add3A_772] : memref<640000xi32, #tpu.memory_space<hbm>> -> memref<40xi32, #tpu.memory_space<hbm>>
      %dma_wait3A_774 = tpu.memref_slice %arg3[%add3A_772] : memref<640000xi32, #tpu.memory_space<hbm>> -> memref<40xi32, #tpu.memory_space<hbm>>
      tpu.wait_dma2 semaphore(%arg33 : memref<!tpu.dma_semaphore, #tpu.memory_space<semaphore_mem>>) src(%dma_wait3A_774 : memref<40xi32, #tpu.memory_space<hbm>>) dst(%arg11 : memref<40xi32, #tpu.memory_space<vmem>>)
      %dma_start3A_775 = arith.constant 0 : i32
      %dma_start3A_776 = arith.constant 0 : i32
      %dma_start3A_777 = tpu.memref_slice %arg20[%dma_start3A_775, %dma_start3A_776] : memref<10240x128xf32, #tpu.memory_space<vmem_shared>> -> memref<10240x128xf32, #tpu.memory_space<vmem_shared>>
      tpu.enqueue_indirect_dma source(%arg18 : memref<40x128xf32, #tpu.memory_space<vmem>>) target(%dma_start3A_777 : memref<10240x128xf32, #tpu.memory_space<vmem_shared>>) offsets(%arg11 : memref<40xi32, #tpu.memory_space<vmem>>) semaphore(%arg40 : memref<!tpu.dma_semaphore, #tpu.memory_space<semaphore_mem>>) {add = true}
      %dma_wait3A_778 = arith.constant 0 : i32
      %dma_wait3A_779 = arith.constant 0 : i32
      %dma_wait3A_780 = tpu.memref_slice %arg20[%dma_wait3A_778, %dma_wait3A_779] : memref<10240x128xf32, #tpu.memory_space<vmem_shared>> -> memref<10240x128xf32, #tpu.memory_space<vmem_shared>>
      tpu.wait_indirect_dma semaphore(%arg39 : memref<!tpu.dma_semaphore, #tpu.memory_space<semaphore_mem>>) src(%arg17 : memref<40x128xf32, #tpu.memory_space<vmem>>) dst(%dma_wait3A_780 : memref<10240x128xf32, #tpu.memory_space<vmem_shared>>)
      %add3A_781 = arith.constant 7 : i32
      %add3A_782 = arith.addi %add3A_761, %add3A_781 : i32
      %sub3A_783 = arith.constant 1 : i32
      %sub3A_784 = arith.subi %add3A_782, %sub3A_783 : i32
      %add3A_785 = arith.constant 320000 : i32
      %add3A_786 = arith.addi %add3A_785, %mul3A_2 : i32
      %mul3A_787 = arith.constant 40 : i32
      %mul3A_788 = arith.muli %sub3A_784, %mul3A_787 : i32
      %add3A_789 = arith.addi %add3A_786, %mul3A_788 : i32
      %dma_start3A_790 = tpu.memref_slice %arg3[%add3A_789] : memref<640000xi32, #tpu.memory_space<hbm>> -> memref<40xi32, #tpu.memory_space<hbm>>
      %dma_start3A_791 = tpu.memref_slice %arg3[%add3A_789] : memref<640000xi32, #tpu.memory_space<hbm>> -> memref<40xi32, #tpu.memory_space<hbm>>
      tpu.enqueue_dma source(%dma_start3A_791 : memref<40xi32, #tpu.memory_space<hbm>>) target(%arg10 : memref<40xi32, #tpu.memory_space<vmem>>) target_semaphore(%arg32 : memref<!tpu.dma_semaphore, #tpu.memory_space<semaphore_mem>>)
      %mul3A_792 = arith.constant 40 : i32
      %mul3A_793 = arith.muli %sub3A_784, %mul3A_792 : i32
      %dma_start3A_794 = tpu.memref_slice %arg5[%mul3A_793] : memref<10000xi32, #tpu.memory_space<vmem>> -> memref<40xi32, #tpu.memory_space<vmem>>
      %dma_start3A_795 = arith.constant 0 : i32
      %dma_start3A_796 = arith.constant 0 : i32
      %dma_start3A_797 = tpu.memref_slice %arg2[%dma_start3A_795, %dma_start3A_796] : memref<10000x128xf32, #tpu.memory_space<hbm>> -> memref<10000x128xf32, #tpu.memory_space<hbm>>
      tpu.enqueue_indirect_dma source(%dma_start3A_797 : memref<10000x128xf32, #tpu.memory_space<hbm>>) target(%arg17 : memref<40x128xf32, #tpu.memory_space<vmem>>) offsets(%dma_start3A_794 : memref<40xi32, #tpu.memory_space<vmem>>) semaphore(%arg25 : memref<!tpu.dma_semaphore, #tpu.memory_space<semaphore_mem>>)
      %add3A_798 = arith.constant 6 : i32
      %add3A_799 = arith.addi %mul3A_570, %add3A_798 : i32
      %mul3A_800 = arith.constant 40 : i32
      %mul3A_801 = arith.muli %add3A_799, %mul3A_800 : i32
      %dma_wait3A_802 = tpu.memref_slice %arg5[%mul3A_801] : memref<10000xi32, #tpu.memory_space<vmem>> -> memref<40xi32, #tpu.memory_space<vmem>>
      %dma_wait3A_803 = arith.constant 0 : i32
      %dma_wait3A_804 = arith.constant 0 : i32
      %dma_wait3A_805 = tpu.memref_slice %arg2[%dma_wait3A_803, %dma_wait3A_804] : memref<10000x128xf32, #tpu.memory_space<hbm>> -> memref<10000x128xf32, #tpu.memory_space<hbm>>
      tpu.wait_indirect_dma semaphore(%arg27 : memref<!tpu.dma_semaphore, #tpu.memory_space<semaphore_mem>>) src(%dma_wait3A_805 : memref<10000x128xf32, #tpu.memory_space<hbm>>) dst(%arg19 : memref<40x128xf32, #tpu.memory_space<vmem>>)
      %add3A_806 = arith.constant 320000 : i32
      %add3A_807 = arith.addi %add3A_806, %mul3A_2 : i32
      %mul3A_808 = arith.constant 40 : i32
      %mul3A_809 = arith.muli %add3A_799, %mul3A_808 : i32
      %add3A_810 = arith.addi %add3A_807, %mul3A_809 : i32
      %dma_wait3A_811 = tpu.memref_slice %arg3[%add3A_810] : memref<640000xi32, #tpu.memory_space<hbm>> -> memref<40xi32, #tpu.memory_space<hbm>>
      %dma_wait3A_812 = tpu.memref_slice %arg3[%add3A_810] : memref<640000xi32, #tpu.memory_space<hbm>> -> memref<40xi32, #tpu.memory_space<hbm>>
      tpu.wait_dma2 semaphore(%arg34 : memref<!tpu.dma_semaphore, #tpu.memory_space<semaphore_mem>>) src(%dma_wait3A_812 : memref<40xi32, #tpu.memory_space<hbm>>) dst(%arg12 : memref<40xi32, #tpu.memory_space<vmem>>)
      %dma_start3A_813 = arith.constant 0 : i32
      %dma_start3A_814 = arith.constant 0 : i32
      %dma_start3A_815 = tpu.memref_slice %arg20[%dma_start3A_813, %dma_start3A_814] : memref<10240x128xf32, #tpu.memory_space<vmem_shared>> -> memref<10240x128xf32, #tpu.memory_space<vmem_shared>>
      tpu.enqueue_indirect_dma source(%arg19 : memref<40x128xf32, #tpu.memory_space<vmem>>) target(%dma_start3A_815 : memref<10240x128xf32, #tpu.memory_space<vmem_shared>>) offsets(%arg12 : memref<40xi32, #tpu.memory_space<vmem>>) semaphore(%arg41 : memref<!tpu.dma_semaphore, #tpu.memory_space<semaphore_mem>>) {add = true}
      %dma_wait3A_816 = arith.constant 0 : i32
      %dma_wait3A_817 = arith.constant 0 : i32
      %dma_wait3A_818 = tpu.memref_slice %arg20[%dma_wait3A_816, %dma_wait3A_817] : memref<10240x128xf32, #tpu.memory_space<vmem_shared>> -> memref<10240x128xf32, #tpu.memory_space<vmem_shared>>
      tpu.wait_indirect_dma semaphore(%arg40 : memref<!tpu.dma_semaphore, #tpu.memory_space<semaphore_mem>>) src(%arg18 : memref<40x128xf32, #tpu.memory_space<vmem>>) dst(%dma_wait3A_818 : memref<10240x128xf32, #tpu.memory_space<vmem_shared>>)
      %add3A_819 = arith.constant 7 : i32
      %add3A_820 = arith.addi %add3A_799, %add3A_819 : i32
      %sub3A_821 = arith.constant 1 : i32
      %sub3A_822 = arith.subi %add3A_820, %sub3A_821 : i32
      %add3A_823 = arith.constant 320000 : i32
      %add3A_824 = arith.addi %add3A_823, %mul3A_2 : i32
      %mul3A_825 = arith.constant 40 : i32
      %mul3A_826 = arith.muli %sub3A_822, %mul3A_825 : i32
      %add3A_827 = arith.addi %add3A_824, %mul3A_826 : i32
      %dma_start3A_828 = tpu.memref_slice %arg3[%add3A_827] : memref<640000xi32, #tpu.memory_space<hbm>> -> memref<40xi32, #tpu.memory_space<hbm>>
      %dma_start3A_829 = tpu.memref_slice %arg3[%add3A_827] : memref<640000xi32, #tpu.memory_space<hbm>> -> memref<40xi32, #tpu.memory_space<hbm>>
      tpu.enqueue_dma source(%dma_start3A_829 : memref<40xi32, #tpu.memory_space<hbm>>) target(%arg11 : memref<40xi32, #tpu.memory_space<vmem>>) target_semaphore(%arg33 : memref<!tpu.dma_semaphore, #tpu.memory_space<semaphore_mem>>)
      %mul3A_830 = arith.constant 40 : i32
      %mul3A_831 = arith.muli %sub3A_822, %mul3A_830 : i32
      %dma_start3A_832 = tpu.memref_slice %arg5[%mul3A_831] : memref<10000xi32, #tpu.memory_space<vmem>> -> memref<40xi32, #tpu.memory_space<vmem>>
      %dma_start3A_833 = arith.constant 0 : i32
      %dma_start3A_834 = arith.constant 0 : i32
      %dma_start3A_835 = tpu.memref_slice %arg2[%dma_start3A_833, %dma_start3A_834] : memref<10000x128xf32, #tpu.memory_space<hbm>> -> memref<10000x128xf32, #tpu.memory_space<hbm>>
      tpu.enqueue_indirect_dma source(%dma_start3A_835 : memref<10000x128xf32, #tpu.memory_space<hbm>>) target(%arg18 : memref<40x128xf32, #tpu.memory_space<vmem>>) offsets(%dma_start3A_832 : memref<40xi32, #tpu.memory_space<vmem>>) semaphore(%arg26 : memref<!tpu.dma_semaphore, #tpu.memory_space<semaphore_mem>>)
    }
    %scan3A_286 = arith.constant 33 : i32
    %dma_wait3A_287 = arith.constant 9520 : i32
    %dma_wait3A_288 = tpu.memref_slice %arg5[%dma_wait3A_287] : memref<10000xi32, #tpu.memory_space<vmem>> -> memref<40xi32, #tpu.memory_space<vmem>>
    %dma_wait3A_289 = arith.constant 0 : i32
    %dma_wait3A_290 = arith.constant 0 : i32
    %dma_wait3A_291 = tpu.memref_slice %arg2[%dma_wait3A_289, %dma_wait3A_290] : memref<10000x128xf32, #tpu.memory_space<hbm>> -> memref<10000x128xf32, #tpu.memory_space<hbm>>
    tpu.wait_indirect_dma semaphore(%arg21 : memref<!tpu.dma_semaphore, #tpu.memory_space<semaphore_mem>>) src(%dma_wait3A_291 : memref<10000x128xf32, #tpu.memory_space<hbm>>) dst(%arg13 : memref<40x128xf32, #tpu.memory_space<vmem>>)
    %add3A_292 = arith.constant 320000 : i32
    %add3A_293 = arith.addi %add3A_292, %mul3A_2 : i32
    %add3A_294 = arith.constant 9520 : i32
    %add3A_295 = arith.addi %add3A_293, %add3A_294 : i32
    %dma_wait3A_296 = tpu.memref_slice %arg3[%add3A_295] : memref<640000xi32, #tpu.memory_space<hbm>> -> memref<40xi32, #tpu.memory_space<hbm>>
    %dma_wait3A_297 = tpu.memref_slice %arg3[%add3A_295] : memref<640000xi32, #tpu.memory_space<hbm>> -> memref<40xi32, #tpu.memory_space<hbm>>
    tpu.wait_dma2 semaphore(%arg28 : memref<!tpu.dma_semaphore, #tpu.memory_space<semaphore_mem>>) src(%dma_wait3A_297 : memref<40xi32, #tpu.memory_space<hbm>>) dst(%arg6 : memref<40xi32, #tpu.memory_space<vmem>>)
    %dma_start3A_298 = arith.constant 0 : i32
    %dma_start3A_299 = arith.constant 0 : i32
    %dma_start3A_300 = tpu.memref_slice %arg20[%dma_start3A_298, %dma_start3A_299] : memref<10240x128xf32, #tpu.memory_space<vmem_shared>> -> memref<10240x128xf32, #tpu.memory_space<vmem_shared>>
    tpu.enqueue_indirect_dma source(%arg13 : memref<40x128xf32, #tpu.memory_space<vmem>>) target(%dma_start3A_300 : memref<10240x128xf32, #tpu.memory_space<vmem_shared>>) offsets(%arg6 : memref<40xi32, #tpu.memory_space<vmem>>) semaphore(%arg35 : memref<!tpu.dma_semaphore, #tpu.memory_space<semaphore_mem>>) {add = true}
    %dma_wait3A_301 = arith.constant 0 : i32
    %dma_wait3A_302 = arith.constant 0 : i32
    %dma_wait3A_303 = tpu.memref_slice %arg20[%dma_wait3A_301, %dma_wait3A_302] : memref<10240x128xf32, #tpu.memory_space<vmem_shared>> -> memref<10240x128xf32, #tpu.memory_space<vmem_shared>>
    tpu.wait_indirect_dma semaphore(%arg41 : memref<!tpu.dma_semaphore, #tpu.memory_space<semaphore_mem>>) src(%arg19 : memref<40x128xf32, #tpu.memory_space<vmem>>) dst(%dma_wait3A_303 : memref<10240x128xf32, #tpu.memory_space<vmem_shared>>)
    %add3A_304 = arith.constant 320000 : i32
    %add3A_305 = arith.addi %add3A_304, %mul3A_2 : i32
    %add3A_306 = arith.constant 9760 : i32
    %add3A_307 = arith.addi %add3A_305, %add3A_306 : i32
    %dma_start3A_308 = tpu.memref_slice %arg3[%add3A_307] : memref<640000xi32, #tpu.memory_space<hbm>> -> memref<40xi32, #tpu.memory_space<hbm>>
    %dma_start3A_309 = tpu.memref_slice %arg3[%add3A_307] : memref<640000xi32, #tpu.memory_space<hbm>> -> memref<40xi32, #tpu.memory_space<hbm>>
    tpu.enqueue_dma source(%dma_start3A_309 : memref<40xi32, #tpu.memory_space<hbm>>) target(%arg12 : memref<40xi32, #tpu.memory_space<vmem>>) target_semaphore(%arg34 : memref<!tpu.dma_semaphore, #tpu.memory_space<semaphore_mem>>)
    %dma_start3A_310 = arith.constant 9760 : i32
    %dma_start3A_311 = tpu.memref_slice %arg5[%dma_start3A_310] : memref<10000xi32, #tpu.memory_space<vmem>> -> memref<40xi32, #tpu.memory_space<vmem>>
    %dma_start3A_312 = arith.constant 0 : i32
    %dma_start3A_313 = arith.constant 0 : i32
    %dma_start3A_314 = tpu.memref_slice %arg2[%dma_start3A_312, %dma_start3A_313] : memref<10000x128xf32, #tpu.memory_space<hbm>> -> memref<10000x128xf32, #tpu.memory_space<hbm>>
    tpu.enqueue_indirect_dma source(%dma_start3A_314 : memref<10000x128xf32, #tpu.memory_space<hbm>>) target(%arg19 : memref<40x128xf32, #tpu.memory_space<vmem>>) offsets(%dma_start3A_311 : memref<40xi32, #tpu.memory_space<vmem>>) semaphore(%arg27 : memref<!tpu.dma_semaphore, #tpu.memory_space<semaphore_mem>>)
    %dma_wait3A_315 = arith.constant 9560 : i32
    %dma_wait3A_316 = tpu.memref_slice %arg5[%dma_wait3A_315] : memref<10000xi32, #tpu.memory_space<vmem>> -> memref<40xi32, #tpu.memory_space<vmem>>
    %dma_wait3A_317 = arith.constant 0 : i32
    %dma_wait3A_318 = arith.constant 0 : i32
    %dma_wait3A_319 = tpu.memref_slice %arg2[%dma_wait3A_317, %dma_wait3A_318] : memref<10000x128xf32, #tpu.memory_space<hbm>> -> memref<10000x128xf32, #tpu.memory_space<hbm>>
    tpu.wait_indirect_dma semaphore(%arg22 : memref<!tpu.dma_semaphore, #tpu.memory_space<semaphore_mem>>) src(%dma_wait3A_319 : memref<10000x128xf32, #tpu.memory_space<hbm>>) dst(%arg14 : memref<40x128xf32, #tpu.memory_space<vmem>>)
    %add3A_320 = arith.constant 320000 : i32
    %add3A_321 = arith.addi %add3A_320, %mul3A_2 : i32
    %add3A_322 = arith.constant 9560 : i32
    %add3A_323 = arith.addi %add3A_321, %add3A_322 : i32
    %dma_wait3A_324 = tpu.memref_slice %arg3[%add3A_323] : memref<640000xi32, #tpu.memory_space<hbm>> -> memref<40xi32, #tpu.memory_space<hbm>>
    %dma_wait3A_325 = tpu.memref_slice %arg3[%add3A_323] : memref<640000xi32, #tpu.memory_space<hbm>> -> memref<40xi32, #tpu.memory_space<hbm>>
    tpu.wait_dma2 semaphore(%arg29 : memref<!tpu.dma_semaphore, #tpu.memory_space<semaphore_mem>>) src(%dma_wait3A_325 : memref<40xi32, #tpu.memory_space<hbm>>) dst(%arg7 : memref<40xi32, #tpu.memory_space<vmem>>)
    %dma_start3A_326 = arith.constant 0 : i32
    %dma_start3A_327 = arith.constant 0 : i32
    %dma_start3A_328 = tpu.memref_slice %arg20[%dma_start3A_326, %dma_start3A_327] : memref<10240x128xf32, #tpu.memory_space<vmem_shared>> -> memref<10240x128xf32, #tpu.memory_space<vmem_shared>>
    tpu.enqueue_indirect_dma source(%arg14 : memref<40x128xf32, #tpu.memory_space<vmem>>) target(%dma_start3A_328 : memref<10240x128xf32, #tpu.memory_space<vmem_shared>>) offsets(%arg7 : memref<40xi32, #tpu.memory_space<vmem>>) semaphore(%arg36 : memref<!tpu.dma_semaphore, #tpu.memory_space<semaphore_mem>>) {add = true}
    %dma_wait3A_329 = arith.constant 0 : i32
    %dma_wait3A_330 = arith.constant 0 : i32
    %dma_wait3A_331 = tpu.memref_slice %arg20[%dma_wait3A_329, %dma_wait3A_330] : memref<10240x128xf32, #tpu.memory_space<vmem_shared>> -> memref<10240x128xf32, #tpu.memory_space<vmem_shared>>
    tpu.wait_indirect_dma semaphore(%arg35 : memref<!tpu.dma_semaphore, #tpu.memory_space<semaphore_mem>>) src(%arg13 : memref<40x128xf32, #tpu.memory_space<vmem>>) dst(%dma_wait3A_331 : memref<10240x128xf32, #tpu.memory_space<vmem_shared>>)
    %add3A_332 = arith.constant 320000 : i32
    %add3A_333 = arith.addi %add3A_332, %mul3A_2 : i32
    %add3A_334 = arith.constant 9800 : i32
    %add3A_335 = arith.addi %add3A_333, %add3A_334 : i32
    %dma_start3A_336 = tpu.memref_slice %arg3[%add3A_335] : memref<640000xi32, #tpu.memory_space<hbm>> -> memref<40xi32, #tpu.memory_space<hbm>>
    %dma_start3A_337 = tpu.memref_slice %arg3[%add3A_335] : memref<640000xi32, #tpu.memory_space<hbm>> -> memref<40xi32, #tpu.memory_space<hbm>>
    tpu.enqueue_dma source(%dma_start3A_337 : memref<40xi32, #tpu.memory_space<hbm>>) target(%arg6 : memref<40xi32, #tpu.memory_space<vmem>>) target_semaphore(%arg28 : memref<!tpu.dma_semaphore, #tpu.memory_space<semaphore_mem>>)
    %dma_start3A_338 = arith.constant 9800 : i32
    %dma_start3A_339 = tpu.memref_slice %arg5[%dma_start3A_338] : memref<10000xi32, #tpu.memory_space<vmem>> -> memref<40xi32, #tpu.memory_space<vmem>>
    %dma_start3A_340 = arith.constant 0 : i32
    %dma_start3A_341 = arith.constant 0 : i32
    %dma_start3A_342 = tpu.memref_slice %arg2[%dma_start3A_340, %dma_start3A_341] : memref<10000x128xf32, #tpu.memory_space<hbm>> -> memref<10000x128xf32, #tpu.memory_space<hbm>>
    tpu.enqueue_indirect_dma source(%dma_start3A_342 : memref<10000x128xf32, #tpu.memory_space<hbm>>) target(%arg13 : memref<40x128xf32, #tpu.memory_space<vmem>>) offsets(%dma_start3A_339 : memref<40xi32, #tpu.memory_space<vmem>>) semaphore(%arg21 : memref<!tpu.dma_semaphore, #tpu.memory_space<semaphore_mem>>)
    %dma_wait3A_343 = arith.constant 9600 : i32
    %dma_wait3A_344 = tpu.memref_slice %arg5[%dma_wait3A_343] : memref<10000xi32, #tpu.memory_space<vmem>> -> memref<40xi32, #tpu.memory_space<vmem>>
    %dma_wait3A_345 = arith.constant 0 : i32
    %dma_wait3A_346 = arith.constant 0 : i32
    %dma_wait3A_347 = tpu.memref_slice %arg2[%dma_wait3A_345, %dma_wait3A_346] : memref<10000x128xf32, #tpu.memory_space<hbm>> -> memref<10000x128xf32, #tpu.memory_space<hbm>>
    tpu.wait_indirect_dma semaphore(%arg23 : memref<!tpu.dma_semaphore, #tpu.memory_space<semaphore_mem>>) src(%dma_wait3A_347 : memref<10000x128xf32, #tpu.memory_space<hbm>>) dst(%arg15 : memref<40x128xf32, #tpu.memory_space<vmem>>)
    %add3A_348 = arith.constant 320000 : i32
    %add3A_349 = arith.addi %add3A_348, %mul3A_2 : i32
    %add3A_350 = arith.constant 9600 : i32
    %add3A_351 = arith.addi %add3A_349, %add3A_350 : i32
    %dma_wait3A_352 = tpu.memref_slice %arg3[%add3A_351] : memref<640000xi32, #tpu.memory_space<hbm>> -> memref<40xi32, #tpu.memory_space<hbm>>
    %dma_wait3A_353 = tpu.memref_slice %arg3[%add3A_351] : memref<640000xi32, #tpu.memory_space<hbm>> -> memref<40xi32, #tpu.memory_space<hbm>>
    tpu.wait_dma2 semaphore(%arg30 : memref<!tpu.dma_semaphore, #tpu.memory_space<semaphore_mem>>) src(%dma_wait3A_353 : memref<40xi32, #tpu.memory_space<hbm>>) dst(%arg8 : memref<40xi32, #tpu.memory_space<vmem>>)
    %dma_start3A_354 = arith.constant 0 : i32
    %dma_start3A_355 = arith.constant 0 : i32
    %dma_start3A_356 = tpu.memref_slice %arg20[%dma_start3A_354, %dma_start3A_355] : memref<10240x128xf32, #tpu.memory_space<vmem_shared>> -> memref<10240x128xf32, #tpu.memory_space<vmem_shared>>
    tpu.enqueue_indirect_dma source(%arg15 : memref<40x128xf32, #tpu.memory_space<vmem>>) target(%dma_start3A_356 : memref<10240x128xf32, #tpu.memory_space<vmem_shared>>) offsets(%arg8 : memref<40xi32, #tpu.memory_space<vmem>>) semaphore(%arg37 : memref<!tpu.dma_semaphore, #tpu.memory_space<semaphore_mem>>) {add = true}
    %dma_wait3A_357 = arith.constant 0 : i32
    %dma_wait3A_358 = arith.constant 0 : i32
    %dma_wait3A_359 = tpu.memref_slice %arg20[%dma_wait3A_357, %dma_wait3A_358] : memref<10240x128xf32, #tpu.memory_space<vmem_shared>> -> memref<10240x128xf32, #tpu.memory_space<vmem_shared>>
    tpu.wait_indirect_dma semaphore(%arg36 : memref<!tpu.dma_semaphore, #tpu.memory_space<semaphore_mem>>) src(%arg14 : memref<40x128xf32, #tpu.memory_space<vmem>>) dst(%dma_wait3A_359 : memref<10240x128xf32, #tpu.memory_space<vmem_shared>>)
    %add3A_360 = arith.constant 320000 : i32
    %add3A_361 = arith.addi %add3A_360, %mul3A_2 : i32
    %add3A_362 = arith.constant 9840 : i32
    %add3A_363 = arith.addi %add3A_361, %add3A_362 : i32
    %dma_start3A_364 = tpu.memref_slice %arg3[%add3A_363] : memref<640000xi32, #tpu.memory_space<hbm>> -> memref<40xi32, #tpu.memory_space<hbm>>
    %dma_start3A_365 = tpu.memref_slice %arg3[%add3A_363] : memref<640000xi32, #tpu.memory_space<hbm>> -> memref<40xi32, #tpu.memory_space<hbm>>
    tpu.enqueue_dma source(%dma_start3A_365 : memref<40xi32, #tpu.memory_space<hbm>>) target(%arg7 : memref<40xi32, #tpu.memory_space<vmem>>) target_semaphore(%arg29 : memref<!tpu.dma_semaphore, #tpu.memory_space<semaphore_mem>>)
    %dma_start3A_366 = arith.constant 9840 : i32
    %dma_start3A_367 = tpu.memref_slice %arg5[%dma_start3A_366] : memref<10000xi32, #tpu.memory_space<vmem>> -> memref<40xi32, #tpu.memory_space<vmem>>
    %dma_start3A_368 = arith.constant 0 : i32
    %dma_start3A_369 = arith.constant 0 : i32
    %dma_start3A_370 = tpu.memref_slice %arg2[%dma_start3A_368, %dma_start3A_369] : memref<10000x128xf32, #tpu.memory_space<hbm>> -> memref<10000x128xf32, #tpu.memory_space<hbm>>
    tpu.enqueue_indirect_dma source(%dma_start3A_370 : memref<10000x128xf32, #tpu.memory_space<hbm>>) target(%arg14 : memref<40x128xf32, #tpu.memory_space<vmem>>) offsets(%dma_start3A_367 : memref<40xi32, #tpu.memory_space<vmem>>) semaphore(%arg22 : memref<!tpu.dma_semaphore, #tpu.memory_space<semaphore_mem>>)
    %dma_wait3A_371 = arith.constant 9640 : i32
    %dma_wait3A_372 = tpu.memref_slice %arg5[%dma_wait3A_371] : memref<10000xi32, #tpu.memory_space<vmem>> -> memref<40xi32, #tpu.memory_space<vmem>>
    %dma_wait3A_373 = arith.constant 0 : i32
    %dma_wait3A_374 = arith.constant 0 : i32
    %dma_wait3A_375 = tpu.memref_slice %arg2[%dma_wait3A_373, %dma_wait3A_374] : memref<10000x128xf32, #tpu.memory_space<hbm>> -> memref<10000x128xf32, #tpu.memory_space<hbm>>
    tpu.wait_indirect_dma semaphore(%arg24 : memref<!tpu.dma_semaphore, #tpu.memory_space<semaphore_mem>>) src(%dma_wait3A_375 : memref<10000x128xf32, #tpu.memory_space<hbm>>) dst(%arg16 : memref<40x128xf32, #tpu.memory_space<vmem>>)
    %add3A_376 = arith.constant 320000 : i32
    %add3A_377 = arith.addi %add3A_376, %mul3A_2 : i32
    %add3A_378 = arith.constant 9640 : i32
    %add3A_379 = arith.addi %add3A_377, %add3A_378 : i32
    %dma_wait3A_380 = tpu.memref_slice %arg3[%add3A_379] : memref<640000xi32, #tpu.memory_space<hbm>> -> memref<40xi32, #tpu.memory_space<hbm>>
    %dma_wait3A_381 = tpu.memref_slice %arg3[%add3A_379] : memref<640000xi32, #tpu.memory_space<hbm>> -> memref<40xi32, #tpu.memory_space<hbm>>
    tpu.wait_dma2 semaphore(%arg31 : memref<!tpu.dma_semaphore, #tpu.memory_space<semaphore_mem>>) src(%dma_wait3A_381 : memref<40xi32, #tpu.memory_space<hbm>>) dst(%arg9 : memref<40xi32, #tpu.memory_space<vmem>>)
    %dma_start3A_382 = arith.constant 0 : i32
    %dma_start3A_383 = arith.constant 0 : i32
    %dma_start3A_384 = tpu.memref_slice %arg20[%dma_start3A_382, %dma_start3A_383] : memref<10240x128xf32, #tpu.memory_space<vmem_shared>> -> memref<10240x128xf32, #tpu.memory_space<vmem_shared>>
    tpu.enqueue_indirect_dma source(%arg16 : memref<40x128xf32, #tpu.memory_space<vmem>>) target(%dma_start3A_384 : memref<10240x128xf32, #tpu.memory_space<vmem_shared>>) offsets(%arg9 : memref<40xi32, #tpu.memory_space<vmem>>) semaphore(%arg38 : memref<!tpu.dma_semaphore, #tpu.memory_space<semaphore_mem>>) {add = true}
    %dma_wait3A_385 = arith.constant 0 : i32
    %dma_wait3A_386 = arith.constant 0 : i32
    %dma_wait3A_387 = tpu.memref_slice %arg20[%dma_wait3A_385, %dma_wait3A_386] : memref<10240x128xf32, #tpu.memory_space<vmem_shared>> -> memref<10240x128xf32, #tpu.memory_space<vmem_shared>>
    tpu.wait_indirect_dma semaphore(%arg37 : memref<!tpu.dma_semaphore, #tpu.memory_space<semaphore_mem>>) src(%arg15 : memref<40x128xf32, #tpu.memory_space<vmem>>) dst(%dma_wait3A_387 : memref<10240x128xf32, #tpu.memory_space<vmem_shared>>)
    %add3A_388 = arith.constant 320000 : i32
    %add3A_389 = arith.addi %add3A_388, %mul3A_2 : i32
    %add3A_390 = arith.constant 9880 : i32
    %add3A_391 = arith.addi %add3A_389, %add3A_390 : i32
    %dma_start3A_392 = tpu.memref_slice %arg3[%add3A_391] : memref<640000xi32, #tpu.memory_space<hbm>> -> memref<40xi32, #tpu.memory_space<hbm>>
    %dma_start3A_393 = tpu.memref_slice %arg3[%add3A_391] : memref<640000xi32, #tpu.memory_space<hbm>> -> memref<40xi32, #tpu.memory_space<hbm>>
    tpu.enqueue_dma source(%dma_start3A_393 : memref<40xi32, #tpu.memory_space<hbm>>) target(%arg8 : memref<40xi32, #tpu.memory_space<vmem>>) target_semaphore(%arg30 : memref<!tpu.dma_semaphore, #tpu.memory_space<semaphore_mem>>)
    %dma_start3A_394 = arith.constant 9880 : i32
    %dma_start3A_395 = tpu.memref_slice %arg5[%dma_start3A_394] : memref<10000xi32, #tpu.memory_space<vmem>> -> memref<40xi32, #tpu.memory_space<vmem>>
    %dma_start3A_396 = arith.constant 0 : i32
    %dma_start3A_397 = arith.constant 0 : i32
    %dma_start3A_398 = tpu.memref_slice %arg2[%dma_start3A_396, %dma_start3A_397] : memref<10000x128xf32, #tpu.memory_space<hbm>> -> memref<10000x128xf32, #tpu.memory_space<hbm>>
    tpu.enqueue_indirect_dma source(%dma_start3A_398 : memref<10000x128xf32, #tpu.memory_space<hbm>>) target(%arg15 : memref<40x128xf32, #tpu.memory_space<vmem>>) offsets(%dma_start3A_395 : memref<40xi32, #tpu.memory_space<vmem>>) semaphore(%arg23 : memref<!tpu.dma_semaphore, #tpu.memory_space<semaphore_mem>>)
    %dma_wait3A_399 = arith.constant 9680 : i32
    %dma_wait3A_400 = tpu.memref_slice %arg5[%dma_wait3A_399] : memref<10000xi32, #tpu.memory_space<vmem>> -> memref<40xi32, #tpu.memory_space<vmem>>
    %dma_wait3A_401 = arith.constant 0 : i32
    %dma_wait3A_402 = arith.constant 0 : i32
    %dma_wait3A_403 = tpu.memref_slice %arg2[%dma_wait3A_401, %dma_wait3A_402] : memref<10000x128xf32, #tpu.memory_space<hbm>> -> memref<10000x128xf32, #tpu.memory_space<hbm>>
    tpu.wait_indirect_dma semaphore(%arg25 : memref<!tpu.dma_semaphore, #tpu.memory_space<semaphore_mem>>) src(%dma_wait3A_403 : memref<10000x128xf32, #tpu.memory_space<hbm>>) dst(%arg17 : memref<40x128xf32, #tpu.memory_space<vmem>>)
    %add3A_404 = arith.constant 320000 : i32
    %add3A_405 = arith.addi %add3A_404, %mul3A_2 : i32
    %add3A_406 = arith.constant 9680 : i32
    %add3A_407 = arith.addi %add3A_405, %add3A_406 : i32
    %dma_wait3A_408 = tpu.memref_slice %arg3[%add3A_407] : memref<640000xi32, #tpu.memory_space<hbm>> -> memref<40xi32, #tpu.memory_space<hbm>>
    %dma_wait3A_409 = tpu.memref_slice %arg3[%add3A_407] : memref<640000xi32, #tpu.memory_space<hbm>> -> memref<40xi32, #tpu.memory_space<hbm>>
    tpu.wait_dma2 semaphore(%arg32 : memref<!tpu.dma_semaphore, #tpu.memory_space<semaphore_mem>>) src(%dma_wait3A_409 : memref<40xi32, #tpu.memory_space<hbm>>) dst(%arg10 : memref<40xi32, #tpu.memory_space<vmem>>)
    %dma_start3A_410 = arith.constant 0 : i32
    %dma_start3A_411 = arith.constant 0 : i32
    %dma_start3A_412 = tpu.memref_slice %arg20[%dma_start3A_410, %dma_start3A_411] : memref<10240x128xf32, #tpu.memory_space<vmem_shared>> -> memref<10240x128xf32, #tpu.memory_space<vmem_shared>>
    tpu.enqueue_indirect_dma source(%arg17 : memref<40x128xf32, #tpu.memory_space<vmem>>) target(%dma_start3A_412 : memref<10240x128xf32, #tpu.memory_space<vmem_shared>>) offsets(%arg10 : memref<40xi32, #tpu.memory_space<vmem>>) semaphore(%arg39 : memref<!tpu.dma_semaphore, #tpu.memory_space<semaphore_mem>>) {add = true}
    %dma_wait3A_413 = arith.constant 0 : i32
    %dma_wait3A_414 = arith.constant 0 : i32
    %dma_wait3A_415 = tpu.memref_slice %arg20[%dma_wait3A_413, %dma_wait3A_414] : memref<10240x128xf32, #tpu.memory_space<vmem_shared>> -> memref<10240x128xf32, #tpu.memory_space<vmem_shared>>
    tpu.wait_indirect_dma semaphore(%arg38 : memref<!tpu.dma_semaphore, #tpu.memory_space<semaphore_mem>>) src(%arg16 : memref<40x128xf32, #tpu.memory_space<vmem>>) dst(%dma_wait3A_415 : memref<10240x128xf32, #tpu.memory_space<vmem_shared>>)
    %add3A_416 = arith.constant 320000 : i32
    %add3A_417 = arith.addi %add3A_416, %mul3A_2 : i32
    %add3A_418 = arith.constant 9920 : i32
    %add3A_419 = arith.addi %add3A_417, %add3A_418 : i32
    %dma_start3A_420 = tpu.memref_slice %arg3[%add3A_419] : memref<640000xi32, #tpu.memory_space<hbm>> -> memref<40xi32, #tpu.memory_space<hbm>>
    %dma_start3A_421 = tpu.memref_slice %arg3[%add3A_419] : memref<640000xi32, #tpu.memory_space<hbm>> -> memref<40xi32, #tpu.memory_space<hbm>>
    tpu.enqueue_dma source(%dma_start3A_421 : memref<40xi32, #tpu.memory_space<hbm>>) target(%arg9 : memref<40xi32, #tpu.memory_space<vmem>>) target_semaphore(%arg31 : memref<!tpu.dma_semaphore, #tpu.memory_space<semaphore_mem>>)
    %dma_start3A_422 = arith.constant 9920 : i32
    %dma_start3A_423 = tpu.memref_slice %arg5[%dma_start3A_422] : memref<10000xi32, #tpu.memory_space<vmem>> -> memref<40xi32, #tpu.memory_space<vmem>>
    %dma_start3A_424 = arith.constant 0 : i32
    %dma_start3A_425 = arith.constant 0 : i32
    %dma_start3A_426 = tpu.memref_slice %arg2[%dma_start3A_424, %dma_start3A_425] : memref<10000x128xf32, #tpu.memory_space<hbm>> -> memref<10000x128xf32, #tpu.memory_space<hbm>>
    tpu.enqueue_indirect_dma source(%dma_start3A_426 : memref<10000x128xf32, #tpu.memory_space<hbm>>) target(%arg16 : memref<40x128xf32, #tpu.memory_space<vmem>>) offsets(%dma_start3A_423 : memref<40xi32, #tpu.memory_space<vmem>>) semaphore(%arg24 : memref<!tpu.dma_semaphore, #tpu.memory_space<semaphore_mem>>)
    %dma_wait3A_427 = arith.constant 9720 : i32
    %dma_wait3A_428 = tpu.memref_slice %arg5[%dma_wait3A_427] : memref<10000xi32, #tpu.memory_space<vmem>> -> memref<40xi32, #tpu.memory_space<vmem>>
    %dma_wait3A_429 = arith.constant 0 : i32
    %dma_wait3A_430 = arith.constant 0 : i32
    %dma_wait3A_431 = tpu.memref_slice %arg2[%dma_wait3A_429, %dma_wait3A_430] : memref<10000x128xf32, #tpu.memory_space<hbm>> -> memref<10000x128xf32, #tpu.memory_space<hbm>>
    tpu.wait_indirect_dma semaphore(%arg26 : memref<!tpu.dma_semaphore, #tpu.memory_space<semaphore_mem>>) src(%dma_wait3A_431 : memref<10000x128xf32, #tpu.memory_space<hbm>>) dst(%arg18 : memref<40x128xf32, #tpu.memory_space<vmem>>)
    %add3A_432 = arith.constant 320000 : i32
    %add3A_433 = arith.addi %add3A_432, %mul3A_2 : i32
    %add3A_434 = arith.constant 9720 : i32
    %add3A_435 = arith.addi %add3A_433, %add3A_434 : i32
    %dma_wait3A_436 = tpu.memref_slice %arg3[%add3A_435] : memref<640000xi32, #tpu.memory_space<hbm>> -> memref<40xi32, #tpu.memory_space<hbm>>
    %dma_wait3A_437 = tpu.memref_slice %arg3[%add3A_435] : memref<640000xi32, #tpu.memory_space<hbm>> -> memref<40xi32, #tpu.memory_space<hbm>>
    tpu.wait_dma2 semaphore(%arg33 : memref<!tpu.dma_semaphore, #tpu.memory_space<semaphore_mem>>) src(%dma_wait3A_437 : memref<40xi32, #tpu.memory_space<hbm>>) dst(%arg11 : memref<40xi32, #tpu.memory_space<vmem>>)
    %dma_start3A_438 = arith.constant 0 : i32
    %dma_start3A_439 = arith.constant 0 : i32
    %dma_start3A_440 = tpu.memref_slice %arg20[%dma_start3A_438, %dma_start3A_439] : memref<10240x128xf32, #tpu.memory_space<vmem_shared>> -> memref<10240x128xf32, #tpu.memory_space<vmem_shared>>
    tpu.enqueue_indirect_dma source(%arg18 : memref<40x128xf32, #tpu.memory_space<vmem>>) target(%dma_start3A_440 : memref<10240x128xf32, #tpu.memory_space<vmem_shared>>) offsets(%arg11 : memref<40xi32, #tpu.memory_space<vmem>>) semaphore(%arg40 : memref<!tpu.dma_semaphore, #tpu.memory_space<semaphore_mem>>) {add = true}
    %dma_wait3A_441 = arith.constant 0 : i32
    %dma_wait3A_442 = arith.constant 0 : i32
    %dma_wait3A_443 = tpu.memref_slice %arg20[%dma_wait3A_441, %dma_wait3A_442] : memref<10240x128xf32, #tpu.memory_space<vmem_shared>> -> memref<10240x128xf32, #tpu.memory_space<vmem_shared>>
    tpu.wait_indirect_dma semaphore(%arg39 : memref<!tpu.dma_semaphore, #tpu.memory_space<semaphore_mem>>) src(%arg17 : memref<40x128xf32, #tpu.memory_space<vmem>>) dst(%dma_wait3A_443 : memref<10240x128xf32, #tpu.memory_space<vmem_shared>>)
    %add3A_444 = arith.constant 320000 : i32
    %add3A_445 = arith.addi %add3A_444, %mul3A_2 : i32
    %add3A_446 = arith.constant 9960 : i32
    %add3A_447 = arith.addi %add3A_445, %add3A_446 : i32
    %dma_start3A_448 = tpu.memref_slice %arg3[%add3A_447] : memref<640000xi32, #tpu.memory_space<hbm>> -> memref<40xi32, #tpu.memory_space<hbm>>
    %dma_start3A_449 = tpu.memref_slice %arg3[%add3A_447] : memref<640000xi32, #tpu.memory_space<hbm>> -> memref<40xi32, #tpu.memory_space<hbm>>
    tpu.enqueue_dma source(%dma_start3A_449 : memref<40xi32, #tpu.memory_space<hbm>>) target(%arg10 : memref<40xi32, #tpu.memory_space<vmem>>) target_semaphore(%arg32 : memref<!tpu.dma_semaphore, #tpu.memory_space<semaphore_mem>>)
    %dma_start3A_450 = arith.constant 9960 : i32
    %dma_start3A_451 = tpu.memref_slice %arg5[%dma_start3A_450] : memref<10000xi32, #tpu.memory_space<vmem>> -> memref<40xi32, #tpu.memory_space<vmem>>
    %dma_start3A_452 = arith.constant 0 : i32
    %dma_start3A_453 = arith.constant 0 : i32
    %dma_start3A_454 = tpu.memref_slice %arg2[%dma_start3A_452, %dma_start3A_453] : memref<10000x128xf32, #tpu.memory_space<hbm>> -> memref<10000x128xf32, #tpu.memory_space<hbm>>
    tpu.enqueue_indirect_dma source(%dma_start3A_454 : memref<10000x128xf32, #tpu.memory_space<hbm>>) target(%arg17 : memref<40x128xf32, #tpu.memory_space<vmem>>) offsets(%dma_start3A_451 : memref<40xi32, #tpu.memory_space<vmem>>) semaphore(%arg25 : memref<!tpu.dma_semaphore, #tpu.memory_space<semaphore_mem>>)
    %dma_wait3A_455 = arith.constant 9760 : i32
    %dma_wait3A_456 = tpu.memref_slice %arg5[%dma_wait3A_455] : memref<10000xi32, #tpu.memory_space<vmem>> -> memref<40xi32, #tpu.memory_space<vmem>>
    %dma_wait3A_457 = arith.constant 0 : i32
    %dma_wait3A_458 = arith.constant 0 : i32
    %dma_wait3A_459 = tpu.memref_slice %arg2[%dma_wait3A_457, %dma_wait3A_458] : memref<10000x128xf32, #tpu.memory_space<hbm>> -> memref<10000x128xf32, #tpu.memory_space<hbm>>
    tpu.wait_indirect_dma semaphore(%arg27 : memref<!tpu.dma_semaphore, #tpu.memory_space<semaphore_mem>>) src(%dma_wait3A_459 : memref<10000x128xf32, #tpu.memory_space<hbm>>) dst(%arg19 : memref<40x128xf32, #tpu.memory_space<vmem>>)
    %add3A_460 = arith.constant 320000 : i32
    %add3A_461 = arith.addi %add3A_460, %mul3A_2 : i32
    %add3A_462 = arith.constant 9760 : i32
    %add3A_463 = arith.addi %add3A_461, %add3A_462 : i32
    %dma_wait3A_464 = tpu.memref_slice %arg3[%add3A_463] : memref<640000xi32, #tpu.memory_space<hbm>> -> memref<40xi32, #tpu.memory_space<hbm>>
    %dma_wait3A_465 = tpu.memref_slice %arg3[%add3A_463] : memref<640000xi32, #tpu.memory_space<hbm>> -> memref<40xi32, #tpu.memory_space<hbm>>
    tpu.wait_dma2 semaphore(%arg34 : memref<!tpu.dma_semaphore, #tpu.memory_space<semaphore_mem>>) src(%dma_wait3A_465 : memref<40xi32, #tpu.memory_space<hbm>>) dst(%arg12 : memref<40xi32, #tpu.memory_space<vmem>>)
    %dma_start3A_466 = arith.constant 0 : i32
    %dma_start3A_467 = arith.constant 0 : i32
    %dma_start3A_468 = tpu.memref_slice %arg20[%dma_start3A_466, %dma_start3A_467] : memref<10240x128xf32, #tpu.memory_space<vmem_shared>> -> memref<10240x128xf32, #tpu.memory_space<vmem_shared>>
    tpu.enqueue_indirect_dma source(%arg19 : memref<40x128xf32, #tpu.memory_space<vmem>>) target(%dma_start3A_468 : memref<10240x128xf32, #tpu.memory_space<vmem_shared>>) offsets(%arg12 : memref<40xi32, #tpu.memory_space<vmem>>) semaphore(%arg41 : memref<!tpu.dma_semaphore, #tpu.memory_space<semaphore_mem>>) {add = true}
    %dma_wait3A_469 = arith.constant 0 : i32
    %dma_wait3A_470 = arith.constant 0 : i32
    %dma_wait3A_471 = tpu.memref_slice %arg20[%dma_wait3A_469, %dma_wait3A_470] : memref<10240x128xf32, #tpu.memory_space<vmem_shared>> -> memref<10240x128xf32, #tpu.memory_space<vmem_shared>>
    tpu.wait_indirect_dma semaphore(%arg40 : memref<!tpu.dma_semaphore, #tpu.memory_space<semaphore_mem>>) src(%arg18 : memref<40x128xf32, #tpu.memory_space<vmem>>) dst(%dma_wait3A_471 : memref<10240x128xf32, #tpu.memory_space<vmem_shared>>)
    %dma_wait3A_472 = arith.constant 9800 : i32
    %dma_wait3A_473 = tpu.memref_slice %arg5[%dma_wait3A_472] : memref<10000xi32, #tpu.memory_space<vmem>> -> memref<40xi32, #tpu.memory_space<vmem>>
    %dma_wait3A_474 = arith.constant 0 : i32
    %dma_wait3A_475 = arith.constant 0 : i32
    %dma_wait3A_476 = tpu.memref_slice %arg2[%dma_wait3A_474, %dma_wait3A_475] : memref<10000x128xf32, #tpu.memory_space<hbm>> -> memref<10000x128xf32, #tpu.memory_space<hbm>>
    tpu.wait_indirect_dma semaphore(%arg21 : memref<!tpu.dma_semaphore, #tpu.memory_space<semaphore_mem>>) src(%dma_wait3A_476 : memref<10000x128xf32, #tpu.memory_space<hbm>>) dst(%arg13 : memref<40x128xf32, #tpu.memory_space<vmem>>)
    %add3A_477 = arith.constant 320000 : i32
    %add3A_478 = arith.addi %add3A_477, %mul3A_2 : i32
    %add3A_479 = arith.constant 9800 : i32
    %add3A_480 = arith.addi %add3A_478, %add3A_479 : i32
    %dma_wait3A_481 = tpu.memref_slice %arg3[%add3A_480] : memref<640000xi32, #tpu.memory_space<hbm>> -> memref<40xi32, #tpu.memory_space<hbm>>
    %dma_wait3A_482 = tpu.memref_slice %arg3[%add3A_480] : memref<640000xi32, #tpu.memory_space<hbm>> -> memref<40xi32, #tpu.memory_space<hbm>>
    tpu.wait_dma2 semaphore(%arg28 : memref<!tpu.dma_semaphore, #tpu.memory_space<semaphore_mem>>) src(%dma_wait3A_482 : memref<40xi32, #tpu.memory_space<hbm>>) dst(%arg6 : memref<40xi32, #tpu.memory_space<vmem>>)
    %dma_start3A_483 = arith.constant 0 : i32
    %dma_start3A_484 = arith.constant 0 : i32
    %dma_start3A_485 = tpu.memref_slice %arg20[%dma_start3A_483, %dma_start3A_484] : memref<10240x128xf32, #tpu.memory_space<vmem_shared>> -> memref<10240x128xf32, #tpu.memory_space<vmem_shared>>
    tpu.enqueue_indirect_dma source(%arg13 : memref<40x128xf32, #tpu.memory_space<vmem>>) target(%dma_start3A_485 : memref<10240x128xf32, #tpu.memory_space<vmem_shared>>) offsets(%arg6 : memref<40xi32, #tpu.memory_space<vmem>>) semaphore(%arg35 : memref<!tpu.dma_semaphore, #tpu.memory_space<semaphore_mem>>) {add = true}
    %dma_wait3A_486 = arith.constant 0 : i32
    %dma_wait3A_487 = arith.constant 0 : i32
    %dma_wait3A_488 = tpu.memref_slice %arg20[%dma_wait3A_486, %dma_wait3A_487] : memref<10240x128xf32, #tpu.memory_space<vmem_shared>> -> memref<10240x128xf32, #tpu.memory_space<vmem_shared>>
    tpu.wait_indirect_dma semaphore(%arg41 : memref<!tpu.dma_semaphore, #tpu.memory_space<semaphore_mem>>) src(%arg19 : memref<40x128xf32, #tpu.memory_space<vmem>>) dst(%dma_wait3A_488 : memref<10240x128xf32, #tpu.memory_space<vmem_shared>>)
    %dma_wait3A_489 = arith.constant 9840 : i32
    %dma_wait3A_490 = tpu.memref_slice %arg5[%dma_wait3A_489] : memref<10000xi32, #tpu.memory_space<vmem>> -> memref<40xi32, #tpu.memory_space<vmem>>
    %dma_wait3A_491 = arith.constant 0 : i32
    %dma_wait3A_492 = arith.constant 0 : i32
    %dma_wait3A_493 = tpu.memref_slice %arg2[%dma_wait3A_491, %dma_wait3A_492] : memref<10000x128xf32, #tpu.memory_space<hbm>> -> memref<10000x128xf32, #tpu.memory_space<hbm>>
    tpu.wait_indirect_dma semaphore(%arg22 : memref<!tpu.dma_semaphore, #tpu.memory_space<semaphore_mem>>) src(%dma_wait3A_493 : memref<10000x128xf32, #tpu.memory_space<hbm>>) dst(%arg14 : memref<40x128xf32, #tpu.memory_space<vmem>>)
    %add3A_494 = arith.constant 320000 : i32
    %add3A_495 = arith.addi %add3A_494, %mul3A_2 : i32
    %add3A_496 = arith.constant 9840 : i32
    %add3A_497 = arith.addi %add3A_495, %add3A_496 : i32
    %dma_wait3A_498 = tpu.memref_slice %arg3[%add3A_497] : memref<640000xi32, #tpu.memory_space<hbm>> -> memref<40xi32, #tpu.memory_space<hbm>>
    %dma_wait3A_499 = tpu.memref_slice %arg3[%add3A_497] : memref<640000xi32, #tpu.memory_space<hbm>> -> memref<40xi32, #tpu.memory_space<hbm>>
    tpu.wait_dma2 semaphore(%arg29 : memref<!tpu.dma_semaphore, #tpu.memory_space<semaphore_mem>>) src(%dma_wait3A_499 : memref<40xi32, #tpu.memory_space<hbm>>) dst(%arg7 : memref<40xi32, #tpu.memory_space<vmem>>)
    %dma_start3A_500 = arith.constant 0 : i32
    %dma_start3A_501 = arith.constant 0 : i32
    %dma_start3A_502 = tpu.memref_slice %arg20[%dma_start3A_500, %dma_start3A_501] : memref<10240x128xf32, #tpu.memory_space<vmem_shared>> -> memref<10240x128xf32, #tpu.memory_space<vmem_shared>>
    tpu.enqueue_indirect_dma source(%arg14 : memref<40x128xf32, #tpu.memory_space<vmem>>) target(%dma_start3A_502 : memref<10240x128xf32, #tpu.memory_space<vmem_shared>>) offsets(%arg7 : memref<40xi32, #tpu.memory_space<vmem>>) semaphore(%arg36 : memref<!tpu.dma_semaphore, #tpu.memory_space<semaphore_mem>>) {add = true}
    %dma_wait3A_503 = arith.constant 0 : i32
    %dma_wait3A_504 = arith.constant 0 : i32
    %dma_wait3A_505 = tpu.memref_slice %arg20[%dma_wait3A_503, %dma_wait3A_504] : memref<10240x128xf32, #tpu.memory_space<vmem_shared>> -> memref<10240x128xf32, #tpu.memory_space<vmem_shared>>
    tpu.wait_indirect_dma semaphore(%arg35 : memref<!tpu.dma_semaphore, #tpu.memory_space<semaphore_mem>>) src(%arg13 : memref<40x128xf32, #tpu.memory_space<vmem>>) dst(%dma_wait3A_505 : memref<10240x128xf32, #tpu.memory_space<vmem_shared>>)
    %dma_wait3A_506 = arith.constant 9880 : i32
    %dma_wait3A_507 = tpu.memref_slice %arg5[%dma_wait3A_506] : memref<10000xi32, #tpu.memory_space<vmem>> -> memref<40xi32, #tpu.memory_space<vmem>>
    %dma_wait3A_508 = arith.constant 0 : i32
    %dma_wait3A_509 = arith.constant 0 : i32
    %dma_wait3A_510 = tpu.memref_slice %arg2[%dma_wait3A_508, %dma_wait3A_509] : memref<10000x128xf32, #tpu.memory_space<hbm>> -> memref<10000x128xf32, #tpu.memory_space<hbm>>
    tpu.wait_indirect_dma semaphore(%arg23 : memref<!tpu.dma_semaphore, #tpu.memory_space<semaphore_mem>>) src(%dma_wait3A_510 : memref<10000x128xf32, #tpu.memory_space<hbm>>) dst(%arg15 : memref<40x128xf32, #tpu.memory_space<vmem>>)
    %add3A_511 = arith.constant 320000 : i32
    %add3A_512 = arith.addi %add3A_511, %mul3A_2 : i32
    %add3A_513 = arith.constant 9880 : i32
    %add3A_514 = arith.addi %add3A_512, %add3A_513 : i32
    %dma_wait3A_515 = tpu.memref_slice %arg3[%add3A_514] : memref<640000xi32, #tpu.memory_space<hbm>> -> memref<40xi32, #tpu.memory_space<hbm>>
    %dma_wait3A_516 = tpu.memref_slice %arg3[%add3A_514] : memref<640000xi32, #tpu.memory_space<hbm>> -> memref<40xi32, #tpu.memory_space<hbm>>
    tpu.wait_dma2 semaphore(%arg30 : memref<!tpu.dma_semaphore, #tpu.memory_space<semaphore_mem>>) src(%dma_wait3A_516 : memref<40xi32, #tpu.memory_space<hbm>>) dst(%arg8 : memref<40xi32, #tpu.memory_space<vmem>>)
    %dma_start3A_517 = arith.constant 0 : i32
    %dma_start3A_518 = arith.constant 0 : i32
    %dma_start3A_519 = tpu.memref_slice %arg20[%dma_start3A_517, %dma_start3A_518] : memref<10240x128xf32, #tpu.memory_space<vmem_shared>> -> memref<10240x128xf32, #tpu.memory_space<vmem_shared>>
    tpu.enqueue_indirect_dma source(%arg15 : memref<40x128xf32, #tpu.memory_space<vmem>>) target(%dma_start3A_519 : memref<10240x128xf32, #tpu.memory_space<vmem_shared>>) offsets(%arg8 : memref<40xi32, #tpu.memory_space<vmem>>) semaphore(%arg37 : memref<!tpu.dma_semaphore, #tpu.memory_space<semaphore_mem>>) {add = true}
    %dma_wait3A_520 = arith.constant 0 : i32
    %dma_wait3A_521 = arith.constant 0 : i32
    %dma_wait3A_522 = tpu.memref_slice %arg20[%dma_wait3A_520, %dma_wait3A_521] : memref<10240x128xf32, #tpu.memory_space<vmem_shared>> -> memref<10240x128xf32, #tpu.memory_space<vmem_shared>>
    tpu.wait_indirect_dma semaphore(%arg36 : memref<!tpu.dma_semaphore, #tpu.memory_space<semaphore_mem>>) src(%arg14 : memref<40x128xf32, #tpu.memory_space<vmem>>) dst(%dma_wait3A_522 : memref<10240x128xf32, #tpu.memory_space<vmem_shared>>)
    %dma_wait3A_523 = arith.constant 9920 : i32
    %dma_wait3A_524 = tpu.memref_slice %arg5[%dma_wait3A_523] : memref<10000xi32, #tpu.memory_space<vmem>> -> memref<40xi32, #tpu.memory_space<vmem>>
    %dma_wait3A_525 = arith.constant 0 : i32
    %dma_wait3A_526 = arith.constant 0 : i32
    %dma_wait3A_527 = tpu.memref_slice %arg2[%dma_wait3A_525, %dma_wait3A_526] : memref<10000x128xf32, #tpu.memory_space<hbm>> -> memref<10000x128xf32, #tpu.memory_space<hbm>>
    tpu.wait_indirect_dma semaphore(%arg24 : memref<!tpu.dma_semaphore, #tpu.memory_space<semaphore_mem>>) src(%dma_wait3A_527 : memref<10000x128xf32, #tpu.memory_space<hbm>>) dst(%arg16 : memref<40x128xf32, #tpu.memory_space<vmem>>)
    %add3A_528 = arith.constant 320000 : i32
    %add3A_529 = arith.addi %add3A_528, %mul3A_2 : i32
    %add3A_530 = arith.constant 9920 : i32
    %add3A_531 = arith.addi %add3A_529, %add3A_530 : i32
    %dma_wait3A_532 = tpu.memref_slice %arg3[%add3A_531] : memref<640000xi32, #tpu.memory_space<hbm>> -> memref<40xi32, #tpu.memory_space<hbm>>
    %dma_wait3A_533 = tpu.memref_slice %arg3[%add3A_531] : memref<640000xi32, #tpu.memory_space<hbm>> -> memref<40xi32, #tpu.memory_space<hbm>>
    tpu.wait_dma2 semaphore(%arg31 : memref<!tpu.dma_semaphore, #tpu.memory_space<semaphore_mem>>) src(%dma_wait3A_533 : memref<40xi32, #tpu.memory_space<hbm>>) dst(%arg9 : memref<40xi32, #tpu.memory_space<vmem>>)
    %dma_start3A_534 = arith.constant 0 : i32
    %dma_start3A_535 = arith.constant 0 : i32
    %dma_start3A_536 = tpu.memref_slice %arg20[%dma_start3A_534, %dma_start3A_535] : memref<10240x128xf32, #tpu.memory_space<vmem_shared>> -> memref<10240x128xf32, #tpu.memory_space<vmem_shared>>
    tpu.enqueue_indirect_dma source(%arg16 : memref<40x128xf32, #tpu.memory_space<vmem>>) target(%dma_start3A_536 : memref<10240x128xf32, #tpu.memory_space<vmem_shared>>) offsets(%arg9 : memref<40xi32, #tpu.memory_space<vmem>>) semaphore(%arg38 : memref<!tpu.dma_semaphore, #tpu.memory_space<semaphore_mem>>) {add = true}
    %dma_wait3A_537 = arith.constant 0 : i32
    %dma_wait3A_538 = arith.constant 0 : i32
    %dma_wait3A_539 = tpu.memref_slice %arg20[%dma_wait3A_537, %dma_wait3A_538] : memref<10240x128xf32, #tpu.memory_space<vmem_shared>> -> memref<10240x128xf32, #tpu.memory_space<vmem_shared>>
    tpu.wait_indirect_dma semaphore(%arg37 : memref<!tpu.dma_semaphore, #tpu.memory_space<semaphore_mem>>) src(%arg15 : memref<40x128xf32, #tpu.memory_space<vmem>>) dst(%dma_wait3A_539 : memref<10240x128xf32, #tpu.memory_space<vmem_shared>>)
    %dma_wait3A_540 = arith.constant 9960 : i32
    %dma_wait3A_541 = tpu.memref_slice %arg5[%dma_wait3A_540] : memref<10000xi32, #tpu.memory_space<vmem>> -> memref<40xi32, #tpu.memory_space<vmem>>
    %dma_wait3A_542 = arith.constant 0 : i32
    %dma_wait3A_543 = arith.constant 0 : i32
    %dma_wait3A_544 = tpu.memref_slice %arg2[%dma_wait3A_542, %dma_wait3A_543] : memref<10000x128xf32, #tpu.memory_space<hbm>> -> memref<10000x128xf32, #tpu.memory_space<hbm>>
    tpu.wait_indirect_dma semaphore(%arg25 : memref<!tpu.dma_semaphore, #tpu.memory_space<semaphore_mem>>) src(%dma_wait3A_544 : memref<10000x128xf32, #tpu.memory_space<hbm>>) dst(%arg17 : memref<40x128xf32, #tpu.memory_space<vmem>>)
    %add3A_545 = arith.constant 320000 : i32
    %add3A_546 = arith.addi %add3A_545, %mul3A_2 : i32
    %add3A_547 = arith.constant 9960 : i32
    %add3A_548 = arith.addi %add3A_546, %add3A_547 : i32
    %dma_wait3A_549 = tpu.memref_slice %arg3[%add3A_548] : memref<640000xi32, #tpu.memory_space<hbm>> -> memref<40xi32, #tpu.memory_space<hbm>>
    %dma_wait3A_550 = tpu.memref_slice %arg3[%add3A_548] : memref<640000xi32, #tpu.memory_space<hbm>> -> memref<40xi32, #tpu.memory_space<hbm>>
    tpu.wait_dma2 semaphore(%arg32 : memref<!tpu.dma_semaphore, #tpu.memory_space<semaphore_mem>>) src(%dma_wait3A_550 : memref<40xi32, #tpu.memory_space<hbm>>) dst(%arg10 : memref<40xi32, #tpu.memory_space<vmem>>)
    %dma_start3A_551 = arith.constant 0 : i32
    %dma_start3A_552 = arith.constant 0 : i32
    %dma_start3A_553 = tpu.memref_slice %arg20[%dma_start3A_551, %dma_start3A_552] : memref<10240x128xf32, #tpu.memory_space<vmem_shared>> -> memref<10240x128xf32, #tpu.memory_space<vmem_shared>>
    tpu.enqueue_indirect_dma source(%arg17 : memref<40x128xf32, #tpu.memory_space<vmem>>) target(%dma_start3A_553 : memref<10240x128xf32, #tpu.memory_space<vmem_shared>>) offsets(%arg10 : memref<40xi32, #tpu.memory_space<vmem>>) semaphore(%arg39 : memref<!tpu.dma_semaphore, #tpu.memory_space<semaphore_mem>>) {add = true}
    %dma_wait3A_554 = arith.constant 0 : i32
    %dma_wait3A_555 = arith.constant 0 : i32
    %dma_wait3A_556 = tpu.memref_slice %arg20[%dma_wait3A_554, %dma_wait3A_555] : memref<10240x128xf32, #tpu.memory_space<vmem_shared>> -> memref<10240x128xf32, #tpu.memory_space<vmem_shared>>
    tpu.wait_indirect_dma semaphore(%arg38 : memref<!tpu.dma_semaphore, #tpu.memory_space<semaphore_mem>>) src(%arg16 : memref<40x128xf32, #tpu.memory_space<vmem>>) dst(%dma_wait3A_556 : memref<10240x128xf32, #tpu.memory_space<vmem_shared>>)
    %dma_wait3A_557 = arith.constant 0 : i32
    %dma_wait3A_558 = arith.constant 0 : i32
    %dma_wait3A_559 = tpu.memref_slice %arg20[%dma_wait3A_557, %dma_wait3A_558] : memref<10240x128xf32, #tpu.memory_space<vmem_shared>> -> memref<10240x128xf32, #tpu.memory_space<vmem_shared>>
    tpu.wait_indirect_dma semaphore(%arg39 : memref<!tpu.dma_semaphore, #tpu.memory_space<semaphore_mem>>) src(%arg17 : memref<40x128xf32, #tpu.memory_space<vmem>>) dst(%dma_wait3A_559 : memref<10240x128xf32, #tpu.memory_space<vmem_shared>>)
    %barrier3A_560 = arith.constant 0 : index
    tpu.barrier barrier_id(%barrier3A_560)
    %mul3A_561 = arith.constant 640 : i32
    %mul3A_562 = arith.muli %arg1, %mul3A_561 : i32
    %mul3A_563 = arith.constant 10240 : i32
    %mul3A_564 = arith.muli %arg0, %mul3A_563 : i32
    %mul3A_565 = arith.constant 640 : i32
    %mul3A_566 = arith.muli %arg1, %mul3A_565 : i32
    %add3A_567 = arith.addi %mul3A_564, %mul3A_566 : i32
    "tpu.region"() ({
      %run_scoped3A = tpu.sem_alloc : memref<!tpu.dma_semaphore, #tpu.memory_space<semaphore_mem>>
      %dma_start3A_568 = arith.constant 0 : i32
      %dma_start3A_569 = tpu.memref_slice %arg4[%add3A_567, %dma_start3A_568] : memref<20480x128xf32, #tpu.memory_space<hbm>> -> memref<640x128xf32, #tpu.memory_space<hbm>>
      %dma_start3A_570 = arith.constant 0 : i32
      %dma_start3A_571 = tpu.memref_slice %arg20[%mul3A_562, %dma_start3A_570] : memref<10240x128xf32, #tpu.memory_space<vmem_shared>> -> memref<640x128xf32, #tpu.memory_space<vmem_shared>>
      tpu.enqueue_dma source(%dma_start3A_571 : memref<640x128xf32, #tpu.memory_space<vmem_shared>>) target(%dma_start3A_569 : memref<640x128xf32, #tpu.memory_space<hbm>>) target_semaphore(%run_scoped3A : memref<!tpu.dma_semaphore, #tpu.memory_space<semaphore_mem>>)
      %dma_wait3A_572 = arith.constant 0 : i32
      %dma_wait3A_573 = tpu.memref_slice %arg4[%add3A_567, %dma_wait3A_572] : memref<20480x128xf32, #tpu.memory_space<hbm>> -> memref<640x128xf32, #tpu.memory_space<hbm>>
      %dma_wait3A_574 = arith.constant 0 : i32
      %dma_wait3A_575 = tpu.memref_slice %arg20[%mul3A_562, %dma_wait3A_574] : memref<10240x128xf32, #tpu.memory_space<vmem_shared>> -> memref<640x128xf32, #tpu.memory_space<vmem_shared>>
      tpu.wait_dma2 semaphore(%run_scoped3A : memref<!tpu.dma_semaphore, #tpu.memory_space<semaphore_mem>>) src(%dma_wait3A_575 : memref<640x128xf32, #tpu.memory_space<vmem_shared>>) dst(%dma_wait3A_573 : memref<640x128xf32, #tpu.memory_space<hbm>>)
      tpu.yield
    }) : () -> ()
    return
  }
}

module attributes {stable_mosaic.version = 14 : i64} {
  func.func @_dense_body(%arg0: memref<20480x128xf32, #tpu.memory_space<vmem>>, %arg1: memref<128x128xf32, #tpu.memory_space<vmem>>, %arg2: memref<128xf32, #tpu.memory_space<vmem>>, %arg3: memref<128xf32, #tpu.memory_space<vmem>>, %arg4: memref<128xf32, #tpu.memory_space<vmem>>, %arg5: memref<128x128xf32, #tpu.memory_space<vmem>>, %arg6: memref<128xf32, #tpu.memory_space<vmem>>, %arg7: memref<10000x128xf32, #tpu.memory_space<vmem>>) attributes {dimension_semantics = [], scalar_prefetch = 0 : i64, scratch_operands = 0 : i64, tpu.core_type = #tpu.core_type<tc>} {
    %get3A = arith.constant 0 : index
    %get3A_0 = arith.constant 0 : index
    %get3A_1 = vector.load %arg0[%get3A, %get3A_0] : memref<20480x128xf32, #tpu.memory_space<vmem>>, vector<10000x128xf32>
    %get3A_2 = arith.constant 10240 : index
    %get3A_3 = arith.constant 0 : index
    %get3A_4 = vector.load %arg0[%get3A_2, %get3A_3] : memref<20480x128xf32, #tpu.memory_space<vmem>>, vector<10000x128xf32>
    %add3A = arith.addf %get3A_1, %get3A_4 : vector<10000x128xf32>
    %get3A_5 = arith.constant 0 : index
    %get3A_6 = arith.constant 0 : index
    %get3A_7 = vector.load %arg1[%get3A_5, %get3A_6] : memref<128x128xf32, #tpu.memory_space<vmem>>, vector<128x128xf32>
    %dot_general3A = arith.constant dense<0.000000e+00> : vector<10000x128xf32>
    %dot_general3A_8 = tpu.matmul %add3A, %get3A_7, %dot_general3A {dimension_numbers = #tpu.dot_dimension_numbers<[1], [0], [0], [1], [0, 0, 1, 1], [], []>, transpose_lhs_hint = false} : vector<10000x128xf32>, vector<128x128xf32>, vector<10000x128xf32> -> vector<10000x128xf32>
    %get3A_9 = arith.constant 0 : index
    %get3A_10 = vector.load %arg2[%get3A_9] : memref<128xf32, #tpu.memory_space<vmem>>, vector<128xf32>
    %broadcast_in_dim3A = vector.shape_cast %get3A_10 : vector<128xf32> to vector<1x128xf32>
    %add3A_11 = vector.broadcast %broadcast_in_dim3A : vector<1x128xf32> to vector<10000x128xf32>
    %add3A_12 = arith.addf %dot_general3A_8, %add3A_11 : vector<10000x128xf32>
    %reduce_sum3A = arith.constant dense<0.000000e+00> : vector<128xf32>
    %reduce_sum3A_13 = vector.multi_reduction <add>, %add3A_12, %reduce_sum3A [0] : vector<10000x128xf32> to vector<128xf32>
    %broadcast_in_dim3A_14 = vector.shape_cast %reduce_sum3A_13 : vector<128xf32> to vector<1x128xf32>
    %div3A = arith.constant 1.000000e+04 : f32
    %div3A_15 = vector.broadcast %div3A : f32 to vector<1x128xf32>
    %div3A_16 = arith.divf %broadcast_in_dim3A_14, %div3A_15 : vector<1x128xf32>
    %sub3A = vector.broadcast %div3A_16 : vector<1x128xf32> to vector<10000x128xf32>
    %sub3A_17 = arith.subf %add3A_12, %sub3A : vector<10000x128xf32>
    %mul3A = arith.mulf %sub3A_17, %sub3A_17 : vector<10000x128xf32>
    %reduce_sum3A_18 = arith.constant dense<0.000000e+00> : vector<128xf32>
    %reduce_sum3A_19 = vector.multi_reduction <add>, %mul3A, %reduce_sum3A_18 [0] : vector<10000x128xf32> to vector<128xf32>
    %broadcast_in_dim3A_20 = vector.shape_cast %reduce_sum3A_19 : vector<128xf32> to vector<1x128xf32>
    %div3A_21 = arith.constant 1.000000e+04 : f32
    %div3A_22 = vector.broadcast %div3A_21 : f32 to vector<1x128xf32>
    %div3A_23 = arith.divf %broadcast_in_dim3A_20, %div3A_22 : vector<1x128xf32>
    %get3A_24 = arith.constant 0 : index
    %get3A_25 = vector.load %arg3[%get3A_24] : memref<128xf32, #tpu.memory_space<vmem>>, vector<128xf32>
    %broadcast_in_dim3A_26 = vector.shape_cast %get3A_25 : vector<128xf32> to vector<1x128xf32>
    %mul3A_27 = vector.broadcast %broadcast_in_dim3A_26 : vector<1x128xf32> to vector<10000x128xf32>
    %mul3A_28 = arith.mulf %mul3A_27, %sub3A_17 : vector<10000x128xf32>
    %add3A_29 = arith.constant 9.99999974E-6 : f32
    %add3A_30 = vector.broadcast %add3A_29 : f32 to vector<1x128xf32>
    %add3A_31 = arith.addf %div3A_23, %add3A_30 : vector<1x128xf32>
    %rsqrt3A = math.rsqrt %add3A_31 : vector<1x128xf32>
    %mul3A_32 = vector.broadcast %rsqrt3A : vector<1x128xf32> to vector<10000x128xf32>
    %mul3A_33 = arith.mulf %mul3A_28, %mul3A_32 : vector<10000x128xf32>
    %get3A_34 = arith.constant 0 : index
    %get3A_35 = vector.load %arg4[%get3A_34] : memref<128xf32, #tpu.memory_space<vmem>>, vector<128xf32>
    %broadcast_in_dim3A_36 = vector.shape_cast %get3A_35 : vector<128xf32> to vector<1x128xf32>
    %add3A_37 = vector.broadcast %broadcast_in_dim3A_36 : vector<1x128xf32> to vector<10000x128xf32>
    %add3A_38 = arith.addf %mul3A_33, %add3A_37 : vector<10000x128xf32>
    %max3A = arith.constant 0.000000e+00 : f32
    %max3A_39 = vector.broadcast %max3A : f32 to vector<10000x128xf32>
    %max3A_40 = arith.maximumf %add3A_38, %max3A_39 : vector<10000x128xf32>
    %get3A_41 = arith.constant 0 : index
    %get3A_42 = arith.constant 0 : index
    %get3A_43 = vector.load %arg5[%get3A_41, %get3A_42] : memref<128x128xf32, #tpu.memory_space<vmem>>, vector<128x128xf32>
    %dot_general3A_44 = arith.constant dense<0.000000e+00> : vector<10000x128xf32>
    %dot_general3A_45 = tpu.matmul %max3A_40, %get3A_43, %dot_general3A_44 {dimension_numbers = #tpu.dot_dimension_numbers<[1], [0], [0], [1], [0, 0, 1, 1], [], []>, transpose_lhs_hint = false} : vector<10000x128xf32>, vector<128x128xf32>, vector<10000x128xf32> -> vector<10000x128xf32>
    %get3A_46 = arith.constant 0 : index
    %get3A_47 = vector.load %arg6[%get3A_46] : memref<128xf32, #tpu.memory_space<vmem>>, vector<128xf32>
    %broadcast_in_dim3A_48 = vector.shape_cast %get3A_47 : vector<128xf32> to vector<1x128xf32>
    %add3A_49 = vector.broadcast %broadcast_in_dim3A_48 : vector<1x128xf32> to vector<10000x128xf32>
    %add3A_50 = arith.addf %dot_general3A_45, %add3A_49 : vector<10000x128xf32>
    %max3A_51 = arith.constant 0.000000e+00 : f32
    %max3A_52 = vector.broadcast %max3A_51 : f32 to vector<10000x128xf32>
    %max3A_53 = arith.maximumf %add3A_50, %max3A_52 : vector<10000x128xf32>
    %swap3A = arith.constant 0 : index
    %swap3A_54 = arith.constant 0 : index
    %swap3A_55 = vector.load %arg7[%swap3A, %swap3A_54] : memref<10000x128xf32, #tpu.memory_space<vmem>>, vector<10000x128xf32>
    tpu.vector_store %arg7[%swap3A, %swap3A_54], %max3A_53 {strides = array<i32>} : memref<10000x128xf32, #tpu.memory_space<vmem>>, vector<10000x128xf32>,
    return
  }
}

module attributes {stable_mosaic.version = 14 : i64} {
  func.func @_final_body(%arg0: memref<20480x128xf32, #tpu.memory_space<vmem>>, %arg1: memref<10000xi32, #tpu.memory_space<vmem>>, %arg2: memref<128x128xf32, #tpu.memory_space<vmem>>, %arg3: memref<128xf32, #tpu.memory_space<vmem>>, %arg4: memref<128xf32, #tpu.memory_space<vmem>>, %arg5: memref<128xf32, #tpu.memory_space<vmem>>, %arg6: memref<128x128xf32, #tpu.memory_space<vmem>>, %arg7: memref<128xf32, #tpu.memory_space<vmem>>, %arg8: memref<128x128xf32, #tpu.memory_space<vmem>>, %arg9: memref<128xf32, #tpu.memory_space<vmem>>, %arg10: memref<128x128xf32, #tpu.memory_space<vmem>>, %arg11: memref<128xf32, #tpu.memory_space<vmem>>, %arg12: memref<64x128xf32, #tpu.memory_space<vmem>>) attributes {dimension_semantics = [], scalar_prefetch = 0 : i64, scratch_operands = 0 : i64, tpu.core_type = #tpu.core_type<tc>} {
    %get3A = arith.constant 0 : index
    %get3A_0 = arith.constant 0 : index
    %get3A_1 = vector.load %arg0[%get3A, %get3A_0] : memref<20480x128xf32, #tpu.memory_space<vmem>>, vector<10000x128xf32>
    %get3A_2 = arith.constant 10240 : index
    %get3A_3 = arith.constant 0 : index
    %get3A_4 = vector.load %arg0[%get3A_2, %get3A_3] : memref<20480x128xf32, #tpu.memory_space<vmem>>, vector<10000x128xf32>
    %add3A = arith.addf %get3A_1, %get3A_4 : vector<10000x128xf32>
    %get3A_5 = arith.constant 0 : index
    %get3A_6 = arith.constant 0 : index
    %get3A_7 = vector.load %arg2[%get3A_5, %get3A_6] : memref<128x128xf32, #tpu.memory_space<vmem>>, vector<128x128xf32>
    %dot_general3A = arith.constant dense<0.000000e+00> : vector<10000x128xf32>
    %dot_general3A_8 = tpu.matmul %add3A, %get3A_7, %dot_general3A {dimension_numbers = #tpu.dot_dimension_numbers<[1], [0], [0], [1], [0, 0, 1, 1], [], []>, transpose_lhs_hint = false} : vector<10000x128xf32>, vector<128x128xf32>, vector<10000x128xf32> -> vector<10000x128xf32>
    %get3A_9 = arith.constant 0 : index
    %get3A_10 = vector.load %arg3[%get3A_9] : memref<128xf32, #tpu.memory_space<vmem>>, vector<128xf32>
    %broadcast_in_dim3A = vector.shape_cast %get3A_10 : vector<128xf32> to vector<1x128xf32>
    %add3A_11 = vector.broadcast %broadcast_in_dim3A : vector<1x128xf32> to vector<10000x128xf32>
    %add3A_12 = arith.addf %dot_general3A_8, %add3A_11 : vector<10000x128xf32>
    %reduce_sum3A = arith.constant dense<0.000000e+00> : vector<128xf32>
    %reduce_sum3A_13 = vector.multi_reduction <add>, %add3A_12, %reduce_sum3A [0] : vector<10000x128xf32> to vector<128xf32>
    %broadcast_in_dim3A_14 = vector.shape_cast %reduce_sum3A_13 : vector<128xf32> to vector<1x128xf32>
    %div3A = arith.constant 1.000000e+04 : f32
    %div3A_15 = vector.broadcast %div3A : f32 to vector<1x128xf32>
    %div3A_16 = arith.divf %broadcast_in_dim3A_14, %div3A_15 : vector<1x128xf32>
    %sub3A = vector.broadcast %div3A_16 : vector<1x128xf32> to vector<10000x128xf32>
    %sub3A_17 = arith.subf %add3A_12, %sub3A : vector<10000x128xf32>
    %mul3A = arith.mulf %sub3A_17, %sub3A_17 : vector<10000x128xf32>
    %reduce_sum3A_18 = arith.constant dense<0.000000e+00> : vector<128xf32>
    %reduce_sum3A_19 = vector.multi_reduction <add>, %mul3A, %reduce_sum3A_18 [0] : vector<10000x128xf32> to vector<128xf32>
    %broadcast_in_dim3A_20 = vector.shape_cast %reduce_sum3A_19 : vector<128xf32> to vector<1x128xf32>
    %div3A_21 = arith.constant 1.000000e+04 : f32
    %div3A_22 = vector.broadcast %div3A_21 : f32 to vector<1x128xf32>
    %div3A_23 = arith.divf %broadcast_in_dim3A_20, %div3A_22 : vector<1x128xf32>
    %get3A_24 = arith.constant 0 : index
    %get3A_25 = vector.load %arg4[%get3A_24] : memref<128xf32, #tpu.memory_space<vmem>>, vector<128xf32>
    %broadcast_in_dim3A_26 = vector.shape_cast %get3A_25 : vector<128xf32> to vector<1x128xf32>
    %mul3A_27 = vector.broadcast %broadcast_in_dim3A_26 : vector<1x128xf32> to vector<10000x128xf32>
    %mul3A_28 = arith.mulf %mul3A_27, %sub3A_17 : vector<10000x128xf32>
    %add3A_29 = arith.constant 9.99999974E-6 : f32
    %add3A_30 = vector.broadcast %add3A_29 : f32 to vector<1x128xf32>
    %add3A_31 = arith.addf %div3A_23, %add3A_30 : vector<1x128xf32>
    %rsqrt3A = math.rsqrt %add3A_31 : vector<1x128xf32>
    %mul3A_32 = vector.broadcast %rsqrt3A : vector<1x128xf32> to vector<10000x128xf32>
    %mul3A_33 = arith.mulf %mul3A_28, %mul3A_32 : vector<10000x128xf32>
    %get3A_34 = arith.constant 0 : index
    %get3A_35 = vector.load %arg5[%get3A_34] : memref<128xf32, #tpu.memory_space<vmem>>, vector<128xf32>
    %broadcast_in_dim3A_36 = vector.shape_cast %get3A_35 : vector<128xf32> to vector<1x128xf32>
    %add3A_37 = vector.broadcast %broadcast_in_dim3A_36 : vector<1x128xf32> to vector<10000x128xf32>
    %add3A_38 = arith.addf %mul3A_33, %add3A_37 : vector<10000x128xf32>
    %max3A = arith.constant 0.000000e+00 : f32
    %max3A_39 = vector.broadcast %max3A : f32 to vector<10000x128xf32>
    %max3A_40 = arith.maximumf %add3A_38, %max3A_39 : vector<10000x128xf32>
    %get3A_41 = arith.constant 0 : index
    %get3A_42 = arith.constant 0 : index
    %get3A_43 = vector.load %arg6[%get3A_41, %get3A_42] : memref<128x128xf32, #tpu.memory_space<vmem>>, vector<128x128xf32>
    %dot_general3A_44 = arith.constant dense<0.000000e+00> : vector<10000x128xf32>
    %dot_general3A_45 = tpu.matmul %max3A_40, %get3A_43, %dot_general3A_44 {dimension_numbers = #tpu.dot_dimension_numbers<[1], [0], [0], [1], [0, 0, 1, 1], [], []>, transpose_lhs_hint = false} : vector<10000x128xf32>, vector<128x128xf32>, vector<10000x128xf32> -> vector<10000x128xf32>
    %get3A_46 = arith.constant 0 : index
    %get3A_47 = vector.load %arg7[%get3A_46] : memref<128xf32, #tpu.memory_space<vmem>>, vector<128xf32>
    %broadcast_in_dim3A_48 = vector.shape_cast %get3A_47 : vector<128xf32> to vector<1x128xf32>
    %add3A_49 = vector.broadcast %broadcast_in_dim3A_48 : vector<1x128xf32> to vector<10000x128xf32>
    %add3A_50 = arith.addf %dot_general3A_45, %add3A_49 : vector<10000x128xf32>
    %max3A_51 = arith.constant 0.000000e+00 : f32
    %max3A_52 = vector.broadcast %max3A_51 : f32 to vector<10000x128xf32>
    %max3A_53 = arith.maximumf %add3A_50, %max3A_52 : vector<10000x128xf32>
    %iota3A = tpu.iota {dimensions = array<i32: 0>} : vector<64x10000xi32>
    %get3A_54 = arith.constant 0 : index
    %get3A_55 = vector.load %arg1[%get3A_54] : memref<10000xi32, #tpu.memory_space<vmem>>, vector<10000xi32>
    %broadcast_in_dim3A_56 = vector.shape_cast %get3A_55 : vector<10000xi32> to vector<1x10000xi32>
    %eq3A = vector.broadcast %broadcast_in_dim3A_56 : vector<1x10000xi32> to vector<64x10000xi32>
    %eq3A_57 = arith.cmpi eq, %iota3A, %eq3A : vector<64x10000xi32>
    %convert_element_type3A = arith.extui %eq3A_57 : vector<64x10000xi1> to vector<64x10000xi32>
    %convert_element_type3A_58 = arith.sitofp %convert_element_type3A : vector<64x10000xi32> to vector<64x10000xf32>
    %dot_general3A_59 = arith.constant dense<0.000000e+00> : vector<64x128xf32>
    %dot_general3A_60 = tpu.matmul %convert_element_type3A_58, %max3A_53, %dot_general3A_59 {dimension_numbers = #tpu.dot_dimension_numbers<[1], [0], [0], [1], [0, 0, 1, 1], [], []>, transpose_lhs_hint = false} : vector<64x10000xf32>, vector<10000x128xf32>, vector<64x128xf32> -> vector<64x128xf32>
    %get3A_61 = arith.constant 0 : index
    %get3A_62 = arith.constant 0 : index
    %get3A_63 = vector.load %arg8[%get3A_61, %get3A_62] : memref<128x128xf32, #tpu.memory_space<vmem>>, vector<128x128xf32>
    %dot_general3A_64 = arith.constant dense<0.000000e+00> : vector<64x128xf32>
    %dot_general3A_65 = tpu.matmul %dot_general3A_60, %get3A_63, %dot_general3A_64 {dimension_numbers = #tpu.dot_dimension_numbers<[1], [0], [0], [1], [0, 0, 1, 1], [], []>, transpose_lhs_hint = false} : vector<64x128xf32>, vector<128x128xf32>, vector<64x128xf32> -> vector<64x128xf32>
    %get3A_66 = arith.constant 0 : index
    %get3A_67 = vector.load %arg9[%get3A_66] : memref<128xf32, #tpu.memory_space<vmem>>, vector<128xf32>
    %broadcast_in_dim3A_68 = vector.shape_cast %get3A_67 : vector<128xf32> to vector<1x128xf32>
    %add3A_69 = vector.broadcast %broadcast_in_dim3A_68 : vector<1x128xf32> to vector<64x128xf32>
    %add3A_70 = arith.addf %dot_general3A_65, %add3A_69 : vector<64x128xf32>
    %max3A_71 = arith.constant 0.000000e+00 : f32
    %max3A_72 = vector.broadcast %max3A_71 : f32 to vector<64x128xf32>
    %max3A_73 = arith.maximumf %add3A_70, %max3A_72 : vector<64x128xf32>
    %get3A_74 = arith.constant 0 : index
    %get3A_75 = arith.constant 0 : index
    %get3A_76 = vector.load %arg10[%get3A_74, %get3A_75] : memref<128x128xf32, #tpu.memory_space<vmem>>, vector<128x128xf32>
    %dot_general3A_77 = arith.constant dense<0.000000e+00> : vector<64x128xf32>
    %dot_general3A_78 = tpu.matmul %max3A_73, %get3A_76, %dot_general3A_77 {dimension_numbers = #tpu.dot_dimension_numbers<[1], [0], [0], [1], [0, 0, 1, 1], [], []>, transpose_lhs_hint = false} : vector<64x128xf32>, vector<128x128xf32>, vector<64x128xf32> -> vector<64x128xf32>
    %get3A_79 = arith.constant 0 : index
    %get3A_80 = vector.load %arg11[%get3A_79] : memref<128xf32, #tpu.memory_space<vmem>>, vector<128xf32>
    %broadcast_in_dim3A_81 = vector.shape_cast %get3A_80 : vector<128xf32> to vector<1x128xf32>
    %add3A_82 = vector.broadcast %broadcast_in_dim3A_81 : vector<1x128xf32> to vector<64x128xf32>
    %add3A_83 = arith.addf %dot_general3A_78, %add3A_82 : vector<64x128xf32>
    %swap3A = arith.constant 0 : index
    %swap3A_84 = arith.constant 0 : index
    %swap3A_85 = vector.load %arg12[%swap3A, %swap3A_84] : memref<64x128xf32, #tpu.memory_space<vmem>>, vector<64x128xf32>
    tpu.vector_store %arg12[%swap3A, %swap3A_84], %add3A_83 {strides = array<i32>} : memref<64x128xf32, #tpu.memory_space<vmem>>, vector<64x128xf32>,
    return
  }
}

</mosaic_0001>

<sc_bundles>
// kernel: kernel.6.cloned.1.call-start
scs
__scs_entry_jumppad:
0x0: {  	(pc) =	sbr.rel $0x88, $3  }
0x1: {  	(tag) =	ssettag $0x0;
	lr =	simm.s32 $0x1  }
0x2: {  	[smem:$0x3F8E] =	sst lr;
	_ =	strace $0xD0000000  }
0x3: {  	_ = 	snop  }
0x4: {  	_ = 	snop  }
0x5: {  	_ = 	snop  }
0x6: {  	_ = 	snop  }
0x7: {  	_ = 	snop  }
__scs_overlays_trampoline_lowered:
0x8: {  	[smem:$0x3F9D] =	sst s0  }
0x9: {  	[smem:$0x3F9E] =	sst s1  }
0xa: {  	[smem:$0x3F9F] =	sst s2  }
0xb: {  	[smem:$0x3FA0] =	sst s3  }
0xc: {  	[smem:$0x3FA1] =	sst s4  }
0xd: {  	[smem:$0x3FA2] =	sst s5  }
0xe: {  	[smem:$0x3FA3] =	sst s6  }
0xf: {  	[smem:$0x3FA4] =	sst s7  }
0x10: {  	[smem:$0x3FA5] =	sst s8  }
0x11: {  	[smem:$0x3FA6] =	sst s9;
	s0 =	simm.s32 @!p0 $0x0  }
0x12: {  	s1 =	sld [smem:$0x3F8C];
	s0 =	simm.s32 @p0 $0x1  }
0x13: {  	[smem:$0x3FA7] =	sst s0;
	s0 =	simm.s32 @!p1 $0x0  }
0x14: {  	s2 =	sld [smem:$0x3F8B];
	s0 =	simm.s32 @p1 $0x1  }
0x15: {  	[smem:$0x3FA8] =	sst s0;
	s0 =	simm.s32 @!p2 $0x0  }
0x16: {  	s3 =	sld [smem:$0x3FDB];
	s0 =	simm.s32 @p2 $0x1  }
0x17: {  	s4 =	simm.s32 $0x1BF5;
	[smem:$0x3FAA] =	sst s0  }
0x18: {  	s0 =	sld [smem:$0x3F8D];
	_ =	swait.ge [sflag:s4], $0x0  }
0x19: {  	s7 =	sld [smem:$0x3F8E]  }
0x1a: {  	s8 =	sadd.s32 $0xFFFFE003, lr  }
0x1b: {  	s9 =	sadd.s32 $0xFFFFFEF7, lr;
	s5 =	simm.s32 $0xFFFFFFFF;
	p2 =	slt.u32 s8, $0xFFFFF086  }
0x1c: {  	p1 =	slt.u32 s9, $0xF7A;
	s5 =	simm.s32 @!p2 $0x0  }
0x1d: {  	s5 =	simm.s32 @p1 $0x1;
	p0 =	seq.s32 s7, s2  }
0x1e: {  	s7 =	smul.u32 @!p0 $0xF7A, s2;
	p2 =	seq.s32 @!p0 s5, $0x0  }
0x1f: {  	s9 =	smul.u32 $0xF7A, s1;
	s8 =	simm.s32 @!p0 $0x1BF5;
	p2 =	por !p2, p0  }
0x20: {  	[sflag:s8] =	ssyncset.s32 @!p0 $0xFFFFF086;
	s6 =	sadd.s32 @!p0 s3, s7;
	s7 =	simm.s32 @!p0 $0x108  }
0x21: {  	s3 =	sadd.s32 s3, s9;
	s6 =	sadd.s32 @!p0 $0x88, s6;
	s7 =	simm.s32 @p2 $0x1082  }
0x22: {  	[simem:s7], [sflag:s8] =	dma.local @!p0 [hbm:s6], $0xF7A  }
0x23: {  	s9 =	sor.u32 $0xD0000000, s2;
	s6 =	simm.s32 $0x108;
	_ =	swait.ge @!p0 [sflag:s8], $0x0  }
0x24: {  	s3 =	sadd.s32 $0x88, s3;
	s6 =	simm.s32 @!p1 $0x1082;
	[sflag:s4] =	ssyncset.s32 $0xFFFFF086  }
0x25: {  	[simem:s6], [sflag:s4] =	dma.local [hbm:s3], $0xF7A  }
0x26: {  	[smem:$0x3F8E] =	sst s1;
	(tag) =	ssettag s2;
	_ =	strace s9  }
0x27: {  	s1 =	sld [smem:$0x3F9E]  }
0x28: {  	s2 =	sld [smem:$0x3F9F]  }
0x29: {  	s4 =	sld [smem:$0x3FA1]  }
0x2a: {  	p0 =	seq.s32 s5, $0x0;
	s5 =	sld [smem:$0x3FA2]  }
0x2b: {  	s6 =	sld [smem:$0x3FA3]  }
0x2c: {  	s7 =	sld [smem:$0x3FA4]  }
0x2d: {  	s3 =	simm.s32 $0x108;
	s8 =	sld [smem:$0x3FA5]  }
0x2e: {  	s3 =	simm.s32 @!p0 $0x1082;
	s9 =	sld [smem:$0x3FA6]  }
0x2f: {  	lr =	sadd.s32 s0, s3;
	s0 =	sld [smem:$0x3F9D]  }
0x30: {  	s3 =	sld [smem:$0x3FA0]  }
0x31: {  	[smem:$0x3FA9] =	sst s10  }
0x32: {  	s10 =	sld [smem:$0x3FA7];
	_ =	sdelay $0x3  }
0x33: {  	p0 =	seq.s32 s10, $0x1;
	s10 =	sld [smem:$0x3FA9];
	_ =	sdelay $0x3  }
0x34: {  	[smem:$0x3FA9] =	sst s10  }
0x35: {  	s10 =	sld [smem:$0x3FA8];
	_ =	sdelay $0x3  }
0x36: {  	p1 =	seq.s32 s10, $0x1;
	s10 =	sld [smem:$0x3FA9];
	_ =	sdelay $0x3  }
0x37: {  	[smem:$0x3FA9] =	sst s10  }
0x38: {  	s10 =	sld [smem:$0x3FAA]  }
0x39: {  	_ = 	snop;
	(pc) =	sbr.ind lr, $3  }
0x3a: {  	_ = 	snop  }
0x3b: {  	_ = 	snop  }
0x3c: {  	p2 =	seq.s32 s10, $0x1;
	s10 =	sld [smem:$0x3FA9]  }
0x3d: {  	_ =	shalt  }
0x3e: {  	_ =	shalt  }
0x3f: {  	_ =	shalt  }
0x40: {  	_ =	shalt  }
0x41: {  	_ =	shalt  }
0x42: {  	_ =	shalt  }
0x43: {  	_ =	shalt  }
0x44: {  	_ =	shalt  }
0x45: {  	_ =	shalt  }
0x46: {  	_ =	shalt  }
0x47: {  	_ =	shalt  }
0x48: {  	_ =	shalt  }
0x49: {  	_ =	shalt  }
0x4a: {  	_ =	shalt  }
0x4b: {  	_ =	shalt  }
0x4c: {  	_ =	shalt  }
0x4d: {  	_ =	shalt  }
0x4e: {  	_ =	shalt  }
0x4f: {  	_ =	shalt  }
0x50: {  	_ =	shalt  }
0x51: {  	_ =	shalt  }
0x52: {  	_ =	shalt  }
0x53: {  	_ =	shalt  }
0x54: {  	_ =	shalt  }
0x55: {  	_ =	shalt  }
0x56: {  	_ =	shalt  }
0x57: {  	_ =	shalt  }
0x58: {  	_ =	shalt  }
0x59: {  	_ =	shalt  }
0x5a: {  	_ =	shalt  }
0x5b: {  	_ =	shalt  }
0x5c: {  	_ =	shalt  }
0x5d: {  	_ =	shalt  }
0x5e: {  	_ =	shalt  }
0x5f: {  	_ =	shalt  }
0x60: {  	_ =	shalt  }
0x61: {  	_ =	shalt  }
0x62: {  	_ =	shalt  }
0x63: {  	_ =	shalt  }
0x64: {  	_ =	shalt  }
0x65: {  	_ =	shalt  }
0x66: {  	_ =	shalt  }
0x67: {  	_ =	shalt  }
0x68: {  	_ =	shalt  }
0x69: {  	_ =	shalt  }
0x6a: {  	_ =	shalt  }
0x6b: {  	_ =	shalt  }
0x6c: {  	_ =	shalt  }
0x6d: {  	_ =	shalt  }
0x6e: {  	_ =	shalt  }
0x6f: {  	_ =	shalt  }
0x70: {  	_ =	shalt  }
0x71: {  	_ =	shalt  }
0x72: {  	_ =	shalt  }
0x73: {  	_ =	shalt  }
0x74: {  	_ =	shalt  }
0x75: {  	_ =	shalt  }
0x76: {  	_ =	shalt  }
0x77: {  	_ =	shalt  }
0x78: {  	_ =	shalt  }
0x79: {  	_ =	shalt  }
0x7a: {  	_ =	shalt  }
0x7b: {  	_ =	shalt  }
0x7c: {  	_ =	shalt  }
0x7d: {  	_ =	shalt  }
0x7e: {  	_ =	shalt  }
0x7f: {  	_ =	shalt  }
0x80: {  	_ =	shalt  }
0x81: {  	_ =	shalt  }
0x82: {  	_ =	shalt  }
0x83: {  	_ =	shalt  }
0x84: {  	_ =	shalt  }
0x85: {  	_ =	shalt  }
0x86: {  	_ =	shalt  }
0x87: {  	_ =	shalt  }
.Lfunc_end0:
.L_simem_size_0:
called_computation_lowered:
.L_overlay_start_0:
0x88: {  	s2 =	sld [smem:$0x3FD9]  }
0x89: {  	s3 =	sld [smem:$0x3FFE];
	_ =	sdelay $0x1  }
0x8a: {  	s1 =	srdreg.scid  }
0x8b: {  	s0 =	sand.u32 $0x1, s1  }
0x8c: {  	s17 =	sshll.u32 s0, $0xA;
	s2 =	sadd.s32 s3, s2  }
0x8d: {  	s2 =	sadd.s32 s2, s17  }
0x8e: {  	[smem:$0x3FB5] =	sst s2  }
0x8f: {  	_ = 	snop  }
0x90: {  	s2 =	sld [smem:$0x3FC9];
	(tm) =	ssettm $0x1  }
0x91: {  	s18 =	sld [smem:$0x3FFB];
	_ =	sdelay $0x3  }
0x92: {  	_ =	strace s18  }
0x93: {  	s3 =	sld [smem:$0x3FFC];
	_ =	sdelay $0x3  }
0x94: {  	_ =	strace s3  }
0x95: {  	s3 =	sld [smem:$0x3FFD];
	_ =	sdelay $0x3  }
0x96: {  	_ =	strace s3  }
0x97: {  	_ =	strace $0x8FFFFFFF  }
0x98: {  	s19 =	sld [smem:$0x3FDB];
	_ =	sdelay $0x1  }
0x99: {  	s4 =	simm.s32 $_scs_section_size  }
0x9a: {  	s5 =	simm.s32 $_size__tile_overlayer_lowered;
	s6 =	simm.s32 $_tile_overlayer_lowered  }
0x9b: {  	s22 =	simm.s32 $0x1BFF;
	s21 =	sshll.u32 s6, $0x1;
	s3 =	sadd.s32 s4, s19  }
0x9c: {  	s7 =	simm.s32 $0x0;
	s20 =	sshll.u32 s5, $0x1;
	s5 =	sadd.s32 s21, s3  }
0x9d: {  	[timem:s7], [sflag:s22] =	dma.local [hbm:s5], s20  }
0x9e: {  	_ =	swait.ge [sflag:s22], s20  }
0x9f: {  	s4 =	ssub.s32 $0x0, s20;
	[sflag:s22] =	ssyncset.done $0x0  }
0xa0: {  	[sflag:s22] =	ssyncadd.s32 s4;
	_ =	sdelay $0x1  }
0xa1: {  	s23 =	simm.s32 $0x1B8B  }
0xa2: {  	_ =	swait.ge [sflag:s23], $0x1  }
0xa3: {  	[sflag:s23] =	ssyncset.done $0x0  }
0xa4: {  	s25 =	simm.s32 $0x1B8E;
	s24 =	sld [smem:$0x3FFE];
	[sflag:s23] =	ssyncadd.s32 $0xFFFFFFFF  }
0xa5: {  	s26 =	simm.s32 $execute0_lowered;
	[smem:$0x3FD2] =	sst s25  }
0xa6: {  	s5 =	sshll.u32 s26, $0x1;
	_ =	strace $0x80000046;
	[dreg:$0x1] =	wrdreg $0xFFFFFFFF  }
0xa7: {  	s28 =	simm.s32 $_size_execute0_lowered;
	s3 =	sadd.s32 s3, s5;
	[dreg:$0x0] =	wrdreg $0x0  }
0xa8: {  	s5 =	sshll.u32 s28, $0x1;
	[dreg:$0x2] =	wrdreg s3  }
0xa9: {  	[dreg:$0x3] =	wrdreg s5  }
0xaa: {  	[dreg:$0x4] =	wrdreg $0xC0  }
0xab: {  	_ =	task [dreg:s7], $0x5FFFF  }
0xac: {  	[dreg:$0x1] =	wrdreg $0xFFFFFFFF  }
0xad: {  	[dreg:$0x0] =	wrdreg $0x60  }
0xae: {  	[dreg:$0x2] =	wrdreg s2  }
0xaf: {  	[dreg:$0x3] =	wrdreg s24  }
0xb0: {  	[dreg:$0x4] =	wrdreg $0xB7000  }
0xb1: {  	[dreg:$0x5] =	wrdreg $0x9  }
0xb2: {  	_ =	task.clear_ibuf [dreg:s7], $0x6FFFF;
	_ =	strace $0x90000046  }
0xb3: {  	s29 =	simm.s32 $0x9;
	_ =	strace $0x80000048  }
0xb4: {  	_ =	swait.ge [sflag:s29], $0x1  }
0xb5: {  	[sflag:s29] =	ssyncadd.s32 $0xFFFFFFFF  }
0xb6: {  	_ =	strace $0x90000048  }
0xb7: {  	_ =	sfence  }
0xb8: {  	s30 =	sld [smem:$0x0];
	_ =	sdelay $0x2  }
0xb9: {  	s31 =	sshll.u32 s1, $0xD;
	s1 =	sshrl.u32 s1, $0x2  }
0xba: {  	s3 =	sand.u32 $0x4000, s31;
	s1 =	sadd.s32 s1, s30  }
0xbb: {  	s0 =	sor.u32 s3, s0;
	s1 =	sshll.u32 s1, $0x11  }
0xbc: {  	s0 =	sor.u32 s1, s0  }
0xbd: {  	s0 =	sadd.s32 $0x8F2B, s0  }
0xbe: {  	[sflag:s0] =	ssyncadd.remote.s32 $0x1  }
0xbf: {  	_ =	sfence.sel $0xFFFF  }
0xc0: {  	[dreg:$0x0] =	wrdreg $0xFFFFFFFF;
	(pc) =	sbr.abs _section_cstart, $3  }
0xc1: {  	[dreg:$0x1] =	wrdreg $0xFFFFFFFF  }
0xc2: {  	_ =	task.clear_ibuf [dreg:s7], $0x2FFFF;
	_ =	strace $0x9FFFFFFF  }
0xc3: {  	(tm) =	ssettm $0x7FFFFFFF  }
tec
execute0_lowered:
.L_overlay_start_1:
0x0: {  	(tag) =	ssettag $0x1  }
0x1: {  	s1 =	rddreg [dreg:$0x0]  }
0x2: {  	s0 =	rddreg [dreg:$0x1]  }
0x3: {  	s3 =	rddreg [dreg:$0x2]  }
0x4: {  	s2 =	srdreg.scid;
	s11 =	stileid.u32;
	s4 =	simm.s32 $0x0  }
0x5: {  	s29 =	simm.s32 $0x5300;
	s8 =	sand.u32 $0x1, s2;
	s2 =	smul.u32 $0x2800, s11  }
0x6: {  	s28 =	simm.s32 $0x8F00;
	[smem:$0x7FF] =	sst s4;
	s14 =	smul.u32 $0x50000, s11  }
0x7: {  	p1 =	sne.s32 s11, $0xF;
	p2 =	seq.s32 s11, $0xF;
	s16 =	smul.u32 $0x2710, s11  }
0x8: {  	s5 =	smul.u32 $0x28000, s8;
	s6 =	sshll.u32 s8, $0x4;
	_ =	strace $0x80000047  }
0x9: {  	s9 =	ssub.s32 $0x2, s8;
	p0 =	seq.s32 s8, $0x0;
	s8 =	smul.u32 $0x27100, s8  }
0xa: {  	s6 =	sor.u32 s11, s6;
	s23 =	sshrl.u32 s9, $0x1;
	s15 =	sshrl.u32 s14, $0x2  }
0xb: {  	s5 =	sadd.s32 s2, s5;
	s7 =	smul.u32 $0x2710, s6;
	s6 =	sadd.s32 $0x3000, s0  }
0xc: {  	s8 =	sadd.s32 s16, s8;
	s2 =	sadd.s32 s1, s2;
	s5 =	sadd.s32 s5, s0  }
0xd: {  	s0 =	ssub.s32 s9, s23;
	s14 =	sadd.s32 $0x4E480, s8;
	[dreg:$0x1d] =	wrdreg s2  }
0xe: {  	s24 =	sshrl.u32 s7, $0x3;
	s10 =	sadd.s32 $0x4E228, s7;
	s0 =	smax.u32 s0, $0x1  }
0xf: {  	s26 =	sadd.s32 $0x4E278, s7;
	s12 =	sadd.s32 s6, s24;
	[smem:$0x7EF] =	sst s0  }
0x10: {  	s25 =	sshrl.u32 s10, $0x3;
	s13 =	sadd.s32 $0x9C40, s12;
	[dreg:$0xb] =	wrdreg s12  }
0x11: {  	s19 =	sadd.s32 $0x4E318, s7;
	s9 =	sadd.s32 s6, s25;
	[dreg:$0xc] =	wrdreg s13  }
0x12: {  	s30 =	sshrl.u32 s26, $0x3;
	s31 =	sadd.s32 $0x9C4A, s12;
	[dreg:$0xd] =	wrdreg s9  }
0x13: {  	s26 =	sadd.s32 $0x4E4A8, s8;
	s10 =	sadd.s32 $0x9C54, s12;
	[dreg:$0xe] =	wrdreg s31  }
0x14: {  	s9 =	sadd.s32 s6, s30;
	[dreg:$0x10] =	wrdreg s10;
	s10 =	sshrl.u32 s19, $0x3  }
0x15: {  	s31 =	sshrl.u32 s26, $0x3;
	[dreg:$0xf] =	wrdreg s9;
	s21 =	sadd.s32 s6, s10  }
0x16: {  	s13 =	sadd.s32 $0x4E2C8, s7;
	s11 =	sadd.s32 s31, s6;
	[dreg:$0x15] =	wrdreg s21  }
0x17: {  	s9 =	sshrl.u32 s13, $0x3;
	s13 =	sadd.s32 s15, s3;
	[dreg:$0x6] =	wrdreg s11  }
0x18: {  	s15 =	sshrl.u32 s14, $0x3;
	s14 =	sadd.s32 $0x25800, s1;
	[dreg:$0x12] =	wrdreg s13  }
0x19: {  	p1 =	por !p0, !p1;
	s9 =	sadd.s32 s6, s9;
	[smem:$0x7EE] =	sst s14  }
0x1a: {  	s25 =	sadd.s32 $0x4E4D0, s8;
	s17 =	sadd.s32 $0x1400, s13;
	[dreg:$0x11] =	wrdreg s9  }
0x1b: {  	s10 =	sshrl.u32 s25, $0x3;
	s18 =	sadd.s32 $0x2800, s13;
	[dreg:$0x13] =	wrdreg s17  }
0x1c: {  	s23 =	sadd.s32 $0x4E4F8, s8;
	s30 =	sadd.s32 s10, s6;
	[dreg:$0x14] =	wrdreg s18  }
0x1d: {  	s24 =	sshrl.u32 s23, $0x3;
	s23 =	sadd.s32 $0x5000, s13;
	[dreg:$0x5] =	wrdreg s30  }
0x1e: {  	s16 =	sadd.s32 $0x4E458, s8;
	s25 =	sadd.s32 $0x6400, s13;
	[dreg:$0x1c] =	wrdreg s23  }
0x1f: {  	s20 =	sadd.s32 $0x4E368, s7;
	s26 =	sadd.s32 $0x7800, s13;
	[dreg:$0x1f] =	wrdreg s25  }
0x20: {  	s22 =	sshrl.u32 s20, $0x3;
	s31 =	sadd.s32 $0xA000, s13;
	[smem:$0x7E4] =	sst s26  }
0x21: {  	s10 =	sshrl.u32 s16, $0x3;
	s16 =	sadd.s32 $0x139C00, s3;
	[smem:$0x7E6] =	sst s31  }
0x22: {  	p2 =	por !p0, !p2;
	s9 =	sadd.s32 s6, s22;
	[smem:$0x7F1] =	sst s16  }
0x23: {  	p1 =	por !p1, !p1;
	s18 =	sadd.s32 s10, s6;
	[dreg:$0x16] =	wrdreg s9  }
0x24: {  	p2 =	por !p2, !p2;
	s22 =	sadd.s32 $0x3C00, s13;
	[dreg:$0x8] =	wrdreg s18  }
0x25: {  	s19 =	sadd.s32 $0x4E430, s8;
	s30 =	sadd.s32 $0x8C00, s13;
	[dreg:$0x1b] =	wrdreg s22  }
0x26: {  	s10 =	sshrl.u32 s19, $0x3;
	s19 =	sadd.s32 $0x13D800, s3;
	[smem:$0x7E5] =	sst s30  }
0x27: {  	s2 =	simm.s32 $0x2;
	s23 =	sadd.s32 $0x9C68, s12;
	[smem:$0x7F4] =	sst s19  }
0x28: {  	s20 =	sadd.s32 $0x50848, s7;
	s25 =	sadd.s32 $0x9C7C, s12;
	[smem:$0x7F8] =	sst s23  }
0x29: {  	s0 =	simm.s32 $0x1;
	s26 =	sadd.s32 $0xA104, s12;
	[smem:$0x7FA] =	sst s25  }
0x2a: {  	s8 =	sadd.s32 $0x4E408, s8;
	s31 =	sadd.s32 $0xA118, s12;
	[smem:$0x7FB] =	sst s26  }
0x2b: {  	s8 =	sshrl.u32 s8, $0x3;
	s9 =	sadd.s32 s24, s6;
	[smem:$0x7FD] =	sst s31  }
0x2c: {  	s21 =	sadd.s32 $0x50898, s7;
	s10 =	sadd.s32 s10, s6;
	[dreg:$0x4] =	wrdreg s9  }
0x2d: {  	s14 =	simm.s32 $0x28;
	s24 =	sadd.s32 $0x16A00, s5;
	[dreg:$0x9] =	wrdreg s10  }
0x2e: {  	s17 =	sadd.s32 $0x4E3B8, s7;
	s5 =	sadd.s32 $0xB400, s13;
	[dreg:$0x1e] =	wrdreg s24  }
0x2f: {  	s7 =	sadd.s32 $0x508E8, s7;
	s18 =	sadd.s32 $0x13C400, s3;
	[smem:$0x7E7] =	sst s5  }
0x30: {  	s16 =	simm.s32 $0x2780;
	s22 =	sadd.s32 $0x9C5E, s12;
	[smem:$0x7F3] =	sst s18  }
0x31: {  	s11 =	sshrl.u32 s17, $0x3;
	s30 =	sadd.s32 $0xA10E, s12;
	[smem:$0x7F7] =	sst s22  }
0x32: {  	s7 =	sshrl.u32 s7, $0x3;
	s9 =	sadd.s32 s15, s6;
	[smem:$0x7FC] =	sst s30  }
0x33: {  	s19 =	simm.s32 $0x2800;
	s11 =	sadd.s32 s6, s11;
	[dreg:$0x7] =	wrdreg s9  }
0x34: {  	s26 =	simm.s32 $0x2880;
	s7 =	sadd.s32 s6, s7;
	[dreg:$0x17] =	wrdreg s11  }
0x35: {  	s25 =	simm.s32 $0x6700;
	s10 =	sadd.s32 $0x11800, s13;
	[dreg:$0x1a] =	wrdreg s7  }
0x36: {  	s23 =	simm.s32 $0x4;
	s15 =	sadd.s32 $0x138800, s3;
	[smem:$0x7EC] =	sst s10  }
0x37: {  	s24 =	sadd.s32 $0x9C72, s12;
	s22 =	simm.s32 $0x2980;
	[smem:$0x7F0] =	sst s15  }
0x38: {  	s18 =	simm.s32 $0x2A00;
	s7 =	sadd.s32 $0xDC00, s13;
	[smem:$0x7F9] =	sst s24  }
0x39: {  	s12 =	simm.s32 $0x8;
	s11 =	sadd.s32 $0x12C00, s13;
	[smem:$0x7E9] =	sst s7  }
0x3a: {  	s9 =	sshrl.u32 s20, $0x3;
	s20 =	sadd.s32 $0x13B000, s3;
	[smem:$0x7ED] =	sst s11  }
0x3b: {  	s5 =	simm.s32 $0x0;
	s9 =	sadd.s32 s6, s9;
	[smem:$0x7F5] =	sst s20  }
0x3c: {  	[dreg:$0x18] =	wrdreg s9;
	s9 =	sshrl.u32 s21, $0x3;
	s21 =	sadd.s32 $0x13EC00, s3  }
0x3d: {  	s15 =	simm.s32 $0x17;
	s9 =	sadd.s32 s6, s9;
	[smem:$0x7F6] =	sst s21  }
0x3e: {  	s24 =	simm.s32 $0x2900;
	s6 =	sadd.s32 s8, s6;
	[dreg:$0x19] =	wrdreg s9  }
0x3f: {  	s10 =	simm.s32 $0x10;
	s8 =	sadd.s32 $0xF000, s13;
	[dreg:$0xa] =	wrdreg s6  }
0x40: {  	s7 =	simm.s32 $0xF;
	s6 =	sadd.s32 $0xC800, s13;
	[smem:$0x7EA] =	sst s8  }
0x41: {  	s21 =	simm.s32 $0x7B00;
	s9 =	sadd.s32 $0x10400, s13;
	[smem:$0x7E8] =	sst s6  }
0x42: {  	s13 =	sadd.s32 $0x12C000, s3;
	s8 =	simm.s32 $0x3;
	[smem:$0x7EB] =	sst s9  }
0x43: {  	s17 =	sshrl.u32 s13, $0x3;
	s13 =	simm.s32 $0x3F00;
	s6 =	simm.s32 $0x9  }
0x44: {  	v0 =	vimm.f32 $0.0e+00;
	s9 =	simm.s32 $0xA;
	[smem:$0x7F2] =	sst s17;
	s17 =	simm.s32 $0x2B00  }
.LBB2_1:
0x45: {  	[smem:$0x7E3] =	sst s5  }
0x46: {  	s11 =	rddreg [dreg:$0xb]  }
0x47: {  	[tilespmem:s4], [sflag:$0x17] =	stream.linear.gather [hbm4b:s11+s4], $0x2710, $0x38;
	[tilespmem:$0x1F700] =	vst v63  }
0x48: {  	_ =	swait.ge [sflag:s15], $0x2710  }
0x49: {  	[sflag:s15] =	ssyncset.done $0x0  }
0x4a: {  	s5 =	rddreg [dreg:$0xc];
	[sflag:s15] =	ssyncadd.s32 $0xFFFFD8F0  }
0x4b: {  	[tilespmem:s16], [sflag:$0x8] =	stream.linear.gather [hbm4b:s5+s4], $0x28, $0x38;
	[tilespmem:$0x1F700] =	vst v63  }
0x4c: {  	_ = 	snop  }
0x4d: {  	[tilespmem:s17], [sflag:$0x1] =	stream.indirect.gather [hbm4b:s1+s14], $0x80, s4, s14, $0xb8;
	[tilespmem:$0x1F700] =	vst v63  }
0x4e: {  	s15 =	rddreg [dreg:$0xd]  }
0x4f: {  	[tilespmem:s19], [sflag:$0x9] =	stream.linear.gather [hbm4b:s15+s4], $0x28, $0x38;
	[tilespmem:$0x1F700] =	vst v63  }
0x50: {  	_ = 	snop  }
0x51: {  	[tilespmem:s13], [sflag:$0x2] =	stream.indirect.gather [hbm4b:s1+s14], $0x80, s14, s14, $0xb8;
	[tilespmem:$0x1F700] =	vst v63  }
0x52: {  	s20 =	rddreg [dreg:$0xe]  }
0x53: {  	[tilespmem:s26], [sflag:$0xA] =	stream.linear.gather [hbm4b:s20+s4], $0x28, $0x38;
	[tilespmem:$0x1F700] =	vst v63  }
0x54: {  	s30 =	simm.s32 $0x50  }
0x55: {  	[tilespmem:s29], [sflag:$0x3] =	stream.indirect.gather [hbm4b:s1+s14], $0x80, s30, s14, $0xb8;
	[tilespmem:$0x1F700] =	vst v63  }
0x56: {  	s31 =	rddreg [dreg:$0xf]  }
0x57: {  	[tilespmem:s24], [sflag:$0xB] =	stream.linear.gather [hbm4b:s31+s4], $0x28, $0x38;
	[tilespmem:$0x1F700] =	vst v63  }
0x58: {  	s5 =	simm.s32 $0x78  }
0x59: {  	[tilespmem:s25], [sflag:$0x4] =	stream.indirect.gather [hbm4b:s1+s14], $0x80, s5, s14, $0xb8;
	[tilespmem:$0x1F700] =	vst v63  }
0x5a: {  	s15 =	rddreg [dreg:$0x10]  }
0x5b: {  	[tilespmem:s22], [sflag:$0xC] =	stream.linear.gather [hbm4b:s15+s4], $0x28, $0x38;
	[tilespmem:$0x1F700] =	vst v63  }
0x5c: {  	s20 =	simm.s32 $0xA0  }
0x5d: {  	[tilespmem:s21], [sflag:$0x5] =	stream.indirect.gather [hbm4b:s1+s14], $0x80, s20, s14, $0xb8;
	[tilespmem:$0x1F700] =	vst v63  }
0x5e: {  	s30 =	rddreg [dreg:$0x11]  }
0x5f: {  	[tilespmem:s18], [sflag:$0xD] =	stream.linear.gather [hbm4b:s30+s4], $0x28, $0x38;
	[tilespmem:$0x1F700] =	vst v63  }
0x60: {  	s11 =	simm.s32 $0x0;
	s31 =	simm.s32 $0xC8;
	s15 =	simm.s32 $0x200  }
0x61: {  	[tilespmem:s28], [sflag:$0x6] =	stream.indirect.gather [hbm4b:s1+s14], $0x80, s31, s14, $0xb8;
	[tilespmem:$0x1F700] =	vst v63  }
.LBB2_2:
0x62: {  	p3 =	sne.s32 s15, $0x4E00;
	[tilespmem:s11+$0xA370] =	vst v0  }
0x63: {  	[tilespmem:s11+$0xA300] =	vst v0  }
0x64: {  	[tilespmem:s11+$0xA310] =	vst v0  }
.Ltmp0:
0x65: {  	[tilespmem:s11+$0xA320] =	vst v0;
	(pc) =	sbr.rel @p3 .LBB2_2-.Ltmp0, $4  }
0x66: {  	[tilespmem:s11+$0xA330] =	vst v0  }
0x67: {  	[tilespmem:s11+$0xA340] =	vst v0  }
0x68: {  	[tilespmem:s11+$0xA350] =	vst v0  }
0x69: {  	[tilespmem:s11+$0xA360] =	vst v0;
	s11 =	sshra.s32 s15, $0x2;
	s15 =	sadd.s32 $0x200, s15  }
0x6a: {  	[tilespmem:s11+$0xA370] =	vst v0  }
0x6b: {  	[tilespmem:s11+$0xA300] =	vst v0  }
0x6c: {  	[tilespmem:s11+$0xA310] =	vst v0  }
.Ltmp1:
0x6d: {  	[tilespmem:s11+$0xA320] =	vst v0;
	(pc) =	sbr.rel @!p1 .LBB2_5-.Ltmp1, $4  }
0x6e: {  	[tilespmem:s11+$0xA330] =	vst v0;
	s15 =	stileid.u32  }
0x6f: {  	[tilespmem:s11+$0xA340] =	vst v0;
	s20 =	rddreg [dreg:$0x12];
	s5 =	sshll.u32 s15, $0x6  }
0x70: {  	[tilespmem:s11+$0xA350] =	vst v0;
	s20 =	sshrl.u32 s20, $0x3;
	[smem:$0x7E1] =	sst s5  }
0x71: {  	[tilespmem:s11+$0xA360] =	vst v0;
	s30 =	simm.s32 $0x2A80;
	s31 =	simm.s32 $0xA300;
	[smem:$0x7E2] =	sst s20  }
0x72: {  	s11 =	sor.u32 $0x1C16, s5;
	s15 =	rddreg [dreg:$0x1d]  }
0x73: {  	[spmem:s20], [sflag:s11] =	dma.local [hbm:s15], $0x2800  }
.Ltmp2:
0x74: {  	_ = 	snop;
	(pc) =	sbr.rel .LBB2_9-.Ltmp2, $4  }
0x75: {  	s20 =	simm.s32 $0x16  }
0x76: {  	_ =	swait.ge [sflag:s20], $0x2800  }
0x77: {  	[sflag:s20] =	ssyncset.done $0x0  }
0x78: {  	[sflag:s20] =	ssyncadd.s32 $0xFFFFD800  }
.LBB2_5:
.Ltmp3:
0x79: {  	(pc) =	sbr.rel @!p2 .LBB2_7-.Ltmp3, $1  }
0x7a: {  	_ =	sdelay $0x3  }
0x7b: {  	s11 =	sld [smem:$0x7EE]  }
0x7c: {  	s15 =	sld [smem:$0x7F2];
	_ =	sdelay $0x1  }
0x7d: {  	s5 =	simm.s32 $0x1FD6  }
0x7e: {  	[spmem:s15], [sflag:s5] =	dma.local [hbm:s11], $0x1900  }
0x7f: {  	s11 =	sld [smem:$0x7F0];
	_ =	sdelay $0x1  }
0x80: {  	s5 =	sld [smem:$0x7F1]  }
0x81: {  	[spmem:s11] =	stream.linear.scatter [tilespmem:s31], [sflag:$0x16], $0x1400, $0x38;
	[tilespmem:$0x1F700] =	vst v63  }
0x82: {  	s15 =	sld [smem:$0x7F5]  }
0x83: {  	[spmem:s5] =	stream.linear.scatter [tilespmem:s31], [sflag:$0x16], $0x1400, $0x38;
	[tilespmem:$0x1F700] =	vst v63  }
0x84: {  	s20 =	sld [smem:$0x7F3]  }
0x85: {  	[spmem:s15] =	stream.linear.scatter [tilespmem:s31], [sflag:$0x16], $0x1400, $0x38;
	[tilespmem:$0x1F700] =	vst v63  }
0x86: {  	s5 =	sld [smem:$0x7F4]  }
0x87: {  	[spmem:s20] =	stream.linear.scatter [tilespmem:s31], [sflag:$0x16], $0x1400, $0x38;
	[tilespmem:$0x1F700] =	vst v63  }
0x88: {  	s15 =	sld [smem:$0x7F6]  }
0x89: {  	[spmem:s5] =	stream.linear.scatter [tilespmem:s31], [sflag:$0x16], $0x1400, $0x38;
	[tilespmem:$0x1F700] =	vst v63  }
0x8a: {  	s20 =	simm.s32 $0x16  }
0x8b: {  	[spmem:s15] =	stream.linear.scatter [tilespmem:s31], [sflag:$0x16], $0x1400, $0x38;
	[tilespmem:$0x1F700] =	vst v63  }
0x8c: {  	_ =	swait.ge [sflag:s20], $0x1900  }
0x8d: {  	[sflag:s20] =	ssyncset.done $0x0  }
0x8e: {  	[sflag:s20] =	ssyncadd.s32 $0xFFFFE700  }
0x8f: {  	_ =	swait.ge [sflag:s20], $0x1400  }
0x90: {  	[sflag:s20] =	ssyncset.done $0x0  }
0x91: {  	[sflag:s20] =	ssyncadd.s32 $0xFFFFEC00  }
0x92: {  	_ =	swait.ge [sflag:s20], $0x1400  }
0x93: {  	[sflag:s20] =	ssyncset.done $0x0  }
0x94: {  	[sflag:s20] =	ssyncadd.s32 $0xFFFFEC00  }
0x95: {  	_ =	swait.ge [sflag:s20], $0x1400  }
0x96: {  	[sflag:s20] =	ssyncset.done $0x0  }
0x97: {  	[sflag:s20] =	ssyncadd.s32 $0xFFFFEC00  }
0x98: {  	_ =	swait.ge [sflag:s20], $0x1400  }
0x99: {  	[sflag:s20] =	ssyncset.done $0x0  }
0x9a: {  	[sflag:s20] =	ssyncadd.s32 $0xFFFFEC00  }
0x9b: {  	_ =	swait.ge [sflag:s20], $0x1400  }
.Ltmp4:
0x9c: {  	[sflag:s20] =	ssyncset.done $0x0;
	(pc) =	sbr.rel .LBB2_9-.Ltmp4, $4  }
0x9d: {  	[sflag:s20] =	ssyncadd.s32 $0xFFFFEC00  }
0x9e: {  	_ =	swait.ge [sflag:s20], $0x1400  }
0x9f: {  	[sflag:s20] =	ssyncset.done $0x0  }
0xa0: {  	[sflag:s20] =	ssyncadd.s32 $0xFFFFEC00  }
.LBB2_7:
.Ltmp5:
0xa1: {  	(pc) =	sbr.rel @p0 .LBB2_9-.Ltmp5, $1  }
0xa2: {  	_ =	sdelay $0x3  }
0xa3: {  	s11 =	rddreg [dreg:$0x12]  }
0xa4: {  	s5 =	rddreg [dreg:$0x13]  }
0xa5: {  	[spmem:s11] =	stream.linear.scatter [tilespmem:s31], [sflag:$0x16], $0x1400, $0x38;
	[tilespmem:$0x1F700] =	vst v63  }
0xa6: {  	s15 =	rddreg [dreg:$0x14]  }
0xa7: {  	[spmem:s5] =	stream.linear.scatter [tilespmem:s31], [sflag:$0x16], $0x1400, $0x38;
	[tilespmem:$0x1F700] =	vst v63  }
0xa8: {  	s20 =	rddreg [dreg:$0x1b]  }
0xa9: {  	[spmem:s15] =	stream.linear.scatter [tilespmem:s31], [sflag:$0x16], $0x1400, $0x38;
	[tilespmem:$0x1F700] =	vst v63  }
0xaa: {  	s5 =	rddreg [dreg:$0x1c]  }
0xab: {  	[spmem:s20] =	stream.linear.scatter [tilespmem:s31], [sflag:$0x16], $0x1400, $0x38;
	[tilespmem:$0x1F700] =	vst v63  }
0xac: {  	s15 =	rddreg [dreg:$0x1f]  }
0xad: {  	[spmem:s5] =	stream.linear.scatter [tilespmem:s31], [sflag:$0x16], $0x1400, $0x38;
	[tilespmem:$0x1F700] =	vst v63  }
0xae: {  	s20 =	sld [smem:$0x7E4]  }
0xaf: {  	[spmem:s15] =	stream.linear.scatter [tilespmem:s31], [sflag:$0x16], $0x1400, $0x38;
	[tilespmem:$0x1F700] =	vst v63  }
0xb0: {  	s5 =	sld [smem:$0x7E5]  }
0xb1: {  	[spmem:s20] =	stream.linear.scatter [tilespmem:s31], [sflag:$0x16], $0x1400, $0x38;
	[tilespmem:$0x1F700] =	vst v63  }
0xb2: {  	s15 =	sld [smem:$0x7E6]  }
0xb3: {  	[spmem:s5] =	stream.linear.scatter [tilespmem:s31], [sflag:$0x16], $0x1400, $0x38;
	[tilespmem:$0x1F700] =	vst v63  }
0xb4: {  	s20 =	sld [smem:$0x7E7]  }
0xb5: {  	[spmem:s15] =	stream.linear.scatter [tilespmem:s31], [sflag:$0x16], $0x1400, $0x38;
	[tilespmem:$0x1F700] =	vst v63  }
0xb6: {  	s5 =	sld [smem:$0x7E8]  }
0xb7: {  	[spmem:s20] =	stream.linear.scatter [tilespmem:s31], [sflag:$0x16], $0x1400, $0x38;
	[tilespmem:$0x1F700] =	vst v63  }
0xb8: {  	s15 =	sld [smem:$0x7E9]  }
0xb9: {  	[spmem:s5] =	stream.linear.scatter [tilespmem:s31], [sflag:$0x16], $0x1400, $0x38;
	[tilespmem:$0x1F700] =	vst v63  }
0xba: {  	s20 =	sld [smem:$0x7EA]  }
0xbb: {  	[spmem:s15] =	stream.linear.scatter [tilespmem:s31], [sflag:$0x16], $0x1400, $0x38;
	[tilespmem:$0x1F700] =	vst v63  }
0xbc: {  	s5 =	sld [smem:$0x7EB]  }
0xbd: {  	[spmem:s20] =	stream.linear.scatter [tilespmem:s31], [sflag:$0x16], $0x1400, $0x38;
	[tilespmem:$0x1F700] =	vst v63  }
0xbe: {  	s15 =	sld [smem:$0x7EC]  }
0xbf: {  	[spmem:s5] =	stream.linear.scatter [tilespmem:s31], [sflag:$0x16], $0x1400, $0x38;
	[tilespmem:$0x1F700] =	vst v63  }
0xc0: {  	s20 =	sld [smem:$0x7ED]  }
0xc1: {  	[spmem:s15] =	stream.linear.scatter [tilespmem:s31], [sflag:$0x16], $0x1400, $0x38;
	[tilespmem:$0x1F700] =	vst v63  }
0xc2: {  	s5 =	simm.s32 $0x16  }
0xc3: {  	[spmem:s20] =	stream.linear.scatter [tilespmem:s31], [sflag:$0x16], $0x1400, $0x38;
	[tilespmem:$0x1F700] =	vst v63  }
0xc4: {  	_ =	swait.ge [sflag:s5], $0x1400  }
0xc5: {  	[sflag:s5] =	ssyncset.done $0x0  }
0xc6: {  	[sflag:s5] =	ssyncadd.s32 $0xFFFFEC00  }
0xc7: {  	_ =	swait.ge [sflag:s5], $0x1400  }
0xc8: {  	[sflag:s5] =	ssyncset.done $0x0  }
0xc9: {  	[sflag:s5] =	ssyncadd.s32 $0xFFFFEC00  }
0xca: {  	_ =	swait.ge [sflag:s5], $0x1400  }
0xcb: {  	[sflag:s5] =	ssyncset.done $0x0  }
0xcc: {  	[sflag:s5] =	ssyncadd.s32 $0xFFFFEC00  }
0xcd: {  	_ =	swait.ge [sflag:s5], $0x1400  }
0xce: {  	[sflag:s5] =	ssyncset.done $0x0  }
0xcf: {  	[sflag:s5] =	ssyncadd.s32 $0xFFFFEC00  }
0xd0: {  	_ =	swait.ge [sflag:s5], $0x1400  }
0xd1: {  	[sflag:s5] =	ssyncset.done $0x0  }
0xd2: {  	[sflag:s5] =	ssyncadd.s32 $0xFFFFEC00  }
0xd3: {  	_ =	swait.ge [sflag:s5], $0x1400  }
0xd4: {  	[sflag:s5] =	ssyncset.done $0x0  }
0xd5: {  	[sflag:s5] =	ssyncadd.s32 $0xFFFFEC00  }
0xd6: {  	_ =	swait.ge [sflag:s5], $0x1400  }
0xd7: {  	[sflag:s5] =	ssyncset.done $0x0  }
0xd8: {  	[sflag:s5] =	ssyncadd.s32 $0xFFFFEC00  }
0xd9: {  	_ =	swait.ge [sflag:s5], $0x1400  }
0xda: {  	[sflag:s5] =	ssyncset.done $0x0  }
0xdb: {  	[sflag:s5] =	ssyncadd.s32 $0xFFFFEC00  }
0xdc: {  	_ =	swait.ge [sflag:s5], $0x1400  }
0xdd: {  	[sflag:s5] =	ssyncset.done $0x0  }
0xde: {  	[sflag:s5] =	ssyncadd.s32 $0xFFFFEC00  }
0xdf: {  	_ =	swait.ge [sflag:s5], $0x1400  }
0xe0: {  	[sflag:s5] =	ssyncset.done $0x0  }
0xe1: {  	[sflag:s5] =	ssyncadd.s32 $0xFFFFEC00  }
0xe2: {  	_ =	swait.ge [sflag:s5], $0x1400  }
0xe3: {  	[sflag:s5] =	ssyncset.done $0x0  }
0xe4: {  	[sflag:s5] =	ssyncadd.s32 $0xFFFFEC00  }
0xe5: {  	_ =	swait.ge [sflag:s5], $0x1400  }
0xe6: {  	[sflag:s5] =	ssyncset.done $0x0  }
0xe7: {  	[sflag:s5] =	ssyncadd.s32 $0xFFFFEC00  }
0xe8: {  	_ =	swait.ge [sflag:s5], $0x1400  }
0xe9: {  	[sflag:s5] =	ssyncset.done $0x0  }
0xea: {  	[sflag:s5] =	ssyncadd.s32 $0xFFFFEC00  }
0xeb: {  	_ =	swait.ge [sflag:s5], $0x1400  }
0xec: {  	[sflag:s5] =	ssyncset.done $0x0  }
0xed: {  	[sflag:s5] =	ssyncadd.s32 $0xFFFFEC00  }
0xee: {  	_ =	swait.ge [sflag:s5], $0x1400  }
0xef: {  	[sflag:s5] =	ssyncset.done $0x0  }
0xf0: {  	[sflag:s5] =	ssyncadd.s32 $0xFFFFEC00  }
0xf1: {  	_ =	swait.ge [sflag:s5], $0x1400  }
0xf2: {  	[sflag:s5] =	ssyncset.done $0x0  }
0xf3: {  	[sflag:s5] =	ssyncadd.s32 $0xFFFFEC00  }
.LBB2_9:
0xf4: {  	[bflag:$0x0] =	sbarrier.arrive $0xFFFF  }
0xf5: {  	_ =	swait.ge [sflag:s0], $0x1400  }
0xf6: {  	[sflag:s0] =	ssyncset.done $0x0  }
0xf7: {  	[sflag:s0] =	ssyncadd.s32 $0xFFFFEC00  }
0xf8: {  	_ =	swait.ge [sflag:s12], $0x28  }
0xf9: {  	[sflag:s12] =	ssyncset.done $0x0  }
0xfa: {  	s15 =	sld [smem:$0x7F7];
	[sflag:s12] =	ssyncadd.s32 $0xFFFFFFD8  }
0xfb: {  	[spmem:s3] =	stream.indirect.scatter.add.f32 [tilespmem:s17], [sflag:$0xF], $0x80, s16, s14, $0xb8;
	[tilespmem:$0x1F700] =	vst v63  }
0xfc: {  	s11 =	simm.s32 $0x0  }
0xfd: {  	[tilespmem:s30], [sflag:$0xE] =	stream.linear.gather [hbm4b:s15+s11], $0x28, $0x38;
	[tilespmem:$0x1F700] =	vst v63  }
0xfe: {  	s5 =	simm.s32 $0xF0  }
0xff: {  	[tilespmem:s31], [sflag:$0x7] =	stream.indirect.gather [hbm4b:s1+s14], $0x80, s5, s14, $0xb8;
	[tilespmem:$0x1F700] =	vst v63  }
0x100: {  	_ =	swait.ge [sflag:s2], $0x1400  }
0x101: {  	[sflag:s2] =	ssyncset.done $0x0  }
0x102: {  	[sflag:s2] =	ssyncadd.s32 $0xFFFFEC00  }
0x103: {  	_ =	swait.ge [sflag:s6], $0x28  }
0x104: {  	[sflag:s6] =	ssyncset.done $0x0  }
0x105: {  	[sflag:s6] =	ssyncadd.s32 $0xFFFFFFD8  }
0x106: {  	[spmem:s3] =	stream.indirect.scatter.add.f32 [tilespmem:s13], [sflag:$0x10], $0x80, s19, s14, $0xb8;
	[tilespmem:$0x1F700] =	vst v63  }
0x107: {  	_ =	swait.ge [sflag:s7], $0x1400  }
0x108: {  	[sflag:s7] =	ssyncset.done $0x0  }
0x109: {  	s5 =	rddreg [dreg:$0x15];
	[sflag:s7] =	ssyncadd.s32 $0xFFFFEC00  }
0x10a: {  	[tilespmem:s16], [sflag:$0x8] =	stream.linear.gather [hbm4b:s5+s11], $0x28, $0x38;
	[tilespmem:$0x1F700] =	vst v63  }
0x10b: {  	s16 =	simm.s32 $0x118  }
0x10c: {  	[tilespmem:s17], [sflag:$0x1] =	stream.indirect.gather [hbm4b:s1+s14], $0x80, s16, s14, $0xb8;
	[tilespmem:$0x1F700] =	vst v63  }
0x10d: {  	_ =	swait.ge [sflag:s8], $0x1400  }
0x10e: {  	[sflag:s8] =	ssyncset.done $0x0  }
0x10f: {  	[sflag:s8] =	ssyncadd.s32 $0xFFFFEC00  }
0x110: {  	_ =	swait.ge [sflag:s9], $0x28  }
0x111: {  	[sflag:s9] =	ssyncset.done $0x0  }
0x112: {  	[sflag:s9] =	ssyncadd.s32 $0xFFFFFFD8  }
0x113: {  	[spmem:s3] =	stream.indirect.scatter.add.f32 [tilespmem:s29], [sflag:$0x11], $0x80, s26, s14, $0xb8;
	[tilespmem:$0x1F700] =	vst v63  }
0x114: {  	_ =	swait.ge [sflag:s10], $0x1400  }
0x115: {  	s17 =	sld [smem:$0x7F8]  }
0x116: {  	[sflag:s10] =	ssyncset.done $0x0  }
0x117: {  	[sflag:s10] =	ssyncadd.s32 $0xFFFFEC00  }
0x118: {  	[tilespmem:s19], [sflag:$0x9] =	stream.linear.gather [hbm4b:s17+s11], $0x28, $0x38;
	[tilespmem:$0x1F700] =	vst v63  }
0x119: {  	s20 =	simm.s32 $0x140  }
0x11a: {  	[tilespmem:s13], [sflag:$0x2] =	stream.indirect.gather [hbm4b:s1+s14], $0x80, s20, s14, $0xb8;
	[tilespmem:$0x1F700] =	vst v63  }
0x11b: {  	_ =	swait.ge [sflag:s23], $0x1400  }
0x11c: {  	[sflag:s23] =	ssyncset.done $0x0  }
0x11d: {  	s13 =	simm.s32 $0xB;
	[sflag:s23] =	ssyncadd.s32 $0xFFFFEC00  }
0x11e: {  	_ =	swait.ge [sflag:s13], $0x28  }
0x11f: {  	[sflag:s13] =	ssyncset.done $0x0  }
0x120: {  	s31 =	simm.s32 $0x11;
	[sflag:s13] =	ssyncadd.s32 $0xFFFFFFD8  }
0x121: {  	[spmem:s3] =	stream.indirect.scatter.add.f32 [tilespmem:s25], [sflag:$0x12], $0x80, s24, s14, $0xb8;
	[tilespmem:$0x1F700] =	vst v63  }
0x122: {  	_ =	swait.ge [sflag:s31], $0x1400  }
0x123: {  	[sflag:s31] =	ssyncset.done $0x0  }
0x124: {  	s5 =	rddreg [dreg:$0x16];
	[sflag:s31] =	ssyncadd.s32 $0xFFFFEC00  }
0x125: {  	[tilespmem:s26], [sflag:$0xA] =	stream.linear.gather [hbm4b:s5+s11], $0x28, $0x38;
	[tilespmem:$0x1F700] =	vst v63  }
0x126: {  	s17 =	simm.s32 $0x168;
	s24 =	simm.s32 $0x5  }
0x127: {  	[tilespmem:s29], [sflag:$0x3] =	stream.indirect.gather [hbm4b:s1+s14], $0x80, s17, s14, $0xb8;
	[tilespmem:$0x1F700] =	vst v63  }
0x128: {  	_ =	swait.ge [sflag:s24], $0x1400  }
0x129: {  	[sflag:s24] =	ssyncset.done $0x0  }
0x12a: {  	s30 =	simm.s32 $0xC;
	[sflag:s24] =	ssyncadd.s32 $0xFFFFEC00  }
0x12b: {  	_ =	swait.ge [sflag:s30], $0x28  }
0x12c: {  	[sflag:s30] =	ssyncset.done $0x0  }
0x12d: {  	s26 =	simm.s32 $0x12;
	[sflag:s30] =	ssyncadd.s32 $0xFFFFFFD8  }
0x12e: {  	[spmem:s3] =	stream.indirect.scatter.add.f32 [tilespmem:s21], [sflag:$0x13], $0x80, s22, s14, $0xb8;
	[tilespmem:$0x1F700] =	vst v63  }
0x12f: {  	_ =	swait.ge [sflag:s26], $0x1400  }
0x130: {  	s20 =	sld [smem:$0x7F9]  }
0x131: {  	[sflag:s26] =	ssyncset.done $0x0  }
0x132: {  	s19 =	simm.s32 $0x2900;
	[sflag:s26] =	ssyncadd.s32 $0xFFFFEC00  }
0x133: {  	[tilespmem:s19], [sflag:$0xB] =	stream.linear.gather [hbm4b:s20+s11], $0x28, $0x38;
	[tilespmem:$0x1F700] =	vst v63  }
0x134: {  	s21 =	simm.s32 $0x190;
	s20 =	simm.s32 $0x6  }
0x135: {  	[tilespmem:s25], [sflag:$0x4] =	stream.indirect.gather [hbm4b:s1+s14], $0x80, s21, s14, $0xb8;
	[tilespmem:$0x1F700] =	vst v63  }
0x136: {  	_ =	swait.ge [sflag:s20], $0x1400  }
0x137: {  	[sflag:s20] =	ssyncset.done $0x0  }
0x138: {  	s21 =	simm.s32 $0xD;
	[sflag:s20] =	ssyncadd.s32 $0xFFFFEC00  }
0x139: {  	_ =	swait.ge [sflag:s21], $0x28  }
0x13a: {  	[sflag:s21] =	ssyncset.done $0x0  }
0x13b: {  	[sflag:s21] =	ssyncadd.s32 $0xFFFFFFD8  }
0x13c: {  	[spmem:s3] =	stream.indirect.scatter.add.f32 [tilespmem:s28], [sflag:$0x14], $0x80, s18, s14, $0xb8;
	[tilespmem:$0x1F700] =	vst v63  }
0x13d: {  	s18 =	simm.s32 $0x13  }
0x13e: {  	_ =	swait.ge [sflag:s18], $0x1400  }
0x13f: {  	[sflag:s18] =	ssyncset.done $0x0  }
0x140: {  	s17 =	rddreg [dreg:$0x17];
	[sflag:s18] =	ssyncadd.s32 $0xFFFFEC00  }
0x141: {  	[tilespmem:s22], [sflag:$0xC] =	stream.linear.gather [hbm4b:s17+s11], $0x28, $0x38;
	[tilespmem:$0x1F700] =	vst v63  }
0x142: {  	s5 =	simm.s32 $0x7B00;
	s22 =	simm.s32 $0x1B8  }
0x143: {  	[tilespmem:s5], [sflag:$0x5] =	stream.indirect.gather [hbm4b:s1+s14], $0x80, s22, s14, $0xb8;
	[tilespmem:$0x1F700] =	vst v63  }
0x144: {  	s22 =	simm.s32 $0x7  }
0x145: {  	_ =	swait.ge [sflag:s22], $0x1400  }
0x146: {  	[sflag:s22] =	ssyncset.done $0x0  }
0x147: {  	s25 =	simm.s32 $0xE;
	[sflag:s22] =	ssyncadd.s32 $0xFFFFEC00  }
0x148: {  	_ =	swait.ge [sflag:s25], $0x28  }
0x149: {  	s16 =	simm.s32 $0xA300;
	[sflag:s25] =	ssyncset.done $0x0  }
0x14a: {  	s29 =	simm.s32 $0x2A80;
	s28 =	simm.s32 $0x14;
	[sflag:s25] =	ssyncadd.s32 $0xFFFFFFD8  }
0x14b: {  	[spmem:s3] =	stream.indirect.scatter.add.f32 [tilespmem:s16], [sflag:$0x15], $0x80, s29, s14, $0xb8;
	[tilespmem:$0x1F700] =	vst v63  }
0x14c: {  	_ =	swait.ge [sflag:s28], $0x1400  }
0x14d: {  	s5 =	sld [smem:$0x7FA]  }
0x14e: {  	[sflag:s28] =	ssyncset.done $0x0  }
0x14f: {  	s19 =	simm.s32 $0x2A00;
	[sflag:s28] =	ssyncadd.s32 $0xFFFFEC00  }
0x150: {  	[tilespmem:s19], [sflag:$0xD] =	stream.linear.gather [hbm4b:s5+s11], $0x28, $0x38;
	[tilespmem:$0x1F700] =	vst v63  }
0x151: {  	s29 =	simm.s32 $0x8F00;
	s11 =	simm.s32 $0x1E0  }
0x152: {  	[tilespmem:s29], [sflag:$0x6] =	stream.indirect.gather [hbm4b:s1+s14], $0x80, s11, s14, $0xb8;
	[tilespmem:$0x1F700] =	vst v63  }
0x153: {  	_ =	swait.ge [sflag:s0], $0x1400  }
0x154: {  	[sflag:s0] =	ssyncset.done $0x0  }
0x155: {  	[sflag:s0] =	ssyncadd.s32 $0xFFFFEC00  }
0x156: {  	_ =	swait.ge [sflag:s12], $0x28  }
0x157: {  	s17 =	simm.s32 $0x2780;
	[sflag:s12] =	ssyncset.done $0x0  }
0x158: {  	s16 =	simm.s32 $0x2B00;
	s29 =	simm.s32 $0x15;
	[sflag:s12] =	ssyncadd.s32 $0xFFFFFFD8  }
0x159: {  	[spmem:s3] =	stream.indirect.scatter.add.f32 [tilespmem:s16], [sflag:$0xF], $0x80, s17, s14, $0xb8;
	[tilespmem:$0x1F700] =	vst v63  }
0x15a: {  	_ =	swait.ge [sflag:s29], $0x1400  }
0x15b: {  	s12 =	rddreg [dreg:$0xa];
	[sflag:s29] =	ssyncset.done $0x0  }
0x15c: {  	s19 =	simm.s32 $0x2A80;
	[sflag:s29] =	ssyncadd.s32 $0xFFFFEC00;
	s11 =	sadd.s32 $0x0, s12  }
0x15d: {  	[tilespmem:s19], [sflag:$0xE] =	stream.linear.gather [hbm4b:s11+s4], $0x28, $0x38;
	[tilespmem:$0x1F700] =	vst v63  }
0x15e: {  	s12 =	simm.s32 $0x208;
	s19 =	simm.s32 $0xA300  }
0x15f: {  	[tilespmem:s19], [sflag:$0x7] =	stream.indirect.gather [hbm4b:s1+s14], $0x80, s12, s14, $0xb8;
	[tilespmem:$0x1F700] =	vst v63  }
0x160: {  	_ =	swait.ge [sflag:s2], $0x1400  }
0x161: {  	[sflag:s2] =	ssyncset.done $0x0  }
0x162: {  	[sflag:s2] =	ssyncadd.s32 $0xFFFFEC00  }
0x163: {  	_ =	swait.ge [sflag:s6], $0x28  }
0x164: {  	[sflag:s6] =	ssyncset.done $0x0  }
0x165: {  	s19 =	simm.s32 $0x2800;
	s2 =	simm.s32 $0x3F00;
	[sflag:s6] =	ssyncadd.s32 $0xFFFFFFD8  }
0x166: {  	[spmem:s3] =	stream.indirect.scatter.add.f32 [tilespmem:s2], [sflag:$0x10], $0x80, s19, s14, $0xb8;
	[tilespmem:$0x1F700] =	vst v63  }
0x167: {  	_ =	swait.ge [sflag:s7], $0x1400  }
0x168: {  	s6 =	rddreg [dreg:$0x9];
	[sflag:s7] =	ssyncset.done $0x0  }
0x169: {  	[sflag:s7] =	ssyncadd.s32 $0xFFFFEC00;
	s11 =	sadd.s32 $0x0, s6  }
0x16a: {  	[tilespmem:s17], [sflag:$0x8] =	stream.linear.gather [hbm4b:s11+s4], $0x28, $0x38;
	[tilespmem:$0x1F700] =	vst v63  }
0x16b: {  	s7 =	simm.s32 $0x230  }
0x16c: {  	[tilespmem:s16], [sflag:$0x1] =	stream.indirect.gather [hbm4b:s1+s14], $0x80, s7, s14, $0xb8;
	[tilespmem:$0x1F700] =	vst v63  }
0x16d: {  	_ =	swait.ge [sflag:s8], $0x1400  }
0x16e: {  	[sflag:s8] =	ssyncset.done $0x0  }
0x16f: {  	[sflag:s8] =	ssyncadd.s32 $0xFFFFEC00  }
0x170: {  	_ =	swait.ge [sflag:s9], $0x28  }
0x171: {  	[sflag:s9] =	ssyncset.done $0x0  }
0x172: {  	s0 =	simm.s32 $0x5300;
	s16 =	simm.s32 $0x2880;
	[sflag:s9] =	ssyncadd.s32 $0xFFFFFFD8  }
0x173: {  	[spmem:s3] =	stream.indirect.scatter.add.f32 [tilespmem:s0], [sflag:$0x11], $0x80, s16, s14, $0xb8;
	[tilespmem:$0x1F700] =	vst v63  }
0x174: {  	_ =	swait.ge [sflag:s10], $0x1400  }
0x175: {  	s17 =	rddreg [dreg:$0x8];
	[sflag:s10] =	ssyncset.done $0x0  }
0x176: {  	[sflag:s10] =	ssyncadd.s32 $0xFFFFEC00;
	s11 =	sadd.s32 $0x0, s17  }
0x177: {  	[tilespmem:s19], [sflag:$0x9] =	stream.linear.gather [hbm4b:s11+s4], $0x28, $0x38;
	[tilespmem:$0x1F700] =	vst v63  }
0x178: {  	s19 =	simm.s32 $0x258  }
0x179: {  	[tilespmem:s2], [sflag:$0x2] =	stream.indirect.gather [hbm4b:s1+s14], $0x80, s19, s14, $0xb8;
	[tilespmem:$0x1F700] =	vst v63  }
0x17a: {  	_ =	swait.ge [sflag:s23], $0x1400  }
0x17b: {  	[sflag:s23] =	ssyncset.done $0x0  }
0x17c: {  	[sflag:s23] =	ssyncadd.s32 $0xFFFFEC00  }
0x17d: {  	_ =	swait.ge [sflag:s13], $0x28  }
0x17e: {  	[sflag:s13] =	ssyncset.done $0x0  }
0x17f: {  	s2 =	simm.s32 $0x6700;
	s23 =	simm.s32 $0x2900;
	[sflag:s13] =	ssyncadd.s32 $0xFFFFFFD8  }
0x180: {  	[spmem:s3] =	stream.indirect.scatter.add.f32 [tilespmem:s2], [sflag:$0x12], $0x80, s23, s14, $0xb8;
	[tilespmem:$0x1F700] =	vst v63  }
0x181: {  	_ =	swait.ge [sflag:s31], $0x1400  }
0x182: {  	s9 =	rddreg [dreg:$0x7];
	[sflag:s31] =	ssyncset.done $0x0  }
0x183: {  	[sflag:s31] =	ssyncadd.s32 $0xFFFFEC00;
	s11 =	sadd.s32 $0x0, s9  }
0x184: {  	[tilespmem:s16], [sflag:$0xA] =	stream.linear.gather [hbm4b:s11+s4], $0x28, $0x38;
	[tilespmem:$0x1F700] =	vst v63  }
0x185: {  	s10 =	simm.s32 $0x280  }
0x186: {  	[tilespmem:s0], [sflag:$0x3] =	stream.indirect.gather [hbm4b:s1+s14], $0x80, s10, s14, $0xb8;
	[tilespmem:$0x1F700] =	vst v63  }
0x187: {  	_ =	swait.ge [sflag:s24], $0x1400  }
0x188: {  	[sflag:s24] =	ssyncset.done $0x0  }
0x189: {  	[sflag:s24] =	ssyncadd.s32 $0xFFFFEC00  }
0x18a: {  	_ =	swait.ge [sflag:s30], $0x28  }
0x18b: {  	[sflag:s30] =	ssyncset.done $0x0  }
0x18c: {  	s13 =	simm.s32 $0x7B00;
	s16 =	simm.s32 $0x2980;
	[sflag:s30] =	ssyncadd.s32 $0xFFFFFFD8  }
0x18d: {  	[spmem:s3] =	stream.indirect.scatter.add.f32 [tilespmem:s13], [sflag:$0x13], $0x80, s16, s14, $0xb8;
	[tilespmem:$0x1F700] =	vst v63  }
0x18e: {  	_ =	swait.ge [sflag:s26], $0x1400  }
0x18f: {  	s17 =	rddreg [dreg:$0x6];
	[sflag:s26] =	ssyncset.done $0x0  }
0x190: {  	[sflag:s26] =	ssyncadd.s32 $0xFFFFEC00;
	s11 =	sadd.s32 $0x0, s17  }
0x191: {  	[tilespmem:s23], [sflag:$0xB] =	stream.linear.gather [hbm4b:s11+s4], $0x28, $0x38;
	[tilespmem:$0x1F700] =	vst v63  }
0x192: {  	s19 =	simm.s32 $0x2A8  }
0x193: {  	[tilespmem:s2], [sflag:$0x4] =	stream.indirect.gather [hbm4b:s1+s14], $0x80, s19, s14, $0xb8;
	[tilespmem:$0x1F700] =	vst v63  }
0x194: {  	_ =	swait.ge [sflag:s20], $0x1400  }
0x195: {  	[sflag:s20] =	ssyncset.done $0x0  }
0x196: {  	[sflag:s20] =	ssyncadd.s32 $0xFFFFEC00  }
0x197: {  	_ =	swait.ge [sflag:s21], $0x28  }
0x198: {  	[sflag:s21] =	ssyncset.done $0x0  }
0x199: {  	s15 =	simm.s32 $0x8F00;
	[sflag:s21] =	ssyncadd.s32 $0xFFFFFFD8;
	s21 =	simm.s32 $0x2A00  }
0x19a: {  	[spmem:s3] =	stream.indirect.scatter.add.f32 [tilespmem:s15], [sflag:$0x14], $0x80, s21, s14, $0xb8;
	[tilespmem:$0x1F700] =	vst v63  }
0x19b: {  	_ =	swait.ge [sflag:s18], $0x1400  }
0x19c: {  	s23 =	rddreg [dreg:$0x5];
	[sflag:s18] =	ssyncset.done $0x0  }
0x19d: {  	[sflag:s18] =	ssyncadd.s32 $0xFFFFEC00;
	s11 =	sadd.s32 $0x0, s23  }
0x19e: {  	[tilespmem:s16], [sflag:$0xC] =	stream.linear.gather [hbm4b:s11+s4], $0x28, $0x38;
	[tilespmem:$0x1F700] =	vst v63  }
0x19f: {  	s24 =	simm.s32 $0x2D0  }
0x1a0: {  	[tilespmem:s13], [sflag:$0x5] =	stream.indirect.gather [hbm4b:s1+s14], $0x80, s24, s14, $0xb8;
	[tilespmem:$0x1F700] =	vst v63  }
0x1a1: {  	_ =	swait.ge [sflag:s22], $0x1400  }
0x1a2: {  	[sflag:s22] =	ssyncset.done $0x0  }
0x1a3: {  	s5 =	simm.s32 $0x2A80;
	s12 =	simm.s32 $0xA300;
	[sflag:s22] =	ssyncadd.s32 $0xFFFFEC00  }
0x1a4: {  	s6 =	simm.s32 $0x9;
	s7 =	simm.s32 $0xF;
	_ =	swait.ge [sflag:s25], $0x28  }
0x1a5: {  	s8 =	simm.s32 $0x3;
	s9 =	simm.s32 $0xA;
	[sflag:s25] =	ssyncset.done $0x0  }
0x1a6: {  	s31 =	simm.s32 $0xB;
	s0 =	simm.s32 $0x1;
	[sflag:s25] =	ssyncadd.s32 $0xFFFFFFD8  }
0x1a7: {  	[spmem:s3] =	stream.indirect.scatter.add.f32 [tilespmem:s12], [sflag:$0x15], $0x80, s5, s14, $0xb8;
	[tilespmem:$0x1F700] =	vst v63  }
0x1a8: {  	s10 =	simm.s32 $0x10;
	s30 =	simm.s32 $0x4;
	_ =	swait.ge [sflag:s28], $0x1400  }
0x1a9: {  	s2 =	simm.s32 $0x2;
	s26 =	rddreg [dreg:$0x4];
	[sflag:s28] =	ssyncset.done $0x0  }
0x1aa: {  	s15 =	simm.s32 $0x23;
	[sflag:s28] =	ssyncadd.s32 $0xFFFFEC00;
	s11 =	sadd.s32 $0x0, s26  }
0x1ab: {  	[tilespmem:s21], [sflag:$0xD] =	stream.linear.gather [hbm4b:s11+s4], $0x28, $0x38;
	[tilespmem:$0x1F700] =	vst v63  }
0x1ac: {  	s18 =	simm.s32 $0x8;
	s16 =	simm.s32 $0x410;
	s11 =	simm.s32 $0x2F8  }
.LBB2_10:
0x1ad: {  	s21 =	simm.s32 $0x8F00  }
0x1ae: {  	[tilespmem:s21], [sflag:$0x6] =	stream.indirect.gather [hbm4b:s1+s14], $0x80, s11, s14, $0xb8;
	[tilespmem:$0x1F700] =	vst v63  }
0x1af: {  	_ =	swait.ge [sflag:s0], $0x1400  }
0x1b0: {  	[sflag:s0] =	ssyncset.done $0x0  }
0x1b1: {  	[sflag:s0] =	ssyncadd.s32 $0xFFFFEC00  }
0x1b2: {  	_ =	swait.ge [sflag:s18], $0x28  }
0x1b3: {  	[sflag:s18] =	ssyncset.done $0x0  }
0x1b4: {  	s13 =	simm.s32 $0x2780;
	s19 =	simm.s32 $0x2B00;
	[sflag:s18] =	ssyncadd.s32 $0xFFFFFFD8  }
0x1b5: {  	[spmem:s3] =	stream.indirect.scatter.add.f32 [tilespmem:s19], [sflag:$0xF], $0x80, s13, s14, $0xb8;
	[tilespmem:$0x1F700] =	vst v63  }
0x1b6: {  	_ =	swait.ge [sflag:s29], $0x1400  }
0x1b7: {  	s17 =	smov.u32 s15;
	s24 =	rddreg [dreg:$0xa];
	[sflag:s29] =	ssyncset.done $0x0  }
0x1b8: {  	s5 =	simm.s32 $0x2A80;
	[sflag:s29] =	ssyncadd.s32 $0xFFFFEC00;
	s24 =	sadd.s32 s17, s24  }
0x1b9: {  	[tilespmem:s5], [sflag:$0xE] =	stream.linear.gather [hbm4b:s24+s4], $0x28, $0x38;
	[tilespmem:$0x1F700] =	vst v63  }
0x1ba: {  	s23 =	sadd.s32 $0xFFFFFF10, s16;
	s20 =	simm.s32 $0xA300  }
0x1bb: {  	[tilespmem:s20], [sflag:$0x7] =	stream.indirect.gather [hbm4b:s1+s14], $0x80, s23, s14, $0xb8;
	[tilespmem:$0x1F700] =	vst v63  }
0x1bc: {  	_ =	swait.ge [sflag:s2], $0x1400  }
0x1bd: {  	[sflag:s2] =	ssyncset.done $0x0  }
0x1be: {  	[sflag:s2] =	ssyncadd.s32 $0xFFFFEC00  }
0x1bf: {  	_ =	swait.ge [sflag:s6], $0x28  }
0x1c0: {  	[sflag:s6] =	ssyncset.done $0x0  }
0x1c1: {  	s12 =	simm.s32 $0x2800;
	s23 =	simm.s32 $0x3F00;
	[sflag:s6] =	ssyncadd.s32 $0xFFFFFFD8  }
0x1c2: {  	[spmem:s3] =	stream.indirect.scatter.add.f32 [tilespmem:s23], [sflag:$0x10], $0x80, s12, s14, $0xb8;
	[tilespmem:$0x1F700] =	vst v63  }
0x1c3: {  	_ =	swait.ge [sflag:s7], $0x1400  }
0x1c4: {  	s26 =	rddreg [dreg:$0x9];
	[sflag:s7] =	ssyncset.done $0x0  }
0x1c5: {  	[sflag:s7] =	ssyncadd.s32 $0xFFFFEC00;
	s24 =	sadd.s32 s17, s26  }
0x1c6: {  	[tilespmem:s13], [sflag:$0x8] =	stream.linear.gather [hbm4b:s24+s4], $0x28, $0x38;
	[tilespmem:$0x1F700] =	vst v63  }
0x1c7: {  	s13 =	sadd.s32 $0xFFFFFF38, s16  }
0x1c8: {  	[tilespmem:s19], [sflag:$0x1] =	stream.indirect.gather [hbm4b:s1+s14], $0x80, s13, s14, $0xb8;
	[tilespmem:$0x1F700] =	vst v63  }
0x1c9: {  	_ =	swait.ge [sflag:s8], $0x1400  }
0x1ca: {  	[sflag:s8] =	ssyncset.done $0x0  }
0x1cb: {  	[sflag:s8] =	ssyncadd.s32 $0xFFFFEC00  }
0x1cc: {  	_ =	swait.ge [sflag:s9], $0x28  }
0x1cd: {  	[sflag:s9] =	ssyncset.done $0x0  }
0x1ce: {  	s13 =	simm.s32 $0x2880;
	s19 =	simm.s32 $0x5300;
	[sflag:s9] =	ssyncadd.s32 $0xFFFFFFD8  }
0x1cf: {  	[spmem:s3] =	stream.indirect.scatter.add.f32 [tilespmem:s19], [sflag:$0x11], $0x80, s13, s14, $0xb8;
	[tilespmem:$0x1F700] =	vst v63  }
0x1d0: {  	_ =	swait.ge [sflag:s10], $0x1400  }
0x1d1: {  	s26 =	rddreg [dreg:$0x8];
	[sflag:s10] =	ssyncset.done $0x0  }
0x1d2: {  	[sflag:s10] =	ssyncadd.s32 $0xFFFFEC00;
	s24 =	sadd.s32 s17, s26  }
0x1d3: {  	[tilespmem:s12], [sflag:$0x9] =	stream.linear.gather [hbm4b:s24+s4], $0x28, $0x38;
	[tilespmem:$0x1F700] =	vst v63  }
0x1d4: {  	s12 =	sadd.s32 $0xFFFFFF60, s16  }
0x1d5: {  	[tilespmem:s23], [sflag:$0x2] =	stream.indirect.gather [hbm4b:s1+s14], $0x80, s12, s14, $0xb8;
	[tilespmem:$0x1F700] =	vst v63  }
0x1d6: {  	_ =	swait.ge [sflag:s30], $0x1400  }
0x1d7: {  	[sflag:s30] =	ssyncset.done $0x0  }
0x1d8: {  	[sflag:s30] =	ssyncadd.s32 $0xFFFFEC00  }
0x1d9: {  	_ =	swait.ge [sflag:s31], $0x28  }
0x1da: {  	s26 =	simm.s32 $0x11;
	[sflag:s31] =	ssyncset.done $0x0  }
0x1db: {  	s23 =	simm.s32 $0x6700;
	s12 =	simm.s32 $0x2900;
	[sflag:s31] =	ssyncadd.s32 $0xFFFFFFD8  }
0x1dc: {  	[spmem:s3] =	stream.indirect.scatter.add.f32 [tilespmem:s23], [sflag:$0x12], $0x80, s12, s14, $0xb8;
	[tilespmem:$0x1F700] =	vst v63  }
0x1dd: {  	_ =	swait.ge [sflag:s26], $0x1400  }
0x1de: {  	s24 =	rddreg [dreg:$0x7];
	[sflag:s26] =	ssyncset.done $0x0  }
0x1df: {  	[sflag:s26] =	ssyncadd.s32 $0xFFFFEC00;
	s24 =	sadd.s32 s17, s24  }
0x1e0: {  	[tilespmem:s13], [sflag:$0xA] =	stream.linear.gather [hbm4b:s24+s4], $0x28, $0x38;
	[tilespmem:$0x1F700] =	vst v63  }
0x1e1: {  	s13 =	sadd.s32 $0xFFFFFF88, s16  }
0x1e2: {  	[tilespmem:s19], [sflag:$0x3] =	stream.indirect.gather [hbm4b:s1+s14], $0x80, s13, s14, $0xb8;
	[tilespmem:$0x1F700] =	vst v63  }
0x1e3: {  	s19 =	simm.s32 $0x5  }
0x1e4: {  	_ =	swait.ge [sflag:s19], $0x1400  }
0x1e5: {  	[sflag:s19] =	ssyncset.done $0x0  }
0x1e6: {  	s26 =	simm.s32 $0xC;
	[sflag:s19] =	ssyncadd.s32 $0xFFFFEC00  }
0x1e7: {  	_ =	swait.ge [sflag:s26], $0x28  }
0x1e8: {  	s13 =	simm.s32 $0x7B00;
	[sflag:s26] =	ssyncset.done $0x0  }
0x1e9: {  	s19 =	simm.s32 $0x2980;
	[sflag:s26] =	ssyncadd.s32 $0xFFFFFFD8;
	s26 =	simm.s32 $0x12  }
0x1ea: {  	[spmem:s3] =	stream.indirect.scatter.add.f32 [tilespmem:s13], [sflag:$0x13], $0x80, s19, s14, $0xb8;
	[tilespmem:$0x1F700] =	vst v63  }
0x1eb: {  	_ =	swait.ge [sflag:s26], $0x1400  }
0x1ec: {  	s24 =	rddreg [dreg:$0x6];
	[sflag:s26] =	ssyncset.done $0x0  }
0x1ed: {  	[sflag:s26] =	ssyncadd.s32 $0xFFFFEC00;
	s24 =	sadd.s32 s17, s24  }
0x1ee: {  	[tilespmem:s12], [sflag:$0xB] =	stream.linear.gather [hbm4b:s24+s4], $0x28, $0x38;
	[tilespmem:$0x1F700] =	vst v63  }
0x1ef: {  	s26 =	simm.s32 $0x6;
	s12 =	sadd.s32 $0xFFFFFFB0, s16  }
0x1f0: {  	[tilespmem:s23], [sflag:$0x4] =	stream.indirect.gather [hbm4b:s1+s14], $0x80, s12, s14, $0xb8;
	[tilespmem:$0x1F700] =	vst v63  }
0x1f1: {  	_ =	swait.ge [sflag:s26], $0x1400  }
0x1f2: {  	[sflag:s26] =	ssyncset.done $0x0  }
0x1f3: {  	s23 =	simm.s32 $0xD;
	[sflag:s26] =	ssyncadd.s32 $0xFFFFEC00  }
0x1f4: {  	_ =	swait.ge [sflag:s23], $0x28  }
0x1f5: {  	[sflag:s23] =	ssyncset.done $0x0  }
0x1f6: {  	s24 =	simm.s32 $0x13;
	s12 =	simm.s32 $0x2A00;
	[sflag:s23] =	ssyncadd.s32 $0xFFFFFFD8  }
0x1f7: {  	[spmem:s3] =	stream.indirect.scatter.add.f32 [tilespmem:s21], [sflag:$0x14], $0x80, s12, s14, $0xb8;
	[tilespmem:$0x1F700] =	vst v63  }
0x1f8: {  	_ =	swait.ge [sflag:s24], $0x1400  }
0x1f9: {  	s21 =	rddreg [dreg:$0x5];
	[sflag:s24] =	ssyncset.done $0x0  }
0x1fa: {  	[sflag:s24] =	ssyncadd.s32 $0xFFFFEC00;
	s24 =	sadd.s32 s17, s21  }
0x1fb: {  	[tilespmem:s19], [sflag:$0xC] =	stream.linear.gather [hbm4b:s24+s4], $0x28, $0x38;
	[tilespmem:$0x1F700] =	vst v63  }
0x1fc: {  	s23 =	sadd.s32 $0xFFFFFFD8, s16  }
0x1fd: {  	[tilespmem:s13], [sflag:$0x5] =	stream.indirect.gather [hbm4b:s1+s14], $0x80, s23, s14, $0xb8;
	[tilespmem:$0x1F700] =	vst v63  }
0x1fe: {  	_ =	swait.ge [sflag:s22], $0x1400  }
0x1ff: {  	[sflag:s22] =	ssyncset.done $0x0  }
0x200: {  	[sflag:s22] =	ssyncadd.s32 $0xFFFFEC00  }
0x201: {  	_ =	swait.ge [sflag:s25], $0x28  }
0x202: {  	[sflag:s25] =	ssyncset.done $0x0  }
0x203: {  	p3 =	sne.s32 s15, $0x460;
	[sflag:s25] =	ssyncadd.s32 $0xFFFFFFD8  }
0x204: {  	[spmem:s3] =	stream.indirect.scatter.add.f32 [tilespmem:s20], [sflag:$0x15], $0x80, s5, s14, $0xb8;
	[tilespmem:$0x1F700] =	vst v63  }
.Ltmp6:
0x205: {  	_ = 	snop;
	(pc) =	sbr.rel @p3 .LBB2_10-.Ltmp6, $4  }
0x206: {  	s15 =	sadd.s32 $0x23, s15;
	s11 =	smov.u32 s16;
	_ =	swait.ge [sflag:s28], $0x1400  }
0x207: {  	s16 =	sadd.s32 $0x118, s16;
	s26 =	rddreg [dreg:$0x4];
	[sflag:s28] =	ssyncset.done $0x0  }
0x208: {  	s21 =	simm.s32 $0x2A00;
	[sflag:s28] =	ssyncadd.s32 $0xFFFFEC00;
	s17 =	sadd.s32 s17, s26  }
0x209: {  	[tilespmem:s12], [sflag:$0xD] =	stream.linear.gather [hbm4b:s17+s4], $0x28, $0x38;
	[tilespmem:$0x1F700] =	vst v63  }
0x20a: {  	s12 =	simm.s32 $0x8F00  }
0x20b: {  	[tilespmem:s12], [sflag:$0x6] =	stream.indirect.gather [hbm4b:s1+s14], $0x80, s11, s14, $0xb8;
	[tilespmem:$0x1F700] =	vst v63  }
0x20c: {  	_ =	swait.ge [sflag:s0], $0x1400  }
0x20d: {  	[sflag:s0] =	ssyncset.done $0x0  }
0x20e: {  	[sflag:s0] =	ssyncadd.s32 $0xFFFFEC00  }
0x20f: {  	_ =	swait.ge [sflag:s18], $0x28  }
0x210: {  	[sflag:s18] =	ssyncset.done $0x0  }
0x211: {  	s5 =	simm.s32 $0x2780;
	s15 =	simm.s32 $0x2B00;
	[sflag:s18] =	ssyncadd.s32 $0xFFFFFFD8  }
0x212: {  	[spmem:s3] =	stream.indirect.scatter.add.f32 [tilespmem:s15], [sflag:$0xF], $0x80, s5, s14, $0xb8;
	[tilespmem:$0x1F700] =	vst v63  }
0x213: {  	_ =	swait.ge [sflag:s29], $0x1400  }
0x214: {  	s16 =	sld [smem:$0x7FB]  }
0x215: {  	[sflag:s29] =	ssyncset.done $0x0  }
0x216: {  	s15 =	simm.s32 $0x2A80;
	[sflag:s29] =	ssyncadd.s32 $0xFFFFEC00  }
0x217: {  	[tilespmem:s15], [sflag:$0xE] =	stream.linear.gather [hbm4b:s16+s4], $0x28, $0x38;
	[tilespmem:$0x1F700] =	vst v63  }
0x218: {  	s17 =	simm.s32 $0x2620;
	s20 =	simm.s32 $0xA300  }
0x219: {  	[tilespmem:s20], [sflag:$0x7] =	stream.indirect.gather [hbm4b:s1+s14], $0x80, s17, s14, $0xb8;
	[tilespmem:$0x1F700] =	vst v63  }
0x21a: {  	_ =	swait.ge [sflag:s2], $0x1400  }
0x21b: {  	[sflag:s2] =	ssyncset.done $0x0  }
0x21c: {  	[sflag:s2] =	ssyncadd.s32 $0xFFFFEC00  }
0x21d: {  	_ =	swait.ge [sflag:s6], $0x28  }
0x21e: {  	[sflag:s6] =	ssyncset.done $0x0  }
0x21f: {  	s19 =	simm.s32 $0x2800;
	s23 =	simm.s32 $0x3F00;
	[sflag:s6] =	ssyncadd.s32 $0xFFFFFFD8  }
0x220: {  	[spmem:s3] =	stream.indirect.scatter.add.f32 [tilespmem:s23], [sflag:$0x10], $0x80, s19, s14, $0xb8;
	[tilespmem:$0x1F700] =	vst v63  }
0x221: {  	_ =	swait.ge [sflag:s7], $0x1400  }
0x222: {  	[sflag:s7] =	ssyncset.done $0x0  }
0x223: {  	s13 =	simm.s32 $0x2780;
	s24 =	rddreg [dreg:$0x18];
	[sflag:s7] =	ssyncadd.s32 $0xFFFFEC00  }
0x224: {  	[tilespmem:s13], [sflag:$0x8] =	stream.linear.gather [hbm4b:s24+s4], $0x28, $0x38;
	[tilespmem:$0x1F700] =	vst v63  }
0x225: {  	s26 =	simm.s32 $0x2648;
	s5 =	simm.s32 $0x2B00  }
0x226: {  	[tilespmem:s5], [sflag:$0x1] =	stream.indirect.gather [hbm4b:s1+s14], $0x80, s26, s14, $0xb8;
	[tilespmem:$0x1F700] =	vst v63  }
0x227: {  	_ =	swait.ge [sflag:s8], $0x1400  }
0x228: {  	[sflag:s8] =	ssyncset.done $0x0  }
0x229: {  	[sflag:s8] =	ssyncadd.s32 $0xFFFFEC00  }
0x22a: {  	_ =	swait.ge [sflag:s9], $0x28  }
0x22b: {  	[sflag:s9] =	ssyncset.done $0x0  }
0x22c: {  	s17 =	simm.s32 $0x5300;
	s13 =	simm.s32 $0x2880;
	[sflag:s9] =	ssyncadd.s32 $0xFFFFFFD8  }
0x22d: {  	[spmem:s3] =	stream.indirect.scatter.add.f32 [tilespmem:s17], [sflag:$0x11], $0x80, s13, s14, $0xb8;
	[tilespmem:$0x1F700] =	vst v63  }
0x22e: {  	_ =	swait.ge [sflag:s10], $0x1400  }
0x22f: {  	s19 =	sld [smem:$0x7FC]  }
0x230: {  	[sflag:s10] =	ssyncset.done $0x0  }
0x231: {  	s16 =	simm.s32 $0x2800;
	[sflag:s10] =	ssyncadd.s32 $0xFFFFEC00  }
0x232: {  	[tilespmem:s16], [sflag:$0x9] =	stream.linear.gather [hbm4b:s19+s4], $0x28, $0x38;
	[tilespmem:$0x1F700] =	vst v63  }
0x233: {  	s15 =	simm.s32 $0x3F00;
	s23 =	simm.s32 $0x2670  }
0x234: {  	[tilespmem:s15], [sflag:$0x2] =	stream.indirect.gather [hbm4b:s1+s14], $0x80, s23, s14, $0xb8;
	[tilespmem:$0x1F700] =	vst v63  }
0x235: {  	_ =	swait.ge [sflag:s30], $0x1400  }
0x236: {  	[sflag:s30] =	ssyncset.done $0x0  }
0x237: {  	[sflag:s30] =	ssyncadd.s32 $0xFFFFEC00  }
0x238: {  	_ =	swait.ge [sflag:s31], $0x28  }
0x239: {  	s13 =	simm.s32 $0x6700;
	[sflag:s31] =	ssyncset.done $0x0  }
0x23a: {  	s23 =	simm.s32 $0x2900;
	s15 =	simm.s32 $0x11;
	[sflag:s31] =	ssyncadd.s32 $0xFFFFFFD8  }
0x23b: {  	[spmem:s3] =	stream.indirect.scatter.add.f32 [tilespmem:s13], [sflag:$0x12], $0x80, s23, s14, $0xb8;
	[tilespmem:$0x1F700] =	vst v63  }
0x23c: {  	_ =	swait.ge [sflag:s15], $0x1400  }
0x23d: {  	[sflag:s15] =	ssyncset.done $0x0  }
0x23e: {  	s17 =	simm.s32 $0x2880;
	s24 =	rddreg [dreg:$0x19];
	[sflag:s15] =	ssyncadd.s32 $0xFFFFEC00  }
0x23f: {  	[tilespmem:s17], [sflag:$0xA] =	stream.linear.gather [hbm4b:s24+s4], $0x28, $0x38;
	[tilespmem:$0x1F700] =	vst v63  }
0x240: {  	s5 =	simm.s32 $0x5300;
	s26 =	simm.s32 $0x2698;
	s16 =	simm.s32 $0x5  }
0x241: {  	[tilespmem:s5], [sflag:$0x3] =	stream.indirect.gather [hbm4b:s1+s14], $0x80, s26, s14, $0xb8;
	[tilespmem:$0x1F700] =	vst v63  }
0x242: {  	_ =	swait.ge [sflag:s16], $0x1400  }
0x243: {  	[sflag:s16] =	ssyncset.done $0x0  }
0x244: {  	s17 =	simm.s32 $0xC;
	[sflag:s16] =	ssyncadd.s32 $0xFFFFEC00  }
0x245: {  	_ =	swait.ge [sflag:s17], $0x28  }
0x246: {  	s19 =	simm.s32 $0x7B00;
	[sflag:s17] =	ssyncset.done $0x0  }
0x247: {  	s24 =	simm.s32 $0x12;
	s26 =	simm.s32 $0x2980;
	[sflag:s17] =	ssyncadd.s32 $0xFFFFFFD8  }
0x248: {  	[spmem:s3] =	stream.indirect.scatter.add.f32 [tilespmem:s19], [sflag:$0x13], $0x80, s26, s14, $0xb8;
	[tilespmem:$0x1F700] =	vst v63  }
0x249: {  	_ =	swait.ge [sflag:s24], $0x1400  }
0x24a: {  	s5 =	sld [smem:$0x7FD]  }
0x24b: {  	[sflag:s24] =	ssyncset.done $0x0  }
0x24c: {  	[sflag:s24] =	ssyncadd.s32 $0xFFFFEC00  }
0x24d: {  	[tilespmem:s23], [sflag:$0xB] =	stream.linear.gather [hbm4b:s5+s4], $0x28, $0x38;
	[tilespmem:$0x1F700] =	vst v63  }
0x24e: {  	s11 =	simm.s32 $0x6;
	s5 =	simm.s32 $0x26C0  }
0x24f: {  	[tilespmem:s13], [sflag:$0x4] =	stream.indirect.gather [hbm4b:s1+s14], $0x80, s5, s14, $0xb8;
	[tilespmem:$0x1F700] =	vst v63  }
0x250: {  	_ =	swait.ge [sflag:s11], $0x1400  }
0x251: {  	[sflag:s11] =	ssyncset.done $0x0  }
0x252: {  	[sflag:s11] =	ssyncadd.s32 $0xFFFFEC00;
	s11 =	simm.s32 $0xD  }
0x253: {  	_ =	swait.ge [sflag:s11], $0x28  }
0x254: {  	[sflag:s11] =	ssyncset.done $0x0  }
0x255: {  	[sflag:s11] =	ssyncadd.s32 $0xFFFFFFD8  }
0x256: {  	[spmem:s3] =	stream.indirect.scatter.add.f32 [tilespmem:s12], [sflag:$0x14], $0x80, s21, s14, $0xb8;
	[tilespmem:$0x1F700] =	vst v63  }
0x257: {  	s12 =	simm.s32 $0x13  }
0x258: {  	_ =	swait.ge [sflag:s12], $0x1400  }
0x259: {  	[sflag:s12] =	ssyncset.done $0x0  }
0x25a: {  	s5 =	rddreg [dreg:$0x1a];
	[sflag:s12] =	ssyncadd.s32 $0xFFFFEC00  }
0x25b: {  	[tilespmem:s26], [sflag:$0xC] =	stream.linear.gather [hbm4b:s5+s4], $0x28, $0x38;
	[tilespmem:$0x1F700] =	vst v63  }
0x25c: {  	s21 =	simm.s32 $0x26E8  }
0x25d: {  	[tilespmem:s19], [sflag:$0x5] =	stream.indirect.gather [hbm4b:s1+s14], $0x80, s21, s14, $0xb8;
	[tilespmem:$0x1F700] =	vst v63  }
0x25e: {  	_ =	swait.ge [sflag:s22], $0x1400  }
0x25f: {  	[sflag:s22] =	ssyncset.done $0x0  }
0x260: {  	[sflag:s22] =	ssyncadd.s32 $0xFFFFEC00  }
0x261: {  	_ =	swait.ge [sflag:s25], $0x28  }
0x262: {  	[sflag:s25] =	ssyncset.done $0x0  }
0x263: {  	[sflag:s25] =	ssyncadd.s32 $0xFFFFFFD8;
	s25 =	simm.s32 $0x2A80  }
0x264: {  	[spmem:s3] =	stream.indirect.scatter.add.f32 [tilespmem:s20], [sflag:$0x15], $0x80, s25, s14, $0xb8;
	[tilespmem:$0x1F700] =	vst v63  }
0x265: {  	_ =	swait.ge [sflag:s28], $0x1400  }
0x266: {  	[sflag:s28] =	ssyncset.done $0x0  }
0x267: {  	[sflag:s28] =	ssyncadd.s32 $0xFFFFEC00  }
0x268: {  	_ =	swait.ge [sflag:s0], $0x1400  }
0x269: {  	[sflag:s0] =	ssyncset.done $0x0  }
0x26a: {  	[sflag:s0] =	ssyncadd.s32 $0xFFFFEC00  }
0x26b: {  	_ =	swait.ge [sflag:s18], $0x28  }
0x26c: {  	[sflag:s18] =	ssyncset.done $0x0  }
0x26d: {  	s11 =	simm.s32 $0x2B00;
	s5 =	simm.s32 $0x2780;
	[sflag:s18] =	ssyncadd.s32 $0xFFFFFFD8  }
0x26e: {  	[spmem:s3] =	stream.indirect.scatter.add.f32 [tilespmem:s11], [sflag:$0xF], $0x80, s5, s14, $0xb8;
	[tilespmem:$0x1F700] =	vst v63  }
0x26f: {  	_ =	swait.ge [sflag:s29], $0x1400  }
0x270: {  	[sflag:s29] =	ssyncset.done $0x0  }
0x271: {  	[sflag:s29] =	ssyncadd.s32 $0xFFFFEC00  }
0x272: {  	_ =	swait.ge [sflag:s2], $0x1400  }
0x273: {  	[sflag:s2] =	ssyncset.done $0x0  }
0x274: {  	[sflag:s2] =	ssyncadd.s32 $0xFFFFEC00  }
0x275: {  	_ =	swait.ge [sflag:s6], $0x28  }
0x276: {  	[sflag:s6] =	ssyncset.done $0x0  }
0x277: {  	s20 =	simm.s32 $0x3F00;
	s18 =	simm.s32 $0x2800;
	[sflag:s6] =	ssyncadd.s32 $0xFFFFFFD8  }
0x278: {  	[spmem:s3] =	stream.indirect.scatter.add.f32 [tilespmem:s20], [sflag:$0x10], $0x80, s18, s14, $0xb8;
	[tilespmem:$0x1F700] =	vst v63  }
0x279: {  	_ =	swait.ge [sflag:s7], $0x1400  }
0x27a: {  	[sflag:s7] =	ssyncset.done $0x0  }
0x27b: {  	[sflag:s7] =	ssyncadd.s32 $0xFFFFEC00  }
0x27c: {  	_ =	swait.ge [sflag:s8], $0x1400  }
0x27d: {  	[sflag:s8] =	ssyncset.done $0x0  }
0x27e: {  	[sflag:s8] =	ssyncadd.s32 $0xFFFFEC00  }
0x27f: {  	_ =	swait.ge [sflag:s9], $0x28  }
0x280: {  	[sflag:s9] =	ssyncset.done $0x0  }
0x281: {  	s21 =	simm.s32 $0x2880;
	s22 =	simm.s32 $0x5300;
	[sflag:s9] =	ssyncadd.s32 $0xFFFFFFD8  }
0x282: {  	[spmem:s3] =	stream.indirect.scatter.add.f32 [tilespmem:s22], [sflag:$0x11], $0x80, s21, s14, $0xb8;
	[tilespmem:$0x1F700] =	vst v63  }
0x283: {  	_ =	swait.ge [sflag:s10], $0x1400  }
0x284: {  	[sflag:s10] =	ssyncset.done $0x0  }
0x285: {  	[sflag:s10] =	ssyncadd.s32 $0xFFFFEC00  }
0x286: {  	_ =	swait.ge [sflag:s30], $0x1400  }
0x287: {  	[sflag:s30] =	ssyncset.done $0x0  }
0x288: {  	[sflag:s30] =	ssyncadd.s32 $0xFFFFEC00  }
0x289: {  	_ =	swait.ge [sflag:s31], $0x28  }
0x28a: {  	[sflag:s31] =	ssyncset.done $0x0  }
0x28b: {  	[sflag:s31] =	ssyncadd.s32 $0xFFFFFFD8  }
0x28c: {  	[spmem:s3] =	stream.indirect.scatter.add.f32 [tilespmem:s13], [sflag:$0x12], $0x80, s23, s14, $0xb8;
	[tilespmem:$0x1F700] =	vst v63  }
0x28d: {  	_ =	swait.ge [sflag:s15], $0x1400  }
0x28e: {  	[sflag:s15] =	ssyncset.done $0x0  }
0x28f: {  	[sflag:s15] =	ssyncadd.s32 $0xFFFFEC00  }
0x290: {  	_ =	swait.ge [sflag:s16], $0x1400  }
0x291: {  	[sflag:s16] =	ssyncset.done $0x0  }
0x292: {  	[sflag:s16] =	ssyncadd.s32 $0xFFFFEC00  }
0x293: {  	_ =	swait.ge [sflag:s17], $0x28  }
0x294: {  	[sflag:s17] =	ssyncset.done $0x0  }
0x295: {  	[sflag:s17] =	ssyncadd.s32 $0xFFFFFFD8  }
0x296: {  	[spmem:s3] =	stream.indirect.scatter.add.f32 [tilespmem:s19], [sflag:$0x13], $0x80, s26, s14, $0xb8;
	[tilespmem:$0x1F700] =	vst v63  }
0x297: {  	_ =	swait.ge [sflag:s24], $0x1400  }
0x298: {  	[sflag:s24] =	ssyncset.done $0x0  }
0x299: {  	[sflag:s24] =	ssyncadd.s32 $0xFFFFEC00  }
0x29a: {  	_ =	swait.ge [sflag:s12], $0x1400  }
0x29b: {  	[sflag:s12] =	ssyncset.done $0x0  }
0x29c: {  	[sflag:s12] =	ssyncadd.s32 $0xFFFFEC00  }
0x29d: {  	[bflag:$0x0] =	sbarrier.arrive $0xFFFF  }
0x29e: {  	s23 =	sld [smem:$0x7E1]  }
0x29f: {  	s26 =	sld [smem:$0x7E2];
	_ =	sdelay $0x1  }
0x2a0: {  	s15 =	simm.s32 $0x17;
	s25 =	rddreg [dreg:$0x1e];
	s24 =	sor.u32 $0x1C17, s23  }
0x2a1: {  	[hbm:s25], [sflag:s24] =	dma.local [spmem:s26], $0x2800  }
0x2a2: {  	_ =	swait.ge [sflag:s15], $0x2800  }
0x2a3: {  	s30 =	sld [smem:$0x7E3]  }
0x2a4: {  	s28 =	simm.s32 $0x8F00;
	s0 =	simm.s32 $0x1;
	s31 =	sld [smem:$0x7EF]  }
0x2a5: {  	s29 =	simm.s32 $0x5300;
	s2 =	simm.s32 $0x2;
	s6 =	simm.s32 $0x9  }
0x2a6: {  	s18 =	simm.s32 $0x2A00;
	s7 =	simm.s32 $0xF;
	s5 =	sadd.s32 $0x1, s30  }
0x2a7: {  	s8 =	simm.s32 $0x3;
	s9 =	simm.s32 $0xA;
	p3 =	sne.s32 s5, s31  }
.Ltmp7:
0x2a8: {  	s22 =	simm.s32 $0x2980;
	s21 =	simm.s32 $0x7B00;
	(pc) =	sbr.rel @p3 .LBB2_1-.Ltmp7, $4  }
0x2a9: {  	s10 =	simm.s32 $0x10;
	s13 =	simm.s32 $0x3F00;
	s16 =	simm.s32 $0x2780  }
0x2aa: {  	s17 =	simm.s32 $0x2B00;
	s19 =	simm.s32 $0x2800;
	s12 =	simm.s32 $0x8  }
0x2ab: {  	s23 =	simm.s32 $0x4;
	s26 =	simm.s32 $0x2880;
	[sflag:s15] =	ssyncset.done $0x0  }
0x2ac: {  	s24 =	simm.s32 $0x2900;
	s25 =	simm.s32 $0x6700;
	[sflag:s15] =	ssyncadd.s32 $0xFFFFD800  }
0x2ad: {  	_ =	sfence.sel $0x180000  }
0x2ae: {  	[bflag:$0x0] =	sbarrier.arrive $0xFFFF  }
0x2af: {  	_ =	strace $0x90000047  }
0x2b0: {  	s0 =	stileid.u32;
	[bflag:$0x2] =	sbarrier.arrive $0xFFFF  }
0x2b1: {  	p0 =	sne.s32 s0, $0x0;
	s0 =	rddreg [dreg:$0x3]  }
0x2b2: {  	s0 =	sadd.s32 @!p0 $0x100000, s0  }
0x2b3: {  	[sflag:s0] =	ssyncadd.tile.s32 @!p0 $0x1;
	_ =	shalt  }
.Lfunc_end2:
_tile_overlayer_lowered:
.L_overlay_start_2:
0x2b4: {  	(tag) =	ssettag $0x2  }
0x2b5: {  	s0 =	rddreg [dreg:$0x0];
	s2 =	stileid.u32  }
0x2b6: {  	s1 =	rddreg [dreg:$0x1];
	p0 =	sne.s32 s2, $0x0  }
0x2b7: {  	s3 =	rddreg [dreg:$0x2];
	[bflag:$0x3] =	sbarrier.arrive $0xFFFF;
	s2 =	simm.s32 @!p0 $0x1C17  }
0x2b8: {  	[timem:s3], [sflag:s2] =	dma.local @!p0 [hbm:s0], s1  }
0x2b9: {  	s0 =	simm.s32 @!p0 $0x17  }
0x2ba: {  	_ =	swait.ge @!p0 [sflag:s0], s1  }
0x2bb: {  	s1 =	ssub.s32 @!p0 $0x0, s1;
	[sflag:s0] =	ssyncset.done @!p0 $0x0  }
0x2bc: {  	[sflag:s0] =	ssyncadd.s32 @!p0 s1  }
0x2bd: {  	[bflag:$0x3] =	sbarrier.arrive $0xFFFF  }
0x2be: {  	_ =	shalt  }

// kernel: kernel.9.cloned.1.call-start
scs
__scs_entry_jumppad:
0x0: {  	(pc) =	sbr.rel $0x88, $3  }
0x1: {  	(tag) =	ssettag $0x0;
	lr =	simm.s32 $0x1  }
0x2: {  	[smem:$0x3F8E] =	sst lr;
	_ =	strace $0xD0000000  }
0x3: {  	_ = 	snop  }
0x4: {  	_ = 	snop  }
0x5: {  	_ = 	snop  }
0x6: {  	_ = 	snop  }
0x7: {  	_ = 	snop  }
__scs_overlays_trampoline_lowered:
0x8: {  	[smem:$0x3F9D] =	sst s0  }
0x9: {  	[smem:$0x3F9E] =	sst s1  }
0xa: {  	[smem:$0x3F9F] =	sst s2  }
0xb: {  	[smem:$0x3FA0] =	sst s3  }
0xc: {  	[smem:$0x3FA1] =	sst s4  }
0xd: {  	[smem:$0x3FA2] =	sst s5  }
0xe: {  	[smem:$0x3FA3] =	sst s6  }
0xf: {  	[smem:$0x3FA4] =	sst s7  }
0x10: {  	[smem:$0x3FA5] =	sst s8  }
0x11: {  	[smem:$0x3FA6] =	sst s9;
	s0 =	simm.s32 @!p0 $0x0  }
0x12: {  	s1 =	sld [smem:$0x3F8C];
	s0 =	simm.s32 @p0 $0x1  }
0x13: {  	[smem:$0x3FA7] =	sst s0;
	s0 =	simm.s32 @!p1 $0x0  }
0x14: {  	s2 =	sld [smem:$0x3F8B];
	s0 =	simm.s32 @p1 $0x1  }
0x15: {  	[smem:$0x3FA8] =	sst s0;
	s0 =	simm.s32 @!p2 $0x0  }
0x16: {  	s3 =	sld [smem:$0x3FDB];
	s0 =	simm.s32 @p2 $0x1  }
0x17: {  	s4 =	simm.s32 $0x1BF5;
	[smem:$0x3FAA] =	sst s0  }
0x18: {  	s0 =	sld [smem:$0x3F8D];
	_ =	swait.ge [sflag:s4], $0x0  }
0x19: {  	s7 =	sld [smem:$0x3F8E]  }
0x1a: {  	s8 =	sadd.s32 $0xFFFFE003, lr  }
0x1b: {  	s9 =	sadd.s32 $0xFFFFFEF7, lr;
	s5 =	simm.s32 $0xFFFFFFFF;
	p2 =	slt.u32 s8, $0xFFFFF086  }
0x1c: {  	p1 =	slt.u32 s9, $0xF7A;
	s5 =	simm.s32 @!p2 $0x0  }
0x1d: {  	s5 =	simm.s32 @p1 $0x1;
	p0 =	seq.s32 s7, s2  }
0x1e: {  	s7 =	smul.u32 @!p0 $0xF7A, s2;
	p2 =	seq.s32 @!p0 s5, $0x0  }
0x1f: {  	s9 =	smul.u32 $0xF7A, s1;
	s8 =	simm.s32 @!p0 $0x1BF5;
	p2 =	por !p2, p0  }
0x20: {  	[sflag:s8] =	ssyncset.s32 @!p0 $0xFFFFF086;
	s6 =	sadd.s32 @!p0 s3, s7;
	s7 =	simm.s32 @!p0 $0x108  }
0x21: {  	s3 =	sadd.s32 s3, s9;
	s6 =	sadd.s32 @!p0 $0x88, s6;
	s7 =	simm.s32 @p2 $0x1082  }
0x22: {  	[simem:s7], [sflag:s8] =	dma.local @!p0 [hbm:s6], $0xF7A  }
0x23: {  	s9 =	sor.u32 $0xD0000000, s2;
	s6 =	simm.s32 $0x108;
	_ =	swait.ge @!p0 [sflag:s8], $0x0  }
0x24: {  	s3 =	sadd.s32 $0x88, s3;
	s6 =	simm.s32 @!p1 $0x1082;
	[sflag:s4] =	ssyncset.s32 $0xFFFFF086  }
0x25: {  	[simem:s6], [sflag:s4] =	dma.local [hbm:s3], $0xF7A  }
0x26: {  	[smem:$0x3F8E] =	sst s1;
	(tag) =	ssettag s2;
	_ =	strace s9  }
0x27: {  	s1 =	sld [smem:$0x3F9E]  }
0x28: {  	s2 =	sld [smem:$0x3F9F]  }
0x29: {  	s4 =	sld [smem:$0x3FA1]  }
0x2a: {  	p0 =	seq.s32 s5, $0x0;
	s5 =	sld [smem:$0x3FA2]  }
0x2b: {  	s6 =	sld [smem:$0x3FA3]  }
0x2c: {  	s7 =	sld [smem:$0x3FA4]  }
0x2d: {  	s3 =	simm.s32 $0x108;
	s8 =	sld [smem:$0x3FA5]  }
0x2e: {  	s3 =	simm.s32 @!p0 $0x1082;
	s9 =	sld [smem:$0x3FA6]  }
0x2f: {  	lr =	sadd.s32 s0, s3;
	s0 =	sld [smem:$0x3F9D]  }
0x30: {  	s3 =	sld [smem:$0x3FA0]  }
0x31: {  	[smem:$0x3FA9] =	sst s10  }
0x32: {  	s10 =	sld [smem:$0x3FA7];
	_ =	sdelay $0x3  }
0x33: {  	p0 =	seq.s32 s10, $0x1;
	s10 =	sld [smem:$0x3FA9];
	_ =	sdelay $0x3  }
0x34: {  	[smem:$0x3FA9] =	sst s10  }
0x35: {  	s10 =	sld [smem:$0x3FA8];
	_ =	sdelay $0x3  }
0x36: {  	p1 =	seq.s32 s10, $0x1;
	s10 =	sld [smem:$0x3FA9];
	_ =	sdelay $0x3  }
0x37: {  	[smem:$0x3FA9] =	sst s10  }
0x38: {  	s10 =	sld [smem:$0x3FAA]  }
0x39: {  	_ = 	snop;
	(pc) =	sbr.ind lr, $3  }
0x3a: {  	_ = 	snop  }
0x3b: {  	_ = 	snop  }
0x3c: {  	p2 =	seq.s32 s10, $0x1;
	s10 =	sld [smem:$0x3FA9]  }
0x3d: {  	_ =	shalt  }
0x3e: {  	_ =	shalt  }
0x3f: {  	_ =	shalt  }
0x40: {  	_ =	shalt  }
0x41: {  	_ =	shalt  }
0x42: {  	_ =	shalt  }
0x43: {  	_ =	shalt  }
0x44: {  	_ =	shalt  }
0x45: {  	_ =	shalt  }
0x46: {  	_ =	shalt  }
0x47: {  	_ =	shalt  }
0x48: {  	_ =	shalt  }
0x49: {  	_ =	shalt  }
0x4a: {  	_ =	shalt  }
0x4b: {  	_ =	shalt  }
0x4c: {  	_ =	shalt  }
0x4d: {  	_ =	shalt  }
0x4e: {  	_ =	shalt  }
0x4f: {  	_ =	shalt  }
0x50: {  	_ =	shalt  }
0x51: {  	_ =	shalt  }
0x52: {  	_ =	shalt  }
0x53: {  	_ =	shalt  }
0x54: {  	_ =	shalt  }
0x55: {  	_ =	shalt  }
0x56: {  	_ =	shalt  }
0x57: {  	_ =	shalt  }
0x58: {  	_ =	shalt  }
0x59: {  	_ =	shalt  }
0x5a: {  	_ =	shalt  }
0x5b: {  	_ =	shalt  }
0x5c: {  	_ =	shalt  }
0x5d: {  	_ =	shalt  }
0x5e: {  	_ =	shalt  }
0x5f: {  	_ =	shalt  }
0x60: {  	_ =	shalt  }
0x61: {  	_ =	shalt  }
0x62: {  	_ =	shalt  }
0x63: {  	_ =	shalt  }
0x64: {  	_ =	shalt  }
0x65: {  	_ =	shalt  }
0x66: {  	_ =	shalt  }
0x67: {  	_ =	shalt  }
0x68: {  	_ =	shalt  }
0x69: {  	_ =	shalt  }
0x6a: {  	_ =	shalt  }
0x6b: {  	_ =	shalt  }
0x6c: {  	_ =	shalt  }
0x6d: {  	_ =	shalt  }
0x6e: {  	_ =	shalt  }
0x6f: {  	_ =	shalt  }
0x70: {  	_ =	shalt  }
0x71: {  	_ =	shalt  }
0x72: {  	_ =	shalt  }
0x73: {  	_ =	shalt  }
0x74: {  	_ =	shalt  }
0x75: {  	_ =	shalt  }
0x76: {  	_ =	shalt  }
0x77: {  	_ =	shalt  }
0x78: {  	_ =	shalt  }
0x79: {  	_ =	shalt  }
0x7a: {  	_ =	shalt  }
0x7b: {  	_ =	shalt  }
0x7c: {  	_ =	shalt  }
0x7d: {  	_ =	shalt  }
0x7e: {  	_ =	shalt  }
0x7f: {  	_ =	shalt  }
0x80: {  	_ =	shalt  }
0x81: {  	_ =	shalt  }
0x82: {  	_ =	shalt  }
0x83: {  	_ =	shalt  }
0x84: {  	_ =	shalt  }
0x85: {  	_ =	shalt  }
0x86: {  	_ =	shalt  }
0x87: {  	_ =	shalt  }
.Lfunc_end0:
.L_simem_size_0:
called_computation.1_lowered:
.L_overlay_start_0:
0x88: {  	s2 =	sld [smem:$0x3FD9]  }
0x89: {  	s3 =	sld [smem:$0x3FFE];
	_ =	sdelay $0x1  }
0x8a: {  	s1 =	srdreg.scid  }
0x8b: {  	s0 =	sand.u32 $0x1, s1  }
0x8c: {  	s16 =	sshll.u32 s0, $0xA;
	s2 =	sadd.s32 s3, s2  }
0x8d: {  	s2 =	sadd.s32 s2, s16  }
0x8e: {  	[smem:$0x3FB5] =	sst s2  }
0x8f: {  	_ = 	snop  }
0x90: {  	(tm) =	ssettm $0x1  }
0x91: {  	s17 =	sld [smem:$0x3FFB];
	_ =	sdelay $0x3  }
0x92: {  	_ =	strace s17  }
0x93: {  	s2 =	sld [smem:$0x3FFC];
	_ =	sdelay $0x3  }
0x94: {  	_ =	strace s2  }
0x95: {  	s2 =	sld [smem:$0x3FFD];
	_ =	sdelay $0x3  }
0x96: {  	_ =	strace s2  }
0x97: {  	_ =	strace $0x8FFFFFFF  }
0x98: {  	s18 =	sld [smem:$0x3FDB];
	_ =	sdelay $0x1  }
0x99: {  	s19 =	simm.s32 $_scs_section_size  }
0x9a: {  	s4 =	simm.s32 $_size__tile_overlayer_lowered;
	s5 =	simm.s32 $_tile_overlayer_lowered  }
0x9b: {  	s22 =	simm.s32 $0x1BFF;
	s21 =	sshll.u32 s5, $0x1;
	s2 =	sadd.s32 s19, s18  }
0x9c: {  	s6 =	simm.s32 $0x0;
	s20 =	sshll.u32 s4, $0x1;
	s4 =	sadd.s32 s21, s2  }
0x9d: {  	[timem:s6], [sflag:s22] =	dma.local [hbm:s4], s20  }
0x9e: {  	_ =	swait.ge [sflag:s22], s20  }
0x9f: {  	s3 =	ssub.s32 $0x0, s20;
	[sflag:s22] =	ssyncset.done $0x0  }
0xa0: {  	[sflag:s22] =	ssyncadd.s32 s3;
	_ =	sdelay $0x1  }
0xa1: {  	s23 =	simm.s32 $0x1B8B  }
0xa2: {  	_ =	swait.ge [sflag:s23], $0x1  }
0xa3: {  	[sflag:s23] =	ssyncset.done $0x0  }
0xa4: {  	s25 =	simm.s32 $0x1B8E;
	s24 =	sld [smem:$0x3FFE];
	[sflag:s23] =	ssyncadd.s32 $0xFFFFFFFF  }
0xa5: {  	s26 =	simm.s32 $execute0_lowered;
	[smem:$0x3FD2] =	sst s25  }
0xa6: {  	s4 =	sshll.u32 s26, $0x1;
	_ =	strace $0x80000049;
	[dreg:$0x1] =	wrdreg $0xFFFFFFFF  }
0xa7: {  	s28 =	simm.s32 $_size_execute0_lowered;
	s2 =	sadd.s32 s2, s4;
	[dreg:$0x0] =	wrdreg $0x0  }
0xa8: {  	s4 =	sshll.u32 s28, $0x1;
	[dreg:$0x2] =	wrdreg s2  }
0xa9: {  	[dreg:$0x3] =	wrdreg s4  }
0xaa: {  	[dreg:$0x4] =	wrdreg $0xC0  }
0xab: {  	_ =	task [dreg:s6], $0x5FFFF  }
0xac: {  	[dreg:$0x1] =	wrdreg $0xFFFFFFFF  }
0xad: {  	[dreg:$0x0] =	wrdreg $0x60  }
0xae: {  	[dreg:$0x2] =	wrdreg s24  }
0xaf: {  	[dreg:$0x3] =	wrdreg $0xB7000  }
0xb0: {  	[dreg:$0x4] =	wrdreg $0x9  }
0xb1: {  	_ =	task.clear_ibuf [dreg:s6], $0x5FFFF;
	_ =	strace $0x90000049  }
0xb2: {  	s29 =	simm.s32 $0x9;
	_ =	strace $0x8000004B  }
0xb3: {  	_ =	swait.ge [sflag:s29], $0x1  }
0xb4: {  	[sflag:s29] =	ssyncadd.s32 $0xFFFFFFFF  }
0xb5: {  	_ =	strace $0x9000004B  }
0xb6: {  	_ =	sfence  }
0xb7: {  	s30 =	sld [smem:$0x0];
	_ =	sdelay $0x2  }
0xb8: {  	s31 =	sshll.u32 s1, $0xD;
	s1 =	sshrl.u32 s1, $0x2  }
0xb9: {  	s3 =	sand.u32 $0x4000, s31;
	s1 =	sadd.s32 s1, s30  }
0xba: {  	s0 =	sor.u32 s3, s0;
	s1 =	sshll.u32 s1, $0x11  }
0xbb: {  	s0 =	sor.u32 s1, s0  }
0xbc: {  	s0 =	sadd.s32 $0x8F2B, s0  }
0xbd: {  	[sflag:s0] =	ssyncadd.remote.s32 $0x1  }
0xbe: {  	_ =	sfence.sel $0xFFFF  }
0xbf: {  	[dreg:$0x0] =	wrdreg $0xFFFFFFFF;
	(pc) =	sbr.abs _section_cstart, $3  }
0xc0: {  	[dreg:$0x1] =	wrdreg $0xFFFFFFFF  }
0xc1: {  	_ =	task.clear_ibuf [dreg:s6], $0x2FFFF;
	_ =	strace $0x9FFFFFFF  }
0xc2: {  	(tm) =	ssettm $0x7FFFFFFF  }
0xc3: {  	_ =	shalt  }
tec
execute0_lowered:
.L_overlay_start_1:
0x0: {  	(tag) =	ssettag $0x1  }
0x1: {  	s1 =	srdreg.scid;
	s12 =	stileid.u32  }
0x2: {  	s0 =	rddreg [dreg:$0x0];
	s9 =	sand.u32 $0x1, s1;
	s1 =	smul.u32 $0x2800, s12  }
0x3: {  	s2 =	rddreg [dreg:$0x1];
	s3 =	simm.s32 $0x0;
	s22 =	smul.u32 $0x50000, s12  }
0x4: {  	[smem:$0x7FF] =	sst s3;
	s7 =	sadd.s32 $0x3000, s0;
	s23 =	smul.u32 $0x2710, s12  }
0x5: {  	p1 =	sne.s32 s12, $0xF;
	s4 =	sshll.u32 s9, $0x4;
	s5 =	smul.u32 $0x28000, s9  }
0x6: {  	_ =	strace $0x8000004A;
	s15 =	ssub.s32 $0x2, s9;
	p0 =	seq.s32 s9, $0x0  }
0x7: {  	s9 =	smul.u32 $0x27100, s9;
	s4 =	sor.u32 s12, s4;
	s11 =	sshrl.u32 s15, $0x1  }
0x8: {  	s8 =	smul.u32 $0x2710, s4;
	s4 =	sadd.s32 $0x16A00, s0;
	s5 =	sadd.s32 s1, s5  }
0x9: {  	s9 =	sadd.s32 s23, s9;
	s6 =	sadd.s32 s5, s0;
	s5 =	ssub.s32 s15, s11  }
0xa: {  	s26 =	sadd.s32 $0x4E4F8, s9;
	s0 =	sadd.s32 $0x3C200, s0;
	s10 =	sshrl.u32 s8, $0x3  }
0xb: {  	s16 =	sadd.s32 $0x4E228, s8;
	s15 =	sshrl.u32 s26, $0x3;
	[dreg:$0x1b] =	wrdreg s0  }
0xc: {  	s13 =	sadd.s32 s7, s10;
	s10 =	sshrl.u32 s16, $0x3;
	s16 =	sadd.s32 s15, s7  }
0xd: {  	p2 =	seq.s32 s12, $0xF;
	s18 =	sadd.s32 $0x4E278, s8;
	[dreg:$0x3] =	wrdreg s16  }
0xe: {  	s19 =	sadd.s32 $0x4E2C8, s8;
	s17 =	sadd.s32 $0x9C40, s13;
	[dreg:$0xa] =	wrdreg s13  }
0xf: {  	s24 =	sadd.s32 $0x4E318, s8;
	s10 =	sadd.s32 s7, s10;
	[dreg:$0xb] =	wrdreg s17  }
0x10: {  	s25 =	sadd.s32 $0x4E368, s8;
	s14 =	sadd.s32 $0x9C4A, s13;
	[dreg:$0xc] =	wrdreg s10  }
0x11: {  	s11 =	sshrl.u32 s19, $0x3;
	s20 =	sadd.s32 $0x9C54, s13;
	[dreg:$0xd] =	wrdreg s14  }
0x12: {  	s15 =	sadd.s32 $0x50848, s8;
	s21 =	sadd.s32 s7, s11;
	[dreg:$0xf] =	wrdreg s20  }
0x13: {  	s16 =	sadd.s32 $0x50898, s8;
	s10 =	sshrl.u32 s18, $0x3;
	[dreg:$0x10] =	wrdreg s21  }
0x14: {  	s20 =	sadd.s32 $0x4E3B8, s8;
	s8 =	sadd.s32 $0x508E8, s8;
	s10 =	sadd.s32 s7, s10  }
0x15: {  	s12 =	sshrl.u32 s20, $0x3;
	s20 =	sadd.s32 $0x3DC00, s6;
	[dreg:$0xe] =	wrdreg s10  }
0x16: {  	s8 =	sshrl.u32 s8, $0x3;
	s12 =	sadd.s32 s7, s12;
	[dreg:$0x1d] =	wrdreg s20  }
0x17: {  	s30 =	simm.s32 $0x2800;
	s8 =	sadd.s32 s7, s8;
	[dreg:$0x15] =	wrdreg s12  }
0x18: {  	s10 =	sshrl.u32 s22, $0x2;
	s20 =	sadd.s32 $0x9C5E, s13;
	[dreg:$0x18] =	wrdreg s8  }
0x19: {  	s29 =	simm.s32 $0x3F00;
	s14 =	sadd.s32 s10, s2;
	[smem:$0x7F7] =	sst s20  }
0x1a: {  	s17 =	sadd.s32 $0x4E4D0, s9;
	s12 =	smax.u32 s5, $0x1;
	[dreg:$0x11] =	wrdreg s14  }
0x1b: {  	s18 =	sshrl.u32 s17, $0x3;
	s10 =	sadd.s32 $0x1400, s14;
	[smem:$0x7EF] =	sst s12  }
0x1c: {  	s22 =	sadd.s32 $0x4E480, s9;
	s17 =	sadd.s32 $0x2800, s14;
	[dreg:$0x12] =	wrdreg s10  }
0x1d: {  	s23 =	sshrl.u32 s22, $0x3;
	s22 =	sadd.s32 $0x6400, s14;
	[dreg:$0x19] =	wrdreg s17  }
0x1e: {  	s28 =	simm.s32 $0x5300;
	s6 =	sadd.s32 $0xDC00, s14;
	[dreg:$0x1f] =	wrdreg s22  }
0x1f: {  	s31 =	simm.s32 $0xB;
	s8 =	sadd.s32 $0x10400, s14;
	[smem:$0x7EA] =	sst s6  }
0x20: {  	p1 =	por !p0, !p1;
	[smem:$0x7EC] =	sst s8;
	s17 =	sadd.s32 $0x13D800, s2  }
0x21: {  	s10 =	sshrl.u32 s24, $0x3;
	s22 =	sadd.s32 $0x9C72, s13;
	[smem:$0x7F4] =	sst s17  }
0x22: {  	s11 =	sshrl.u32 s25, $0x3;
	s10 =	sadd.s32 s7, s10;
	[smem:$0x7F9] =	sst s22  }
0x23: {  	s19 =	sadd.s32 $0x4E4A8, s9;
	[dreg:$0x13] =	wrdreg s10;
	s10 =	sadd.s32 s7, s11  }
0x24: {  	s11 =	sshrl.u32 s19, $0x3;
	s19 =	sadd.s32 s4, s1;
	[dreg:$0x14] =	wrdreg s10  }
0x25: {  	p2 =	por !p0, !p2;
	s1 =	sadd.s32 $0xC800, s14;
	[dreg:$0x1c] =	wrdreg s19  }
0x26: {  	p1 =	por !p1, !p1;
	s10 =	sadd.s32 s18, s7;
	[smem:$0x7E9] =	sst s1  }
0x27: {  	p2 =	por !p2, !p2;
	s21 =	sadd.s32 s11, s7;
	[dreg:$0x4] =	wrdreg s10  }
0x28: {  	s24 =	sadd.s32 $0x4E458, s9;
	s18 =	sadd.s32 $0x3C00, s14;
	[dreg:$0x5] =	wrdreg s21  }
0x29: {  	s11 =	sshrl.u32 s24, $0x3;
	s24 =	sadd.s32 $0x8C00, s14;
	[dreg:$0x1a] =	wrdreg s18  }
0x2a: {  	s26 =	sadd.s32 $0x4E430, s9;
	s19 =	sadd.s32 $0x13EC00, s2;
	[smem:$0x7E6] =	sst s24  }
0x2b: {  	s20 =	simm.s32 $0xA300;
	s10 =	sadd.s32 s23, s7;
	[smem:$0x7F6] =	sst s19  }
0x2c: {  	s5 =	simm.s32 $0x0;
	s25 =	sadd.s32 s11, s7;
	[dreg:$0x6] =	wrdreg s10  }
0x2d: {  	s12 =	simm.s32 $0x1;
	s21 =	sadd.s32 $0x5000, s14;
	[dreg:$0x7] =	wrdreg s25  }
0x2e: {  	s9 =	sadd.s32 $0x4E408, s9;
	s23 =	sadd.s32 $0x7800, s14;
	[dreg:$0x1e] =	wrdreg s21  }
0x2f: {  	s11 =	sshrl.u32 s26, $0x3;
	s26 =	sadd.s32 $0xB400, s14;
	[smem:$0x7E5] =	sst s23  }
0x30: {  	s6 =	simm.s32 $0x9;
	s18 =	sadd.s32 $0x13B000, s2;
	[smem:$0x7E8] =	sst s26  }
0x31: {  	s8 =	simm.s32 $0x3;
	s24 =	sadd.s32 $0xA104, s13;
	[smem:$0x7F5] =	sst s18  }
0x32: {  	s9 =	sshrl.u32 s9, $0x3;
	s11 =	sadd.s32 s11, s7;
	[smem:$0x7FB] =	sst s24  }
0x33: {  	s17 =	simm.s32 $0x2980;
	s25 =	sadd.s32 $0xA000, s14;
	[dreg:$0x8] =	wrdreg s11  }
0x34: {  	s10 =	sshrl.u32 s15, $0x3;
	s15 =	sadd.s32 $0x139C00, s2;
	[smem:$0x7E7] =	sst s25  }
0x35: {  	s22 =	simm.s32 $0x7B00;
	s21 =	sadd.s32 $0x9C68, s13;
	[smem:$0x7F1] =	sst s15  }
0x36: {  	s1 =	simm.s32 $0x2;
	s23 =	sadd.s32 $0x9C7C, s13;
	[smem:$0x7F8] =	sst s21  }
0x37: {  	s26 =	sadd.s32 $0xA118, s13;
	s24 =	simm.s32 $0x2900;
	[smem:$0x7FA] =	sst s23  }
0x38: {  	s18 =	simm.s32 $0x2A00;
	s10 =	sadd.s32 s7, s10;
	[smem:$0x7FD] =	sst s26  }
0x39: {  	s11 =	sadd.s32 $0x12C000, s2;
	s25 =	sadd.s32 $0xA10E, s13;
	[dreg:$0x16] =	wrdreg s10  }
0x3a: {  	s15 =	simm.s32 $0x2780;
	s0 =	sshrl.u32 s11, $0x3;
	[smem:$0x7FC] =	sst s25  }
0x3b: {  	s10 =	sshrl.u32 s16, $0x3;
	s16 =	sadd.s32 $0x13C400, s2;
	[smem:$0x7F2] =	sst s0  }
0x3c: {  	s21 =	simm.s32 $0x28;
	s10 =	sadd.s32 s7, s10;
	[smem:$0x7F3] =	sst s16  }
0x3d: {  	s26 =	simm.s32 $0x8F00;
	s7 =	sadd.s32 s9, s7;
	[dreg:$0x17] =	wrdreg s10  }
0x3e: {  	s13 =	simm.s32 $0x8;
	s9 =	sadd.s32 $0x11800, s14;
	[dreg:$0x9] =	wrdreg s7  }
0x3f: {  	s23 =	simm.s32 $0x4;
	s7 =	sadd.s32 $0xF000, s14;
	[smem:$0x7ED] =	sst s9  }
0x40: {  	s25 =	simm.s32 $0x2880;
	s10 =	sadd.s32 $0x12C00, s14;
	[smem:$0x7EB] =	sst s7  }
0x41: {  	s16 =	simm.s32 $0x2B00;
	s14 =	sadd.s32 $0x138800, s2;
	[smem:$0x7EE] =	sst s10  }
0x42: {  	s0 =	simm.s32 $0x6700;
	s9 =	simm.s32 $0xA;
	[smem:$0x7F0] =	sst s14  }
0x43: {  	v0 =	vimm.f32 $0.0e+00;
	s14 =	simm.s32 $0x17;
	s7 =	simm.s32 $0xF;
	s10 =	simm.s32 $0x10  }
.LBB2_1:
0x44: {  	[smem:$0x7E4] =	sst s5  }
0x45: {  	s11 =	rddreg [dreg:$0xa]  }
0x46: {  	[tilespmem:s3], [sflag:$0x17] =	stream.linear.gather [hbm4b:s11+s3], $0x2710, $0x38;
	[tilespmem:$0x1F700] =	vst v63  }
0x47: {  	_ =	swait.ge [sflag:s14], $0x2710  }
0x48: {  	[sflag:s14] =	ssyncset.done $0x0  }
0x49: {  	s19 =	rddreg [dreg:$0xb];
	[sflag:s14] =	ssyncadd.s32 $0xFFFFD8F0  }
0x4a: {  	[tilespmem:s15], [sflag:$0x8] =	stream.linear.gather [hbm4b:s19+s3], $0x28, $0x38;
	[tilespmem:$0x1F700] =	vst v63  }
0x4b: {  	_ = 	snop  }
0x4c: {  	[tilespmem:s16], [sflag:$0x1] =	stream.indirect.gather [hbm4b:s4+s21], $0x80, s3, s21, $0xb8;
	[tilespmem:$0x1F700] =	vst v63  }
0x4d: {  	s5 =	rddreg [dreg:$0xc]  }
0x4e: {  	[tilespmem:s30], [sflag:$0x9] =	stream.linear.gather [hbm4b:s5+s3], $0x28, $0x38;
	[tilespmem:$0x1F700] =	vst v63  }
0x4f: {  	_ = 	snop  }
0x50: {  	[tilespmem:s29], [sflag:$0x2] =	stream.indirect.gather [hbm4b:s4+s21], $0x80, s21, s21, $0xb8;
	[tilespmem:$0x1F700] =	vst v63  }
0x51: {  	s14 =	rddreg [dreg:$0xd]  }
0x52: {  	[tilespmem:s25], [sflag:$0xA] =	stream.linear.gather [hbm4b:s14+s3], $0x28, $0x38;
	[tilespmem:$0x1F700] =	vst v63  }
0x53: {  	s19 =	simm.s32 $0x50  }
0x54: {  	[tilespmem:s28], [sflag:$0x3] =	stream.indirect.gather [hbm4b:s4+s21], $0x80, s19, s21, $0xb8;
	[tilespmem:$0x1F700] =	vst v63  }
0x55: {  	s5 =	rddreg [dreg:$0xe]  }
0x56: {  	[tilespmem:s24], [sflag:$0xB] =	stream.linear.gather [hbm4b:s5+s3], $0x28, $0x38;
	[tilespmem:$0x1F700] =	vst v63  }
0x57: {  	s14 =	simm.s32 $0x78  }
0x58: {  	[tilespmem:s0], [sflag:$0x4] =	stream.indirect.gather [hbm4b:s4+s21], $0x80, s14, s21, $0xb8;
	[tilespmem:$0x1F700] =	vst v63  }
0x59: {  	s19 =	rddreg [dreg:$0xf]  }
0x5a: {  	[tilespmem:s17], [sflag:$0xC] =	stream.linear.gather [hbm4b:s19+s3], $0x28, $0x38;
	[tilespmem:$0x1F700] =	vst v63  }
0x5b: {  	s5 =	simm.s32 $0xA0  }
0x5c: {  	[tilespmem:s22], [sflag:$0x5] =	stream.indirect.gather [hbm4b:s4+s21], $0x80, s5, s21, $0xb8;
	[tilespmem:$0x1F700] =	vst v63  }
0x5d: {  	s14 =	rddreg [dreg:$0x10]  }
0x5e: {  	[tilespmem:s18], [sflag:$0xD] =	stream.linear.gather [hbm4b:s14+s3], $0x28, $0x38;
	[tilespmem:$0x1F700] =	vst v63  }
0x5f: {  	s11 =	simm.s32 $0x0;
	s19 =	simm.s32 $0xC8;
	s14 =	simm.s32 $0x200  }
0x60: {  	[tilespmem:s26], [sflag:$0x6] =	stream.indirect.gather [hbm4b:s4+s21], $0x80, s19, s21, $0xb8;
	[tilespmem:$0x1F700] =	vst v63  }
.LBB2_2:
0x61: {  	p3 =	sne.s32 s14, $0x4E00;
	[tilespmem:s11+$0xA370] =	vst v0  }
0x62: {  	[tilespmem:s11+$0xA300] =	vst v0  }
0x63: {  	[tilespmem:s11+$0xA310] =	vst v0  }
.Ltmp0:
0x64: {  	[tilespmem:s11+$0xA320] =	vst v0;
	(pc) =	sbr.rel @p3 .LBB2_2-.Ltmp0, $4  }
0x65: {  	[tilespmem:s11+$0xA330] =	vst v0  }
0x66: {  	[tilespmem:s11+$0xA340] =	vst v0  }
0x67: {  	[tilespmem:s11+$0xA350] =	vst v0  }
0x68: {  	[tilespmem:s11+$0xA360] =	vst v0;
	s11 =	sshra.s32 s14, $0x2;
	s14 =	sadd.s32 $0x200, s14  }
0x69: {  	[tilespmem:s11+$0xA370] =	vst v0  }
0x6a: {  	[tilespmem:s11+$0xA300] =	vst v0  }
0x6b: {  	[tilespmem:s11+$0xA310] =	vst v0  }
.Ltmp1:
0x6c: {  	[tilespmem:s11+$0xA320] =	vst v0;
	(pc) =	sbr.rel @!p1 .LBB2_5-.Ltmp1, $4  }
0x6d: {  	[tilespmem:s11+$0xA330] =	vst v0;
	s14 =	stileid.u32  }
0x6e: {  	[tilespmem:s11+$0xA340] =	vst v0;
	s19 =	rddreg [dreg:$0x11];
	s5 =	sshll.u32 s14, $0x6  }
0x6f: {  	[tilespmem:s11+$0xA350] =	vst v0;
	s19 =	sshrl.u32 s19, $0x3;
	[smem:$0x7E2] =	sst s5  }
0x70: {  	[tilespmem:s11+$0xA360] =	vst v0;
	[smem:$0x7E3] =	sst s19  }
0x71: {  	s11 =	sor.u32 $0x1C16, s5;
	s14 =	rddreg [dreg:$0x1c]  }
0x72: {  	[spmem:s19], [sflag:s11] =	dma.local [hbm:s14], $0x2800  }
.Ltmp2:
0x73: {  	_ = 	snop;
	(pc) =	sbr.rel .LBB2_9-.Ltmp2, $4  }
0x74: {  	s19 =	simm.s32 $0x16  }
0x75: {  	_ =	swait.ge [sflag:s19], $0x2800  }
0x76: {  	[sflag:s19] =	ssyncset.done $0x0  }
0x77: {  	[sflag:s19] =	ssyncadd.s32 $0xFFFFD800  }
.LBB2_5:
.Ltmp3:
0x78: {  	(pc) =	sbr.rel @!p2 .LBB2_7-.Ltmp3, $1  }
0x79: {  	_ =	sdelay $0x3  }
0x7a: {  	s14 =	sld [smem:$0x7F2];
	_ =	sdelay $0x1  }
0x7b: {  	s11 =	rddreg [dreg:$0x1b];
	s5 =	simm.s32 $0x1FD6  }
0x7c: {  	[spmem:s14], [sflag:s5] =	dma.local [hbm:s11], $0x1900  }
0x7d: {  	s11 =	sld [smem:$0x7F0];
	_ =	sdelay $0x1  }
0x7e: {  	s5 =	sld [smem:$0x7F1]  }
0x7f: {  	[spmem:s11] =	stream.linear.scatter [tilespmem:s20], [sflag:$0x16], $0x1400, $0x38;
	[tilespmem:$0x1F700] =	vst v63  }
0x80: {  	s14 =	sld [smem:$0x7F5]  }
0x81: {  	[spmem:s5] =	stream.linear.scatter [tilespmem:s20], [sflag:$0x16], $0x1400, $0x38;
	[tilespmem:$0x1F700] =	vst v63  }
0x82: {  	s19 =	sld [smem:$0x7F3]  }
0x83: {  	[spmem:s14] =	stream.linear.scatter [tilespmem:s20], [sflag:$0x16], $0x1400, $0x38;
	[tilespmem:$0x1F700] =	vst v63  }
0x84: {  	s5 =	sld [smem:$0x7F4]  }
0x85: {  	[spmem:s19] =	stream.linear.scatter [tilespmem:s20], [sflag:$0x16], $0x1400, $0x38;
	[tilespmem:$0x1F700] =	vst v63  }
0x86: {  	s14 =	sld [smem:$0x7F6]  }
0x87: {  	[spmem:s5] =	stream.linear.scatter [tilespmem:s20], [sflag:$0x16], $0x1400, $0x38;
	[tilespmem:$0x1F700] =	vst v63  }
0x88: {  	s19 =	simm.s32 $0x16  }
0x89: {  	[spmem:s14] =	stream.linear.scatter [tilespmem:s20], [sflag:$0x16], $0x1400, $0x38;
	[tilespmem:$0x1F700] =	vst v63  }
0x8a: {  	_ =	swait.ge [sflag:s19], $0x1900  }
0x8b: {  	[sflag:s19] =	ssyncset.done $0x0  }
0x8c: {  	[sflag:s19] =	ssyncadd.s32 $0xFFFFE700  }
0x8d: {  	_ =	swait.ge [sflag:s19], $0x1400  }
0x8e: {  	[sflag:s19] =	ssyncset.done $0x0  }
0x8f: {  	[sflag:s19] =	ssyncadd.s32 $0xFFFFEC00  }
0x90: {  	_ =	swait.ge [sflag:s19], $0x1400  }
0x91: {  	[sflag:s19] =	ssyncset.done $0x0  }
0x92: {  	[sflag:s19] =	ssyncadd.s32 $0xFFFFEC00  }
0x93: {  	_ =	swait.ge [sflag:s19], $0x1400  }
0x94: {  	[sflag:s19] =	ssyncset.done $0x0  }
0x95: {  	[sflag:s19] =	ssyncadd.s32 $0xFFFFEC00  }
0x96: {  	_ =	swait.ge [sflag:s19], $0x1400  }
0x97: {  	[sflag:s19] =	ssyncset.done $0x0  }
0x98: {  	[sflag:s19] =	ssyncadd.s32 $0xFFFFEC00  }
0x99: {  	_ =	swait.ge [sflag:s19], $0x1400  }
.Ltmp4:
0x9a: {  	[sflag:s19] =	ssyncset.done $0x0;
	(pc) =	sbr.rel .LBB2_9-.Ltmp4, $4  }
0x9b: {  	[sflag:s19] =	ssyncadd.s32 $0xFFFFEC00  }
0x9c: {  	_ =	swait.ge [sflag:s19], $0x1400  }
0x9d: {  	[sflag:s19] =	ssyncset.done $0x0  }
0x9e: {  	[sflag:s19] =	ssyncadd.s32 $0xFFFFEC00  }
.LBB2_7:
.Ltmp5:
0x9f: {  	(pc) =	sbr.rel @p0 .LBB2_9-.Ltmp5, $1  }
0xa0: {  	_ =	sdelay $0x3  }
0xa1: {  	s11 =	rddreg [dreg:$0x11]  }
0xa2: {  	s5 =	rddreg [dreg:$0x12]  }
0xa3: {  	[spmem:s11] =	stream.linear.scatter [tilespmem:s20], [sflag:$0x16], $0x1400, $0x38;
	[tilespmem:$0x1F700] =	vst v63  }
0xa4: {  	s14 =	rddreg [dreg:$0x19]  }
0xa5: {  	[spmem:s5] =	stream.linear.scatter [tilespmem:s20], [sflag:$0x16], $0x1400, $0x38;
	[tilespmem:$0x1F700] =	vst v63  }
0xa6: {  	s19 =	rddreg [dreg:$0x1a]  }
0xa7: {  	[spmem:s14] =	stream.linear.scatter [tilespmem:s20], [sflag:$0x16], $0x1400, $0x38;
	[tilespmem:$0x1F700] =	vst v63  }
0xa8: {  	s5 =	rddreg [dreg:$0x1e]  }
0xa9: {  	[spmem:s19] =	stream.linear.scatter [tilespmem:s20], [sflag:$0x16], $0x1400, $0x38;
	[tilespmem:$0x1F700] =	vst v63  }
0xaa: {  	s14 =	rddreg [dreg:$0x1f]  }
0xab: {  	[spmem:s5] =	stream.linear.scatter [tilespmem:s20], [sflag:$0x16], $0x1400, $0x38;
	[tilespmem:$0x1F700] =	vst v63  }
0xac: {  	s19 =	sld [smem:$0x7E5]  }
0xad: {  	[spmem:s14] =	stream.linear.scatter [tilespmem:s20], [sflag:$0x16], $0x1400, $0x38;
	[tilespmem:$0x1F700] =	vst v63  }
0xae: {  	s5 =	sld [smem:$0x7E6]  }
0xaf: {  	[spmem:s19] =	stream.linear.scatter [tilespmem:s20], [sflag:$0x16], $0x1400, $0x38;
	[tilespmem:$0x1F700] =	vst v63  }
0xb0: {  	s14 =	sld [smem:$0x7E7]  }
0xb1: {  	[spmem:s5] =	stream.linear.scatter [tilespmem:s20], [sflag:$0x16], $0x1400, $0x38;
	[tilespmem:$0x1F700] =	vst v63  }
0xb2: {  	s19 =	sld [smem:$0x7E8]  }
0xb3: {  	[spmem:s14] =	stream.linear.scatter [tilespmem:s20], [sflag:$0x16], $0x1400, $0x38;
	[tilespmem:$0x1F700] =	vst v63  }
0xb4: {  	s5 =	sld [smem:$0x7E9]  }
0xb5: {  	[spmem:s19] =	stream.linear.scatter [tilespmem:s20], [sflag:$0x16], $0x1400, $0x38;
	[tilespmem:$0x1F700] =	vst v63  }
0xb6: {  	s14 =	sld [smem:$0x7EA]  }
0xb7: {  	[spmem:s5] =	stream.linear.scatter [tilespmem:s20], [sflag:$0x16], $0x1400, $0x38;
	[tilespmem:$0x1F700] =	vst v63  }
0xb8: {  	s19 =	sld [smem:$0x7EB]  }
0xb9: {  	[spmem:s14] =	stream.linear.scatter [tilespmem:s20], [sflag:$0x16], $0x1400, $0x38;
	[tilespmem:$0x1F700] =	vst v63  }
0xba: {  	s5 =	sld [smem:$0x7EC]  }
0xbb: {  	[spmem:s19] =	stream.linear.scatter [tilespmem:s20], [sflag:$0x16], $0x1400, $0x38;
	[tilespmem:$0x1F700] =	vst v63  }
0xbc: {  	s14 =	sld [smem:$0x7ED]  }
0xbd: {  	[spmem:s5] =	stream.linear.scatter [tilespmem:s20], [sflag:$0x16], $0x1400, $0x38;
	[tilespmem:$0x1F700] =	vst v63  }
0xbe: {  	s19 =	sld [smem:$0x7EE]  }
0xbf: {  	[spmem:s14] =	stream.linear.scatter [tilespmem:s20], [sflag:$0x16], $0x1400, $0x38;
	[tilespmem:$0x1F700] =	vst v63  }
0xc0: {  	s5 =	simm.s32 $0x16  }
0xc1: {  	[spmem:s19] =	stream.linear.scatter [tilespmem:s20], [sflag:$0x16], $0x1400, $0x38;
	[tilespmem:$0x1F700] =	vst v63  }
0xc2: {  	_ =	swait.ge [sflag:s5], $0x1400  }
0xc3: {  	[sflag:s5] =	ssyncset.done $0x0  }
0xc4: {  	[sflag:s5] =	ssyncadd.s32 $0xFFFFEC00  }
0xc5: {  	_ =	swait.ge [sflag:s5], $0x1400  }
0xc6: {  	[sflag:s5] =	ssyncset.done $0x0  }
0xc7: {  	[sflag:s5] =	ssyncadd.s32 $0xFFFFEC00  }
0xc8: {  	_ =	swait.ge [sflag:s5], $0x1400  }
0xc9: {  	[sflag:s5] =	ssyncset.done $0x0  }
0xca: {  	[sflag:s5] =	ssyncadd.s32 $0xFFFFEC00  }
0xcb: {  	_ =	swait.ge [sflag:s5], $0x1400  }
0xcc: {  	[sflag:s5] =	ssyncset.done $0x0  }
0xcd: {  	[sflag:s5] =	ssyncadd.s32 $0xFFFFEC00  }
0xce: {  	_ =	swait.ge [sflag:s5], $0x1400  }
0xcf: {  	[sflag:s5] =	ssyncset.done $0x0  }
0xd0: {  	[sflag:s5] =	ssyncadd.s32 $0xFFFFEC00  }
0xd1: {  	_ =	swait.ge [sflag:s5], $0x1400  }
0xd2: {  	[sflag:s5] =	ssyncset.done $0x0  }
0xd3: {  	[sflag:s5] =	ssyncadd.s32 $0xFFFFEC00  }
0xd4: {  	_ =	swait.ge [sflag:s5], $0x1400  }
0xd5: {  	[sflag:s5] =	ssyncset.done $0x0  }
0xd6: {  	[sflag:s5] =	ssyncadd.s32 $0xFFFFEC00  }
0xd7: {  	_ =	swait.ge [sflag:s5], $0x1400  }
0xd8: {  	[sflag:s5] =	ssyncset.done $0x0  }
0xd9: {  	[sflag:s5] =	ssyncadd.s32 $0xFFFFEC00  }
0xda: {  	_ =	swait.ge [sflag:s5], $0x1400  }
0xdb: {  	[sflag:s5] =	ssyncset.done $0x0  }
0xdc: {  	[sflag:s5] =	ssyncadd.s32 $0xFFFFEC00  }
0xdd: {  	_ =	swait.ge [sflag:s5], $0x1400  }
0xde: {  	[sflag:s5] =	ssyncset.done $0x0  }
0xdf: {  	[sflag:s5] =	ssyncadd.s32 $0xFFFFEC00  }
0xe0: {  	_ =	swait.ge [sflag:s5], $0x1400  }
0xe1: {  	[sflag:s5] =	ssyncset.done $0x0  }
0xe2: {  	[sflag:s5] =	ssyncadd.s32 $0xFFFFEC00  }
0xe3: {  	_ =	swait.ge [sflag:s5], $0x1400  }
0xe4: {  	[sflag:s5] =	ssyncset.done $0x0  }
0xe5: {  	[sflag:s5] =	ssyncadd.s32 $0xFFFFEC00  }
0xe6: {  	_ =	swait.ge [sflag:s5], $0x1400  }
0xe7: {  	[sflag:s5] =	ssyncset.done $0x0  }
0xe8: {  	[sflag:s5] =	ssyncadd.s32 $0xFFFFEC00  }
0xe9: {  	_ =	swait.ge [sflag:s5], $0x1400  }
0xea: {  	[sflag:s5] =	ssyncset.done $0x0  }
0xeb: {  	[sflag:s5] =	ssyncadd.s32 $0xFFFFEC00  }
0xec: {  	_ =	swait.ge [sflag:s5], $0x1400  }
0xed: {  	[sflag:s5] =	ssyncset.done $0x0  }
0xee: {  	[sflag:s5] =	ssyncadd.s32 $0xFFFFEC00  }
0xef: {  	_ =	swait.ge [sflag:s5], $0x1400  }
0xf0: {  	[sflag:s5] =	ssyncset.done $0x0  }
0xf1: {  	[sflag:s5] =	ssyncadd.s32 $0xFFFFEC00  }
.LBB2_9:
0xf2: {  	[bflag:$0x0] =	sbarrier.arrive $0xFFFF  }
0xf3: {  	_ =	swait.ge [sflag:s12], $0x1400  }
0xf4: {  	[sflag:s12] =	ssyncset.done $0x0  }
0xf5: {  	[sflag:s12] =	ssyncadd.s32 $0xFFFFEC00  }
0xf6: {  	_ =	swait.ge [sflag:s13], $0x28  }
0xf7: {  	[sflag:s13] =	ssyncset.done $0x0  }
0xf8: {  	s14 =	sld [smem:$0x7F7];
	[sflag:s13] =	ssyncadd.s32 $0xFFFFFFD8  }
0xf9: {  	[spmem:s2] =	stream.indirect.scatter.add.f32 [tilespmem:s16], [sflag:$0xF], $0x80, s15, s21, $0xb8;
	[tilespmem:$0x1F700] =	vst v63  }
0xfa: {  	s11 =	simm.s32 $0x0;
	s5 =	simm.s32 $0x2A80  }
0xfb: {  	[tilespmem:s5], [sflag:$0xE] =	stream.linear.gather [hbm4b:s14+s11], $0x28, $0x38;
	[tilespmem:$0x1F700] =	vst v63  }
0xfc: {  	s19 =	simm.s32 $0xF0  }
0xfd: {  	[tilespmem:s20], [sflag:$0x7] =	stream.indirect.gather [hbm4b:s4+s21], $0x80, s19, s21, $0xb8;
	[tilespmem:$0x1F700] =	vst v63  }
0xfe: {  	_ =	swait.ge [sflag:s1], $0x1400  }
0xff: {  	[sflag:s1] =	ssyncset.done $0x0  }
0x100: {  	[sflag:s1] =	ssyncadd.s32 $0xFFFFEC00  }
0x101: {  	_ =	swait.ge [sflag:s6], $0x28  }
0x102: {  	[sflag:s6] =	ssyncset.done $0x0  }
0x103: {  	[sflag:s6] =	ssyncadd.s32 $0xFFFFFFD8  }
0x104: {  	[spmem:s2] =	stream.indirect.scatter.add.f32 [tilespmem:s29], [sflag:$0x10], $0x80, s30, s21, $0xb8;
	[tilespmem:$0x1F700] =	vst v63  }
0x105: {  	_ =	swait.ge [sflag:s7], $0x1400  }
0x106: {  	[sflag:s7] =	ssyncset.done $0x0  }
0x107: {  	s5 =	rddreg [dreg:$0x13];
	[sflag:s7] =	ssyncadd.s32 $0xFFFFEC00  }
0x108: {  	[tilespmem:s15], [sflag:$0x8] =	stream.linear.gather [hbm4b:s5+s11], $0x28, $0x38;
	[tilespmem:$0x1F700] =	vst v63  }
0x109: {  	s15 =	simm.s32 $0x118  }
0x10a: {  	[tilespmem:s16], [sflag:$0x1] =	stream.indirect.gather [hbm4b:s4+s21], $0x80, s15, s21, $0xb8;
	[tilespmem:$0x1F700] =	vst v63  }
0x10b: {  	_ =	swait.ge [sflag:s8], $0x1400  }
0x10c: {  	[sflag:s8] =	ssyncset.done $0x0  }
0x10d: {  	[sflag:s8] =	ssyncadd.s32 $0xFFFFEC00  }
0x10e: {  	_ =	swait.ge [sflag:s9], $0x28  }
0x10f: {  	[sflag:s9] =	ssyncset.done $0x0  }
0x110: {  	[sflag:s9] =	ssyncadd.s32 $0xFFFFFFD8  }
0x111: {  	[spmem:s2] =	stream.indirect.scatter.add.f32 [tilespmem:s28], [sflag:$0x11], $0x80, s25, s21, $0xb8;
	[tilespmem:$0x1F700] =	vst v63  }
0x112: {  	_ =	swait.ge [sflag:s10], $0x1400  }
0x113: {  	s16 =	sld [smem:$0x7F8]  }
0x114: {  	[sflag:s10] =	ssyncset.done $0x0  }
0x115: {  	[sflag:s10] =	ssyncadd.s32 $0xFFFFEC00  }
0x116: {  	[tilespmem:s30], [sflag:$0x9] =	stream.linear.gather [hbm4b:s16+s11], $0x28, $0x38;
	[tilespmem:$0x1F700] =	vst v63  }
0x117: {  	s19 =	simm.s32 $0x140  }
0x118: {  	[tilespmem:s29], [sflag:$0x2] =	stream.indirect.gather [hbm4b:s4+s21], $0x80, s19, s21, $0xb8;
	[tilespmem:$0x1F700] =	vst v63  }
0x119: {  	_ =	swait.ge [sflag:s23], $0x1400  }
0x11a: {  	[sflag:s23] =	ssyncset.done $0x0  }
0x11b: {  	[sflag:s23] =	ssyncadd.s32 $0xFFFFEC00  }
0x11c: {  	_ =	swait.ge [sflag:s31], $0x28  }
0x11d: {  	[sflag:s31] =	ssyncset.done $0x0  }
0x11e: {  	s28 =	simm.s32 $0x11;
	[sflag:s31] =	ssyncadd.s32 $0xFFFFFFD8  }
0x11f: {  	[spmem:s2] =	stream.indirect.scatter.add.f32 [tilespmem:s0], [sflag:$0x12], $0x80, s24, s21, $0xb8;
	[tilespmem:$0x1F700] =	vst v63  }
0x120: {  	_ =	swait.ge [sflag:s28], $0x1400  }
0x121: {  	[sflag:s28] =	ssyncset.done $0x0  }
0x122: {  	s5 =	rddreg [dreg:$0x14];
	[sflag:s28] =	ssyncadd.s32 $0xFFFFEC00  }
0x123: {  	[tilespmem:s25], [sflag:$0xA] =	stream.linear.gather [hbm4b:s5+s11], $0x28, $0x38;
	[tilespmem:$0x1F700] =	vst v63  }
0x124: {  	s15 =	simm.s32 $0x168;
	s24 =	simm.s32 $0x5300  }
0x125: {  	[tilespmem:s24], [sflag:$0x3] =	stream.indirect.gather [hbm4b:s4+s21], $0x80, s15, s21, $0xb8;
	[tilespmem:$0x1F700] =	vst v63  }
0x126: {  	s24 =	simm.s32 $0x5  }
0x127: {  	_ =	swait.ge [sflag:s24], $0x1400  }
0x128: {  	[sflag:s24] =	ssyncset.done $0x0  }
0x129: {  	s0 =	simm.s32 $0xC;
	[sflag:s24] =	ssyncadd.s32 $0xFFFFEC00  }
0x12a: {  	_ =	swait.ge [sflag:s0], $0x28  }
0x12b: {  	[sflag:s0] =	ssyncset.done $0x0  }
0x12c: {  	[sflag:s0] =	ssyncadd.s32 $0xFFFFFFD8  }
0x12d: {  	[spmem:s2] =	stream.indirect.scatter.add.f32 [tilespmem:s22], [sflag:$0x13], $0x80, s17, s21, $0xb8;
	[tilespmem:$0x1F700] =	vst v63  }
0x12e: {  	s17 =	simm.s32 $0x12  }
0x12f: {  	_ =	swait.ge [sflag:s17], $0x1400  }
0x130: {  	s25 =	sld [smem:$0x7F9]  }
0x131: {  	[sflag:s17] =	ssyncset.done $0x0  }
0x132: {  	s16 =	simm.s32 $0x2900;
	[sflag:s17] =	ssyncadd.s32 $0xFFFFEC00  }
0x133: {  	[tilespmem:s16], [sflag:$0xB] =	stream.linear.gather [hbm4b:s25+s11], $0x28, $0x38;
	[tilespmem:$0x1F700] =	vst v63  }
0x134: {  	s19 =	simm.s32 $0x6700;
	s15 =	simm.s32 $0x190  }
0x135: {  	[tilespmem:s19], [sflag:$0x4] =	stream.indirect.gather [hbm4b:s4+s21], $0x80, s15, s21, $0xb8;
	[tilespmem:$0x1F700] =	vst v63  }
0x136: {  	s19 =	simm.s32 $0x6  }
0x137: {  	_ =	swait.ge [sflag:s19], $0x1400  }
0x138: {  	[sflag:s19] =	ssyncset.done $0x0  }
0x139: {  	s25 =	simm.s32 $0xD;
	[sflag:s19] =	ssyncadd.s32 $0xFFFFEC00  }
0x13a: {  	_ =	swait.ge [sflag:s25], $0x28  }
0x13b: {  	[sflag:s25] =	ssyncset.done $0x0  }
0x13c: {  	[sflag:s25] =	ssyncadd.s32 $0xFFFFFFD8  }
0x13d: {  	[spmem:s2] =	stream.indirect.scatter.add.f32 [tilespmem:s26], [sflag:$0x14], $0x80, s18, s21, $0xb8;
	[tilespmem:$0x1F700] =	vst v63  }
0x13e: {  	s18 =	simm.s32 $0x13  }
0x13f: {  	_ =	swait.ge [sflag:s18], $0x1400  }
0x140: {  	[sflag:s18] =	ssyncset.done $0x0  }
0x141: {  	s30 =	simm.s32 $0x2980;
	s16 =	rddreg [dreg:$0x15];
	[sflag:s18] =	ssyncadd.s32 $0xFFFFEC00  }
0x142: {  	[tilespmem:s30], [sflag:$0xC] =	stream.linear.gather [hbm4b:s16+s11], $0x28, $0x38;
	[tilespmem:$0x1F700] =	vst v63  }
0x143: {  	s26 =	simm.s32 $0x1B8  }
0x144: {  	[tilespmem:s22], [sflag:$0x5] =	stream.indirect.gather [hbm4b:s4+s21], $0x80, s26, s21, $0xb8;
	[tilespmem:$0x1F700] =	vst v63  }
0x145: {  	s22 =	simm.s32 $0x7  }
0x146: {  	_ =	swait.ge [sflag:s22], $0x1400  }
0x147: {  	[sflag:s22] =	ssyncset.done $0x0  }
0x148: {  	s26 =	simm.s32 $0xE;
	[sflag:s22] =	ssyncadd.s32 $0xFFFFEC00  }
0x149: {  	_ =	swait.ge [sflag:s26], $0x28  }
0x14a: {  	[sflag:s26] =	ssyncset.done $0x0  }
0x14b: {  	s14 =	simm.s32 $0x2A80;
	s30 =	simm.s32 $0x14;
	[sflag:s26] =	ssyncadd.s32 $0xFFFFFFD8  }
0x14c: {  	[spmem:s2] =	stream.indirect.scatter.add.f32 [tilespmem:s20], [sflag:$0x15], $0x80, s14, s21, $0xb8;
	[tilespmem:$0x1F700] =	vst v63  }
0x14d: {  	_ =	swait.ge [sflag:s30], $0x1400  }
0x14e: {  	s5 =	sld [smem:$0x7FA]  }
0x14f: {  	[sflag:s30] =	ssyncset.done $0x0  }
0x150: {  	s29 =	simm.s32 $0x2A00;
	[sflag:s30] =	ssyncadd.s32 $0xFFFFEC00  }
0x151: {  	[tilespmem:s29], [sflag:$0xD] =	stream.linear.gather [hbm4b:s5+s11], $0x28, $0x38;
	[tilespmem:$0x1F700] =	vst v63  }
0x152: {  	s15 =	simm.s32 $0x8F00;
	s11 =	simm.s32 $0x1E0  }
0x153: {  	[tilespmem:s15], [sflag:$0x6] =	stream.indirect.gather [hbm4b:s4+s21], $0x80, s11, s21, $0xb8;
	[tilespmem:$0x1F700] =	vst v63  }
0x154: {  	_ =	swait.ge [sflag:s12], $0x1400  }
0x155: {  	[sflag:s12] =	ssyncset.done $0x0  }
0x156: {  	[sflag:s12] =	ssyncadd.s32 $0xFFFFEC00  }
0x157: {  	_ =	swait.ge [sflag:s13], $0x28  }
0x158: {  	s16 =	simm.s32 $0x2780;
	[sflag:s13] =	ssyncset.done $0x0  }
0x159: {  	s29 =	simm.s32 $0x15;
	[sflag:s13] =	ssyncadd.s32 $0xFFFFFFD8;
	s13 =	simm.s32 $0x2B00  }
0x15a: {  	[spmem:s2] =	stream.indirect.scatter.add.f32 [tilespmem:s13], [sflag:$0xF], $0x80, s16, s21, $0xb8;
	[tilespmem:$0x1F700] =	vst v63  }
0x15b: {  	_ =	swait.ge [sflag:s29], $0x1400  }
0x15c: {  	s12 =	rddreg [dreg:$0x9];
	[sflag:s29] =	ssyncset.done $0x0  }
0x15d: {  	[sflag:s29] =	ssyncadd.s32 $0xFFFFEC00;
	s11 =	sadd.s32 $0x0, s12;
	s12 =	simm.s32 $0x2A80  }
0x15e: {  	[tilespmem:s12], [sflag:$0xE] =	stream.linear.gather [hbm4b:s11+s3], $0x28, $0x38;
	[tilespmem:$0x1F700] =	vst v63  }
0x15f: {  	s11 =	simm.s32 $0x208  }
0x160: {  	[tilespmem:s20], [sflag:$0x7] =	stream.indirect.gather [hbm4b:s4+s21], $0x80, s11, s21, $0xb8;
	[tilespmem:$0x1F700] =	vst v63  }
0x161: {  	_ =	swait.ge [sflag:s1], $0x1400  }
0x162: {  	[sflag:s1] =	ssyncset.done $0x0  }
0x163: {  	[sflag:s1] =	ssyncadd.s32 $0xFFFFEC00  }
0x164: {  	_ =	swait.ge [sflag:s6], $0x28  }
0x165: {  	[sflag:s6] =	ssyncset.done $0x0  }
0x166: {  	s5 =	simm.s32 $0x3F00;
	[sflag:s6] =	ssyncadd.s32 $0xFFFFFFD8;
	s6 =	simm.s32 $0x2800  }
0x167: {  	[spmem:s2] =	stream.indirect.scatter.add.f32 [tilespmem:s5], [sflag:$0x10], $0x80, s6, s21, $0xb8;
	[tilespmem:$0x1F700] =	vst v63  }
0x168: {  	_ =	swait.ge [sflag:s7], $0x1400  }
0x169: {  	s1 =	rddreg [dreg:$0x8];
	[sflag:s7] =	ssyncset.done $0x0  }
0x16a: {  	[sflag:s7] =	ssyncadd.s32 $0xFFFFEC00;
	s11 =	sadd.s32 $0x0, s1  }
0x16b: {  	[tilespmem:s16], [sflag:$0x8] =	stream.linear.gather [hbm4b:s11+s3], $0x28, $0x38;
	[tilespmem:$0x1F700] =	vst v63  }
0x16c: {  	s7 =	simm.s32 $0x230  }
0x16d: {  	[tilespmem:s13], [sflag:$0x1] =	stream.indirect.gather [hbm4b:s4+s21], $0x80, s7, s21, $0xb8;
	[tilespmem:$0x1F700] =	vst v63  }
0x16e: {  	_ =	swait.ge [sflag:s8], $0x1400  }
0x16f: {  	[sflag:s8] =	ssyncset.done $0x0  }
0x170: {  	[sflag:s8] =	ssyncadd.s32 $0xFFFFEC00  }
0x171: {  	_ =	swait.ge [sflag:s9], $0x28  }
0x172: {  	[sflag:s9] =	ssyncset.done $0x0  }
0x173: {  	s1 =	simm.s32 $0x5300;
	[sflag:s9] =	ssyncadd.s32 $0xFFFFFFD8;
	s9 =	simm.s32 $0x2880  }
0x174: {  	[spmem:s2] =	stream.indirect.scatter.add.f32 [tilespmem:s1], [sflag:$0x11], $0x80, s9, s21, $0xb8;
	[tilespmem:$0x1F700] =	vst v63  }
0x175: {  	_ =	swait.ge [sflag:s10], $0x1400  }
0x176: {  	s13 =	rddreg [dreg:$0x7];
	[sflag:s10] =	ssyncset.done $0x0  }
0x177: {  	[sflag:s10] =	ssyncadd.s32 $0xFFFFEC00;
	s11 =	sadd.s32 $0x0, s13  }
0x178: {  	[tilespmem:s6], [sflag:$0x9] =	stream.linear.gather [hbm4b:s11+s3], $0x28, $0x38;
	[tilespmem:$0x1F700] =	vst v63  }
0x179: {  	s16 =	simm.s32 $0x258  }
0x17a: {  	[tilespmem:s5], [sflag:$0x2] =	stream.indirect.gather [hbm4b:s4+s21], $0x80, s16, s21, $0xb8;
	[tilespmem:$0x1F700] =	vst v63  }
0x17b: {  	_ =	swait.ge [sflag:s23], $0x1400  }
0x17c: {  	[sflag:s23] =	ssyncset.done $0x0  }
0x17d: {  	[sflag:s23] =	ssyncadd.s32 $0xFFFFEC00  }
0x17e: {  	_ =	swait.ge [sflag:s31], $0x28  }
0x17f: {  	[sflag:s31] =	ssyncset.done $0x0  }
0x180: {  	s5 =	simm.s32 $0x6700;
	s23 =	simm.s32 $0x2900;
	[sflag:s31] =	ssyncadd.s32 $0xFFFFFFD8  }
0x181: {  	[spmem:s2] =	stream.indirect.scatter.add.f32 [tilespmem:s5], [sflag:$0x12], $0x80, s23, s21, $0xb8;
	[tilespmem:$0x1F700] =	vst v63  }
0x182: {  	_ =	swait.ge [sflag:s28], $0x1400  }
0x183: {  	s8 =	rddreg [dreg:$0x6];
	[sflag:s28] =	ssyncset.done $0x0  }
0x184: {  	[sflag:s28] =	ssyncadd.s32 $0xFFFFEC00;
	s11 =	sadd.s32 $0x0, s8  }
0x185: {  	[tilespmem:s9], [sflag:$0xA] =	stream.linear.gather [hbm4b:s11+s3], $0x28, $0x38;
	[tilespmem:$0x1F700] =	vst v63  }
0x186: {  	s9 =	simm.s32 $0x280  }
0x187: {  	[tilespmem:s1], [sflag:$0x3] =	stream.indirect.gather [hbm4b:s4+s21], $0x80, s9, s21, $0xb8;
	[tilespmem:$0x1F700] =	vst v63  }
0x188: {  	_ =	swait.ge [sflag:s24], $0x1400  }
0x189: {  	[sflag:s24] =	ssyncset.done $0x0  }
0x18a: {  	[sflag:s24] =	ssyncadd.s32 $0xFFFFEC00  }
0x18b: {  	_ =	swait.ge [sflag:s0], $0x28  }
0x18c: {  	[sflag:s0] =	ssyncset.done $0x0  }
0x18d: {  	s10 =	simm.s32 $0x7B00;
	s13 =	simm.s32 $0x2980;
	[sflag:s0] =	ssyncadd.s32 $0xFFFFFFD8  }
0x18e: {  	[spmem:s2] =	stream.indirect.scatter.add.f32 [tilespmem:s10], [sflag:$0x13], $0x80, s13, s21, $0xb8;
	[tilespmem:$0x1F700] =	vst v63  }
0x18f: {  	_ =	swait.ge [sflag:s17], $0x1400  }
0x190: {  	s16 =	rddreg [dreg:$0x5];
	[sflag:s17] =	ssyncset.done $0x0  }
0x191: {  	[sflag:s17] =	ssyncadd.s32 $0xFFFFEC00;
	s11 =	sadd.s32 $0x0, s16  }
0x192: {  	[tilespmem:s23], [sflag:$0xB] =	stream.linear.gather [hbm4b:s11+s3], $0x28, $0x38;
	[tilespmem:$0x1F700] =	vst v63  }
0x193: {  	s17 =	simm.s32 $0x2A8  }
0x194: {  	[tilespmem:s5], [sflag:$0x4] =	stream.indirect.gather [hbm4b:s4+s21], $0x80, s17, s21, $0xb8;
	[tilespmem:$0x1F700] =	vst v63  }
0x195: {  	_ =	swait.ge [sflag:s19], $0x1400  }
0x196: {  	[sflag:s19] =	ssyncset.done $0x0  }
0x197: {  	[sflag:s19] =	ssyncadd.s32 $0xFFFFEC00  }
0x198: {  	_ =	swait.ge [sflag:s25], $0x28  }
0x199: {  	[sflag:s25] =	ssyncset.done $0x0  }
0x19a: {  	s14 =	simm.s32 $0x2A00;
	s15 =	simm.s32 $0x8F00;
	[sflag:s25] =	ssyncadd.s32 $0xFFFFFFD8  }
0x19b: {  	[spmem:s2] =	stream.indirect.scatter.add.f32 [tilespmem:s15], [sflag:$0x14], $0x80, s14, s21, $0xb8;
	[tilespmem:$0x1F700] =	vst v63  }
0x19c: {  	_ =	swait.ge [sflag:s18], $0x1400  }
0x19d: {  	s23 =	rddreg [dreg:$0x4];
	[sflag:s18] =	ssyncset.done $0x0  }
0x19e: {  	[sflag:s18] =	ssyncadd.s32 $0xFFFFEC00;
	s11 =	sadd.s32 $0x0, s23  }
0x19f: {  	[tilespmem:s13], [sflag:$0xC] =	stream.linear.gather [hbm4b:s11+s3], $0x28, $0x38;
	[tilespmem:$0x1F700] =	vst v63  }
0x1a0: {  	s24 =	simm.s32 $0x2D0  }
0x1a1: {  	[tilespmem:s10], [sflag:$0x5] =	stream.indirect.gather [hbm4b:s4+s21], $0x80, s24, s21, $0xb8;
	[tilespmem:$0x1F700] =	vst v63  }
0x1a2: {  	_ =	swait.ge [sflag:s22], $0x1400  }
0x1a3: {  	[sflag:s22] =	ssyncset.done $0x0  }
0x1a4: {  	[sflag:s22] =	ssyncadd.s32 $0xFFFFEC00  }
0x1a5: {  	s7 =	simm.s32 $0xF;
	s6 =	simm.s32 $0x9;
	_ =	swait.ge [sflag:s26], $0x28  }
0x1a6: {  	s31 =	simm.s32 $0x4;
	s8 =	simm.s32 $0x3;
	[sflag:s26] =	ssyncset.done $0x0  }
0x1a7: {  	s1 =	simm.s32 $0x2;
	s9 =	simm.s32 $0xA;
	[sflag:s26] =	ssyncadd.s32 $0xFFFFFFD8  }
0x1a8: {  	[spmem:s2] =	stream.indirect.scatter.add.f32 [tilespmem:s20], [sflag:$0x15], $0x80, s12, s21, $0xb8;
	[tilespmem:$0x1F700] =	vst v63  }
0x1a9: {  	s0 =	simm.s32 $0xB;
	s17 =	simm.s32 $0x8;
	_ =	swait.ge [sflag:s30], $0x1400  }
0x1aa: {  	s15 =	simm.s32 $0x410;
	s28 =	rddreg [dreg:$0x3];
	[sflag:s30] =	ssyncset.done $0x0  }
0x1ab: {  	s13 =	simm.s32 $0x1;
	[sflag:s30] =	ssyncadd.s32 $0xFFFFEC00;
	s11 =	sadd.s32 $0x0, s28  }
0x1ac: {  	[tilespmem:s14], [sflag:$0xD] =	stream.linear.gather [hbm4b:s11+s3], $0x28, $0x38;
	[tilespmem:$0x1F700] =	vst v63  }
0x1ad: {  	s10 =	simm.s32 $0x10;
	s11 =	simm.s32 $0x2F8;
	s14 =	simm.s32 $0x23  }
.LBB2_10:
0x1ae: {  	s22 =	simm.s32 $0x8F00  }
0x1af: {  	[tilespmem:s22], [sflag:$0x6] =	stream.indirect.gather [hbm4b:s4+s21], $0x80, s11, s21, $0xb8;
	[tilespmem:$0x1F700] =	vst v63  }
0x1b0: {  	_ =	swait.ge [sflag:s13], $0x1400  }
0x1b1: {  	[sflag:s13] =	ssyncset.done $0x0  }
0x1b2: {  	[sflag:s13] =	ssyncadd.s32 $0xFFFFEC00  }
0x1b3: {  	_ =	swait.ge [sflag:s17], $0x28  }
0x1b4: {  	[sflag:s17] =	ssyncset.done $0x0  }
0x1b5: {  	s18 =	simm.s32 $0x2780;
	s23 =	simm.s32 $0x2B00;
	[sflag:s17] =	ssyncadd.s32 $0xFFFFFFD8  }
0x1b6: {  	[spmem:s2] =	stream.indirect.scatter.add.f32 [tilespmem:s23], [sflag:$0xF], $0x80, s18, s21, $0xb8;
	[tilespmem:$0x1F700] =	vst v63  }
0x1b7: {  	_ =	swait.ge [sflag:s29], $0x1400  }
0x1b8: {  	s16 =	smov.u32 s14;
	s24 =	rddreg [dreg:$0x9];
	[sflag:s29] =	ssyncset.done $0x0  }
0x1b9: {  	s19 =	simm.s32 $0x2A80;
	[sflag:s29] =	ssyncadd.s32 $0xFFFFEC00;
	s24 =	sadd.s32 s16, s24  }
0x1ba: {  	[tilespmem:s19], [sflag:$0xE] =	stream.linear.gather [hbm4b:s24+s3], $0x28, $0x38;
	[tilespmem:$0x1F700] =	vst v63  }
0x1bb: {  	s20 =	sadd.s32 $0xFFFFFF10, s15;
	s12 =	simm.s32 $0xA300  }
0x1bc: {  	[tilespmem:s12], [sflag:$0x7] =	stream.indirect.gather [hbm4b:s4+s21], $0x80, s20, s21, $0xb8;
	[tilespmem:$0x1F700] =	vst v63  }
0x1bd: {  	_ =	swait.ge [sflag:s1], $0x1400  }
0x1be: {  	[sflag:s1] =	ssyncset.done $0x0  }
0x1bf: {  	[sflag:s1] =	ssyncadd.s32 $0xFFFFEC00  }
0x1c0: {  	_ =	swait.ge [sflag:s6], $0x28  }
0x1c1: {  	[sflag:s6] =	ssyncset.done $0x0  }
0x1c2: {  	s5 =	simm.s32 $0x2800;
	s20 =	simm.s32 $0x3F00;
	[sflag:s6] =	ssyncadd.s32 $0xFFFFFFD8  }
0x1c3: {  	[spmem:s2] =	stream.indirect.scatter.add.f32 [tilespmem:s20], [sflag:$0x10], $0x80, s5, s21, $0xb8;
	[tilespmem:$0x1F700] =	vst v63  }
0x1c4: {  	_ =	swait.ge [sflag:s7], $0x1400  }
0x1c5: {  	s28 =	rddreg [dreg:$0x8];
	[sflag:s7] =	ssyncset.done $0x0  }
0x1c6: {  	[sflag:s7] =	ssyncadd.s32 $0xFFFFEC00;
	s24 =	sadd.s32 s16, s28  }
0x1c7: {  	[tilespmem:s18], [sflag:$0x8] =	stream.linear.gather [hbm4b:s24+s3], $0x28, $0x38;
	[tilespmem:$0x1F700] =	vst v63  }
0x1c8: {  	s18 =	sadd.s32 $0xFFFFFF38, s15  }
0x1c9: {  	[tilespmem:s23], [sflag:$0x1] =	stream.indirect.gather [hbm4b:s4+s21], $0x80, s18, s21, $0xb8;
	[tilespmem:$0x1F700] =	vst v63  }
0x1ca: {  	_ =	swait.ge [sflag:s8], $0x1400  }
0x1cb: {  	[sflag:s8] =	ssyncset.done $0x0  }
0x1cc: {  	[sflag:s8] =	ssyncadd.s32 $0xFFFFEC00  }
0x1cd: {  	_ =	swait.ge [sflag:s9], $0x28  }
0x1ce: {  	[sflag:s9] =	ssyncset.done $0x0  }
0x1cf: {  	s18 =	simm.s32 $0x5300;
	s23 =	simm.s32 $0x2880;
	[sflag:s9] =	ssyncadd.s32 $0xFFFFFFD8  }
0x1d0: {  	[spmem:s2] =	stream.indirect.scatter.add.f32 [tilespmem:s18], [sflag:$0x11], $0x80, s23, s21, $0xb8;
	[tilespmem:$0x1F700] =	vst v63  }
0x1d1: {  	_ =	swait.ge [sflag:s10], $0x1400  }
0x1d2: {  	s28 =	rddreg [dreg:$0x7];
	[sflag:s10] =	ssyncset.done $0x0  }
0x1d3: {  	[sflag:s10] =	ssyncadd.s32 $0xFFFFEC00;
	s24 =	sadd.s32 s16, s28  }
0x1d4: {  	[tilespmem:s5], [sflag:$0x9] =	stream.linear.gather [hbm4b:s24+s3], $0x28, $0x38;
	[tilespmem:$0x1F700] =	vst v63  }
0x1d5: {  	s5 =	sadd.s32 $0xFFFFFF60, s15  }
0x1d6: {  	[tilespmem:s20], [sflag:$0x2] =	stream.indirect.gather [hbm4b:s4+s21], $0x80, s5, s21, $0xb8;
	[tilespmem:$0x1F700] =	vst v63  }
0x1d7: {  	_ =	swait.ge [sflag:s31], $0x1400  }
0x1d8: {  	[sflag:s31] =	ssyncset.done $0x0  }
0x1d9: {  	[sflag:s31] =	ssyncadd.s32 $0xFFFFEC00  }
0x1da: {  	_ =	swait.ge [sflag:s0], $0x28  }
0x1db: {  	s28 =	simm.s32 $0x11;
	[sflag:s0] =	ssyncset.done $0x0  }
0x1dc: {  	s20 =	simm.s32 $0x2900;
	s5 =	simm.s32 $0x6700;
	[sflag:s0] =	ssyncadd.s32 $0xFFFFFFD8  }
0x1dd: {  	[spmem:s2] =	stream.indirect.scatter.add.f32 [tilespmem:s5], [sflag:$0x12], $0x80, s20, s21, $0xb8;
	[tilespmem:$0x1F700] =	vst v63  }
0x1de: {  	_ =	swait.ge [sflag:s28], $0x1400  }
0x1df: {  	s24 =	rddreg [dreg:$0x6];
	[sflag:s28] =	ssyncset.done $0x0  }
0x1e0: {  	[sflag:s28] =	ssyncadd.s32 $0xFFFFEC00;
	s24 =	sadd.s32 s16, s24  }
0x1e1: {  	[tilespmem:s23], [sflag:$0xA] =	stream.linear.gather [hbm4b:s24+s3], $0x28, $0x38;
	[tilespmem:$0x1F700] =	vst v63  }
0x1e2: {  	s28 =	sadd.s32 $0xFFFFFF88, s15  }
0x1e3: {  	[tilespmem:s18], [sflag:$0x3] =	stream.indirect.gather [hbm4b:s4+s21], $0x80, s28, s21, $0xb8;
	[tilespmem:$0x1F700] =	vst v63  }
0x1e4: {  	s18 =	simm.s32 $0x5  }
0x1e5: {  	_ =	swait.ge [sflag:s18], $0x1400  }
0x1e6: {  	[sflag:s18] =	ssyncset.done $0x0  }
0x1e7: {  	s23 =	simm.s32 $0xC;
	[sflag:s18] =	ssyncadd.s32 $0xFFFFEC00  }
0x1e8: {  	_ =	swait.ge [sflag:s23], $0x28  }
0x1e9: {  	s28 =	simm.s32 $0x12;
	[sflag:s23] =	ssyncset.done $0x0  }
0x1ea: {  	s18 =	simm.s32 $0x2980;
	[sflag:s23] =	ssyncadd.s32 $0xFFFFFFD8;
	s23 =	simm.s32 $0x7B00  }
0x1eb: {  	[spmem:s2] =	stream.indirect.scatter.add.f32 [tilespmem:s23], [sflag:$0x13], $0x80, s18, s21, $0xb8;
	[tilespmem:$0x1F700] =	vst v63  }
0x1ec: {  	_ =	swait.ge [sflag:s28], $0x1400  }
0x1ed: {  	s24 =	rddreg [dreg:$0x5];
	[sflag:s28] =	ssyncset.done $0x0  }
0x1ee: {  	[sflag:s28] =	ssyncadd.s32 $0xFFFFEC00;
	s24 =	sadd.s32 s16, s24  }
0x1ef: {  	[tilespmem:s20], [sflag:$0xB] =	stream.linear.gather [hbm4b:s24+s3], $0x28, $0x38;
	[tilespmem:$0x1F700] =	vst v63  }
0x1f0: {  	s28 =	sadd.s32 $0xFFFFFFB0, s15;
	s20 =	simm.s32 $0x6  }
0x1f1: {  	[tilespmem:s5], [sflag:$0x4] =	stream.indirect.gather [hbm4b:s4+s21], $0x80, s28, s21, $0xb8;
	[tilespmem:$0x1F700] =	vst v63  }
0x1f2: {  	_ =	swait.ge [sflag:s20], $0x1400  }
0x1f3: {  	[sflag:s20] =	ssyncset.done $0x0  }
0x1f4: {  	[sflag:s20] =	ssyncadd.s32 $0xFFFFEC00  }
0x1f5: {  	_ =	swait.ge [sflag:s25], $0x28  }
0x1f6: {  	[sflag:s25] =	ssyncset.done $0x0  }
0x1f7: {  	s24 =	simm.s32 $0x13;
	s5 =	simm.s32 $0x2A00;
	[sflag:s25] =	ssyncadd.s32 $0xFFFFFFD8  }
0x1f8: {  	[spmem:s2] =	stream.indirect.scatter.add.f32 [tilespmem:s22], [sflag:$0x14], $0x80, s5, s21, $0xb8;
	[tilespmem:$0x1F700] =	vst v63  }
0x1f9: {  	_ =	swait.ge [sflag:s24], $0x1400  }
0x1fa: {  	s20 =	rddreg [dreg:$0x4];
	[sflag:s24] =	ssyncset.done $0x0  }
0x1fb: {  	[sflag:s24] =	ssyncadd.s32 $0xFFFFEC00;
	s24 =	sadd.s32 s16, s20  }
0x1fc: {  	[tilespmem:s18], [sflag:$0xC] =	stream.linear.gather [hbm4b:s24+s3], $0x28, $0x38;
	[tilespmem:$0x1F700] =	vst v63  }
0x1fd: {  	s22 =	sadd.s32 $0xFFFFFFD8, s15;
	s24 =	simm.s32 $0x7  }
0x1fe: {  	[tilespmem:s23], [sflag:$0x5] =	stream.indirect.gather [hbm4b:s4+s21], $0x80, s22, s21, $0xb8;
	[tilespmem:$0x1F700] =	vst v63  }
0x1ff: {  	_ =	swait.ge [sflag:s24], $0x1400  }
0x200: {  	[sflag:s24] =	ssyncset.done $0x0  }
0x201: {  	[sflag:s24] =	ssyncadd.s32 $0xFFFFEC00  }
0x202: {  	_ =	swait.ge [sflag:s26], $0x28  }
0x203: {  	[sflag:s26] =	ssyncset.done $0x0  }
0x204: {  	p3 =	sne.s32 s14, $0x460;
	[sflag:s26] =	ssyncadd.s32 $0xFFFFFFD8  }
0x205: {  	[spmem:s2] =	stream.indirect.scatter.add.f32 [tilespmem:s12], [sflag:$0x15], $0x80, s19, s21, $0xb8;
	[tilespmem:$0x1F700] =	vst v63  }
.Ltmp6:
0x206: {  	_ = 	snop;
	(pc) =	sbr.rel @p3 .LBB2_10-.Ltmp6, $4  }
0x207: {  	s14 =	sadd.s32 $0x23, s14;
	s11 =	smov.u32 s15;
	_ =	swait.ge [sflag:s30], $0x1400  }
0x208: {  	s15 =	sadd.s32 $0x118, s15;
	s28 =	rddreg [dreg:$0x3];
	[sflag:s30] =	ssyncset.done $0x0  }
0x209: {  	s12 =	simm.s32 $0x2A00;
	[sflag:s30] =	ssyncadd.s32 $0xFFFFEC00;
	s16 =	sadd.s32 s16, s28  }
0x20a: {  	[tilespmem:s5], [sflag:$0xD] =	stream.linear.gather [hbm4b:s16+s3], $0x28, $0x38;
	[tilespmem:$0x1F700] =	vst v63  }
0x20b: {  	s22 =	simm.s32 $0x8F00  }
0x20c: {  	[tilespmem:s22], [sflag:$0x6] =	stream.indirect.gather [hbm4b:s4+s21], $0x80, s11, s21, $0xb8;
	[tilespmem:$0x1F700] =	vst v63  }
0x20d: {  	_ =	swait.ge [sflag:s13], $0x1400  }
0x20e: {  	[sflag:s13] =	ssyncset.done $0x0  }
0x20f: {  	[sflag:s13] =	ssyncadd.s32 $0xFFFFEC00  }
0x210: {  	_ =	swait.ge [sflag:s17], $0x28  }
0x211: {  	[sflag:s17] =	ssyncset.done $0x0  }
0x212: {  	s5 =	simm.s32 $0x2780;
	s15 =	simm.s32 $0x2B00;
	[sflag:s17] =	ssyncadd.s32 $0xFFFFFFD8  }
0x213: {  	[spmem:s2] =	stream.indirect.scatter.add.f32 [tilespmem:s15], [sflag:$0xF], $0x80, s5, s21, $0xb8;
	[tilespmem:$0x1F700] =	vst v63  }
0x214: {  	_ =	swait.ge [sflag:s29], $0x1400  }
0x215: {  	s16 =	sld [smem:$0x7FB]  }
0x216: {  	[sflag:s29] =	ssyncset.done $0x0  }
0x217: {  	s19 =	simm.s32 $0x2A80;
	[sflag:s29] =	ssyncadd.s32 $0xFFFFEC00  }
0x218: {  	[tilespmem:s19], [sflag:$0xE] =	stream.linear.gather [hbm4b:s16+s3], $0x28, $0x38;
	[tilespmem:$0x1F700] =	vst v63  }
0x219: {  	s18 =	simm.s32 $0x2620;
	s15 =	simm.s32 $0xA300  }
0x21a: {  	[tilespmem:s15], [sflag:$0x7] =	stream.indirect.gather [hbm4b:s4+s21], $0x80, s18, s21, $0xb8;
	[tilespmem:$0x1F700] =	vst v63  }
0x21b: {  	_ =	swait.ge [sflag:s1], $0x1400  }
0x21c: {  	[sflag:s1] =	ssyncset.done $0x0  }
0x21d: {  	[sflag:s1] =	ssyncadd.s32 $0xFFFFEC00  }
0x21e: {  	_ =	swait.ge [sflag:s6], $0x28  }
0x21f: {  	[sflag:s6] =	ssyncset.done $0x0  }
0x220: {  	s20 =	simm.s32 $0x2800;
	s23 =	simm.s32 $0x3F00;
	[sflag:s6] =	ssyncadd.s32 $0xFFFFFFD8  }
0x221: {  	[spmem:s2] =	stream.indirect.scatter.add.f32 [tilespmem:s23], [sflag:$0x10], $0x80, s20, s21, $0xb8;
	[tilespmem:$0x1F700] =	vst v63  }
0x222: {  	_ =	swait.ge [sflag:s7], $0x1400  }
0x223: {  	[sflag:s7] =	ssyncset.done $0x0  }
0x224: {  	s14 =	simm.s32 $0x2780;
	s24 =	rddreg [dreg:$0x16];
	[sflag:s7] =	ssyncadd.s32 $0xFFFFEC00  }
0x225: {  	[tilespmem:s14], [sflag:$0x8] =	stream.linear.gather [hbm4b:s24+s3], $0x28, $0x38;
	[tilespmem:$0x1F700] =	vst v63  }
0x226: {  	s5 =	simm.s32 $0x2B00;
	s18 =	simm.s32 $0x2648  }
0x227: {  	[tilespmem:s5], [sflag:$0x1] =	stream.indirect.gather [hbm4b:s4+s21], $0x80, s18, s21, $0xb8;
	[tilespmem:$0x1F700] =	vst v63  }
0x228: {  	_ =	swait.ge [sflag:s8], $0x1400  }
0x229: {  	[sflag:s8] =	ssyncset.done $0x0  }
0x22a: {  	[sflag:s8] =	ssyncadd.s32 $0xFFFFEC00  }
0x22b: {  	_ =	swait.ge [sflag:s9], $0x28  }
0x22c: {  	[sflag:s9] =	ssyncset.done $0x0  }
0x22d: {  	s20 =	simm.s32 $0x5300;
	s23 =	simm.s32 $0x2880;
	[sflag:s9] =	ssyncadd.s32 $0xFFFFFFD8  }
0x22e: {  	[spmem:s2] =	stream.indirect.scatter.add.f32 [tilespmem:s20], [sflag:$0x11], $0x80, s23, s21, $0xb8;
	[tilespmem:$0x1F700] =	vst v63  }
0x22f: {  	_ =	swait.ge [sflag:s10], $0x1400  }
0x230: {  	s24 =	sld [smem:$0x7FC]  }
0x231: {  	[sflag:s10] =	ssyncset.done $0x0  }
0x232: {  	s16 =	simm.s32 $0x2800;
	[sflag:s10] =	ssyncadd.s32 $0xFFFFEC00  }
0x233: {  	[tilespmem:s16], [sflag:$0x9] =	stream.linear.gather [hbm4b:s24+s3], $0x28, $0x38;
	[tilespmem:$0x1F700] =	vst v63  }
0x234: {  	s15 =	simm.s32 $0x3F00;
	s14 =	simm.s32 $0x2670  }
0x235: {  	[tilespmem:s15], [sflag:$0x2] =	stream.indirect.gather [hbm4b:s4+s21], $0x80, s14, s21, $0xb8;
	[tilespmem:$0x1F700] =	vst v63  }
0x236: {  	_ =	swait.ge [sflag:s31], $0x1400  }
0x237: {  	[sflag:s31] =	ssyncset.done $0x0  }
0x238: {  	[sflag:s31] =	ssyncadd.s32 $0xFFFFEC00  }
0x239: {  	_ =	swait.ge [sflag:s0], $0x28  }
0x23a: {  	s23 =	simm.s32 $0x2900;
	[sflag:s0] =	ssyncset.done $0x0  }
0x23b: {  	s20 =	simm.s32 $0x6700;
	s14 =	simm.s32 $0x11;
	[sflag:s0] =	ssyncadd.s32 $0xFFFFFFD8  }
0x23c: {  	[spmem:s2] =	stream.indirect.scatter.add.f32 [tilespmem:s20], [sflag:$0x12], $0x80, s23, s21, $0xb8;
	[tilespmem:$0x1F700] =	vst v63  }
0x23d: {  	_ =	swait.ge [sflag:s14], $0x1400  }
0x23e: {  	[sflag:s14] =	ssyncset.done $0x0  }
0x23f: {  	s5 =	simm.s32 $0x2880;
	s16 =	rddreg [dreg:$0x17];
	[sflag:s14] =	ssyncadd.s32 $0xFFFFEC00  }
0x240: {  	[tilespmem:s5], [sflag:$0xA] =	stream.linear.gather [hbm4b:s16+s3], $0x28, $0x38;
	[tilespmem:$0x1F700] =	vst v63  }
0x241: {  	s18 =	simm.s32 $0x5300;
	s24 =	simm.s32 $0x2698;
	s15 =	simm.s32 $0x5  }
0x242: {  	[tilespmem:s18], [sflag:$0x3] =	stream.indirect.gather [hbm4b:s4+s21], $0x80, s24, s21, $0xb8;
	[tilespmem:$0x1F700] =	vst v63  }
0x243: {  	_ =	swait.ge [sflag:s15], $0x1400  }
0x244: {  	[sflag:s15] =	ssyncset.done $0x0  }
0x245: {  	s16 =	simm.s32 $0xC;
	[sflag:s15] =	ssyncadd.s32 $0xFFFFEC00  }
0x246: {  	_ =	swait.ge [sflag:s16], $0x28  }
0x247: {  	s28 =	simm.s32 $0x2980;
	[sflag:s16] =	ssyncset.done $0x0  }
0x248: {  	s18 =	simm.s32 $0x7B00;
	s24 =	simm.s32 $0x12;
	[sflag:s16] =	ssyncadd.s32 $0xFFFFFFD8  }
0x249: {  	[spmem:s2] =	stream.indirect.scatter.add.f32 [tilespmem:s18], [sflag:$0x13], $0x80, s28, s21, $0xb8;
	[tilespmem:$0x1F700] =	vst v63  }
0x24a: {  	_ =	swait.ge [sflag:s24], $0x1400  }
0x24b: {  	s5 =	sld [smem:$0x7FD]  }
0x24c: {  	[sflag:s24] =	ssyncset.done $0x0  }
0x24d: {  	[sflag:s24] =	ssyncadd.s32 $0xFFFFEC00  }
0x24e: {  	[tilespmem:s23], [sflag:$0xB] =	stream.linear.gather [hbm4b:s5+s3], $0x28, $0x38;
	[tilespmem:$0x1F700] =	vst v63  }
0x24f: {  	s11 =	simm.s32 $0x6;
	s5 =	simm.s32 $0x26C0  }
0x250: {  	[tilespmem:s20], [sflag:$0x4] =	stream.indirect.gather [hbm4b:s4+s21], $0x80, s5, s21, $0xb8;
	[tilespmem:$0x1F700] =	vst v63  }
0x251: {  	_ =	swait.ge [sflag:s11], $0x1400  }
0x252: {  	[sflag:s11] =	ssyncset.done $0x0  }
0x253: {  	[sflag:s11] =	ssyncadd.s32 $0xFFFFEC00  }
0x254: {  	_ =	swait.ge [sflag:s25], $0x28  }
0x255: {  	[sflag:s25] =	ssyncset.done $0x0  }
0x256: {  	[sflag:s25] =	ssyncadd.s32 $0xFFFFFFD8  }
0x257: {  	[spmem:s2] =	stream.indirect.scatter.add.f32 [tilespmem:s22], [sflag:$0x14], $0x80, s12, s21, $0xb8;
	[tilespmem:$0x1F700] =	vst v63  }
0x258: {  	s12 =	simm.s32 $0x13  }
0x259: {  	_ =	swait.ge [sflag:s12], $0x1400  }
0x25a: {  	[sflag:s12] =	ssyncset.done $0x0  }
0x25b: {  	s22 =	rddreg [dreg:$0x18];
	[sflag:s12] =	ssyncadd.s32 $0xFFFFEC00  }
0x25c: {  	[tilespmem:s28], [sflag:$0xC] =	stream.linear.gather [hbm4b:s22+s3], $0x28, $0x38;
	[tilespmem:$0x1F700] =	vst v63  }
0x25d: {  	s11 =	simm.s32 $0x7;
	s25 =	simm.s32 $0x26E8  }
0x25e: {  	[tilespmem:s18], [sflag:$0x5] =	stream.indirect.gather [hbm4b:s4+s21], $0x80, s25, s21, $0xb8;
	[tilespmem:$0x1F700] =	vst v63  }
0x25f: {  	_ =	swait.ge [sflag:s11], $0x1400  }
0x260: {  	[sflag:s11] =	ssyncset.done $0x0  }
0x261: {  	[sflag:s11] =	ssyncadd.s32 $0xFFFFEC00  }
0x262: {  	_ =	swait.ge [sflag:s26], $0x28  }
0x263: {  	[sflag:s26] =	ssyncset.done $0x0  }
0x264: {  	s22 =	simm.s32 $0xA300;
	[sflag:s26] =	ssyncadd.s32 $0xFFFFFFD8  }
0x265: {  	[spmem:s2] =	stream.indirect.scatter.add.f32 [tilespmem:s22], [sflag:$0x15], $0x80, s19, s21, $0xb8;
	[tilespmem:$0x1F700] =	vst v63  }
0x266: {  	_ =	swait.ge [sflag:s30], $0x1400  }
0x267: {  	[sflag:s30] =	ssyncset.done $0x0  }
0x268: {  	[sflag:s30] =	ssyncadd.s32 $0xFFFFEC00  }
0x269: {  	_ =	swait.ge [sflag:s13], $0x1400  }
0x26a: {  	[sflag:s13] =	ssyncset.done $0x0  }
0x26b: {  	[sflag:s13] =	ssyncadd.s32 $0xFFFFEC00  }
0x26c: {  	_ =	swait.ge [sflag:s17], $0x28  }
0x26d: {  	[sflag:s17] =	ssyncset.done $0x0  }
0x26e: {  	s25 =	simm.s32 $0x2780;
	s26 =	simm.s32 $0x2B00;
	[sflag:s17] =	ssyncadd.s32 $0xFFFFFFD8  }
0x26f: {  	[spmem:s2] =	stream.indirect.scatter.add.f32 [tilespmem:s26], [sflag:$0xF], $0x80, s25, s21, $0xb8;
	[tilespmem:$0x1F700] =	vst v63  }
0x270: {  	_ =	swait.ge [sflag:s29], $0x1400  }
0x271: {  	[sflag:s29] =	ssyncset.done $0x0  }
0x272: {  	[sflag:s29] =	ssyncadd.s32 $0xFFFFEC00  }
0x273: {  	_ =	swait.ge [sflag:s1], $0x1400  }
0x274: {  	[sflag:s1] =	ssyncset.done $0x0  }
0x275: {  	[sflag:s1] =	ssyncadd.s32 $0xFFFFEC00  }
0x276: {  	_ =	swait.ge [sflag:s6], $0x28  }
0x277: {  	[sflag:s6] =	ssyncset.done $0x0  }
0x278: {  	s11 =	simm.s32 $0x2800;
	s13 =	simm.s32 $0x3F00;
	[sflag:s6] =	ssyncadd.s32 $0xFFFFFFD8  }
0x279: {  	[spmem:s2] =	stream.indirect.scatter.add.f32 [tilespmem:s13], [sflag:$0x10], $0x80, s11, s21, $0xb8;
	[tilespmem:$0x1F700] =	vst v63  }
0x27a: {  	_ =	swait.ge [sflag:s7], $0x1400  }
0x27b: {  	[sflag:s7] =	ssyncset.done $0x0  }
0x27c: {  	[sflag:s7] =	ssyncadd.s32 $0xFFFFEC00  }
0x27d: {  	_ =	swait.ge [sflag:s8], $0x1400  }
0x27e: {  	[sflag:s8] =	ssyncset.done $0x0  }
0x27f: {  	[sflag:s8] =	ssyncadd.s32 $0xFFFFEC00  }
0x280: {  	_ =	swait.ge [sflag:s9], $0x28  }
0x281: {  	[sflag:s9] =	ssyncset.done $0x0  }
0x282: {  	s19 =	simm.s32 $0x5300;
	s17 =	simm.s32 $0x2880;
	[sflag:s9] =	ssyncadd.s32 $0xFFFFFFD8  }
0x283: {  	[spmem:s2] =	stream.indirect.scatter.add.f32 [tilespmem:s19], [sflag:$0x11], $0x80, s17, s21, $0xb8;
	[tilespmem:$0x1F700] =	vst v63  }
0x284: {  	_ =	swait.ge [sflag:s10], $0x1400  }
0x285: {  	[sflag:s10] =	ssyncset.done $0x0  }
0x286: {  	[sflag:s10] =	ssyncadd.s32 $0xFFFFEC00  }
0x287: {  	_ =	swait.ge [sflag:s31], $0x1400  }
0x288: {  	[sflag:s31] =	ssyncset.done $0x0  }
0x289: {  	[sflag:s31] =	ssyncadd.s32 $0xFFFFEC00  }
0x28a: {  	_ =	swait.ge [sflag:s0], $0x28  }
0x28b: {  	[sflag:s0] =	ssyncset.done $0x0  }
0x28c: {  	[sflag:s0] =	ssyncadd.s32 $0xFFFFFFD8  }
0x28d: {  	[spmem:s2] =	stream.indirect.scatter.add.f32 [tilespmem:s20], [sflag:$0x12], $0x80, s23, s21, $0xb8;
	[tilespmem:$0x1F700] =	vst v63  }
0x28e: {  	_ =	swait.ge [sflag:s14], $0x1400  }
0x28f: {  	[sflag:s14] =	ssyncset.done $0x0  }
0x290: {  	[sflag:s14] =	ssyncadd.s32 $0xFFFFEC00  }
0x291: {  	_ =	swait.ge [sflag:s15], $0x1400  }
0x292: {  	[sflag:s15] =	ssyncset.done $0x0  }
0x293: {  	[sflag:s15] =	ssyncadd.s32 $0xFFFFEC00  }
0x294: {  	_ =	swait.ge [sflag:s16], $0x28  }
0x295: {  	[sflag:s16] =	ssyncset.done $0x0  }
0x296: {  	[sflag:s16] =	ssyncadd.s32 $0xFFFFFFD8  }
0x297: {  	[spmem:s2] =	stream.indirect.scatter.add.f32 [tilespmem:s18], [sflag:$0x13], $0x80, s28, s21, $0xb8;
	[tilespmem:$0x1F700] =	vst v63  }
0x298: {  	_ =	swait.ge [sflag:s24], $0x1400  }
0x299: {  	[sflag:s24] =	ssyncset.done $0x0  }
0x29a: {  	[sflag:s24] =	ssyncadd.s32 $0xFFFFEC00  }
0x29b: {  	_ =	swait.ge [sflag:s12], $0x1400  }
0x29c: {  	[sflag:s12] =	ssyncset.done $0x0  }
0x29d: {  	[sflag:s12] =	ssyncadd.s32 $0xFFFFEC00  }
0x29e: {  	[bflag:$0x0] =	sbarrier.arrive $0xFFFF  }
0x29f: {  	s20 =	sld [smem:$0x7E2]  }
0x2a0: {  	s24 =	sld [smem:$0x7E3];
	_ =	sdelay $0x1  }
0x2a1: {  	s14 =	simm.s32 $0x17;
	s23 =	rddreg [dreg:$0x1d];
	s22 =	sor.u32 $0x1C17, s20  }
0x2a2: {  	[hbm:s23], [sflag:s22] =	dma.local [spmem:s24], $0x2800  }
0x2a3: {  	_ =	swait.ge [sflag:s14], $0x2800  }
0x2a4: {  	s30 =	simm.s32 $0x2800;
	s29 =	simm.s32 $0x3F00;
	s25 =	sld [smem:$0x7E4]  }
0x2a5: {  	s1 =	simm.s32 $0x2;
	s6 =	simm.s32 $0x9;
	s26 =	sld [smem:$0x7EF]  }
0x2a6: {  	s13 =	simm.s32 $0x8;
	s7 =	simm.s32 $0xF;
	s8 =	simm.s32 $0x3  }
0x2a7: {  	s9 =	simm.s32 $0xA;
	s17 =	simm.s32 $0x2980;
	s5 =	sadd.s32 $0x1, s25  }
0x2a8: {  	s10 =	simm.s32 $0x10;
	s31 =	simm.s32 $0xB;
	p3 =	sne.s32 s5, s26  }
.Ltmp7:
0x2a9: {  	s0 =	simm.s32 $0x6700;
	s15 =	simm.s32 $0x2780;
	(pc) =	sbr.rel @p3 .LBB2_1-.Ltmp7, $4  }
0x2aa: {  	s16 =	simm.s32 $0x2B00;
	s28 =	simm.s32 $0x5300;
	s18 =	simm.s32 $0x2A00  }
0x2ab: {  	s12 =	simm.s32 $0x1;
	s20 =	simm.s32 $0xA300;
	s24 =	simm.s32 $0x2900  }
0x2ac: {  	s22 =	simm.s32 $0x7B00;
	s23 =	simm.s32 $0x4;
	[sflag:s14] =	ssyncset.done $0x0  }
0x2ad: {  	[sflag:s14] =	ssyncadd.s32 $0xFFFFD800;
	s25 =	simm.s32 $0x2880;
	s26 =	simm.s32 $0x8F00  }
0x2ae: {  	_ =	sfence.sel $0x180000  }
0x2af: {  	[bflag:$0x0] =	sbarrier.arrive $0xFFFF  }
0x2b0: {  	_ =	strace $0x9000004A  }
0x2b1: {  	s0 =	stileid.u32;
	[bflag:$0x2] =	sbarrier.arrive $0xFFFF  }
0x2b2: {  	p0 =	sne.s32 s0, $0x0;
	s0 =	rddreg [dreg:$0x2]  }
0x2b3: {  	s0 =	sadd.s32 @!p0 $0x100000, s0  }
0x2b4: {  	[sflag:s0] =	ssyncadd.tile.s32 @!p0 $0x1;
	_ =	shalt  }
.Lfunc_end2:
_tile_overlayer_lowered:
.L_overlay_start_2:
0x2b5: {  	(tag) =	ssettag $0x2  }
0x2b6: {  	s0 =	rddreg [dreg:$0x0];
	s2 =	stileid.u32  }
0x2b7: {  	s1 =	rddreg [dreg:$0x1];
	p0 =	sne.s32 s2, $0x0  }
0x2b8: {  	s3 =	rddreg [dreg:$0x2];
	[bflag:$0x3] =	sbarrier.arrive $0xFFFF;
	s2 =	simm.s32 @!p0 $0x1C17  }
0x2b9: {  	[timem:s3], [sflag:s2] =	dma.local @!p0 [hbm:s0], s1  }
0x2ba: {  	s0 =	simm.s32 @!p0 $0x17  }
0x2bb: {  	_ =	swait.ge @!p0 [sflag:s0], s1  }
0x2bc: {  	s1 =	ssub.s32 @!p0 $0x0, s1;
	[sflag:s0] =	ssyncset.done @!p0 $0x0  }
0x2bd: {  	[sflag:s0] =	ssyncadd.s32 @!p0 s1  }
0x2be: {  	[bflag:$0x3] =	sbarrier.arrive $0xFFFF  }
0x2bf: {  	_ =	shalt  }

</sc_bundles>
